<compile_context>
chip_gen: v7x
topology: tpu7x:2x2x1
jax: 0.10.2.dev20260603
libtpu: 0.0.44.dev20260713+nightly
codegen_flags: <defaults>
</compile_context>

<pallas_src>
import functools

import jax
import jax.numpy as jnp
from jax import lax
from jax.experimental import pallas as pl
from jax.experimental.pallas import tpu as pltpu
from jax.experimental.pallas import tpu_sc as plsc

D_MODEL = 64
VPAD = 128
CHUNK = 400
LANES = 16
GROUPS = CHUNK // LANES


@functools.lru_cache(maxsize=None)
def _make_kernel(B):
    info = plsc.get_sparse_core_info()
    nc, ns = info.num_cores, info.num_subcores
    nw = nc * ns
    per_w = B // nw
    n_chunks = per_w // CHUNK
    assert per_w % CHUNK == 0 and n_chunks % 2 == 0

    mesh = plsc.VectorSubcoreMesh(core_axis_name="c", subcore_axis_name="s")

    @functools.partial(
        pl.kernel,
        mesh=mesh,
        out_type=jax.ShapeDtypeStruct((B, D_MODEL), jnp.float32),
        scratch_types=[
            pltpu.VMEM((CHUNK,), jnp.int32),
            pltpu.VMEM((CHUNK,), jnp.int32),
            pltpu.VMEM((CHUNK, D_MODEL), jnp.float32),
            pltpu.VMEM((CHUNK, D_MODEL), jnp.float32),
            pltpu.VMEM((VPAD * VPAD,), jnp.float32),
            pltpu.SemaphoreType.DMA,
            pltpu.SemaphoreType.DMA,
            pltpu.SemaphoreType.DMA,
            pltpu.SemaphoreType.DMA,
        ],
        compiler_params=pltpu.CompilerParams(needs_layout_passes=False),
    )
    def k(x_hbm, table_hbm, out_hbm, idx_v0, idx_v1, rows_v0, rows_v1,
          table_v, isem, gsem, osem0, osem1):
        wid = lax.axis_index("s") * nc + lax.axis_index("c")
        base = wid * per_w

        idx_bufs = (idx_v0, idx_v1)
        rows_bufs = (rows_v0, rows_v1)
        osems = (osem0, osem1)

        pltpu.async_copy(table_hbm, table_v, gsem)
        pltpu.async_copy(x_hbm.at[pl.ds(base, CHUNK)], idx_v0, isem)
        pltpu.make_async_copy(table_hbm, table_v, gsem).wait()

        iota = lax.iota(jnp.int32, LANES)

        def body(s, carry):
            for b in range(2):
                g = 2 * s + b
                off = base + g * CHUNK
                idx_b, rows_b, osem_b = idx_bufs[b], rows_bufs[b], osems[b]
                pltpu.make_async_copy(
                    x_hbm.at[pl.ds(off, CHUNK)], idx_b, isem).wait()
                nxt = jnp.minimum(g + 1, n_chunks - 1)
                pltpu.async_copy(
                    x_hbm.at[pl.ds(base + nxt * CHUNK, CHUNK)],
                    idx_bufs[1 - b], isem)

                @pl.when(s > 0)
                def _():
                    pltpu.make_async_copy(
                        rows_b, out_hbm.at[pl.ds(0, CHUNK)], osem_b).wait()

                @plsc.parallel_loop(0, GROUPS, step=1, unroll=1)
                def group(i):
                    idxs = idx_b[pl.ds(i * LANES, LANES)]
                    srcb = idxs * VPAD
                    for kk in range(LANES):
                        lane = jnp.full((LANES, 1), kk, jnp.int32)
                        splat = lax.gather(
                            srcb, lane,
                            dimension_numbers=lax.GatherDimensionNumbers(
                                offset_dims=(), collapsed_slice_dims=(0,),
                                start_index_map=(0,)),
                            slice_sizes=(1,),
                            mode=lax.GatherScatterMode.PROMISE_IN_BOUNDS)
                        rr = i * LANES + kk
                        for q in range(0, D_MODEL, LANES):
                            vals = plsc.load_gather(
                                table_v, [splat + (iota + q)])
                            rows_b[rr, pl.ds(q, LANES)] = vals

                pltpu.async_copy(
                    rows_b, out_hbm.at[pl.ds(off, CHUNK)], osem_b)
            return carry

        lax.fori_loop(0, n_chunks // 2, body, 0)

        pltpu.make_async_copy(
            rows_v0, out_hbm.at[pl.ds(0, CHUNK)], osem0).wait()
        pltpu.make_async_copy(
            rows_v1, out_hbm.at[pl.ds(0, CHUNK)], osem1).wait()
        pltpu.make_async_copy(
            x_hbm.at[pl.ds(base, CHUNK)], idx_v0, isem).wait()

    return k


def kernel(x, table):
    b, s = x.shape
    total = b * s
    x1d = x.reshape(total).astype(jnp.int32)
    tpad = jnp.zeros((VPAD, VPAD), jnp.float32)
    tpad = tpad.at[:table.shape[0], :D_MODEL].set(table).reshape(VPAD * VPAD)
    out = _make_kernel(total)(x1d, tpad)
    return out.reshape(b, s, D_MODEL)

# --- scband reference (transcript-rebuilt; emitter-appended) ---
"""Pipeline reference for scband-atomic-number-embedding-52123723104467 (READ-ONLY COPY).

The authoritative reference and input builder live on the scoring server;
editing this copy changes nothing except your own understanding.
"""

import jax, jax.numpy as jnp
import numpy as np

D_MODEL = 64
NUM_EMBEDDINGS = 118
BATCH = 4096
SEQ = 200


def setup_inputs(seed: int = 0) -> dict:
    key = jax.random.key(seed)
    k_idx, k_tab = jax.random.split(key)
    x = jax.random.randint(k_idx, (BATCH, SEQ), 0, NUM_EMBEDDINGS, dtype=jnp.int64 if jax.config.jax_enable_x64 else jnp.int32)
    table = jax.random.normal(k_tab, (NUM_EMBEDDINGS, D_MODEL), dtype=jnp.float32)
    return {"x": x, "table": table}


def reference(x, table):
    # torch.nn.Embedding forward: row gather from the embedding table
    return jnp.take(table, x, axis=0)

if __name__ == "__main__":
    import jax
    _d = setup_inputs()
    print(jax.jit(kernel)(*tuple(_d.values())))

</pallas_src>

<mosaic_0001>
#map = affine_map<(d0, d1) -> (0)>
#map1 = affine_map<(d0, d1) -> (0, 0)>
module attributes {stable_mosaic.version = 14 : i64} {
  func.func @k(%arg0: i32, %arg1: i32, %arg2: memref<819200xi32, #tpu.memory_space<hbm>>, %arg3: memref<16384xf32, #tpu.memory_space<hbm>>, %arg4: memref<819200x64xf32, #tpu.memory_space<hbm>>, %arg5: memref<400xi32, #tpu.memory_space<vmem>>, %arg6: memref<400xi32, #tpu.memory_space<vmem>>, %arg7: memref<400x64xf32, #tpu.memory_space<vmem>>, %arg8: memref<400x64xf32, #tpu.memory_space<vmem>>, %arg9: memref<16384xf32, #tpu.memory_space<vmem>>, %arg10: memref<!tpu.dma_semaphore, #tpu.memory_space<semaphore_mem>>, %arg11: memref<!tpu.dma_semaphore, #tpu.memory_space<semaphore_mem>>, %arg12: memref<!tpu.dma_semaphore, #tpu.memory_space<semaphore_mem>>, %arg13: memref<!tpu.dma_semaphore, #tpu.memory_space<semaphore_mem>>) attributes {dimension_semantics = [#tpu.dimension_semantics<core_parallel>, #tpu.dimension_semantics<subcore_parallel>], iteration_bounds = array<i64: 2, 16>, scalar_prefetch = 0 : i64, scratch_operands = 9 : i64, tpu.core_type = #tpu.core_type<sc_vector_subcore>, window_params = [{transform_indices = #map}, {transform_indices = #map}, {transform_indices = #map1}]} {
    %mul3A = arith.constant 2 : i32
    %mul3A_0 = arith.muli %arg1, %mul3A : i32
    %add3A = arith.addi %mul3A_0, %arg0 : i32
    %mul3A_1 = arith.constant 25600 : i32
    %mul3A_2 = arith.muli %add3A, %mul3A_1 : i32
    tpu.enqueue_dma source(%arg3 : memref<16384xf32, #tpu.memory_space<hbm>>) target(%arg9 : memref<16384xf32, #tpu.memory_space<vmem>>) target_semaphore(%arg11 : memref<!tpu.dma_semaphore, #tpu.memory_space<semaphore_mem>>)
    %dma_start3A = tpu.memref_slice %arg2[%mul3A_2] : memref<819200xi32, #tpu.memory_space<hbm>> -> memref<400xi32, #tpu.memory_space<hbm>>
    %dma_start3A_3 = tpu.memref_slice %arg2[%mul3A_2] : memref<819200xi32, #tpu.memory_space<hbm>> -> memref<400xi32, #tpu.memory_space<hbm>>
    tpu.enqueue_dma source(%dma_start3A_3 : memref<400xi32, #tpu.memory_space<hbm>>) target(%arg5 : memref<400xi32, #tpu.memory_space<vmem>>) target_semaphore(%arg10 : memref<!tpu.dma_semaphore, #tpu.memory_space<semaphore_mem>>)
    tpu.wait_dma2 semaphore(%arg11 : memref<!tpu.dma_semaphore, #tpu.memory_space<semaphore_mem>>) src(%arg3 : memref<16384xf32, #tpu.memory_space<hbm>>) dst(%arg9 : memref<16384xf32, #tpu.memory_space<vmem>>)
    %iota3A = tpu.iota {dimensions = array<i32: 0>} : vector<16xi32>
    %scan3A = arith.constant 0 : i32
    %scan3A_4 = arith.constant 0 : i32
    %scan3A_5 = arith.constant 32 : i32
    %scan3A_6 = arith.addi %scan3A_4, %scan3A_5 : i32
    %scan3A_7 = arith.constant 1 : i32
    scf.for %scan3A_22 = %scan3A_4 to %scan3A_6 step %scan3A_7  : i32 {
      %mul3A_23 = arith.constant 2 : i32
      %mul3A_24 = arith.muli %mul3A_23, %scan3A_22 : i32
      %add3A_25 = arith.constant 0 : i32
      %add3A_26 = arith.addi %mul3A_24, %add3A_25 : i32
      %mul3A_27 = arith.constant 400 : i32
      %mul3A_28 = arith.muli %add3A_26, %mul3A_27 : i32
      %add3A_29 = arith.addi %mul3A_2, %mul3A_28 : i32
      %dma_wait3A_30 = tpu.memref_slice %arg2[%add3A_29] : memref<819200xi32, #tpu.memory_space<hbm>> -> memref<400xi32, #tpu.memory_space<hbm>>
      %dma_wait3A_31 = tpu.memref_slice %arg2[%add3A_29] : memref<819200xi32, #tpu.memory_space<hbm>> -> memref<400xi32, #tpu.memory_space<hbm>>
      tpu.wait_dma2 semaphore(%arg10 : memref<!tpu.dma_semaphore, #tpu.memory_space<semaphore_mem>>) src(%dma_wait3A_31 : memref<400xi32, #tpu.memory_space<hbm>>) dst(%arg5 : memref<400xi32, #tpu.memory_space<vmem>>)
      %add3A_32 = arith.constant 1 : i32
      %add3A_33 = arith.addi %add3A_26, %add3A_32 : i32
      %min3A = arith.constant 63 : i32
      %min3A_34 = arith.minsi %add3A_33, %min3A : i32
      %mul3A_35 = arith.constant 400 : i32
      %mul3A_36 = arith.muli %min3A_34, %mul3A_35 : i32
      %add3A_37 = arith.addi %mul3A_2, %mul3A_36 : i32
      %dma_start3A_38 = tpu.memref_slice %arg2[%add3A_37] : memref<819200xi32, #tpu.memory_space<hbm>> -> memref<400xi32, #tpu.memory_space<hbm>>
      %dma_start3A_39 = tpu.memref_slice %arg2[%add3A_37] : memref<819200xi32, #tpu.memory_space<hbm>> -> memref<400xi32, #tpu.memory_space<hbm>>
      tpu.enqueue_dma source(%dma_start3A_39 : memref<400xi32, #tpu.memory_space<hbm>>) target(%arg6 : memref<400xi32, #tpu.memory_space<vmem>>) target_semaphore(%arg10 : memref<!tpu.dma_semaphore, #tpu.memory_space<semaphore_mem>>)
      %gt3A = arith.constant 0 : i32
      %gt3A_40 = arith.cmpi sgt, %scan3A_22, %gt3A : i32
      %convert_element_type3A = arith.extui %gt3A_40 : i1 to i32
      %cond3A = arith.constant 0 : i32
      %cond3A_41 = arith.cmpi ne, %convert_element_type3A, %cond3A : i32
      scf.if %cond3A_41 {
        %dma_wait3A_78 = arith.constant 0 : i32
        %dma_wait3A_79 = arith.constant 0 : i32
        %dma_wait3A_80 = tpu.memref_slice %arg4[%dma_wait3A_78, %dma_wait3A_79] : memref<819200x64xf32, #tpu.memory_space<hbm>> -> memref<400x64xf32, #tpu.memory_space<hbm>>
        %dma_wait3A_81 = arith.constant 0 : i32
        %dma_wait3A_82 = arith.constant 0 : i32
        %dma_wait3A_83 = tpu.memref_slice %arg4[%dma_wait3A_81, %dma_wait3A_82] : memref<819200x64xf32, #tpu.memory_space<hbm>> -> memref<400x64xf32, #tpu.memory_space<hbm>>
        tpu.wait_dma2 semaphore(%arg12 : memref<!tpu.dma_semaphore, #tpu.memory_space<semaphore_mem>>) src(%arg7 : memref<400x64xf32, #tpu.memory_space<vmem>>) dst(%dma_wait3A_83 : memref<400x64xf32, #tpu.memory_space<hbm>>)
      } else {
      }
      %parallel_loop3A = arith.constant 0 : i32
      %parallel_loop3A_42 = arith.constant 25 : i32
      %parallel_loop3A_43 = arith.constant 1 : i32
      scf.for %parallel_loop3A_78 = %parallel_loop3A to %parallel_loop3A_42 step %parallel_loop3A_43  : i32 {
        %parallel_loop3A_79 = arith.constant 16 : i32
        %parallel_loop3A_80 = arith.muli %parallel_loop3A_78, %parallel_loop3A_79 : i32
        %parallel_loop3A_81 = arith.index_cast %parallel_loop3A_80 : i32 to index
        %parallel_loop3A_82 = tpu.vector_load %arg5[%parallel_loop3A_81] {strides = array<i32>} : memref<400xi32, #tpu.memory_space<vmem>>, vector<16xi32>,
        %parallel_loop3A_83 = arith.constant 128 : i32
        %parallel_loop3A_84 = vector.broadcast %parallel_loop3A_83 : i32 to vector<16xi32>
        %parallel_loop3A_85 = arith.muli %parallel_loop3A_82, %parallel_loop3A_84 : vector<16xi32>
        %parallel_loop3A_86 = arith.constant 0 : i32
        %parallel_loop3A_87 = vector.broadcast %parallel_loop3A_86 : i32 to vector<16x1xi32>
        %parallel_loop3A_88 = vector.shape_cast %parallel_loop3A_87 : vector<16x1xi32> to vector<16xi32>
        %parallel_loop3A_89 = tpu.dynamic_gather %parallel_loop3A_85[%parallel_loop3A_88] in [0] : vector<16xi32>, vector<16xi32> -> vector<16xi32>
        %parallel_loop3A_90 = arith.constant 16 : i32
        %parallel_loop3A_91 = arith.muli %parallel_loop3A_78, %parallel_loop3A_90 : i32
        %parallel_loop3A_92 = arith.constant 0 : i32
        %parallel_loop3A_93 = arith.addi %parallel_loop3A_91, %parallel_loop3A_92 : i32
        %parallel_loop3A_94 = arith.constant 0 : i32
        %parallel_loop3A_95 = vector.broadcast %parallel_loop3A_94 : i32 to vector<16xi32>
        %parallel_loop3A_96 = arith.addi %iota3A, %parallel_loop3A_95 : vector<16xi32>
        %parallel_loop3A_97 = arith.addi %parallel_loop3A_89, %parallel_loop3A_96 : vector<16xi32>
        %parallel_loop3A_98 = tpu.vector_load_idx %arg9[%parallel_loop3A_97] : memref<16384xf32, #tpu.memory_space<vmem>>[vector<16xi32>], vector<16xf32>,
        %parallel_loop3A_99 = arith.index_cast %parallel_loop3A_93 : i32 to index
        %parallel_loop3A_100 = arith.constant 0 : index
        %parallel_loop3A_101 = tpu.vector_load %arg7[%parallel_loop3A_99, %parallel_loop3A_100] {strides = array<i32>} : memref<400x64xf32, #tpu.memory_space<vmem>>, vector<16xf32>,
        tpu.vector_store %arg7[%parallel_loop3A_99, %parallel_loop3A_100], %parallel_loop3A_98 {strides = array<i32>} : memref<400x64xf32, #tpu.memory_space<vmem>>, vector<16xf32>,
        %parallel_loop3A_102 = arith.constant 16 : i32
        %parallel_loop3A_103 = vector.broadcast %parallel_loop3A_102 : i32 to vector<16xi32>
        %parallel_loop3A_104 = arith.addi %iota3A, %parallel_loop3A_103 : vector<16xi32>
        %parallel_loop3A_105 = arith.addi %parallel_loop3A_89, %parallel_loop3A_104 : vector<16xi32>
        %parallel_loop3A_106 = tpu.vector_load_idx %arg9[%parallel_loop3A_105] : memref<16384xf32, #tpu.memory_space<vmem>>[vector<16xi32>], vector<16xf32>,
        %parallel_loop3A_107 = arith.index_cast %parallel_loop3A_93 : i32 to index
        %parallel_loop3A_108 = arith.constant 16 : index
        %parallel_loop3A_109 = tpu.vector_load %arg7[%parallel_loop3A_107, %parallel_loop3A_108] {strides = array<i32>} : memref<400x64xf32, #tpu.memory_space<vmem>>, vector<16xf32>,
        tpu.vector_store %arg7[%parallel_loop3A_107, %parallel_loop3A_108], %parallel_loop3A_106 {strides = array<i32>} : memref<400x64xf32, #tpu.memory_space<vmem>>, vector<16xf32>,
        %parallel_loop3A_110 = arith.constant 32 : i32
        %parallel_loop3A_111 = vector.broadcast %parallel_loop3A_110 : i32 to vector<16xi32>
        %parallel_loop3A_112 = arith.addi %iota3A, %parallel_loop3A_111 : vector<16xi32>
        %parallel_loop3A_113 = arith.addi %parallel_loop3A_89, %parallel_loop3A_112 : vector<16xi32>
        %parallel_loop3A_114 = tpu.vector_load_idx %arg9[%parallel_loop3A_113] : memref<16384xf32, #tpu.memory_space<vmem>>[vector<16xi32>], vector<16xf32>,
        %parallel_loop3A_115 = arith.index_cast %parallel_loop3A_93 : i32 to index
        %parallel_loop3A_116 = arith.constant 32 : index
        %parallel_loop3A_117 = tpu.vector_load %arg7[%parallel_loop3A_115, %parallel_loop3A_116] {strides = array<i32>} : memref<400x64xf32, #tpu.memory_space<vmem>>, vector<16xf32>,
        tpu.vector_store %arg7[%parallel_loop3A_115, %parallel_loop3A_116], %parallel_loop3A_114 {strides = array<i32>} : memref<400x64xf32, #tpu.memory_space<vmem>>, vector<16xf32>,
        %parallel_loop3A_118 = arith.constant 48 : i32
        %parallel_loop3A_119 = vector.broadcast %parallel_loop3A_118 : i32 to vector<16xi32>
        %parallel_loop3A_120 = arith.addi %iota3A, %parallel_loop3A_119 : vector<16xi32>
        %parallel_loop3A_121 = arith.addi %parallel_loop3A_89, %parallel_loop3A_120 : vector<16xi32>
        %parallel_loop3A_122 = tpu.vector_load_idx %arg9[%parallel_loop3A_121] : memref<16384xf32, #tpu.memory_space<vmem>>[vector<16xi32>], vector<16xf32>,
        %parallel_loop3A_123 = arith.index_cast %parallel_loop3A_93 : i32 to index
        %parallel_loop3A_124 = arith.constant 48 : index
        %parallel_loop3A_125 = tpu.vector_load %arg7[%parallel_loop3A_123, %parallel_loop3A_124] {strides = array<i32>} : memref<400x64xf32, #tpu.memory_space<vmem>>, vector<16xf32>,
        tpu.vector_store %arg7[%parallel_loop3A_123, %parallel_loop3A_124], %parallel_loop3A_122 {strides = array<i32>} : memref<400x64xf32, #tpu.memory_space<vmem>>, vector<16xf32>,
        %parallel_loop3A_126 = arith.constant 1 : i32
        %parallel_loop3A_127 = vector.broadcast %parallel_loop3A_126 : i32 to vector<16x1xi32>
        %parallel_loop3A_128 = vector.shape_cast %parallel_loop3A_127 : vector<16x1xi32> to vector<16xi32>
        %parallel_loop3A_129 = tpu.dynamic_gather %parallel_loop3A_85[%parallel_loop3A_128] in [0] : vector<16xi32>, vector<16xi32> -> vector<16xi32>
        %parallel_loop3A_130 = arith.constant 16 : i32
        %parallel_loop3A_131 = arith.muli %parallel_loop3A_78, %parallel_loop3A_130 : i32
        %parallel_loop3A_132 = arith.constant 1 : i32
        %parallel_loop3A_133 = arith.addi %parallel_loop3A_131, %parallel_loop3A_132 : i32
        %parallel_loop3A_134 = arith.constant 0 : i32
        %parallel_loop3A_135 = vector.broadcast %parallel_loop3A_134 : i32 to vector<16xi32>
        %parallel_loop3A_136 = arith.addi %iota3A, %parallel_loop3A_135 : vector<16xi32>
        %parallel_loop3A_137 = arith.addi %parallel_loop3A_129, %parallel_loop3A_136 : vector<16xi32>
        %parallel_loop3A_138 = tpu.vector_load_idx %arg9[%parallel_loop3A_137] : memref<16384xf32, #tpu.memory_space<vmem>>[vector<16xi32>], vector<16xf32>,
        %parallel_loop3A_139 = arith.index_cast %parallel_loop3A_133 : i32 to index
        %parallel_loop3A_140 = arith.constant 0 : index
        %parallel_loop3A_141 = tpu.vector_load %arg7[%parallel_loop3A_139, %parallel_loop3A_140] {strides = array<i32>} : memref<400x64xf32, #tpu.memory_space<vmem>>, vector<16xf32>,
        tpu.vector_store %arg7[%parallel_loop3A_139, %parallel_loop3A_140], %parallel_loop3A_138 {strides = array<i32>} : memref<400x64xf32, #tpu.memory_space<vmem>>, vector<16xf32>,
        %parallel_loop3A_142 = arith.constant 16 : i32
        %parallel_loop3A_143 = vector.broadcast %parallel_loop3A_142 : i32 to vector<16xi32>
        %parallel_loop3A_144 = arith.addi %iota3A, %parallel_loop3A_143 : vector<16xi32>
        %parallel_loop3A_145 = arith.addi %parallel_loop3A_129, %parallel_loop3A_144 : vector<16xi32>
        %parallel_loop3A_146 = tpu.vector_load_idx %arg9[%parallel_loop3A_145] : memref<16384xf32, #tpu.memory_space<vmem>>[vector<16xi32>], vector<16xf32>,
        %parallel_loop3A_147 = arith.index_cast %parallel_loop3A_133 : i32 to index
        %parallel_loop3A_148 = arith.constant 16 : index
        %parallel_loop3A_149 = tpu.vector_load %arg7[%parallel_loop3A_147, %parallel_loop3A_148] {strides = array<i32>} : memref<400x64xf32, #tpu.memory_space<vmem>>, vector<16xf32>,
        tpu.vector_store %arg7[%parallel_loop3A_147, %parallel_loop3A_148], %parallel_loop3A_146 {strides = array<i32>} : memref<400x64xf32, #tpu.memory_space<vmem>>, vector<16xf32>,
        %parallel_loop3A_150 = arith.constant 32 : i32
        %parallel_loop3A_151 = vector.broadcast %parallel_loop3A_150 : i32 to vector<16xi32>
        %parallel_loop3A_152 = arith.addi %iota3A, %parallel_loop3A_151 : vector<16xi32>
        %parallel_loop3A_153 = arith.addi %parallel_loop3A_129, %parallel_loop3A_152 : vector<16xi32>
        %parallel_loop3A_154 = tpu.vector_load_idx %arg9[%parallel_loop3A_153] : memref<16384xf32, #tpu.memory_space<vmem>>[vector<16xi32>], vector<16xf32>,
        %parallel_loop3A_155 = arith.index_cast %parallel_loop3A_133 : i32 to index
        %parallel_loop3A_156 = arith.constant 32 : index
        %parallel_loop3A_157 = tpu.vector_load %arg7[%parallel_loop3A_155, %parallel_loop3A_156] {strides = array<i32>} : memref<400x64xf32, #tpu.memory_space<vmem>>, vector<16xf32>,
        tpu.vector_store %arg7[%parallel_loop3A_155, %parallel_loop3A_156], %parallel_loop3A_154 {strides = array<i32>} : memref<400x64xf32, #tpu.memory_space<vmem>>, vector<16xf32>,
        %parallel_loop3A_158 = arith.constant 48 : i32
        %parallel_loop3A_159 = vector.broadcast %parallel_loop3A_158 : i32 to vector<16xi32>
        %parallel_loop3A_160 = arith.addi %iota3A, %parallel_loop3A_159 : vector<16xi32>
        %parallel_loop3A_161 = arith.addi %parallel_loop3A_129, %parallel_loop3A_160 : vector<16xi32>
        %parallel_loop3A_162 = tpu.vector_load_idx %arg9[%parallel_loop3A_161] : memref<16384xf32, #tpu.memory_space<vmem>>[vector<16xi32>], vector<16xf32>,
        %parallel_loop3A_163 = arith.index_cast %parallel_loop3A_133 : i32 to index
        %parallel_loop3A_164 = arith.constant 48 : index
        %parallel_loop3A_165 = tpu.vector_load %arg7[%parallel_loop3A_163, %parallel_loop3A_164] {strides = array<i32>} : memref<400x64xf32, #tpu.memory_space<vmem>>, vector<16xf32>,
        tpu.vector_store %arg7[%parallel_loop3A_163, %parallel_loop3A_164], %parallel_loop3A_162 {strides = array<i32>} : memref<400x64xf32, #tpu.memory_space<vmem>>, vector<16xf32>,
        %parallel_loop3A_166 = arith.constant 2 : i32
        %parallel_loop3A_167 = vector.broadcast %parallel_loop3A_166 : i32 to vector<16x1xi32>
        %parallel_loop3A_168 = vector.shape_cast %parallel_loop3A_167 : vector<16x1xi32> to vector<16xi32>
        %parallel_loop3A_169 = tpu.dynamic_gather %parallel_loop3A_85[%parallel_loop3A_168] in [0] : vector<16xi32>, vector<16xi32> -> vector<16xi32>
        %parallel_loop3A_170 = arith.constant 16 : i32
        %parallel_loop3A_171 = arith.muli %parallel_loop3A_78, %parallel_loop3A_170 : i32
        %parallel_loop3A_172 = arith.constant 2 : i32
        %parallel_loop3A_173 = arith.addi %parallel_loop3A_171, %parallel_loop3A_172 : i32
        %parallel_loop3A_174 = arith.constant 0 : i32
        %parallel_loop3A_175 = vector.broadcast %parallel_loop3A_174 : i32 to vector<16xi32>
        %parallel_loop3A_176 = arith.addi %iota3A, %parallel_loop3A_175 : vector<16xi32>
        %parallel_loop3A_177 = arith.addi %parallel_loop3A_169, %parallel_loop3A_176 : vector<16xi32>
        %parallel_loop3A_178 = tpu.vector_load_idx %arg9[%parallel_loop3A_177] : memref<16384xf32, #tpu.memory_space<vmem>>[vector<16xi32>], vector<16xf32>,
        %parallel_loop3A_179 = arith.index_cast %parallel_loop3A_173 : i32 to index
        %parallel_loop3A_180 = arith.constant 0 : index
        %parallel_loop3A_181 = tpu.vector_load %arg7[%parallel_loop3A_179, %parallel_loop3A_180] {strides = array<i32>} : memref<400x64xf32, #tpu.memory_space<vmem>>, vector<16xf32>,
        tpu.vector_store %arg7[%parallel_loop3A_179, %parallel_loop3A_180], %parallel_loop3A_178 {strides = array<i32>} : memref<400x64xf32, #tpu.memory_space<vmem>>, vector<16xf32>,
        %parallel_loop3A_182 = arith.constant 16 : i32
        %parallel_loop3A_183 = vector.broadcast %parallel_loop3A_182 : i32 to vector<16xi32>
        %parallel_loop3A_184 = arith.addi %iota3A, %parallel_loop3A_183 : vector<16xi32>
        %parallel_loop3A_185 = arith.addi %parallel_loop3A_169, %parallel_loop3A_184 : vector<16xi32>
        %parallel_loop3A_186 = tpu.vector_load_idx %arg9[%parallel_loop3A_185] : memref<16384xf32, #tpu.memory_space<vmem>>[vector<16xi32>], vector<16xf32>,
        %parallel_loop3A_187 = arith.index_cast %parallel_loop3A_173 : i32 to index
        %parallel_loop3A_188 = arith.constant 16 : index
        %parallel_loop3A_189 = tpu.vector_load %arg7[%parallel_loop3A_187, %parallel_loop3A_188] {strides = array<i32>} : memref<400x64xf32, #tpu.memory_space<vmem>>, vector<16xf32>,
        tpu.vector_store %arg7[%parallel_loop3A_187, %parallel_loop3A_188], %parallel_loop3A_186 {strides = array<i32>} : memref<400x64xf32, #tpu.memory_space<vmem>>, vector<16xf32>,
        %parallel_loop3A_190 = arith.constant 32 : i32
        %parallel_loop3A_191 = vector.broadcast %parallel_loop3A_190 : i32 to vector<16xi32>
        %parallel_loop3A_192 = arith.addi %iota3A, %parallel_loop3A_191 : vector<16xi32>
        %parallel_loop3A_193 = arith.addi %parallel_loop3A_169, %parallel_loop3A_192 : vector<16xi32>
        %parallel_loop3A_194 = tpu.vector_load_idx %arg9[%parallel_loop3A_193] : memref<16384xf32, #tpu.memory_space<vmem>>[vector<16xi32>], vector<16xf32>,
        %parallel_loop3A_195 = arith.index_cast %parallel_loop3A_173 : i32 to index
        %parallel_loop3A_196 = arith.constant 32 : index
        %parallel_loop3A_197 = tpu.vector_load %arg7[%parallel_loop3A_195, %parallel_loop3A_196] {strides = array<i32>} : memref<400x64xf32, #tpu.memory_space<vmem>>, vector<16xf32>,
        tpu.vector_store %arg7[%parallel_loop3A_195, %parallel_loop3A_196], %parallel_loop3A_194 {strides = array<i32>} : memref<400x64xf32, #tpu.memory_space<vmem>>, vector<16xf32>,
        %parallel_loop3A_198 = arith.constant 48 : i32
        %parallel_loop3A_199 = vector.broadcast %parallel_loop3A_198 : i32 to vector<16xi32>
        %parallel_loop3A_200 = arith.addi %iota3A, %parallel_loop3A_199 : vector<16xi32>
        %parallel_loop3A_201 = arith.addi %parallel_loop3A_169, %parallel_loop3A_200 : vector<16xi32>
        %parallel_loop3A_202 = tpu.vector_load_idx %arg9[%parallel_loop3A_201] : memref<16384xf32, #tpu.memory_space<vmem>>[vector<16xi32>], vector<16xf32>,
        %parallel_loop3A_203 = arith.index_cast %parallel_loop3A_173 : i32 to index
        %parallel_loop3A_204 = arith.constant 48 : index
        %parallel_loop3A_205 = tpu.vector_load %arg7[%parallel_loop3A_203, %parallel_loop3A_204] {strides = array<i32>} : memref<400x64xf32, #tpu.memory_space<vmem>>, vector<16xf32>,
        tpu.vector_store %arg7[%parallel_loop3A_203, %parallel_loop3A_204], %parallel_loop3A_202 {strides = array<i32>} : memref<400x64xf32, #tpu.memory_space<vmem>>, vector<16xf32>,
        %parallel_loop3A_206 = arith.constant 3 : i32
        %parallel_loop3A_207 = vector.broadcast %parallel_loop3A_206 : i32 to vector<16x1xi32>
        %parallel_loop3A_208 = vector.shape_cast %parallel_loop3A_207 : vector<16x1xi32> to vector<16xi32>
        %parallel_loop3A_209 = tpu.dynamic_gather %parallel_loop3A_85[%parallel_loop3A_208] in [0] : vector<16xi32>, vector<16xi32> -> vector<16xi32>
        %parallel_loop3A_210 = arith.constant 16 : i32
        %parallel_loop3A_211 = arith.muli %parallel_loop3A_78, %parallel_loop3A_210 : i32
        %parallel_loop3A_212 = arith.constant 3 : i32
        %parallel_loop3A_213 = arith.addi %parallel_loop3A_211, %parallel_loop3A_212 : i32
        %parallel_loop3A_214 = arith.constant 0 : i32
        %parallel_loop3A_215 = vector.broadcast %parallel_loop3A_214 : i32 to vector<16xi32>
        %parallel_loop3A_216 = arith.addi %iota3A, %parallel_loop3A_215 : vector<16xi32>
        %parallel_loop3A_217 = arith.addi %parallel_loop3A_209, %parallel_loop3A_216 : vector<16xi32>
        %parallel_loop3A_218 = tpu.vector_load_idx %arg9[%parallel_loop3A_217] : memref<16384xf32, #tpu.memory_space<vmem>>[vector<16xi32>], vector<16xf32>,
        %parallel_loop3A_219 = arith.index_cast %parallel_loop3A_213 : i32 to index
        %parallel_loop3A_220 = arith.constant 0 : index
        %parallel_loop3A_221 = tpu.vector_load %arg7[%parallel_loop3A_219, %parallel_loop3A_220] {strides = array<i32>} : memref<400x64xf32, #tpu.memory_space<vmem>>, vector<16xf32>,
        tpu.vector_store %arg7[%parallel_loop3A_219, %parallel_loop3A_220], %parallel_loop3A_218 {strides = array<i32>} : memref<400x64xf32, #tpu.memory_space<vmem>>, vector<16xf32>,
        %parallel_loop3A_222 = arith.constant 16 : i32
        %parallel_loop3A_223 = vector.broadcast %parallel_loop3A_222 : i32 to vector<16xi32>
        %parallel_loop3A_224 = arith.addi %iota3A, %parallel_loop3A_223 : vector<16xi32>
        %parallel_loop3A_225 = arith.addi %parallel_loop3A_209, %parallel_loop3A_224 : vector<16xi32>
        %parallel_loop3A_226 = tpu.vector_load_idx %arg9[%parallel_loop3A_225] : memref<16384xf32, #tpu.memory_space<vmem>>[vector<16xi32>], vector<16xf32>,
        %parallel_loop3A_227 = arith.index_cast %parallel_loop3A_213 : i32 to index
        %parallel_loop3A_228 = arith.constant 16 : index
        %parallel_loop3A_229 = tpu.vector_load %arg7[%parallel_loop3A_227, %parallel_loop3A_228] {strides = array<i32>} : memref<400x64xf32, #tpu.memory_space<vmem>>, vector<16xf32>,
        tpu.vector_store %arg7[%parallel_loop3A_227, %parallel_loop3A_228], %parallel_loop3A_226 {strides = array<i32>} : memref<400x64xf32, #tpu.memory_space<vmem>>, vector<16xf32>,
        %parallel_loop3A_230 = arith.constant 32 : i32
        %parallel_loop3A_231 = vector.broadcast %parallel_loop3A_230 : i32 to vector<16xi32>
        %parallel_loop3A_232 = arith.addi %iota3A, %parallel_loop3A_231 : vector<16xi32>
        %parallel_loop3A_233 = arith.addi %parallel_loop3A_209, %parallel_loop3A_232 : vector<16xi32>
        %parallel_loop3A_234 = tpu.vector_load_idx %arg9[%parallel_loop3A_233] : memref<16384xf32, #tpu.memory_space<vmem>>[vector<16xi32>], vector<16xf32>,
        %parallel_loop3A_235 = arith.index_cast %parallel_loop3A_213 : i32 to index
        %parallel_loop3A_236 = arith.constant 32 : index
        %parallel_loop3A_237 = tpu.vector_load %arg7[%parallel_loop3A_235, %parallel_loop3A_236] {strides = array<i32>} : memref<400x64xf32, #tpu.memory_space<vmem>>, vector<16xf32>,
        tpu.vector_store %arg7[%parallel_loop3A_235, %parallel_loop3A_236], %parallel_loop3A_234 {strides = array<i32>} : memref<400x64xf32, #tpu.memory_space<vmem>>, vector<16xf32>,
        %parallel_loop3A_238 = arith.constant 48 : i32
        %parallel_loop3A_239 = vector.broadcast %parallel_loop3A_238 : i32 to vector<16xi32>
        %parallel_loop3A_240 = arith.addi %iota3A, %parallel_loop3A_239 : vector<16xi32>
        %parallel_loop3A_241 = arith.addi %parallel_loop3A_209, %parallel_loop3A_240 : vector<16xi32>
        %parallel_loop3A_242 = tpu.vector_load_idx %arg9[%parallel_loop3A_241] : memref<16384xf32, #tpu.memory_space<vmem>>[vector<16xi32>], vector<16xf32>,
        %parallel_loop3A_243 = arith.index_cast %parallel_loop3A_213 : i32 to index
        %parallel_loop3A_244 = arith.constant 48 : index
        %parallel_loop3A_245 = tpu.vector_load %arg7[%parallel_loop3A_243, %parallel_loop3A_244] {strides = array<i32>} : memref<400x64xf32, #tpu.memory_space<vmem>>, vector<16xf32>,
        tpu.vector_store %arg7[%parallel_loop3A_243, %parallel_loop3A_244], %parallel_loop3A_242 {strides = array<i32>} : memref<400x64xf32, #tpu.memory_space<vmem>>, vector<16xf32>,
        %parallel_loop3A_246 = arith.constant 4 : i32
        %parallel_loop3A_247 = vector.broadcast %parallel_loop3A_246 : i32 to vector<16x1xi32>
        %parallel_loop3A_248 = vector.shape_cast %parallel_loop3A_247 : vector<16x1xi32> to vector<16xi32>
        %parallel_loop3A_249 = tpu.dynamic_gather %parallel_loop3A_85[%parallel_loop3A_248] in [0] : vector<16xi32>, vector<16xi32> -> vector<16xi32>
        %parallel_loop3A_250 = arith.constant 16 : i32
        %parallel_loop3A_251 = arith.muli %parallel_loop3A_78, %parallel_loop3A_250 : i32
        %parallel_loop3A_252 = arith.constant 4 : i32
        %parallel_loop3A_253 = arith.addi %parallel_loop3A_251, %parallel_loop3A_252 : i32
        %parallel_loop3A_254 = arith.constant 0 : i32
        %parallel_loop3A_255 = vector.broadcast %parallel_loop3A_254 : i32 to vector<16xi32>
        %parallel_loop3A_256 = arith.addi %iota3A, %parallel_loop3A_255 : vector<16xi32>
        %parallel_loop3A_257 = arith.addi %parallel_loop3A_249, %parallel_loop3A_256 : vector<16xi32>
        %parallel_loop3A_258 = tpu.vector_load_idx %arg9[%parallel_loop3A_257] : memref<16384xf32, #tpu.memory_space<vmem>>[vector<16xi32>], vector<16xf32>,
        %parallel_loop3A_259 = arith.index_cast %parallel_loop3A_253 : i32 to index
        %parallel_loop3A_260 = arith.constant 0 : index
        %parallel_loop3A_261 = tpu.vector_load %arg7[%parallel_loop3A_259, %parallel_loop3A_260] {strides = array<i32>} : memref<400x64xf32, #tpu.memory_space<vmem>>, vector<16xf32>,
        tpu.vector_store %arg7[%parallel_loop3A_259, %parallel_loop3A_260], %parallel_loop3A_258 {strides = array<i32>} : memref<400x64xf32, #tpu.memory_space<vmem>>, vector<16xf32>,
        %parallel_loop3A_262 = arith.constant 16 : i32
        %parallel_loop3A_263 = vector.broadcast %parallel_loop3A_262 : i32 to vector<16xi32>
        %parallel_loop3A_264 = arith.addi %iota3A, %parallel_loop3A_263 : vector<16xi32>
        %parallel_loop3A_265 = arith.addi %parallel_loop3A_249, %parallel_loop3A_264 : vector<16xi32>
        %parallel_loop3A_266 = tpu.vector_load_idx %arg9[%parallel_loop3A_265] : memref<16384xf32, #tpu.memory_space<vmem>>[vector<16xi32>], vector<16xf32>,
        %parallel_loop3A_267 = arith.index_cast %parallel_loop3A_253 : i32 to index
        %parallel_loop3A_268 = arith.constant 16 : index
        %parallel_loop3A_269 = tpu.vector_load %arg7[%parallel_loop3A_267, %parallel_loop3A_268] {strides = array<i32>} : memref<400x64xf32, #tpu.memory_space<vmem>>, vector<16xf32>,
        tpu.vector_store %arg7[%parallel_loop3A_267, %parallel_loop3A_268], %parallel_loop3A_266 {strides = array<i32>} : memref<400x64xf32, #tpu.memory_space<vmem>>, vector<16xf32>,
        %parallel_loop3A_270 = arith.constant 32 : i32
        %parallel_loop3A_271 = vector.broadcast %parallel_loop3A_270 : i32 to vector<16xi32>
        %parallel_loop3A_272 = arith.addi %iota3A, %parallel_loop3A_271 : vector<16xi32>
        %parallel_loop3A_273 = arith.addi %parallel_loop3A_249, %parallel_loop3A_272 : vector<16xi32>
        %parallel_loop3A_274 = tpu.vector_load_idx %arg9[%parallel_loop3A_273] : memref<16384xf32, #tpu.memory_space<vmem>>[vector<16xi32>], vector<16xf32>,
        %parallel_loop3A_275 = arith.index_cast %parallel_loop3A_253 : i32 to index
        %parallel_loop3A_276 = arith.constant 32 : index
        %parallel_loop3A_277 = tpu.vector_load %arg7[%parallel_loop3A_275, %parallel_loop3A_276] {strides = array<i32>} : memref<400x64xf32, #tpu.memory_space<vmem>>, vector<16xf32>,
        tpu.vector_store %arg7[%parallel_loop3A_275, %parallel_loop3A_276], %parallel_loop3A_274 {strides = array<i32>} : memref<400x64xf32, #tpu.memory_space<vmem>>, vector<16xf32>,
        %parallel_loop3A_278 = arith.constant 48 : i32
        %parallel_loop3A_279 = vector.broadcast %parallel_loop3A_278 : i32 to vector<16xi32>
        %parallel_loop3A_280 = arith.addi %iota3A, %parallel_loop3A_279 : vector<16xi32>
        %parallel_loop3A_281 = arith.addi %parallel_loop3A_249, %parallel_loop3A_280 : vector<16xi32>
        %parallel_loop3A_282 = tpu.vector_load_idx %arg9[%parallel_loop3A_281] : memref<16384xf32, #tpu.memory_space<vmem>>[vector<16xi32>], vector<16xf32>,
        %parallel_loop3A_283 = arith.index_cast %parallel_loop3A_253 : i32 to index
        %parallel_loop3A_284 = arith.constant 48 : index
        %parallel_loop3A_285 = tpu.vector_load %arg7[%parallel_loop3A_283, %parallel_loop3A_284] {strides = array<i32>} : memref<400x64xf32, #tpu.memory_space<vmem>>, vector<16xf32>,
        tpu.vector_store %arg7[%parallel_loop3A_283, %parallel_loop3A_284], %parallel_loop3A_282 {strides = array<i32>} : memref<400x64xf32, #tpu.memory_space<vmem>>, vector<16xf32>,
        %parallel_loop3A_286 = arith.constant 5 : i32
        %parallel_loop3A_287 = vector.broadcast %parallel_loop3A_286 : i32 to vector<16x1xi32>
        %parallel_loop3A_288 = vector.shape_cast %parallel_loop3A_287 : vector<16x1xi32> to vector<16xi32>
        %parallel_loop3A_289 = tpu.dynamic_gather %parallel_loop3A_85[%parallel_loop3A_288] in [0] : vector<16xi32>, vector<16xi32> -> vector<16xi32>
        %parallel_loop3A_290 = arith.constant 16 : i32
        %parallel_loop3A_291 = arith.muli %parallel_loop3A_78, %parallel_loop3A_290 : i32
        %parallel_loop3A_292 = arith.constant 5 : i32
        %parallel_loop3A_293 = arith.addi %parallel_loop3A_291, %parallel_loop3A_292 : i32
        %parallel_loop3A_294 = arith.constant 0 : i32
        %parallel_loop3A_295 = vector.broadcast %parallel_loop3A_294 : i32 to vector<16xi32>
        %parallel_loop3A_296 = arith.addi %iota3A, %parallel_loop3A_295 : vector<16xi32>
        %parallel_loop3A_297 = arith.addi %parallel_loop3A_289, %parallel_loop3A_296 : vector<16xi32>
        %parallel_loop3A_298 = tpu.vector_load_idx %arg9[%parallel_loop3A_297] : memref<16384xf32, #tpu.memory_space<vmem>>[vector<16xi32>], vector<16xf32>,
        %parallel_loop3A_299 = arith.index_cast %parallel_loop3A_293 : i32 to index
        %parallel_loop3A_300 = arith.constant 0 : index
        %parallel_loop3A_301 = tpu.vector_load %arg7[%parallel_loop3A_299, %parallel_loop3A_300] {strides = array<i32>} : memref<400x64xf32, #tpu.memory_space<vmem>>, vector<16xf32>,
        tpu.vector_store %arg7[%parallel_loop3A_299, %parallel_loop3A_300], %parallel_loop3A_298 {strides = array<i32>} : memref<400x64xf32, #tpu.memory_space<vmem>>, vector<16xf32>,
        %parallel_loop3A_302 = arith.constant 16 : i32
        %parallel_loop3A_303 = vector.broadcast %parallel_loop3A_302 : i32 to vector<16xi32>
        %parallel_loop3A_304 = arith.addi %iota3A, %parallel_loop3A_303 : vector<16xi32>
        %parallel_loop3A_305 = arith.addi %parallel_loop3A_289, %parallel_loop3A_304 : vector<16xi32>
        %parallel_loop3A_306 = tpu.vector_load_idx %arg9[%parallel_loop3A_305] : memref<16384xf32, #tpu.memory_space<vmem>>[vector<16xi32>], vector<16xf32>,
        %parallel_loop3A_307 = arith.index_cast %parallel_loop3A_293 : i32 to index
        %parallel_loop3A_308 = arith.constant 16 : index
        %parallel_loop3A_309 = tpu.vector_load %arg7[%parallel_loop3A_307, %parallel_loop3A_308] {strides = array<i32>} : memref<400x64xf32, #tpu.memory_space<vmem>>, vector<16xf32>,
        tpu.vector_store %arg7[%parallel_loop3A_307, %parallel_loop3A_308], %parallel_loop3A_306 {strides = array<i32>} : memref<400x64xf32, #tpu.memory_space<vmem>>, vector<16xf32>,
        %parallel_loop3A_310 = arith.constant 32 : i32
        %parallel_loop3A_311 = vector.broadcast %parallel_loop3A_310 : i32 to vector<16xi32>
        %parallel_loop3A_312 = arith.addi %iota3A, %parallel_loop3A_311 : vector<16xi32>
        %parallel_loop3A_313 = arith.addi %parallel_loop3A_289, %parallel_loop3A_312 : vector<16xi32>
        %parallel_loop3A_314 = tpu.vector_load_idx %arg9[%parallel_loop3A_313] : memref<16384xf32, #tpu.memory_space<vmem>>[vector<16xi32>], vector<16xf32>,
        %parallel_loop3A_315 = arith.index_cast %parallel_loop3A_293 : i32 to index
        %parallel_loop3A_316 = arith.constant 32 : index
        %parallel_loop3A_317 = tpu.vector_load %arg7[%parallel_loop3A_315, %parallel_loop3A_316] {strides = array<i32>} : memref<400x64xf32, #tpu.memory_space<vmem>>, vector<16xf32>,
        tpu.vector_store %arg7[%parallel_loop3A_315, %parallel_loop3A_316], %parallel_loop3A_314 {strides = array<i32>} : memref<400x64xf32, #tpu.memory_space<vmem>>, vector<16xf32>,
        %parallel_loop3A_318 = arith.constant 48 : i32
        %parallel_loop3A_319 = vector.broadcast %parallel_loop3A_318 : i32 to vector<16xi32>
        %parallel_loop3A_320 = arith.addi %iota3A, %parallel_loop3A_319 : vector<16xi32>
        %parallel_loop3A_321 = arith.addi %parallel_loop3A_289, %parallel_loop3A_320 : vector<16xi32>
        %parallel_loop3A_322 = tpu.vector_load_idx %arg9[%parallel_loop3A_321] : memref<16384xf32, #tpu.memory_space<vmem>>[vector<16xi32>], vector<16xf32>,
        %parallel_loop3A_323 = arith.index_cast %parallel_loop3A_293 : i32 to index
        %parallel_loop3A_324 = arith.constant 48 : index
        %parallel_loop3A_325 = tpu.vector_load %arg7[%parallel_loop3A_323, %parallel_loop3A_324] {strides = array<i32>} : memref<400x64xf32, #tpu.memory_space<vmem>>, vector<16xf32>,
        tpu.vector_store %arg7[%parallel_loop3A_323, %parallel_loop3A_324], %parallel_loop3A_322 {strides = array<i32>} : memref<400x64xf32, #tpu.memory_space<vmem>>, vector<16xf32>,
        %parallel_loop3A_326 = arith.constant 6 : i32
        %parallel_loop3A_327 = vector.broadcast %parallel_loop3A_326 : i32 to vector<16x1xi32>
        %parallel_loop3A_328 = vector.shape_cast %parallel_loop3A_327 : vector<16x1xi32> to vector<16xi32>
        %parallel_loop3A_329 = tpu.dynamic_gather %parallel_loop3A_85[%parallel_loop3A_328] in [0] : vector<16xi32>, vector<16xi32> -> vector<16xi32>
        %parallel_loop3A_330 = arith.constant 16 : i32
        %parallel_loop3A_331 = arith.muli %parallel_loop3A_78, %parallel_loop3A_330 : i32
        %parallel_loop3A_332 = arith.constant 6 : i32
        %parallel_loop3A_333 = arith.addi %parallel_loop3A_331, %parallel_loop3A_332 : i32
        %parallel_loop3A_334 = arith.constant 0 : i32
        %parallel_loop3A_335 = vector.broadcast %parallel_loop3A_334 : i32 to vector<16xi32>
        %parallel_loop3A_336 = arith.addi %iota3A, %parallel_loop3A_335 : vector<16xi32>
        %parallel_loop3A_337 = arith.addi %parallel_loop3A_329, %parallel_loop3A_336 : vector<16xi32>
        %parallel_loop3A_338 = tpu.vector_load_idx %arg9[%parallel_loop3A_337] : memref<16384xf32, #tpu.memory_space<vmem>>[vector<16xi32>], vector<16xf32>,
        %parallel_loop3A_339 = arith.index_cast %parallel_loop3A_333 : i32 to index
        %parallel_loop3A_340 = arith.constant 0 : index
        %parallel_loop3A_341 = tpu.vector_load %arg7[%parallel_loop3A_339, %parallel_loop3A_340] {strides = array<i32>} : memref<400x64xf32, #tpu.memory_space<vmem>>, vector<16xf32>,
        tpu.vector_store %arg7[%parallel_loop3A_339, %parallel_loop3A_340], %parallel_loop3A_338 {strides = array<i32>} : memref<400x64xf32, #tpu.memory_space<vmem>>, vector<16xf32>,
        %parallel_loop3A_342 = arith.constant 16 : i32
        %parallel_loop3A_343 = vector.broadcast %parallel_loop3A_342 : i32 to vector<16xi32>
        %parallel_loop3A_344 = arith.addi %iota3A, %parallel_loop3A_343 : vector<16xi32>
        %parallel_loop3A_345 = arith.addi %parallel_loop3A_329, %parallel_loop3A_344 : vector<16xi32>
        %parallel_loop3A_346 = tpu.vector_load_idx %arg9[%parallel_loop3A_345] : memref<16384xf32, #tpu.memory_space<vmem>>[vector<16xi32>], vector<16xf32>,
        %parallel_loop3A_347 = arith.index_cast %parallel_loop3A_333 : i32 to index
        %parallel_loop3A_348 = arith.constant 16 : index
        %parallel_loop3A_349 = tpu.vector_load %arg7[%parallel_loop3A_347, %parallel_loop3A_348] {strides = array<i32>} : memref<400x64xf32, #tpu.memory_space<vmem>>, vector<16xf32>,
        tpu.vector_store %arg7[%parallel_loop3A_347, %parallel_loop3A_348], %parallel_loop3A_346 {strides = array<i32>} : memref<400x64xf32, #tpu.memory_space<vmem>>, vector<16xf32>,
        %parallel_loop3A_350 = arith.constant 32 : i32
        %parallel_loop3A_351 = vector.broadcast %parallel_loop3A_350 : i32 to vector<16xi32>
        %parallel_loop3A_352 = arith.addi %iota3A, %parallel_loop3A_351 : vector<16xi32>
        %parallel_loop3A_353 = arith.addi %parallel_loop3A_329, %parallel_loop3A_352 : vector<16xi32>
        %parallel_loop3A_354 = tpu.vector_load_idx %arg9[%parallel_loop3A_353] : memref<16384xf32, #tpu.memory_space<vmem>>[vector<16xi32>], vector<16xf32>,
        %parallel_loop3A_355 = arith.index_cast %parallel_loop3A_333 : i32 to index
        %parallel_loop3A_356 = arith.constant 32 : index
        %parallel_loop3A_357 = tpu.vector_load %arg7[%parallel_loop3A_355, %parallel_loop3A_356] {strides = array<i32>} : memref<400x64xf32, #tpu.memory_space<vmem>>, vector<16xf32>,
        tpu.vector_store %arg7[%parallel_loop3A_355, %parallel_loop3A_356], %parallel_loop3A_354 {strides = array<i32>} : memref<400x64xf32, #tpu.memory_space<vmem>>, vector<16xf32>,
        %parallel_loop3A_358 = arith.constant 48 : i32
        %parallel_loop3A_359 = vector.broadcast %parallel_loop3A_358 : i32 to vector<16xi32>
        %parallel_loop3A_360 = arith.addi %iota3A, %parallel_loop3A_359 : vector<16xi32>
        %parallel_loop3A_361 = arith.addi %parallel_loop3A_329, %parallel_loop3A_360 : vector<16xi32>
        %parallel_loop3A_362 = tpu.vector_load_idx %arg9[%parallel_loop3A_361] : memref<16384xf32, #tpu.memory_space<vmem>>[vector<16xi32>], vector<16xf32>,
        %parallel_loop3A_363 = arith.index_cast %parallel_loop3A_333 : i32 to index
        %parallel_loop3A_364 = arith.constant 48 : index
        %parallel_loop3A_365 = tpu.vector_load %arg7[%parallel_loop3A_363, %parallel_loop3A_364] {strides = array<i32>} : memref<400x64xf32, #tpu.memory_space<vmem>>, vector<16xf32>,
        tpu.vector_store %arg7[%parallel_loop3A_363, %parallel_loop3A_364], %parallel_loop3A_362 {strides = array<i32>} : memref<400x64xf32, #tpu.memory_space<vmem>>, vector<16xf32>,
        %parallel_loop3A_366 = arith.constant 7 : i32
        %parallel_loop3A_367 = vector.broadcast %parallel_loop3A_366 : i32 to vector<16x1xi32>
        %parallel_loop3A_368 = vector.shape_cast %parallel_loop3A_367 : vector<16x1xi32> to vector<16xi32>
        %parallel_loop3A_369 = tpu.dynamic_gather %parallel_loop3A_85[%parallel_loop3A_368] in [0] : vector<16xi32>, vector<16xi32> -> vector<16xi32>
        %parallel_loop3A_370 = arith.constant 16 : i32
        %parallel_loop3A_371 = arith.muli %parallel_loop3A_78, %parallel_loop3A_370 : i32
        %parallel_loop3A_372 = arith.constant 7 : i32
        %parallel_loop3A_373 = arith.addi %parallel_loop3A_371, %parallel_loop3A_372 : i32
        %parallel_loop3A_374 = arith.constant 0 : i32
        %parallel_loop3A_375 = vector.broadcast %parallel_loop3A_374 : i32 to vector<16xi32>
        %parallel_loop3A_376 = arith.addi %iota3A, %parallel_loop3A_375 : vector<16xi32>
        %parallel_loop3A_377 = arith.addi %parallel_loop3A_369, %parallel_loop3A_376 : vector<16xi32>
        %parallel_loop3A_378 = tpu.vector_load_idx %arg9[%parallel_loop3A_377] : memref<16384xf32, #tpu.memory_space<vmem>>[vector<16xi32>], vector<16xf32>,
        %parallel_loop3A_379 = arith.index_cast %parallel_loop3A_373 : i32 to index
        %parallel_loop3A_380 = arith.constant 0 : index
        %parallel_loop3A_381 = tpu.vector_load %arg7[%parallel_loop3A_379, %parallel_loop3A_380] {strides = array<i32>} : memref<400x64xf32, #tpu.memory_space<vmem>>, vector<16xf32>,
        tpu.vector_store %arg7[%parallel_loop3A_379, %parallel_loop3A_380], %parallel_loop3A_378 {strides = array<i32>} : memref<400x64xf32, #tpu.memory_space<vmem>>, vector<16xf32>,
        %parallel_loop3A_382 = arith.constant 16 : i32
        %parallel_loop3A_383 = vector.broadcast %parallel_loop3A_382 : i32 to vector<16xi32>
        %parallel_loop3A_384 = arith.addi %iota3A, %parallel_loop3A_383 : vector<16xi32>
        %parallel_loop3A_385 = arith.addi %parallel_loop3A_369, %parallel_loop3A_384 : vector<16xi32>
        %parallel_loop3A_386 = tpu.vector_load_idx %arg9[%parallel_loop3A_385] : memref<16384xf32, #tpu.memory_space<vmem>>[vector<16xi32>], vector<16xf32>,
        %parallel_loop3A_387 = arith.index_cast %parallel_loop3A_373 : i32 to index
        %parallel_loop3A_388 = arith.constant 16 : index
        %parallel_loop3A_389 = tpu.vector_load %arg7[%parallel_loop3A_387, %parallel_loop3A_388] {strides = array<i32>} : memref<400x64xf32, #tpu.memory_space<vmem>>, vector<16xf32>,
        tpu.vector_store %arg7[%parallel_loop3A_387, %parallel_loop3A_388], %parallel_loop3A_386 {strides = array<i32>} : memref<400x64xf32, #tpu.memory_space<vmem>>, vector<16xf32>,
        %parallel_loop3A_390 = arith.constant 32 : i32
        %parallel_loop3A_391 = vector.broadcast %parallel_loop3A_390 : i32 to vector<16xi32>
        %parallel_loop3A_392 = arith.addi %iota3A, %parallel_loop3A_391 : vector<16xi32>
        %parallel_loop3A_393 = arith.addi %parallel_loop3A_369, %parallel_loop3A_392 : vector<16xi32>
        %parallel_loop3A_394 = tpu.vector_load_idx %arg9[%parallel_loop3A_393] : memref<16384xf32, #tpu.memory_space<vmem>>[vector<16xi32>], vector<16xf32>,
        %parallel_loop3A_395 = arith.index_cast %parallel_loop3A_373 : i32 to index
        %parallel_loop3A_396 = arith.constant 32 : index
        %parallel_loop3A_397 = tpu.vector_load %arg7[%parallel_loop3A_395, %parallel_loop3A_396] {strides = array<i32>} : memref<400x64xf32, #tpu.memory_space<vmem>>, vector<16xf32>,
        tpu.vector_store %arg7[%parallel_loop3A_395, %parallel_loop3A_396], %parallel_loop3A_394 {strides = array<i32>} : memref<400x64xf32, #tpu.memory_space<vmem>>, vector<16xf32>,
        %parallel_loop3A_398 = arith.constant 48 : i32
        %parallel_loop3A_399 = vector.broadcast %parallel_loop3A_398 : i32 to vector<16xi32>
        %parallel_loop3A_400 = arith.addi %iota3A, %parallel_loop3A_399 : vector<16xi32>
        %parallel_loop3A_401 = arith.addi %parallel_loop3A_369, %parallel_loop3A_400 : vector<16xi32>
        %parallel_loop3A_402 = tpu.vector_load_idx %arg9[%parallel_loop3A_401] : memref<16384xf32, #tpu.memory_space<vmem>>[vector<16xi32>], vector<16xf32>,
        %parallel_loop3A_403 = arith.index_cast %parallel_loop3A_373 : i32 to index
        %parallel_loop3A_404 = arith.constant 48 : index
        %parallel_loop3A_405 = tpu.vector_load %arg7[%parallel_loop3A_403, %parallel_loop3A_404] {strides = array<i32>} : memref<400x64xf32, #tpu.memory_space<vmem>>, vector<16xf32>,
        tpu.vector_store %arg7[%parallel_loop3A_403, %parallel_loop3A_404], %parallel_loop3A_402 {strides = array<i32>} : memref<400x64xf32, #tpu.memory_space<vmem>>, vector<16xf32>,
        %parallel_loop3A_406 = arith.constant 8 : i32
        %parallel_loop3A_407 = vector.broadcast %parallel_loop3A_406 : i32 to vector<16x1xi32>
        %parallel_loop3A_408 = vector.shape_cast %parallel_loop3A_407 : vector<16x1xi32> to vector<16xi32>
        %parallel_loop3A_409 = tpu.dynamic_gather %parallel_loop3A_85[%parallel_loop3A_408] in [0] : vector<16xi32>, vector<16xi32> -> vector<16xi32>
        %parallel_loop3A_410 = arith.constant 16 : i32
        %parallel_loop3A_411 = arith.muli %parallel_loop3A_78, %parallel_loop3A_410 : i32
        %parallel_loop3A_412 = arith.constant 8 : i32
        %parallel_loop3A_413 = arith.addi %parallel_loop3A_411, %parallel_loop3A_412 : i32
        %parallel_loop3A_414 = arith.constant 0 : i32
        %parallel_loop3A_415 = vector.broadcast %parallel_loop3A_414 : i32 to vector<16xi32>
        %parallel_loop3A_416 = arith.addi %iota3A, %parallel_loop3A_415 : vector<16xi32>
        %parallel_loop3A_417 = arith.addi %parallel_loop3A_409, %parallel_loop3A_416 : vector<16xi32>
        %parallel_loop3A_418 = tpu.vector_load_idx %arg9[%parallel_loop3A_417] : memref<16384xf32, #tpu.memory_space<vmem>>[vector<16xi32>], vector<16xf32>,
        %parallel_loop3A_419 = arith.index_cast %parallel_loop3A_413 : i32 to index
        %parallel_loop3A_420 = arith.constant 0 : index
        %parallel_loop3A_421 = tpu.vector_load %arg7[%parallel_loop3A_419, %parallel_loop3A_420] {strides = array<i32>} : memref<400x64xf32, #tpu.memory_space<vmem>>, vector<16xf32>,
        tpu.vector_store %arg7[%parallel_loop3A_419, %parallel_loop3A_420], %parallel_loop3A_418 {strides = array<i32>} : memref<400x64xf32, #tpu.memory_space<vmem>>, vector<16xf32>,
        %parallel_loop3A_422 = arith.constant 16 : i32
        %parallel_loop3A_423 = vector.broadcast %parallel_loop3A_422 : i32 to vector<16xi32>
        %parallel_loop3A_424 = arith.addi %iota3A, %parallel_loop3A_423 : vector<16xi32>
        %parallel_loop3A_425 = arith.addi %parallel_loop3A_409, %parallel_loop3A_424 : vector<16xi32>
        %parallel_loop3A_426 = tpu.vector_load_idx %arg9[%parallel_loop3A_425] : memref<16384xf32, #tpu.memory_space<vmem>>[vector<16xi32>], vector<16xf32>,
        %parallel_loop3A_427 = arith.index_cast %parallel_loop3A_413 : i32 to index
        %parallel_loop3A_428 = arith.constant 16 : index
        %parallel_loop3A_429 = tpu.vector_load %arg7[%parallel_loop3A_427, %parallel_loop3A_428] {strides = array<i32>} : memref<400x64xf32, #tpu.memory_space<vmem>>, vector<16xf32>,
        tpu.vector_store %arg7[%parallel_loop3A_427, %parallel_loop3A_428], %parallel_loop3A_426 {strides = array<i32>} : memref<400x64xf32, #tpu.memory_space<vmem>>, vector<16xf32>,
        %parallel_loop3A_430 = arith.constant 32 : i32
        %parallel_loop3A_431 = vector.broadcast %parallel_loop3A_430 : i32 to vector<16xi32>
        %parallel_loop3A_432 = arith.addi %iota3A, %parallel_loop3A_431 : vector<16xi32>
        %parallel_loop3A_433 = arith.addi %parallel_loop3A_409, %parallel_loop3A_432 : vector<16xi32>
        %parallel_loop3A_434 = tpu.vector_load_idx %arg9[%parallel_loop3A_433] : memref<16384xf32, #tpu.memory_space<vmem>>[vector<16xi32>], vector<16xf32>,
        %parallel_loop3A_435 = arith.index_cast %parallel_loop3A_413 : i32 to index
        %parallel_loop3A_436 = arith.constant 32 : index
        %parallel_loop3A_437 = tpu.vector_load %arg7[%parallel_loop3A_435, %parallel_loop3A_436] {strides = array<i32>} : memref<400x64xf32, #tpu.memory_space<vmem>>, vector<16xf32>,
        tpu.vector_store %arg7[%parallel_loop3A_435, %parallel_loop3A_436], %parallel_loop3A_434 {strides = array<i32>} : memref<400x64xf32, #tpu.memory_space<vmem>>, vector<16xf32>,
        %parallel_loop3A_438 = arith.constant 48 : i32
        %parallel_loop3A_439 = vector.broadcast %parallel_loop3A_438 : i32 to vector<16xi32>
        %parallel_loop3A_440 = arith.addi %iota3A, %parallel_loop3A_439 : vector<16xi32>
        %parallel_loop3A_441 = arith.addi %parallel_loop3A_409, %parallel_loop3A_440 : vector<16xi32>
        %parallel_loop3A_442 = tpu.vector_load_idx %arg9[%parallel_loop3A_441] : memref<16384xf32, #tpu.memory_space<vmem>>[vector<16xi32>], vector<16xf32>,
        %parallel_loop3A_443 = arith.index_cast %parallel_loop3A_413 : i32 to index
        %parallel_loop3A_444 = arith.constant 48 : index
        %parallel_loop3A_445 = tpu.vector_load %arg7[%parallel_loop3A_443, %parallel_loop3A_444] {strides = array<i32>} : memref<400x64xf32, #tpu.memory_space<vmem>>, vector<16xf32>,
        tpu.vector_store %arg7[%parallel_loop3A_443, %parallel_loop3A_444], %parallel_loop3A_442 {strides = array<i32>} : memref<400x64xf32, #tpu.memory_space<vmem>>, vector<16xf32>,
        %parallel_loop3A_446 = arith.constant 9 : i32
        %parallel_loop3A_447 = vector.broadcast %parallel_loop3A_446 : i32 to vector<16x1xi32>
        %parallel_loop3A_448 = vector.shape_cast %parallel_loop3A_447 : vector<16x1xi32> to vector<16xi32>
        %parallel_loop3A_449 = tpu.dynamic_gather %parallel_loop3A_85[%parallel_loop3A_448] in [0] : vector<16xi32>, vector<16xi32> -> vector<16xi32>
        %parallel_loop3A_450 = arith.constant 16 : i32
        %parallel_loop3A_451 = arith.muli %parallel_loop3A_78, %parallel_loop3A_450 : i32
        %parallel_loop3A_452 = arith.constant 9 : i32
        %parallel_loop3A_453 = arith.addi %parallel_loop3A_451, %parallel_loop3A_452 : i32
        %parallel_loop3A_454 = arith.constant 0 : i32
        %parallel_loop3A_455 = vector.broadcast %parallel_loop3A_454 : i32 to vector<16xi32>
        %parallel_loop3A_456 = arith.addi %iota3A, %parallel_loop3A_455 : vector<16xi32>
        %parallel_loop3A_457 = arith.addi %parallel_loop3A_449, %parallel_loop3A_456 : vector<16xi32>
        %parallel_loop3A_458 = tpu.vector_load_idx %arg9[%parallel_loop3A_457] : memref<16384xf32, #tpu.memory_space<vmem>>[vector<16xi32>], vector<16xf32>,
        %parallel_loop3A_459 = arith.index_cast %parallel_loop3A_453 : i32 to index
        %parallel_loop3A_460 = arith.constant 0 : index
        %parallel_loop3A_461 = tpu.vector_load %arg7[%parallel_loop3A_459, %parallel_loop3A_460] {strides = array<i32>} : memref<400x64xf32, #tpu.memory_space<vmem>>, vector<16xf32>,
        tpu.vector_store %arg7[%parallel_loop3A_459, %parallel_loop3A_460], %parallel_loop3A_458 {strides = array<i32>} : memref<400x64xf32, #tpu.memory_space<vmem>>, vector<16xf32>,
        %parallel_loop3A_462 = arith.constant 16 : i32
        %parallel_loop3A_463 = vector.broadcast %parallel_loop3A_462 : i32 to vector<16xi32>
        %parallel_loop3A_464 = arith.addi %iota3A, %parallel_loop3A_463 : vector<16xi32>
        %parallel_loop3A_465 = arith.addi %parallel_loop3A_449, %parallel_loop3A_464 : vector<16xi32>
        %parallel_loop3A_466 = tpu.vector_load_idx %arg9[%parallel_loop3A_465] : memref<16384xf32, #tpu.memory_space<vmem>>[vector<16xi32>], vector<16xf32>,
        %parallel_loop3A_467 = arith.index_cast %parallel_loop3A_453 : i32 to index
        %parallel_loop3A_468 = arith.constant 16 : index
        %parallel_loop3A_469 = tpu.vector_load %arg7[%parallel_loop3A_467, %parallel_loop3A_468] {strides = array<i32>} : memref<400x64xf32, #tpu.memory_space<vmem>>, vector<16xf32>,
        tpu.vector_store %arg7[%parallel_loop3A_467, %parallel_loop3A_468], %parallel_loop3A_466 {strides = array<i32>} : memref<400x64xf32, #tpu.memory_space<vmem>>, vector<16xf32>,
        %parallel_loop3A_470 = arith.constant 32 : i32
        %parallel_loop3A_471 = vector.broadcast %parallel_loop3A_470 : i32 to vector<16xi32>
        %parallel_loop3A_472 = arith.addi %iota3A, %parallel_loop3A_471 : vector<16xi32>
        %parallel_loop3A_473 = arith.addi %parallel_loop3A_449, %parallel_loop3A_472 : vector<16xi32>
        %parallel_loop3A_474 = tpu.vector_load_idx %arg9[%parallel_loop3A_473] : memref<16384xf32, #tpu.memory_space<vmem>>[vector<16xi32>], vector<16xf32>,
        %parallel_loop3A_475 = arith.index_cast %parallel_loop3A_453 : i32 to index
        %parallel_loop3A_476 = arith.constant 32 : index
        %parallel_loop3A_477 = tpu.vector_load %arg7[%parallel_loop3A_475, %parallel_loop3A_476] {strides = array<i32>} : memref<400x64xf32, #tpu.memory_space<vmem>>, vector<16xf32>,
        tpu.vector_store %arg7[%parallel_loop3A_475, %parallel_loop3A_476], %parallel_loop3A_474 {strides = array<i32>} : memref<400x64xf32, #tpu.memory_space<vmem>>, vector<16xf32>,
        %parallel_loop3A_478 = arith.constant 48 : i32
        %parallel_loop3A_479 = vector.broadcast %parallel_loop3A_478 : i32 to vector<16xi32>
        %parallel_loop3A_480 = arith.addi %iota3A, %parallel_loop3A_479 : vector<16xi32>
        %parallel_loop3A_481 = arith.addi %parallel_loop3A_449, %parallel_loop3A_480 : vector<16xi32>
        %parallel_loop3A_482 = tpu.vector_load_idx %arg9[%parallel_loop3A_481] : memref<16384xf32, #tpu.memory_space<vmem>>[vector<16xi32>], vector<16xf32>,
        %parallel_loop3A_483 = arith.index_cast %parallel_loop3A_453 : i32 to index
        %parallel_loop3A_484 = arith.constant 48 : index
        %parallel_loop3A_485 = tpu.vector_load %arg7[%parallel_loop3A_483, %parallel_loop3A_484] {strides = array<i32>} : memref<400x64xf32, #tpu.memory_space<vmem>>, vector<16xf32>,
        tpu.vector_store %arg7[%parallel_loop3A_483, %parallel_loop3A_484], %parallel_loop3A_482 {strides = array<i32>} : memref<400x64xf32, #tpu.memory_space<vmem>>, vector<16xf32>,
        %parallel_loop3A_486 = arith.constant 10 : i32
        %parallel_loop3A_487 = vector.broadcast %parallel_loop3A_486 : i32 to vector<16x1xi32>
        %parallel_loop3A_488 = vector.shape_cast %parallel_loop3A_487 : vector<16x1xi32> to vector<16xi32>
        %parallel_loop3A_489 = tpu.dynamic_gather %parallel_loop3A_85[%parallel_loop3A_488] in [0] : vector<16xi32>, vector<16xi32> -> vector<16xi32>
        %parallel_loop3A_490 = arith.constant 16 : i32
        %parallel_loop3A_491 = arith.muli %parallel_loop3A_78, %parallel_loop3A_490 : i32
        %parallel_loop3A_492 = arith.constant 10 : i32
        %parallel_loop3A_493 = arith.addi %parallel_loop3A_491, %parallel_loop3A_492 : i32
        %parallel_loop3A_494 = arith.constant 0 : i32
        %parallel_loop3A_495 = vector.broadcast %parallel_loop3A_494 : i32 to vector<16xi32>
        %parallel_loop3A_496 = arith.addi %iota3A, %parallel_loop3A_495 : vector<16xi32>
        %parallel_loop3A_497 = arith.addi %parallel_loop3A_489, %parallel_loop3A_496 : vector<16xi32>
        %parallel_loop3A_498 = tpu.vector_load_idx %arg9[%parallel_loop3A_497] : memref<16384xf32, #tpu.memory_space<vmem>>[vector<16xi32>], vector<16xf32>,
        %parallel_loop3A_499 = arith.index_cast %parallel_loop3A_493 : i32 to index
        %parallel_loop3A_500 = arith.constant 0 : index
        %parallel_loop3A_501 = tpu.vector_load %arg7[%parallel_loop3A_499, %parallel_loop3A_500] {strides = array<i32>} : memref<400x64xf32, #tpu.memory_space<vmem>>, vector<16xf32>,
        tpu.vector_store %arg7[%parallel_loop3A_499, %parallel_loop3A_500], %parallel_loop3A_498 {strides = array<i32>} : memref<400x64xf32, #tpu.memory_space<vmem>>, vector<16xf32>,
        %parallel_loop3A_502 = arith.constant 16 : i32
        %parallel_loop3A_503 = vector.broadcast %parallel_loop3A_502 : i32 to vector<16xi32>
        %parallel_loop3A_504 = arith.addi %iota3A, %parallel_loop3A_503 : vector<16xi32>
        %parallel_loop3A_505 = arith.addi %parallel_loop3A_489, %parallel_loop3A_504 : vector<16xi32>
        %parallel_loop3A_506 = tpu.vector_load_idx %arg9[%parallel_loop3A_505] : memref<16384xf32, #tpu.memory_space<vmem>>[vector<16xi32>], vector<16xf32>,
        %parallel_loop3A_507 = arith.index_cast %parallel_loop3A_493 : i32 to index
        %parallel_loop3A_508 = arith.constant 16 : index
        %parallel_loop3A_509 = tpu.vector_load %arg7[%parallel_loop3A_507, %parallel_loop3A_508] {strides = array<i32>} : memref<400x64xf32, #tpu.memory_space<vmem>>, vector<16xf32>,
        tpu.vector_store %arg7[%parallel_loop3A_507, %parallel_loop3A_508], %parallel_loop3A_506 {strides = array<i32>} : memref<400x64xf32, #tpu.memory_space<vmem>>, vector<16xf32>,
        %parallel_loop3A_510 = arith.constant 32 : i32
        %parallel_loop3A_511 = vector.broadcast %parallel_loop3A_510 : i32 to vector<16xi32>
        %parallel_loop3A_512 = arith.addi %iota3A, %parallel_loop3A_511 : vector<16xi32>
        %parallel_loop3A_513 = arith.addi %parallel_loop3A_489, %parallel_loop3A_512 : vector<16xi32>
        %parallel_loop3A_514 = tpu.vector_load_idx %arg9[%parallel_loop3A_513] : memref<16384xf32, #tpu.memory_space<vmem>>[vector<16xi32>], vector<16xf32>,
        %parallel_loop3A_515 = arith.index_cast %parallel_loop3A_493 : i32 to index
        %parallel_loop3A_516 = arith.constant 32 : index
        %parallel_loop3A_517 = tpu.vector_load %arg7[%parallel_loop3A_515, %parallel_loop3A_516] {strides = array<i32>} : memref<400x64xf32, #tpu.memory_space<vmem>>, vector<16xf32>,
        tpu.vector_store %arg7[%parallel_loop3A_515, %parallel_loop3A_516], %parallel_loop3A_514 {strides = array<i32>} : memref<400x64xf32, #tpu.memory_space<vmem>>, vector<16xf32>,
        %parallel_loop3A_518 = arith.constant 48 : i32
        %parallel_loop3A_519 = vector.broadcast %parallel_loop3A_518 : i32 to vector<16xi32>
        %parallel_loop3A_520 = arith.addi %iota3A, %parallel_loop3A_519 : vector<16xi32>
        %parallel_loop3A_521 = arith.addi %parallel_loop3A_489, %parallel_loop3A_520 : vector<16xi32>
        %parallel_loop3A_522 = tpu.vector_load_idx %arg9[%parallel_loop3A_521] : memref<16384xf32, #tpu.memory_space<vmem>>[vector<16xi32>], vector<16xf32>,
        %parallel_loop3A_523 = arith.index_cast %parallel_loop3A_493 : i32 to index
        %parallel_loop3A_524 = arith.constant 48 : index
        %parallel_loop3A_525 = tpu.vector_load %arg7[%parallel_loop3A_523, %parallel_loop3A_524] {strides = array<i32>} : memref<400x64xf32, #tpu.memory_space<vmem>>, vector<16xf32>,
        tpu.vector_store %arg7[%parallel_loop3A_523, %parallel_loop3A_524], %parallel_loop3A_522 {strides = array<i32>} : memref<400x64xf32, #tpu.memory_space<vmem>>, vector<16xf32>,
        %parallel_loop3A_526 = arith.constant 11 : i32
        %parallel_loop3A_527 = vector.broadcast %parallel_loop3A_526 : i32 to vector<16x1xi32>
        %parallel_loop3A_528 = vector.shape_cast %parallel_loop3A_527 : vector<16x1xi32> to vector<16xi32>
        %parallel_loop3A_529 = tpu.dynamic_gather %parallel_loop3A_85[%parallel_loop3A_528] in [0] : vector<16xi32>, vector<16xi32> -> vector<16xi32>
        %parallel_loop3A_530 = arith.constant 16 : i32
        %parallel_loop3A_531 = arith.muli %parallel_loop3A_78, %parallel_loop3A_530 : i32
        %parallel_loop3A_532 = arith.constant 11 : i32
        %parallel_loop3A_533 = arith.addi %parallel_loop3A_531, %parallel_loop3A_532 : i32
        %parallel_loop3A_534 = arith.constant 0 : i32
        %parallel_loop3A_535 = vector.broadcast %parallel_loop3A_534 : i32 to vector<16xi32>
        %parallel_loop3A_536 = arith.addi %iota3A, %parallel_loop3A_535 : vector<16xi32>
        %parallel_loop3A_537 = arith.addi %parallel_loop3A_529, %parallel_loop3A_536 : vector<16xi32>
        %parallel_loop3A_538 = tpu.vector_load_idx %arg9[%parallel_loop3A_537] : memref<16384xf32, #tpu.memory_space<vmem>>[vector<16xi32>], vector<16xf32>,
        %parallel_loop3A_539 = arith.index_cast %parallel_loop3A_533 : i32 to index
        %parallel_loop3A_540 = arith.constant 0 : index
        %parallel_loop3A_541 = tpu.vector_load %arg7[%parallel_loop3A_539, %parallel_loop3A_540] {strides = array<i32>} : memref<400x64xf32, #tpu.memory_space<vmem>>, vector<16xf32>,
        tpu.vector_store %arg7[%parallel_loop3A_539, %parallel_loop3A_540], %parallel_loop3A_538 {strides = array<i32>} : memref<400x64xf32, #tpu.memory_space<vmem>>, vector<16xf32>,
        %parallel_loop3A_542 = arith.constant 16 : i32
        %parallel_loop3A_543 = vector.broadcast %parallel_loop3A_542 : i32 to vector<16xi32>
        %parallel_loop3A_544 = arith.addi %iota3A, %parallel_loop3A_543 : vector<16xi32>
        %parallel_loop3A_545 = arith.addi %parallel_loop3A_529, %parallel_loop3A_544 : vector<16xi32>
        %parallel_loop3A_546 = tpu.vector_load_idx %arg9[%parallel_loop3A_545] : memref<16384xf32, #tpu.memory_space<vmem>>[vector<16xi32>], vector<16xf32>,
        %parallel_loop3A_547 = arith.index_cast %parallel_loop3A_533 : i32 to index
        %parallel_loop3A_548 = arith.constant 16 : index
        %parallel_loop3A_549 = tpu.vector_load %arg7[%parallel_loop3A_547, %parallel_loop3A_548] {strides = array<i32>} : memref<400x64xf32, #tpu.memory_space<vmem>>, vector<16xf32>,
        tpu.vector_store %arg7[%parallel_loop3A_547, %parallel_loop3A_548], %parallel_loop3A_546 {strides = array<i32>} : memref<400x64xf32, #tpu.memory_space<vmem>>, vector<16xf32>,
        %parallel_loop3A_550 = arith.constant 32 : i32
        %parallel_loop3A_551 = vector.broadcast %parallel_loop3A_550 : i32 to vector<16xi32>
        %parallel_loop3A_552 = arith.addi %iota3A, %parallel_loop3A_551 : vector<16xi32>
        %parallel_loop3A_553 = arith.addi %parallel_loop3A_529, %parallel_loop3A_552 : vector<16xi32>
        %parallel_loop3A_554 = tpu.vector_load_idx %arg9[%parallel_loop3A_553] : memref<16384xf32, #tpu.memory_space<vmem>>[vector<16xi32>], vector<16xf32>,
        %parallel_loop3A_555 = arith.index_cast %parallel_loop3A_533 : i32 to index
        %parallel_loop3A_556 = arith.constant 32 : index
        %parallel_loop3A_557 = tpu.vector_load %arg7[%parallel_loop3A_555, %parallel_loop3A_556] {strides = array<i32>} : memref<400x64xf32, #tpu.memory_space<vmem>>, vector<16xf32>,
        tpu.vector_store %arg7[%parallel_loop3A_555, %parallel_loop3A_556], %parallel_loop3A_554 {strides = array<i32>} : memref<400x64xf32, #tpu.memory_space<vmem>>, vector<16xf32>,
        %parallel_loop3A_558 = arith.constant 48 : i32
        %parallel_loop3A_559 = vector.broadcast %parallel_loop3A_558 : i32 to vector<16xi32>
        %parallel_loop3A_560 = arith.addi %iota3A, %parallel_loop3A_559 : vector<16xi32>
        %parallel_loop3A_561 = arith.addi %parallel_loop3A_529, %parallel_loop3A_560 : vector<16xi32>
        %parallel_loop3A_562 = tpu.vector_load_idx %arg9[%parallel_loop3A_561] : memref<16384xf32, #tpu.memory_space<vmem>>[vector<16xi32>], vector<16xf32>,
        %parallel_loop3A_563 = arith.index_cast %parallel_loop3A_533 : i32 to index
        %parallel_loop3A_564 = arith.constant 48 : index
        %parallel_loop3A_565 = tpu.vector_load %arg7[%parallel_loop3A_563, %parallel_loop3A_564] {strides = array<i32>} : memref<400x64xf32, #tpu.memory_space<vmem>>, vector<16xf32>,
        tpu.vector_store %arg7[%parallel_loop3A_563, %parallel_loop3A_564], %parallel_loop3A_562 {strides = array<i32>} : memref<400x64xf32, #tpu.memory_space<vmem>>, vector<16xf32>,
        %parallel_loop3A_566 = arith.constant 12 : i32
        %parallel_loop3A_567 = vector.broadcast %parallel_loop3A_566 : i32 to vector<16x1xi32>
        %parallel_loop3A_568 = vector.shape_cast %parallel_loop3A_567 : vector<16x1xi32> to vector<16xi32>
        %parallel_loop3A_569 = tpu.dynamic_gather %parallel_loop3A_85[%parallel_loop3A_568] in [0] : vector<16xi32>, vector<16xi32> -> vector<16xi32>
        %parallel_loop3A_570 = arith.constant 16 : i32
        %parallel_loop3A_571 = arith.muli %parallel_loop3A_78, %parallel_loop3A_570 : i32
        %parallel_loop3A_572 = arith.constant 12 : i32
        %parallel_loop3A_573 = arith.addi %parallel_loop3A_571, %parallel_loop3A_572 : i32
        %parallel_loop3A_574 = arith.constant 0 : i32
        %parallel_loop3A_575 = vector.broadcast %parallel_loop3A_574 : i32 to vector<16xi32>
        %parallel_loop3A_576 = arith.addi %iota3A, %parallel_loop3A_575 : vector<16xi32>
        %parallel_loop3A_577 = arith.addi %parallel_loop3A_569, %parallel_loop3A_576 : vector<16xi32>
        %parallel_loop3A_578 = tpu.vector_load_idx %arg9[%parallel_loop3A_577] : memref<16384xf32, #tpu.memory_space<vmem>>[vector<16xi32>], vector<16xf32>,
        %parallel_loop3A_579 = arith.index_cast %parallel_loop3A_573 : i32 to index
        %parallel_loop3A_580 = arith.constant 0 : index
        %parallel_loop3A_581 = tpu.vector_load %arg7[%parallel_loop3A_579, %parallel_loop3A_580] {strides = array<i32>} : memref<400x64xf32, #tpu.memory_space<vmem>>, vector<16xf32>,
        tpu.vector_store %arg7[%parallel_loop3A_579, %parallel_loop3A_580], %parallel_loop3A_578 {strides = array<i32>} : memref<400x64xf32, #tpu.memory_space<vmem>>, vector<16xf32>,
        %parallel_loop3A_582 = arith.constant 16 : i32
        %parallel_loop3A_583 = vector.broadcast %parallel_loop3A_582 : i32 to vector<16xi32>
        %parallel_loop3A_584 = arith.addi %iota3A, %parallel_loop3A_583 : vector<16xi32>
        %parallel_loop3A_585 = arith.addi %parallel_loop3A_569, %parallel_loop3A_584 : vector<16xi32>
        %parallel_loop3A_586 = tpu.vector_load_idx %arg9[%parallel_loop3A_585] : memref<16384xf32, #tpu.memory_space<vmem>>[vector<16xi32>], vector<16xf32>,
        %parallel_loop3A_587 = arith.index_cast %parallel_loop3A_573 : i32 to index
        %parallel_loop3A_588 = arith.constant 16 : index
        %parallel_loop3A_589 = tpu.vector_load %arg7[%parallel_loop3A_587, %parallel_loop3A_588] {strides = array<i32>} : memref<400x64xf32, #tpu.memory_space<vmem>>, vector<16xf32>,
        tpu.vector_store %arg7[%parallel_loop3A_587, %parallel_loop3A_588], %parallel_loop3A_586 {strides = array<i32>} : memref<400x64xf32, #tpu.memory_space<vmem>>, vector<16xf32>,
        %parallel_loop3A_590 = arith.constant 32 : i32
        %parallel_loop3A_591 = vector.broadcast %parallel_loop3A_590 : i32 to vector<16xi32>
        %parallel_loop3A_592 = arith.addi %iota3A, %parallel_loop3A_591 : vector<16xi32>
        %parallel_loop3A_593 = arith.addi %parallel_loop3A_569, %parallel_loop3A_592 : vector<16xi32>
        %parallel_loop3A_594 = tpu.vector_load_idx %arg9[%parallel_loop3A_593] : memref<16384xf32, #tpu.memory_space<vmem>>[vector<16xi32>], vector<16xf32>,
        %parallel_loop3A_595 = arith.index_cast %parallel_loop3A_573 : i32 to index
        %parallel_loop3A_596 = arith.constant 32 : index
        %parallel_loop3A_597 = tpu.vector_load %arg7[%parallel_loop3A_595, %parallel_loop3A_596] {strides = array<i32>} : memref<400x64xf32, #tpu.memory_space<vmem>>, vector<16xf32>,
        tpu.vector_store %arg7[%parallel_loop3A_595, %parallel_loop3A_596], %parallel_loop3A_594 {strides = array<i32>} : memref<400x64xf32, #tpu.memory_space<vmem>>, vector<16xf32>,
        %parallel_loop3A_598 = arith.constant 48 : i32
        %parallel_loop3A_599 = vector.broadcast %parallel_loop3A_598 : i32 to vector<16xi32>
        %parallel_loop3A_600 = arith.addi %iota3A, %parallel_loop3A_599 : vector<16xi32>
        %parallel_loop3A_601 = arith.addi %parallel_loop3A_569, %parallel_loop3A_600 : vector<16xi32>
        %parallel_loop3A_602 = tpu.vector_load_idx %arg9[%parallel_loop3A_601] : memref<16384xf32, #tpu.memory_space<vmem>>[vector<16xi32>], vector<16xf32>,
        %parallel_loop3A_603 = arith.index_cast %parallel_loop3A_573 : i32 to index
        %parallel_loop3A_604 = arith.constant 48 : index
        %parallel_loop3A_605 = tpu.vector_load %arg7[%parallel_loop3A_603, %parallel_loop3A_604] {strides = array<i32>} : memref<400x64xf32, #tpu.memory_space<vmem>>, vector<16xf32>,
        tpu.vector_store %arg7[%parallel_loop3A_603, %parallel_loop3A_604], %parallel_loop3A_602 {strides = array<i32>} : memref<400x64xf32, #tpu.memory_space<vmem>>, vector<16xf32>,
        %parallel_loop3A_606 = arith.constant 13 : i32
        %parallel_loop3A_607 = vector.broadcast %parallel_loop3A_606 : i32 to vector<16x1xi32>
        %parallel_loop3A_608 = vector.shape_cast %parallel_loop3A_607 : vector<16x1xi32> to vector<16xi32>
        %parallel_loop3A_609 = tpu.dynamic_gather %parallel_loop3A_85[%parallel_loop3A_608] in [0] : vector<16xi32>, vector<16xi32> -> vector<16xi32>
        %parallel_loop3A_610 = arith.constant 16 : i32
        %parallel_loop3A_611 = arith.muli %parallel_loop3A_78, %parallel_loop3A_610 : i32
        %parallel_loop3A_612 = arith.constant 13 : i32
        %parallel_loop3A_613 = arith.addi %parallel_loop3A_611, %parallel_loop3A_612 : i32
        %parallel_loop3A_614 = arith.constant 0 : i32
        %parallel_loop3A_615 = vector.broadcast %parallel_loop3A_614 : i32 to vector<16xi32>
        %parallel_loop3A_616 = arith.addi %iota3A, %parallel_loop3A_615 : vector<16xi32>
        %parallel_loop3A_617 = arith.addi %parallel_loop3A_609, %parallel_loop3A_616 : vector<16xi32>
        %parallel_loop3A_618 = tpu.vector_load_idx %arg9[%parallel_loop3A_617] : memref<16384xf32, #tpu.memory_space<vmem>>[vector<16xi32>], vector<16xf32>,
        %parallel_loop3A_619 = arith.index_cast %parallel_loop3A_613 : i32 to index
        %parallel_loop3A_620 = arith.constant 0 : index
        %parallel_loop3A_621 = tpu.vector_load %arg7[%parallel_loop3A_619, %parallel_loop3A_620] {strides = array<i32>} : memref<400x64xf32, #tpu.memory_space<vmem>>, vector<16xf32>,
        tpu.vector_store %arg7[%parallel_loop3A_619, %parallel_loop3A_620], %parallel_loop3A_618 {strides = array<i32>} : memref<400x64xf32, #tpu.memory_space<vmem>>, vector<16xf32>,
        %parallel_loop3A_622 = arith.constant 16 : i32
        %parallel_loop3A_623 = vector.broadcast %parallel_loop3A_622 : i32 to vector<16xi32>
        %parallel_loop3A_624 = arith.addi %iota3A, %parallel_loop3A_623 : vector<16xi32>
        %parallel_loop3A_625 = arith.addi %parallel_loop3A_609, %parallel_loop3A_624 : vector<16xi32>
        %parallel_loop3A_626 = tpu.vector_load_idx %arg9[%parallel_loop3A_625] : memref<16384xf32, #tpu.memory_space<vmem>>[vector<16xi32>], vector<16xf32>,
        %parallel_loop3A_627 = arith.index_cast %parallel_loop3A_613 : i32 to index
        %parallel_loop3A_628 = arith.constant 16 : index
        %parallel_loop3A_629 = tpu.vector_load %arg7[%parallel_loop3A_627, %parallel_loop3A_628] {strides = array<i32>} : memref<400x64xf32, #tpu.memory_space<vmem>>, vector<16xf32>,
        tpu.vector_store %arg7[%parallel_loop3A_627, %parallel_loop3A_628], %parallel_loop3A_626 {strides = array<i32>} : memref<400x64xf32, #tpu.memory_space<vmem>>, vector<16xf32>,
        %parallel_loop3A_630 = arith.constant 32 : i32
        %parallel_loop3A_631 = vector.broadcast %parallel_loop3A_630 : i32 to vector<16xi32>
        %parallel_loop3A_632 = arith.addi %iota3A, %parallel_loop3A_631 : vector<16xi32>
        %parallel_loop3A_633 = arith.addi %parallel_loop3A_609, %parallel_loop3A_632 : vector<16xi32>
        %parallel_loop3A_634 = tpu.vector_load_idx %arg9[%parallel_loop3A_633] : memref<16384xf32, #tpu.memory_space<vmem>>[vector<16xi32>], vector<16xf32>,
        %parallel_loop3A_635 = arith.index_cast %parallel_loop3A_613 : i32 to index
        %parallel_loop3A_636 = arith.constant 32 : index
        %parallel_loop3A_637 = tpu.vector_load %arg7[%parallel_loop3A_635, %parallel_loop3A_636] {strides = array<i32>} : memref<400x64xf32, #tpu.memory_space<vmem>>, vector<16xf32>,
        tpu.vector_store %arg7[%parallel_loop3A_635, %parallel_loop3A_636], %parallel_loop3A_634 {strides = array<i32>} : memref<400x64xf32, #tpu.memory_space<vmem>>, vector<16xf32>,
        %parallel_loop3A_638 = arith.constant 48 : i32
        %parallel_loop3A_639 = vector.broadcast %parallel_loop3A_638 : i32 to vector<16xi32>
        %parallel_loop3A_640 = arith.addi %iota3A, %parallel_loop3A_639 : vector<16xi32>
        %parallel_loop3A_641 = arith.addi %parallel_loop3A_609, %parallel_loop3A_640 : vector<16xi32>
        %parallel_loop3A_642 = tpu.vector_load_idx %arg9[%parallel_loop3A_641] : memref<16384xf32, #tpu.memory_space<vmem>>[vector<16xi32>], vector<16xf32>,
        %parallel_loop3A_643 = arith.index_cast %parallel_loop3A_613 : i32 to index
        %parallel_loop3A_644 = arith.constant 48 : index
        %parallel_loop3A_645 = tpu.vector_load %arg7[%parallel_loop3A_643, %parallel_loop3A_644] {strides = array<i32>} : memref<400x64xf32, #tpu.memory_space<vmem>>, vector<16xf32>,
        tpu.vector_store %arg7[%parallel_loop3A_643, %parallel_loop3A_644], %parallel_loop3A_642 {strides = array<i32>} : memref<400x64xf32, #tpu.memory_space<vmem>>, vector<16xf32>,
        %parallel_loop3A_646 = arith.constant 14 : i32
        %parallel_loop3A_647 = vector.broadcast %parallel_loop3A_646 : i32 to vector<16x1xi32>
        %parallel_loop3A_648 = vector.shape_cast %parallel_loop3A_647 : vector<16x1xi32> to vector<16xi32>
        %parallel_loop3A_649 = tpu.dynamic_gather %parallel_loop3A_85[%parallel_loop3A_648] in [0] : vector<16xi32>, vector<16xi32> -> vector<16xi32>
        %parallel_loop3A_650 = arith.constant 16 : i32
        %parallel_loop3A_651 = arith.muli %parallel_loop3A_78, %parallel_loop3A_650 : i32
        %parallel_loop3A_652 = arith.constant 14 : i32
        %parallel_loop3A_653 = arith.addi %parallel_loop3A_651, %parallel_loop3A_652 : i32
        %parallel_loop3A_654 = arith.constant 0 : i32
        %parallel_loop3A_655 = vector.broadcast %parallel_loop3A_654 : i32 to vector<16xi32>
        %parallel_loop3A_656 = arith.addi %iota3A, %parallel_loop3A_655 : vector<16xi32>
        %parallel_loop3A_657 = arith.addi %parallel_loop3A_649, %parallel_loop3A_656 : vector<16xi32>
        %parallel_loop3A_658 = tpu.vector_load_idx %arg9[%parallel_loop3A_657] : memref<16384xf32, #tpu.memory_space<vmem>>[vector<16xi32>], vector<16xf32>,
        %parallel_loop3A_659 = arith.index_cast %parallel_loop3A_653 : i32 to index
        %parallel_loop3A_660 = arith.constant 0 : index
        %parallel_loop3A_661 = tpu.vector_load %arg7[%parallel_loop3A_659, %parallel_loop3A_660] {strides = array<i32>} : memref<400x64xf32, #tpu.memory_space<vmem>>, vector<16xf32>,
        tpu.vector_store %arg7[%parallel_loop3A_659, %parallel_loop3A_660], %parallel_loop3A_658 {strides = array<i32>} : memref<400x64xf32, #tpu.memory_space<vmem>>, vector<16xf32>,
        %parallel_loop3A_662 = arith.constant 16 : i32
        %parallel_loop3A_663 = vector.broadcast %parallel_loop3A_662 : i32 to vector<16xi32>
        %parallel_loop3A_664 = arith.addi %iota3A, %parallel_loop3A_663 : vector<16xi32>
        %parallel_loop3A_665 = arith.addi %parallel_loop3A_649, %parallel_loop3A_664 : vector<16xi32>
        %parallel_loop3A_666 = tpu.vector_load_idx %arg9[%parallel_loop3A_665] : memref<16384xf32, #tpu.memory_space<vmem>>[vector<16xi32>], vector<16xf32>,
        %parallel_loop3A_667 = arith.index_cast %parallel_loop3A_653 : i32 to index
        %parallel_loop3A_668 = arith.constant 16 : index
        %parallel_loop3A_669 = tpu.vector_load %arg7[%parallel_loop3A_667, %parallel_loop3A_668] {strides = array<i32>} : memref<400x64xf32, #tpu.memory_space<vmem>>, vector<16xf32>,
        tpu.vector_store %arg7[%parallel_loop3A_667, %parallel_loop3A_668], %parallel_loop3A_666 {strides = array<i32>} : memref<400x64xf32, #tpu.memory_space<vmem>>, vector<16xf32>,
        %parallel_loop3A_670 = arith.constant 32 : i32
        %parallel_loop3A_671 = vector.broadcast %parallel_loop3A_670 : i32 to vector<16xi32>
        %parallel_loop3A_672 = arith.addi %iota3A, %parallel_loop3A_671 : vector<16xi32>
        %parallel_loop3A_673 = arith.addi %parallel_loop3A_649, %parallel_loop3A_672 : vector<16xi32>
        %parallel_loop3A_674 = tpu.vector_load_idx %arg9[%parallel_loop3A_673] : memref<16384xf32, #tpu.memory_space<vmem>>[vector<16xi32>], vector<16xf32>,
        %parallel_loop3A_675 = arith.index_cast %parallel_loop3A_653 : i32 to index
        %parallel_loop3A_676 = arith.constant 32 : index
        %parallel_loop3A_677 = tpu.vector_load %arg7[%parallel_loop3A_675, %parallel_loop3A_676] {strides = array<i32>} : memref<400x64xf32, #tpu.memory_space<vmem>>, vector<16xf32>,
        tpu.vector_store %arg7[%parallel_loop3A_675, %parallel_loop3A_676], %parallel_loop3A_674 {strides = array<i32>} : memref<400x64xf32, #tpu.memory_space<vmem>>, vector<16xf32>,
        %parallel_loop3A_678 = arith.constant 48 : i32
        %parallel_loop3A_679 = vector.broadcast %parallel_loop3A_678 : i32 to vector<16xi32>
        %parallel_loop3A_680 = arith.addi %iota3A, %parallel_loop3A_679 : vector<16xi32>
        %parallel_loop3A_681 = arith.addi %parallel_loop3A_649, %parallel_loop3A_680 : vector<16xi32>
        %parallel_loop3A_682 = tpu.vector_load_idx %arg9[%parallel_loop3A_681] : memref<16384xf32, #tpu.memory_space<vmem>>[vector<16xi32>], vector<16xf32>,
        %parallel_loop3A_683 = arith.index_cast %parallel_loop3A_653 : i32 to index
        %parallel_loop3A_684 = arith.constant 48 : index
        %parallel_loop3A_685 = tpu.vector_load %arg7[%parallel_loop3A_683, %parallel_loop3A_684] {strides = array<i32>} : memref<400x64xf32, #tpu.memory_space<vmem>>, vector<16xf32>,
        tpu.vector_store %arg7[%parallel_loop3A_683, %parallel_loop3A_684], %parallel_loop3A_682 {strides = array<i32>} : memref<400x64xf32, #tpu.memory_space<vmem>>, vector<16xf32>,
        %parallel_loop3A_686 = arith.constant 15 : i32
        %parallel_loop3A_687 = vector.broadcast %parallel_loop3A_686 : i32 to vector<16x1xi32>
        %parallel_loop3A_688 = vector.shape_cast %parallel_loop3A_687 : vector<16x1xi32> to vector<16xi32>
        %parallel_loop3A_689 = tpu.dynamic_gather %parallel_loop3A_85[%parallel_loop3A_688] in [0] : vector<16xi32>, vector<16xi32> -> vector<16xi32>
        %parallel_loop3A_690 = arith.constant 16 : i32
        %parallel_loop3A_691 = arith.muli %parallel_loop3A_78, %parallel_loop3A_690 : i32
        %parallel_loop3A_692 = arith.constant 15 : i32
        %parallel_loop3A_693 = arith.addi %parallel_loop3A_691, %parallel_loop3A_692 : i32
        %parallel_loop3A_694 = arith.constant 0 : i32
        %parallel_loop3A_695 = vector.broadcast %parallel_loop3A_694 : i32 to vector<16xi32>
        %parallel_loop3A_696 = arith.addi %iota3A, %parallel_loop3A_695 : vector<16xi32>
        %parallel_loop3A_697 = arith.addi %parallel_loop3A_689, %parallel_loop3A_696 : vector<16xi32>
        %parallel_loop3A_698 = tpu.vector_load_idx %arg9[%parallel_loop3A_697] : memref<16384xf32, #tpu.memory_space<vmem>>[vector<16xi32>], vector<16xf32>,
        %parallel_loop3A_699 = arith.index_cast %parallel_loop3A_693 : i32 to index
        %parallel_loop3A_700 = arith.constant 0 : index
        %parallel_loop3A_701 = tpu.vector_load %arg7[%parallel_loop3A_699, %parallel_loop3A_700] {strides = array<i32>} : memref<400x64xf32, #tpu.memory_space<vmem>>, vector<16xf32>,
        tpu.vector_store %arg7[%parallel_loop3A_699, %parallel_loop3A_700], %parallel_loop3A_698 {strides = array<i32>} : memref<400x64xf32, #tpu.memory_space<vmem>>, vector<16xf32>,
        %parallel_loop3A_702 = arith.constant 16 : i32
        %parallel_loop3A_703 = vector.broadcast %parallel_loop3A_702 : i32 to vector<16xi32>
        %parallel_loop3A_704 = arith.addi %iota3A, %parallel_loop3A_703 : vector<16xi32>
        %parallel_loop3A_705 = arith.addi %parallel_loop3A_689, %parallel_loop3A_704 : vector<16xi32>
        %parallel_loop3A_706 = tpu.vector_load_idx %arg9[%parallel_loop3A_705] : memref<16384xf32, #tpu.memory_space<vmem>>[vector<16xi32>], vector<16xf32>,
        %parallel_loop3A_707 = arith.index_cast %parallel_loop3A_693 : i32 to index
        %parallel_loop3A_708 = arith.constant 16 : index
        %parallel_loop3A_709 = tpu.vector_load %arg7[%parallel_loop3A_707, %parallel_loop3A_708] {strides = array<i32>} : memref<400x64xf32, #tpu.memory_space<vmem>>, vector<16xf32>,
        tpu.vector_store %arg7[%parallel_loop3A_707, %parallel_loop3A_708], %parallel_loop3A_706 {strides = array<i32>} : memref<400x64xf32, #tpu.memory_space<vmem>>, vector<16xf32>,
        %parallel_loop3A_710 = arith.constant 32 : i32
        %parallel_loop3A_711 = vector.broadcast %parallel_loop3A_710 : i32 to vector<16xi32>
        %parallel_loop3A_712 = arith.addi %iota3A, %parallel_loop3A_711 : vector<16xi32>
        %parallel_loop3A_713 = arith.addi %parallel_loop3A_689, %parallel_loop3A_712 : vector<16xi32>
        %parallel_loop3A_714 = tpu.vector_load_idx %arg9[%parallel_loop3A_713] : memref<16384xf32, #tpu.memory_space<vmem>>[vector<16xi32>], vector<16xf32>,
        %parallel_loop3A_715 = arith.index_cast %parallel_loop3A_693 : i32 to index
        %parallel_loop3A_716 = arith.constant 32 : index
        %parallel_loop3A_717 = tpu.vector_load %arg7[%parallel_loop3A_715, %parallel_loop3A_716] {strides = array<i32>} : memref<400x64xf32, #tpu.memory_space<vmem>>, vector<16xf32>,
        tpu.vector_store %arg7[%parallel_loop3A_715, %parallel_loop3A_716], %parallel_loop3A_714 {strides = array<i32>} : memref<400x64xf32, #tpu.memory_space<vmem>>, vector<16xf32>,
        %parallel_loop3A_718 = arith.constant 48 : i32
        %parallel_loop3A_719 = vector.broadcast %parallel_loop3A_718 : i32 to vector<16xi32>
        %parallel_loop3A_720 = arith.addi %iota3A, %parallel_loop3A_719 : vector<16xi32>
        %parallel_loop3A_721 = arith.addi %parallel_loop3A_689, %parallel_loop3A_720 : vector<16xi32>
        %parallel_loop3A_722 = tpu.vector_load_idx %arg9[%parallel_loop3A_721] : memref<16384xf32, #tpu.memory_space<vmem>>[vector<16xi32>], vector<16xf32>,
        %parallel_loop3A_723 = arith.index_cast %parallel_loop3A_693 : i32 to index
        %parallel_loop3A_724 = arith.constant 48 : index
        %parallel_loop3A_725 = tpu.vector_load %arg7[%parallel_loop3A_723, %parallel_loop3A_724] {strides = array<i32>} : memref<400x64xf32, #tpu.memory_space<vmem>>, vector<16xf32>,
        tpu.vector_store %arg7[%parallel_loop3A_723, %parallel_loop3A_724], %parallel_loop3A_722 {strides = array<i32>} : memref<400x64xf32, #tpu.memory_space<vmem>>, vector<16xf32>,
      } {sc.loop_unroll_factor = 1 : i64, sc.parallel_access}
      %dma_start3A_44 = arith.constant 0 : i32
      %dma_start3A_45 = tpu.memref_slice %arg4[%add3A_29, %dma_start3A_44] : memref<819200x64xf32, #tpu.memory_space<hbm>> -> memref<400x64xf32, #tpu.memory_space<hbm>>
      %dma_start3A_46 = arith.constant 0 : i32
      %dma_start3A_47 = tpu.memref_slice %arg4[%add3A_29, %dma_start3A_46] : memref<819200x64xf32, #tpu.memory_space<hbm>> -> memref<400x64xf32, #tpu.memory_space<hbm>>
      tpu.enqueue_dma source(%arg7 : memref<400x64xf32, #tpu.memory_space<vmem>>) target(%dma_start3A_47 : memref<400x64xf32, #tpu.memory_space<hbm>>) target_semaphore(%arg12 : memref<!tpu.dma_semaphore, #tpu.memory_space<semaphore_mem>>)
      %mul3A_48 = arith.constant 2 : i32
      %mul3A_49 = arith.muli %mul3A_48, %scan3A_22 : i32
      %add3A_50 = arith.constant 1 : i32
      %add3A_51 = arith.addi %mul3A_49, %add3A_50 : i32
      %mul3A_52 = arith.constant 400 : i32
      %mul3A_53 = arith.muli %add3A_51, %mul3A_52 : i32
      %add3A_54 = arith.addi %mul3A_2, %mul3A_53 : i32
      %dma_wait3A_55 = tpu.memref_slice %arg2[%add3A_54] : memref<819200xi32, #tpu.memory_space<hbm>> -> memref<400xi32, #tpu.memory_space<hbm>>
      %dma_wait3A_56 = tpu.memref_slice %arg2[%add3A_54] : memref<819200xi32, #tpu.memory_space<hbm>> -> memref<400xi32, #tpu.memory_space<hbm>>
      tpu.wait_dma2 semaphore(%arg10 : memref<!tpu.dma_semaphore, #tpu.memory_space<semaphore_mem>>) src(%dma_wait3A_56 : memref<400xi32, #tpu.memory_space<hbm>>) dst(%arg6 : memref<400xi32, #tpu.memory_space<vmem>>)
      %add3A_57 = arith.constant 1 : i32
      %add3A_58 = arith.addi %add3A_51, %add3A_57 : i32
      %min3A_59 = arith.constant 63 : i32
      %min3A_60 = arith.minsi %add3A_58, %min3A_59 : i32
      %mul3A_61 = arith.constant 400 : i32
      %mul3A_62 = arith.muli %min3A_60, %mul3A_61 : i32
      %add3A_63 = arith.addi %mul3A_2, %mul3A_62 : i32
      %dma_start3A_64 = tpu.memref_slice %arg2[%add3A_63] : memref<819200xi32, #tpu.memory_space<hbm>> -> memref<400xi32, #tpu.memory_space<hbm>>
      %dma_start3A_65 = tpu.memref_slice %arg2[%add3A_63] : memref<819200xi32, #tpu.memory_space<hbm>> -> memref<400xi32, #tpu.memory_space<hbm>>
      tpu.enqueue_dma source(%dma_start3A_65 : memref<400xi32, #tpu.memory_space<hbm>>) target(%arg5 : memref<400xi32, #tpu.memory_space<vmem>>) target_semaphore(%arg10 : memref<!tpu.dma_semaphore, #tpu.memory_space<semaphore_mem>>)
      %gt3A_66 = arith.constant 0 : i32
      %gt3A_67 = arith.cmpi sgt, %scan3A_22, %gt3A_66 : i32
      %convert_element_type3A_68 = arith.extui %gt3A_67 : i1 to i32
      %cond3A_69 = arith.constant 0 : i32
      %cond3A_70 = arith.cmpi ne, %convert_element_type3A_68, %cond3A_69 : i32
      scf.if %cond3A_70 {
        %dma_wait3A_78 = arith.constant 0 : i32
        %dma_wait3A_79 = arith.constant 0 : i32
        %dma_wait3A_80 = tpu.memref_slice %arg4[%dma_wait3A_78, %dma_wait3A_79] : memref<819200x64xf32, #tpu.memory_space<hbm>> -> memref<400x64xf32, #tpu.memory_space<hbm>>
        %dma_wait3A_81 = arith.constant 0 : i32
        %dma_wait3A_82 = arith.constant 0 : i32
        %dma_wait3A_83 = tpu.memref_slice %arg4[%dma_wait3A_81, %dma_wait3A_82] : memref<819200x64xf32, #tpu.memory_space<hbm>> -> memref<400x64xf32, #tpu.memory_space<hbm>>
        tpu.wait_dma2 semaphore(%arg13 : memref<!tpu.dma_semaphore, #tpu.memory_space<semaphore_mem>>) src(%arg8 : memref<400x64xf32, #tpu.memory_space<vmem>>) dst(%dma_wait3A_83 : memref<400x64xf32, #tpu.memory_space<hbm>>)
      } else {
      }
      %parallel_loop3A_71 = arith.constant 0 : i32
      %parallel_loop3A_72 = arith.constant 25 : i32
      %parallel_loop3A_73 = arith.constant 1 : i32
      scf.for %parallel_loop3A_78 = %parallel_loop3A_71 to %parallel_loop3A_72 step %parallel_loop3A_73  : i32 {
        %parallel_loop3A_79 = arith.constant 16 : i32
        %parallel_loop3A_80 = arith.muli %parallel_loop3A_78, %parallel_loop3A_79 : i32
        %parallel_loop3A_81 = arith.index_cast %parallel_loop3A_80 : i32 to index
        %parallel_loop3A_82 = tpu.vector_load %arg6[%parallel_loop3A_81] {strides = array<i32>} : memref<400xi32, #tpu.memory_space<vmem>>, vector<16xi32>,
        %parallel_loop3A_83 = arith.constant 128 : i32
        %parallel_loop3A_84 = vector.broadcast %parallel_loop3A_83 : i32 to vector<16xi32>
        %parallel_loop3A_85 = arith.muli %parallel_loop3A_82, %parallel_loop3A_84 : vector<16xi32>
        %parallel_loop3A_86 = arith.constant 0 : i32
        %parallel_loop3A_87 = vector.broadcast %parallel_loop3A_86 : i32 to vector<16x1xi32>
        %parallel_loop3A_88 = vector.shape_cast %parallel_loop3A_87 : vector<16x1xi32> to vector<16xi32>
        %parallel_loop3A_89 = tpu.dynamic_gather %parallel_loop3A_85[%parallel_loop3A_88] in [0] : vector<16xi32>, vector<16xi32> -> vector<16xi32>
        %parallel_loop3A_90 = arith.constant 16 : i32
        %parallel_loop3A_91 = arith.muli %parallel_loop3A_78, %parallel_loop3A_90 : i32
        %parallel_loop3A_92 = arith.constant 0 : i32
        %parallel_loop3A_93 = arith.addi %parallel_loop3A_91, %parallel_loop3A_92 : i32
        %parallel_loop3A_94 = arith.constant 0 : i32
        %parallel_loop3A_95 = vector.broadcast %parallel_loop3A_94 : i32 to vector<16xi32>
        %parallel_loop3A_96 = arith.addi %iota3A, %parallel_loop3A_95 : vector<16xi32>
        %parallel_loop3A_97 = arith.addi %parallel_loop3A_89, %parallel_loop3A_96 : vector<16xi32>
        %parallel_loop3A_98 = tpu.vector_load_idx %arg9[%parallel_loop3A_97] : memref<16384xf32, #tpu.memory_space<vmem>>[vector<16xi32>], vector<16xf32>,
        %parallel_loop3A_99 = arith.index_cast %parallel_loop3A_93 : i32 to index
        %parallel_loop3A_100 = arith.constant 0 : index
        %parallel_loop3A_101 = tpu.vector_load %arg8[%parallel_loop3A_99, %parallel_loop3A_100] {strides = array<i32>} : memref<400x64xf32, #tpu.memory_space<vmem>>, vector<16xf32>,
        tpu.vector_store %arg8[%parallel_loop3A_99, %parallel_loop3A_100], %parallel_loop3A_98 {strides = array<i32>} : memref<400x64xf32, #tpu.memory_space<vmem>>, vector<16xf32>,
        %parallel_loop3A_102 = arith.constant 16 : i32
        %parallel_loop3A_103 = vector.broadcast %parallel_loop3A_102 : i32 to vector<16xi32>
        %parallel_loop3A_104 = arith.addi %iota3A, %parallel_loop3A_103 : vector<16xi32>
        %parallel_loop3A_105 = arith.addi %parallel_loop3A_89, %parallel_loop3A_104 : vector<16xi32>
        %parallel_loop3A_106 = tpu.vector_load_idx %arg9[%parallel_loop3A_105] : memref<16384xf32, #tpu.memory_space<vmem>>[vector<16xi32>], vector<16xf32>,
        %parallel_loop3A_107 = arith.index_cast %parallel_loop3A_93 : i32 to index
        %parallel_loop3A_108 = arith.constant 16 : index
        %parallel_loop3A_109 = tpu.vector_load %arg8[%parallel_loop3A_107, %parallel_loop3A_108] {strides = array<i32>} : memref<400x64xf32, #tpu.memory_space<vmem>>, vector<16xf32>,
        tpu.vector_store %arg8[%parallel_loop3A_107, %parallel_loop3A_108], %parallel_loop3A_106 {strides = array<i32>} : memref<400x64xf32, #tpu.memory_space<vmem>>, vector<16xf32>,
        %parallel_loop3A_110 = arith.constant 32 : i32
        %parallel_loop3A_111 = vector.broadcast %parallel_loop3A_110 : i32 to vector<16xi32>
        %parallel_loop3A_112 = arith.addi %iota3A, %parallel_loop3A_111 : vector<16xi32>
        %parallel_loop3A_113 = arith.addi %parallel_loop3A_89, %parallel_loop3A_112 : vector<16xi32>
        %parallel_loop3A_114 = tpu.vector_load_idx %arg9[%parallel_loop3A_113] : memref<16384xf32, #tpu.memory_space<vmem>>[vector<16xi32>], vector<16xf32>,
        %parallel_loop3A_115 = arith.index_cast %parallel_loop3A_93 : i32 to index
        %parallel_loop3A_116 = arith.constant 32 : index
        %parallel_loop3A_117 = tpu.vector_load %arg8[%parallel_loop3A_115, %parallel_loop3A_116] {strides = array<i32>} : memref<400x64xf32, #tpu.memory_space<vmem>>, vector<16xf32>,
        tpu.vector_store %arg8[%parallel_loop3A_115, %parallel_loop3A_116], %parallel_loop3A_114 {strides = array<i32>} : memref<400x64xf32, #tpu.memory_space<vmem>>, vector<16xf32>,
        %parallel_loop3A_118 = arith.constant 48 : i32
        %parallel_loop3A_119 = vector.broadcast %parallel_loop3A_118 : i32 to vector<16xi32>
        %parallel_loop3A_120 = arith.addi %iota3A, %parallel_loop3A_119 : vector<16xi32>
        %parallel_loop3A_121 = arith.addi %parallel_loop3A_89, %parallel_loop3A_120 : vector<16xi32>
        %parallel_loop3A_122 = tpu.vector_load_idx %arg9[%parallel_loop3A_121] : memref<16384xf32, #tpu.memory_space<vmem>>[vector<16xi32>], vector<16xf32>,
        %parallel_loop3A_123 = arith.index_cast %parallel_loop3A_93 : i32 to index
        %parallel_loop3A_124 = arith.constant 48 : index
        %parallel_loop3A_125 = tpu.vector_load %arg8[%parallel_loop3A_123, %parallel_loop3A_124] {strides = array<i32>} : memref<400x64xf32, #tpu.memory_space<vmem>>, vector<16xf32>,
        tpu.vector_store %arg8[%parallel_loop3A_123, %parallel_loop3A_124], %parallel_loop3A_122 {strides = array<i32>} : memref<400x64xf32, #tpu.memory_space<vmem>>, vector<16xf32>,
        %parallel_loop3A_126 = arith.constant 1 : i32
        %parallel_loop3A_127 = vector.broadcast %parallel_loop3A_126 : i32 to vector<16x1xi32>
        %parallel_loop3A_128 = vector.shape_cast %parallel_loop3A_127 : vector<16x1xi32> to vector<16xi32>
        %parallel_loop3A_129 = tpu.dynamic_gather %parallel_loop3A_85[%parallel_loop3A_128] in [0] : vector<16xi32>, vector<16xi32> -> vector<16xi32>
        %parallel_loop3A_130 = arith.constant 16 : i32
        %parallel_loop3A_131 = arith.muli %parallel_loop3A_78, %parallel_loop3A_130 : i32
        %parallel_loop3A_132 = arith.constant 1 : i32
        %parallel_loop3A_133 = arith.addi %parallel_loop3A_131, %parallel_loop3A_132 : i32
        %parallel_loop3A_134 = arith.constant 0 : i32
        %parallel_loop3A_135 = vector.broadcast %parallel_loop3A_134 : i32 to vector<16xi32>
        %parallel_loop3A_136 = arith.addi %iota3A, %parallel_loop3A_135 : vector<16xi32>
        %parallel_loop3A_137 = arith.addi %parallel_loop3A_129, %parallel_loop3A_136 : vector<16xi32>
        %parallel_loop3A_138 = tpu.vector_load_idx %arg9[%parallel_loop3A_137] : memref<16384xf32, #tpu.memory_space<vmem>>[vector<16xi32>], vector<16xf32>,
        %parallel_loop3A_139 = arith.index_cast %parallel_loop3A_133 : i32 to index
        %parallel_loop3A_140 = arith.constant 0 : index
        %parallel_loop3A_141 = tpu.vector_load %arg8[%parallel_loop3A_139, %parallel_loop3A_140] {strides = array<i32>} : memref<400x64xf32, #tpu.memory_space<vmem>>, vector<16xf32>,
        tpu.vector_store %arg8[%parallel_loop3A_139, %parallel_loop3A_140], %parallel_loop3A_138 {strides = array<i32>} : memref<400x64xf32, #tpu.memory_space<vmem>>, vector<16xf32>,
        %parallel_loop3A_142 = arith.constant 16 : i32
        %parallel_loop3A_143 = vector.broadcast %parallel_loop3A_142 : i32 to vector<16xi32>
        %parallel_loop3A_144 = arith.addi %iota3A, %parallel_loop3A_143 : vector<16xi32>
        %parallel_loop3A_145 = arith.addi %parallel_loop3A_129, %parallel_loop3A_144 : vector<16xi32>
        %parallel_loop3A_146 = tpu.vector_load_idx %arg9[%parallel_loop3A_145] : memref<16384xf32, #tpu.memory_space<vmem>>[vector<16xi32>], vector<16xf32>,
        %parallel_loop3A_147 = arith.index_cast %parallel_loop3A_133 : i32 to index
        %parallel_loop3A_148 = arith.constant 16 : index
        %parallel_loop3A_149 = tpu.vector_load %arg8[%parallel_loop3A_147, %parallel_loop3A_148] {strides = array<i32>} : memref<400x64xf32, #tpu.memory_space<vmem>>, vector<16xf32>,
        tpu.vector_store %arg8[%parallel_loop3A_147, %parallel_loop3A_148], %parallel_loop3A_146 {strides = array<i32>} : memref<400x64xf32, #tpu.memory_space<vmem>>, vector<16xf32>,
        %parallel_loop3A_150 = arith.constant 32 : i32
        %parallel_loop3A_151 = vector.broadcast %parallel_loop3A_150 : i32 to vector<16xi32>
        %parallel_loop3A_152 = arith.addi %iota3A, %parallel_loop3A_151 : vector<16xi32>
        %parallel_loop3A_153 = arith.addi %parallel_loop3A_129, %parallel_loop3A_152 : vector<16xi32>
        %parallel_loop3A_154 = tpu.vector_load_idx %arg9[%parallel_loop3A_153] : memref<16384xf32, #tpu.memory_space<vmem>>[vector<16xi32>], vector<16xf32>,
        %parallel_loop3A_155 = arith.index_cast %parallel_loop3A_133 : i32 to index
        %parallel_loop3A_156 = arith.constant 32 : index
        %parallel_loop3A_157 = tpu.vector_load %arg8[%parallel_loop3A_155, %parallel_loop3A_156] {strides = array<i32>} : memref<400x64xf32, #tpu.memory_space<vmem>>, vector<16xf32>,
        tpu.vector_store %arg8[%parallel_loop3A_155, %parallel_loop3A_156], %parallel_loop3A_154 {strides = array<i32>} : memref<400x64xf32, #tpu.memory_space<vmem>>, vector<16xf32>,
        %parallel_loop3A_158 = arith.constant 48 : i32
        %parallel_loop3A_159 = vector.broadcast %parallel_loop3A_158 : i32 to vector<16xi32>
        %parallel_loop3A_160 = arith.addi %iota3A, %parallel_loop3A_159 : vector<16xi32>
        %parallel_loop3A_161 = arith.addi %parallel_loop3A_129, %parallel_loop3A_160 : vector<16xi32>
        %parallel_loop3A_162 = tpu.vector_load_idx %arg9[%parallel_loop3A_161] : memref<16384xf32, #tpu.memory_space<vmem>>[vector<16xi32>], vector<16xf32>,
        %parallel_loop3A_163 = arith.index_cast %parallel_loop3A_133 : i32 to index
        %parallel_loop3A_164 = arith.constant 48 : index
        %parallel_loop3A_165 = tpu.vector_load %arg8[%parallel_loop3A_163, %parallel_loop3A_164] {strides = array<i32>} : memref<400x64xf32, #tpu.memory_space<vmem>>, vector<16xf32>,
        tpu.vector_store %arg8[%parallel_loop3A_163, %parallel_loop3A_164], %parallel_loop3A_162 {strides = array<i32>} : memref<400x64xf32, #tpu.memory_space<vmem>>, vector<16xf32>,
        %parallel_loop3A_166 = arith.constant 2 : i32
        %parallel_loop3A_167 = vector.broadcast %parallel_loop3A_166 : i32 to vector<16x1xi32>
        %parallel_loop3A_168 = vector.shape_cast %parallel_loop3A_167 : vector<16x1xi32> to vector<16xi32>
        %parallel_loop3A_169 = tpu.dynamic_gather %parallel_loop3A_85[%parallel_loop3A_168] in [0] : vector<16xi32>, vector<16xi32> -> vector<16xi32>
        %parallel_loop3A_170 = arith.constant 16 : i32
        %parallel_loop3A_171 = arith.muli %parallel_loop3A_78, %parallel_loop3A_170 : i32
        %parallel_loop3A_172 = arith.constant 2 : i32
        %parallel_loop3A_173 = arith.addi %parallel_loop3A_171, %parallel_loop3A_172 : i32
        %parallel_loop3A_174 = arith.constant 0 : i32
        %parallel_loop3A_175 = vector.broadcast %parallel_loop3A_174 : i32 to vector<16xi32>
        %parallel_loop3A_176 = arith.addi %iota3A, %parallel_loop3A_175 : vector<16xi32>
        %parallel_loop3A_177 = arith.addi %parallel_loop3A_169, %parallel_loop3A_176 : vector<16xi32>
        %parallel_loop3A_178 = tpu.vector_load_idx %arg9[%parallel_loop3A_177] : memref<16384xf32, #tpu.memory_space<vmem>>[vector<16xi32>], vector<16xf32>,
        %parallel_loop3A_179 = arith.index_cast %parallel_loop3A_173 : i32 to index
        %parallel_loop3A_180 = arith.constant 0 : index
        %parallel_loop3A_181 = tpu.vector_load %arg8[%parallel_loop3A_179, %parallel_loop3A_180] {strides = array<i32>} : memref<400x64xf32, #tpu.memory_space<vmem>>, vector<16xf32>,
        tpu.vector_store %arg8[%parallel_loop3A_179, %parallel_loop3A_180], %parallel_loop3A_178 {strides = array<i32>} : memref<400x64xf32, #tpu.memory_space<vmem>>, vector<16xf32>,
        %parallel_loop3A_182 = arith.constant 16 : i32
        %parallel_loop3A_183 = vector.broadcast %parallel_loop3A_182 : i32 to vector<16xi32>
        %parallel_loop3A_184 = arith.addi %iota3A, %parallel_loop3A_183 : vector<16xi32>
        %parallel_loop3A_185 = arith.addi %parallel_loop3A_169, %parallel_loop3A_184 : vector<16xi32>
        %parallel_loop3A_186 = tpu.vector_load_idx %arg9[%parallel_loop3A_185] : memref<16384xf32, #tpu.memory_space<vmem>>[vector<16xi32>], vector<16xf32>,
        %parallel_loop3A_187 = arith.index_cast %parallel_loop3A_173 : i32 to index
        %parallel_loop3A_188 = arith.constant 16 : index
        %parallel_loop3A_189 = tpu.vector_load %arg8[%parallel_loop3A_187, %parallel_loop3A_188] {strides = array<i32>} : memref<400x64xf32, #tpu.memory_space<vmem>>, vector<16xf32>,
        tpu.vector_store %arg8[%parallel_loop3A_187, %parallel_loop3A_188], %parallel_loop3A_186 {strides = array<i32>} : memref<400x64xf32, #tpu.memory_space<vmem>>, vector<16xf32>,
        %parallel_loop3A_190 = arith.constant 32 : i32
        %parallel_loop3A_191 = vector.broadcast %parallel_loop3A_190 : i32 to vector<16xi32>
        %parallel_loop3A_192 = arith.addi %iota3A, %parallel_loop3A_191 : vector<16xi32>
        %parallel_loop3A_193 = arith.addi %parallel_loop3A_169, %parallel_loop3A_192 : vector<16xi32>
        %parallel_loop3A_194 = tpu.vector_load_idx %arg9[%parallel_loop3A_193] : memref<16384xf32, #tpu.memory_space<vmem>>[vector<16xi32>], vector<16xf32>,
        %parallel_loop3A_195 = arith.index_cast %parallel_loop3A_173 : i32 to index
        %parallel_loop3A_196 = arith.constant 32 : index
        %parallel_loop3A_197 = tpu.vector_load %arg8[%parallel_loop3A_195, %parallel_loop3A_196] {strides = array<i32>} : memref<400x64xf32, #tpu.memory_space<vmem>>, vector<16xf32>,
        tpu.vector_store %arg8[%parallel_loop3A_195, %parallel_loop3A_196], %parallel_loop3A_194 {strides = array<i32>} : memref<400x64xf32, #tpu.memory_space<vmem>>, vector<16xf32>,
        %parallel_loop3A_198 = arith.constant 48 : i32
        %parallel_loop3A_199 = vector.broadcast %parallel_loop3A_198 : i32 to vector<16xi32>
        %parallel_loop3A_200 = arith.addi %iota3A, %parallel_loop3A_199 : vector<16xi32>
        %parallel_loop3A_201 = arith.addi %parallel_loop3A_169, %parallel_loop3A_200 : vector<16xi32>
        %parallel_loop3A_202 = tpu.vector_load_idx %arg9[%parallel_loop3A_201] : memref<16384xf32, #tpu.memory_space<vmem>>[vector<16xi32>], vector<16xf32>,
        %parallel_loop3A_203 = arith.index_cast %parallel_loop3A_173 : i32 to index
        %parallel_loop3A_204 = arith.constant 48 : index
        %parallel_loop3A_205 = tpu.vector_load %arg8[%parallel_loop3A_203, %parallel_loop3A_204] {strides = array<i32>} : memref<400x64xf32, #tpu.memory_space<vmem>>, vector<16xf32>,
        tpu.vector_store %arg8[%parallel_loop3A_203, %parallel_loop3A_204], %parallel_loop3A_202 {strides = array<i32>} : memref<400x64xf32, #tpu.memory_space<vmem>>, vector<16xf32>,
        %parallel_loop3A_206 = arith.constant 3 : i32
        %parallel_loop3A_207 = vector.broadcast %parallel_loop3A_206 : i32 to vector<16x1xi32>
        %parallel_loop3A_208 = vector.shape_cast %parallel_loop3A_207 : vector<16x1xi32> to vector<16xi32>
        %parallel_loop3A_209 = tpu.dynamic_gather %parallel_loop3A_85[%parallel_loop3A_208] in [0] : vector<16xi32>, vector<16xi32> -> vector<16xi32>
        %parallel_loop3A_210 = arith.constant 16 : i32
        %parallel_loop3A_211 = arith.muli %parallel_loop3A_78, %parallel_loop3A_210 : i32
        %parallel_loop3A_212 = arith.constant 3 : i32
        %parallel_loop3A_213 = arith.addi %parallel_loop3A_211, %parallel_loop3A_212 : i32
        %parallel_loop3A_214 = arith.constant 0 : i32
        %parallel_loop3A_215 = vector.broadcast %parallel_loop3A_214 : i32 to vector<16xi32>
        %parallel_loop3A_216 = arith.addi %iota3A, %parallel_loop3A_215 : vector<16xi32>
        %parallel_loop3A_217 = arith.addi %parallel_loop3A_209, %parallel_loop3A_216 : vector<16xi32>
        %parallel_loop3A_218 = tpu.vector_load_idx %arg9[%parallel_loop3A_217] : memref<16384xf32, #tpu.memory_space<vmem>>[vector<16xi32>], vector<16xf32>,
        %parallel_loop3A_219 = arith.index_cast %parallel_loop3A_213 : i32 to index
        %parallel_loop3A_220 = arith.constant 0 : index
        %parallel_loop3A_221 = tpu.vector_load %arg8[%parallel_loop3A_219, %parallel_loop3A_220] {strides = array<i32>} : memref<400x64xf32, #tpu.memory_space<vmem>>, vector<16xf32>,
        tpu.vector_store %arg8[%parallel_loop3A_219, %parallel_loop3A_220], %parallel_loop3A_218 {strides = array<i32>} : memref<400x64xf32, #tpu.memory_space<vmem>>, vector<16xf32>,
        %parallel_loop3A_222 = arith.constant 16 : i32
        %parallel_loop3A_223 = vector.broadcast %parallel_loop3A_222 : i32 to vector<16xi32>
        %parallel_loop3A_224 = arith.addi %iota3A, %parallel_loop3A_223 : vector<16xi32>
        %parallel_loop3A_225 = arith.addi %parallel_loop3A_209, %parallel_loop3A_224 : vector<16xi32>
        %parallel_loop3A_226 = tpu.vector_load_idx %arg9[%parallel_loop3A_225] : memref<16384xf32, #tpu.memory_space<vmem>>[vector<16xi32>], vector<16xf32>,
        %parallel_loop3A_227 = arith.index_cast %parallel_loop3A_213 : i32 to index
        %parallel_loop3A_228 = arith.constant 16 : index
        %parallel_loop3A_229 = tpu.vector_load %arg8[%parallel_loop3A_227, %parallel_loop3A_228] {strides = array<i32>} : memref<400x64xf32, #tpu.memory_space<vmem>>, vector<16xf32>,
        tpu.vector_store %arg8[%parallel_loop3A_227, %parallel_loop3A_228], %parallel_loop3A_226 {strides = array<i32>} : memref<400x64xf32, #tpu.memory_space<vmem>>, vector<16xf32>,
        %parallel_loop3A_230 = arith.constant 32 : i32
        %parallel_loop3A_231 = vector.broadcast %parallel_loop3A_230 : i32 to vector<16xi32>
        %parallel_loop3A_232 = arith.addi %iota3A, %parallel_loop3A_231 : vector<16xi32>
        %parallel_loop3A_233 = arith.addi %parallel_loop3A_209, %parallel_loop3A_232 : vector<16xi32>
        %parallel_loop3A_234 = tpu.vector_load_idx %arg9[%parallel_loop3A_233] : memref<16384xf32, #tpu.memory_space<vmem>>[vector<16xi32>], vector<16xf32>,
        %parallel_loop3A_235 = arith.index_cast %parallel_loop3A_213 : i32 to index
        %parallel_loop3A_236 = arith.constant 32 : index
        %parallel_loop3A_237 = tpu.vector_load %arg8[%parallel_loop3A_235, %parallel_loop3A_236] {strides = array<i32>} : memref<400x64xf32, #tpu.memory_space<vmem>>, vector<16xf32>,
        tpu.vector_store %arg8[%parallel_loop3A_235, %parallel_loop3A_236], %parallel_loop3A_234 {strides = array<i32>} : memref<400x64xf32, #tpu.memory_space<vmem>>, vector<16xf32>,
        %parallel_loop3A_238 = arith.constant 48 : i32
        %parallel_loop3A_239 = vector.broadcast %parallel_loop3A_238 : i32 to vector<16xi32>
        %parallel_loop3A_240 = arith.addi %iota3A, %parallel_loop3A_239 : vector<16xi32>
        %parallel_loop3A_241 = arith.addi %parallel_loop3A_209, %parallel_loop3A_240 : vector<16xi32>
        %parallel_loop3A_242 = tpu.vector_load_idx %arg9[%parallel_loop3A_241] : memref<16384xf32, #tpu.memory_space<vmem>>[vector<16xi32>], vector<16xf32>,
        %parallel_loop3A_243 = arith.index_cast %parallel_loop3A_213 : i32 to index
        %parallel_loop3A_244 = arith.constant 48 : index
        %parallel_loop3A_245 = tpu.vector_load %arg8[%parallel_loop3A_243, %parallel_loop3A_244] {strides = array<i32>} : memref<400x64xf32, #tpu.memory_space<vmem>>, vector<16xf32>,
        tpu.vector_store %arg8[%parallel_loop3A_243, %parallel_loop3A_244], %parallel_loop3A_242 {strides = array<i32>} : memref<400x64xf32, #tpu.memory_space<vmem>>, vector<16xf32>,
        %parallel_loop3A_246 = arith.constant 4 : i32
        %parallel_loop3A_247 = vector.broadcast %parallel_loop3A_246 : i32 to vector<16x1xi32>
        %parallel_loop3A_248 = vector.shape_cast %parallel_loop3A_247 : vector<16x1xi32> to vector<16xi32>
        %parallel_loop3A_249 = tpu.dynamic_gather %parallel_loop3A_85[%parallel_loop3A_248] in [0] : vector<16xi32>, vector<16xi32> -> vector<16xi32>
        %parallel_loop3A_250 = arith.constant 16 : i32
        %parallel_loop3A_251 = arith.muli %parallel_loop3A_78, %parallel_loop3A_250 : i32
        %parallel_loop3A_252 = arith.constant 4 : i32
        %parallel_loop3A_253 = arith.addi %parallel_loop3A_251, %parallel_loop3A_252 : i32
        %parallel_loop3A_254 = arith.constant 0 : i32
        %parallel_loop3A_255 = vector.broadcast %parallel_loop3A_254 : i32 to vector<16xi32>
        %parallel_loop3A_256 = arith.addi %iota3A, %parallel_loop3A_255 : vector<16xi32>
        %parallel_loop3A_257 = arith.addi %parallel_loop3A_249, %parallel_loop3A_256 : vector<16xi32>
        %parallel_loop3A_258 = tpu.vector_load_idx %arg9[%parallel_loop3A_257] : memref<16384xf32, #tpu.memory_space<vmem>>[vector<16xi32>], vector<16xf32>,
        %parallel_loop3A_259 = arith.index_cast %parallel_loop3A_253 : i32 to index
        %parallel_loop3A_260 = arith.constant 0 : index
        %parallel_loop3A_261 = tpu.vector_load %arg8[%parallel_loop3A_259, %parallel_loop3A_260] {strides = array<i32>} : memref<400x64xf32, #tpu.memory_space<vmem>>, vector<16xf32>,
        tpu.vector_store %arg8[%parallel_loop3A_259, %parallel_loop3A_260], %parallel_loop3A_258 {strides = array<i32>} : memref<400x64xf32, #tpu.memory_space<vmem>>, vector<16xf32>,
        %parallel_loop3A_262 = arith.constant 16 : i32
        %parallel_loop3A_263 = vector.broadcast %parallel_loop3A_262 : i32 to vector<16xi32>
        %parallel_loop3A_264 = arith.addi %iota3A, %parallel_loop3A_263 : vector<16xi32>
        %parallel_loop3A_265 = arith.addi %parallel_loop3A_249, %parallel_loop3A_264 : vector<16xi32>
        %parallel_loop3A_266 = tpu.vector_load_idx %arg9[%parallel_loop3A_265] : memref<16384xf32, #tpu.memory_space<vmem>>[vector<16xi32>], vector<16xf32>,
        %parallel_loop3A_267 = arith.index_cast %parallel_loop3A_253 : i32 to index
        %parallel_loop3A_268 = arith.constant 16 : index
        %parallel_loop3A_269 = tpu.vector_load %arg8[%parallel_loop3A_267, %parallel_loop3A_268] {strides = array<i32>} : memref<400x64xf32, #tpu.memory_space<vmem>>, vector<16xf32>,
        tpu.vector_store %arg8[%parallel_loop3A_267, %parallel_loop3A_268], %parallel_loop3A_266 {strides = array<i32>} : memref<400x64xf32, #tpu.memory_space<vmem>>, vector<16xf32>,
        %parallel_loop3A_270 = arith.constant 32 : i32
        %parallel_loop3A_271 = vector.broadcast %parallel_loop3A_270 : i32 to vector<16xi32>
        %parallel_loop3A_272 = arith.addi %iota3A, %parallel_loop3A_271 : vector<16xi32>
        %parallel_loop3A_273 = arith.addi %parallel_loop3A_249, %parallel_loop3A_272 : vector<16xi32>
        %parallel_loop3A_274 = tpu.vector_load_idx %arg9[%parallel_loop3A_273] : memref<16384xf32, #tpu.memory_space<vmem>>[vector<16xi32>], vector<16xf32>,
        %parallel_loop3A_275 = arith.index_cast %parallel_loop3A_253 : i32 to index
        %parallel_loop3A_276 = arith.constant 32 : index
        %parallel_loop3A_277 = tpu.vector_load %arg8[%parallel_loop3A_275, %parallel_loop3A_276] {strides = array<i32>} : memref<400x64xf32, #tpu.memory_space<vmem>>, vector<16xf32>,
        tpu.vector_store %arg8[%parallel_loop3A_275, %parallel_loop3A_276], %parallel_loop3A_274 {strides = array<i32>} : memref<400x64xf32, #tpu.memory_space<vmem>>, vector<16xf32>,
        %parallel_loop3A_278 = arith.constant 48 : i32
        %parallel_loop3A_279 = vector.broadcast %parallel_loop3A_278 : i32 to vector<16xi32>
        %parallel_loop3A_280 = arith.addi %iota3A, %parallel_loop3A_279 : vector<16xi32>
        %parallel_loop3A_281 = arith.addi %parallel_loop3A_249, %parallel_loop3A_280 : vector<16xi32>
        %parallel_loop3A_282 = tpu.vector_load_idx %arg9[%parallel_loop3A_281] : memref<16384xf32, #tpu.memory_space<vmem>>[vector<16xi32>], vector<16xf32>,
        %parallel_loop3A_283 = arith.index_cast %parallel_loop3A_253 : i32 to index
        %parallel_loop3A_284 = arith.constant 48 : index
        %parallel_loop3A_285 = tpu.vector_load %arg8[%parallel_loop3A_283, %parallel_loop3A_284] {strides = array<i32>} : memref<400x64xf32, #tpu.memory_space<vmem>>, vector<16xf32>,
        tpu.vector_store %arg8[%parallel_loop3A_283, %parallel_loop3A_284], %parallel_loop3A_282 {strides = array<i32>} : memref<400x64xf32, #tpu.memory_space<vmem>>, vector<16xf32>,
        %parallel_loop3A_286 = arith.constant 5 : i32
        %parallel_loop3A_287 = vector.broadcast %parallel_loop3A_286 : i32 to vector<16x1xi32>
        %parallel_loop3A_288 = vector.shape_cast %parallel_loop3A_287 : vector<16x1xi32> to vector<16xi32>
        %parallel_loop3A_289 = tpu.dynamic_gather %parallel_loop3A_85[%parallel_loop3A_288] in [0] : vector<16xi32>, vector<16xi32> -> vector<16xi32>
        %parallel_loop3A_290 = arith.constant 16 : i32
        %parallel_loop3A_291 = arith.muli %parallel_loop3A_78, %parallel_loop3A_290 : i32
        %parallel_loop3A_292 = arith.constant 5 : i32
        %parallel_loop3A_293 = arith.addi %parallel_loop3A_291, %parallel_loop3A_292 : i32
        %parallel_loop3A_294 = arith.constant 0 : i32
        %parallel_loop3A_295 = vector.broadcast %parallel_loop3A_294 : i32 to vector<16xi32>
        %parallel_loop3A_296 = arith.addi %iota3A, %parallel_loop3A_295 : vector<16xi32>
        %parallel_loop3A_297 = arith.addi %parallel_loop3A_289, %parallel_loop3A_296 : vector<16xi32>
        %parallel_loop3A_298 = tpu.vector_load_idx %arg9[%parallel_loop3A_297] : memref<16384xf32, #tpu.memory_space<vmem>>[vector<16xi32>], vector<16xf32>,
        %parallel_loop3A_299 = arith.index_cast %parallel_loop3A_293 : i32 to index
        %parallel_loop3A_300 = arith.constant 0 : index
        %parallel_loop3A_301 = tpu.vector_load %arg8[%parallel_loop3A_299, %parallel_loop3A_300] {strides = array<i32>} : memref<400x64xf32, #tpu.memory_space<vmem>>, vector<16xf32>,
        tpu.vector_store %arg8[%parallel_loop3A_299, %parallel_loop3A_300], %parallel_loop3A_298 {strides = array<i32>} : memref<400x64xf32, #tpu.memory_space<vmem>>, vector<16xf32>,
        %parallel_loop3A_302 = arith.constant 16 : i32
        %parallel_loop3A_303 = vector.broadcast %parallel_loop3A_302 : i32 to vector<16xi32>
        %parallel_loop3A_304 = arith.addi %iota3A, %parallel_loop3A_303 : vector<16xi32>
        %parallel_loop3A_305 = arith.addi %parallel_loop3A_289, %parallel_loop3A_304 : vector<16xi32>
        %parallel_loop3A_306 = tpu.vector_load_idx %arg9[%parallel_loop3A_305] : memref<16384xf32, #tpu.memory_space<vmem>>[vector<16xi32>], vector<16xf32>,
        %parallel_loop3A_307 = arith.index_cast %parallel_loop3A_293 : i32 to index
        %parallel_loop3A_308 = arith.constant 16 : index
        %parallel_loop3A_309 = tpu.vector_load %arg8[%parallel_loop3A_307, %parallel_loop3A_308] {strides = array<i32>} : memref<400x64xf32, #tpu.memory_space<vmem>>, vector<16xf32>,
        tpu.vector_store %arg8[%parallel_loop3A_307, %parallel_loop3A_308], %parallel_loop3A_306 {strides = array<i32>} : memref<400x64xf32, #tpu.memory_space<vmem>>, vector<16xf32>,
        %parallel_loop3A_310 = arith.constant 32 : i32
        %parallel_loop3A_311 = vector.broadcast %parallel_loop3A_310 : i32 to vector<16xi32>
        %parallel_loop3A_312 = arith.addi %iota3A, %parallel_loop3A_311 : vector<16xi32>
        %parallel_loop3A_313 = arith.addi %parallel_loop3A_289, %parallel_loop3A_312 : vector<16xi32>
        %parallel_loop3A_314 = tpu.vector_load_idx %arg9[%parallel_loop3A_313] : memref<16384xf32, #tpu.memory_space<vmem>>[vector<16xi32>], vector<16xf32>,
        %parallel_loop3A_315 = arith.index_cast %parallel_loop3A_293 : i32 to index
        %parallel_loop3A_316 = arith.constant 32 : index
        %parallel_loop3A_317 = tpu.vector_load %arg8[%parallel_loop3A_315, %parallel_loop3A_316] {strides = array<i32>} : memref<400x64xf32, #tpu.memory_space<vmem>>, vector<16xf32>,
        tpu.vector_store %arg8[%parallel_loop3A_315, %parallel_loop3A_316], %parallel_loop3A_314 {strides = array<i32>} : memref<400x64xf32, #tpu.memory_space<vmem>>, vector<16xf32>,
        %parallel_loop3A_318 = arith.constant 48 : i32
        %parallel_loop3A_319 = vector.broadcast %parallel_loop3A_318 : i32 to vector<16xi32>
        %parallel_loop3A_320 = arith.addi %iota3A, %parallel_loop3A_319 : vector<16xi32>
        %parallel_loop3A_321 = arith.addi %parallel_loop3A_289, %parallel_loop3A_320 : vector<16xi32>
        %parallel_loop3A_322 = tpu.vector_load_idx %arg9[%parallel_loop3A_321] : memref<16384xf32, #tpu.memory_space<vmem>>[vector<16xi32>], vector<16xf32>,
        %parallel_loop3A_323 = arith.index_cast %parallel_loop3A_293 : i32 to index
        %parallel_loop3A_324 = arith.constant 48 : index
        %parallel_loop3A_325 = tpu.vector_load %arg8[%parallel_loop3A_323, %parallel_loop3A_324] {strides = array<i32>} : memref<400x64xf32, #tpu.memory_space<vmem>>, vector<16xf32>,
        tpu.vector_store %arg8[%parallel_loop3A_323, %parallel_loop3A_324], %parallel_loop3A_322 {strides = array<i32>} : memref<400x64xf32, #tpu.memory_space<vmem>>, vector<16xf32>,
        %parallel_loop3A_326 = arith.constant 6 : i32
        %parallel_loop3A_327 = vector.broadcast %parallel_loop3A_326 : i32 to vector<16x1xi32>
        %parallel_loop3A_328 = vector.shape_cast %parallel_loop3A_327 : vector<16x1xi32> to vector<16xi32>
        %parallel_loop3A_329 = tpu.dynamic_gather %parallel_loop3A_85[%parallel_loop3A_328] in [0] : vector<16xi32>, vector<16xi32> -> vector<16xi32>
        %parallel_loop3A_330 = arith.constant 16 : i32
        %parallel_loop3A_331 = arith.muli %parallel_loop3A_78, %parallel_loop3A_330 : i32
        %parallel_loop3A_332 = arith.constant 6 : i32
        %parallel_loop3A_333 = arith.addi %parallel_loop3A_331, %parallel_loop3A_332 : i32
        %parallel_loop3A_334 = arith.constant 0 : i32
        %parallel_loop3A_335 = vector.broadcast %parallel_loop3A_334 : i32 to vector<16xi32>
        %parallel_loop3A_336 = arith.addi %iota3A, %parallel_loop3A_335 : vector<16xi32>
        %parallel_loop3A_337 = arith.addi %parallel_loop3A_329, %parallel_loop3A_336 : vector<16xi32>
        %parallel_loop3A_338 = tpu.vector_load_idx %arg9[%parallel_loop3A_337] : memref<16384xf32, #tpu.memory_space<vmem>>[vector<16xi32>], vector<16xf32>,
        %parallel_loop3A_339 = arith.index_cast %parallel_loop3A_333 : i32 to index
        %parallel_loop3A_340 = arith.constant 0 : index
        %parallel_loop3A_341 = tpu.vector_load %arg8[%parallel_loop3A_339, %parallel_loop3A_340] {strides = array<i32>} : memref<400x64xf32, #tpu.memory_space<vmem>>, vector<16xf32>,
        tpu.vector_store %arg8[%parallel_loop3A_339, %parallel_loop3A_340], %parallel_loop3A_338 {strides = array<i32>} : memref<400x64xf32, #tpu.memory_space<vmem>>, vector<16xf32>,
        %parallel_loop3A_342 = arith.constant 16 : i32
        %parallel_loop3A_343 = vector.broadcast %parallel_loop3A_342 : i32 to vector<16xi32>
        %parallel_loop3A_344 = arith.addi %iota3A, %parallel_loop3A_343 : vector<16xi32>
        %parallel_loop3A_345 = arith.addi %parallel_loop3A_329, %parallel_loop3A_344 : vector<16xi32>
        %parallel_loop3A_346 = tpu.vector_load_idx %arg9[%parallel_loop3A_345] : memref<16384xf32, #tpu.memory_space<vmem>>[vector<16xi32>], vector<16xf32>,
        %parallel_loop3A_347 = arith.index_cast %parallel_loop3A_333 : i32 to index
        %parallel_loop3A_348 = arith.constant 16 : index
        %parallel_loop3A_349 = tpu.vector_load %arg8[%parallel_loop3A_347, %parallel_loop3A_348] {strides = array<i32>} : memref<400x64xf32, #tpu.memory_space<vmem>>, vector<16xf32>,
        tpu.vector_store %arg8[%parallel_loop3A_347, %parallel_loop3A_348], %parallel_loop3A_346 {strides = array<i32>} : memref<400x64xf32, #tpu.memory_space<vmem>>, vector<16xf32>,
        %parallel_loop3A_350 = arith.constant 32 : i32
        %parallel_loop3A_351 = vector.broadcast %parallel_loop3A_350 : i32 to vector<16xi32>
        %parallel_loop3A_352 = arith.addi %iota3A, %parallel_loop3A_351 : vector<16xi32>
        %parallel_loop3A_353 = arith.addi %parallel_loop3A_329, %parallel_loop3A_352 : vector<16xi32>
        %parallel_loop3A_354 = tpu.vector_load_idx %arg9[%parallel_loop3A_353] : memref<16384xf32, #tpu.memory_space<vmem>>[vector<16xi32>], vector<16xf32>,
        %parallel_loop3A_355 = arith.index_cast %parallel_loop3A_333 : i32 to index
        %parallel_loop3A_356 = arith.constant 32 : index
        %parallel_loop3A_357 = tpu.vector_load %arg8[%parallel_loop3A_355, %parallel_loop3A_356] {strides = array<i32>} : memref<400x64xf32, #tpu.memory_space<vmem>>, vector<16xf32>,
        tpu.vector_store %arg8[%parallel_loop3A_355, %parallel_loop3A_356], %parallel_loop3A_354 {strides = array<i32>} : memref<400x64xf32, #tpu.memory_space<vmem>>, vector<16xf32>,
        %parallel_loop3A_358 = arith.constant 48 : i32
        %parallel_loop3A_359 = vector.broadcast %parallel_loop3A_358 : i32 to vector<16xi32>
        %parallel_loop3A_360 = arith.addi %iota3A, %parallel_loop3A_359 : vector<16xi32>
        %parallel_loop3A_361 = arith.addi %parallel_loop3A_329, %parallel_loop3A_360 : vector<16xi32>
        %parallel_loop3A_362 = tpu.vector_load_idx %arg9[%parallel_loop3A_361] : memref<16384xf32, #tpu.memory_space<vmem>>[vector<16xi32>], vector<16xf32>,
        %parallel_loop3A_363 = arith.index_cast %parallel_loop3A_333 : i32 to index
        %parallel_loop3A_364 = arith.constant 48 : index
        %parallel_loop3A_365 = tpu.vector_load %arg8[%parallel_loop3A_363, %parallel_loop3A_364] {strides = array<i32>} : memref<400x64xf32, #tpu.memory_space<vmem>>, vector<16xf32>,
        tpu.vector_store %arg8[%parallel_loop3A_363, %parallel_loop3A_364], %parallel_loop3A_362 {strides = array<i32>} : memref<400x64xf32, #tpu.memory_space<vmem>>, vector<16xf32>,
        %parallel_loop3A_366 = arith.constant 7 : i32
        %parallel_loop3A_367 = vector.broadcast %parallel_loop3A_366 : i32 to vector<16x1xi32>
        %parallel_loop3A_368 = vector.shape_cast %parallel_loop3A_367 : vector<16x1xi32> to vector<16xi32>
        %parallel_loop3A_369 = tpu.dynamic_gather %parallel_loop3A_85[%parallel_loop3A_368] in [0] : vector<16xi32>, vector<16xi32> -> vector<16xi32>
        %parallel_loop3A_370 = arith.constant 16 : i32
        %parallel_loop3A_371 = arith.muli %parallel_loop3A_78, %parallel_loop3A_370 : i32
        %parallel_loop3A_372 = arith.constant 7 : i32
        %parallel_loop3A_373 = arith.addi %parallel_loop3A_371, %parallel_loop3A_372 : i32
        %parallel_loop3A_374 = arith.constant 0 : i32
        %parallel_loop3A_375 = vector.broadcast %parallel_loop3A_374 : i32 to vector<16xi32>
        %parallel_loop3A_376 = arith.addi %iota3A, %parallel_loop3A_375 : vector<16xi32>
        %parallel_loop3A_377 = arith.addi %parallel_loop3A_369, %parallel_loop3A_376 : vector<16xi32>
        %parallel_loop3A_378 = tpu.vector_load_idx %arg9[%parallel_loop3A_377] : memref<16384xf32, #tpu.memory_space<vmem>>[vector<16xi32>], vector<16xf32>,
        %parallel_loop3A_379 = arith.index_cast %parallel_loop3A_373 : i32 to index
        %parallel_loop3A_380 = arith.constant 0 : index
        %parallel_loop3A_381 = tpu.vector_load %arg8[%parallel_loop3A_379, %parallel_loop3A_380] {strides = array<i32>} : memref<400x64xf32, #tpu.memory_space<vmem>>, vector<16xf32>,
        tpu.vector_store %arg8[%parallel_loop3A_379, %parallel_loop3A_380], %parallel_loop3A_378 {strides = array<i32>} : memref<400x64xf32, #tpu.memory_space<vmem>>, vector<16xf32>,
        %parallel_loop3A_382 = arith.constant 16 : i32
        %parallel_loop3A_383 = vector.broadcast %parallel_loop3A_382 : i32 to vector<16xi32>
        %parallel_loop3A_384 = arith.addi %iota3A, %parallel_loop3A_383 : vector<16xi32>
        %parallel_loop3A_385 = arith.addi %parallel_loop3A_369, %parallel_loop3A_384 : vector<16xi32>
        %parallel_loop3A_386 = tpu.vector_load_idx %arg9[%parallel_loop3A_385] : memref<16384xf32, #tpu.memory_space<vmem>>[vector<16xi32>], vector<16xf32>,
        %parallel_loop3A_387 = arith.index_cast %parallel_loop3A_373 : i32 to index
        %parallel_loop3A_388 = arith.constant 16 : index
        %parallel_loop3A_389 = tpu.vector_load %arg8[%parallel_loop3A_387, %parallel_loop3A_388] {strides = array<i32>} : memref<400x64xf32, #tpu.memory_space<vmem>>, vector<16xf32>,
        tpu.vector_store %arg8[%parallel_loop3A_387, %parallel_loop3A_388], %parallel_loop3A_386 {strides = array<i32>} : memref<400x64xf32, #tpu.memory_space<vmem>>, vector<16xf32>,
        %parallel_loop3A_390 = arith.constant 32 : i32
        %parallel_loop3A_391 = vector.broadcast %parallel_loop3A_390 : i32 to vector<16xi32>
        %parallel_loop3A_392 = arith.addi %iota3A, %parallel_loop3A_391 : vector<16xi32>
        %parallel_loop3A_393 = arith.addi %parallel_loop3A_369, %parallel_loop3A_392 : vector<16xi32>
        %parallel_loop3A_394 = tpu.vector_load_idx %arg9[%parallel_loop3A_393] : memref<16384xf32, #tpu.memory_space<vmem>>[vector<16xi32>], vector<16xf32>,
        %parallel_loop3A_395 = arith.index_cast %parallel_loop3A_373 : i32 to index
        %parallel_loop3A_396 = arith.constant 32 : index
        %parallel_loop3A_397 = tpu.vector_load %arg8[%parallel_loop3A_395, %parallel_loop3A_396] {strides = array<i32>} : memref<400x64xf32, #tpu.memory_space<vmem>>, vector<16xf32>,
        tpu.vector_store %arg8[%parallel_loop3A_395, %parallel_loop3A_396], %parallel_loop3A_394 {strides = array<i32>} : memref<400x64xf32, #tpu.memory_space<vmem>>, vector<16xf32>,
        %parallel_loop3A_398 = arith.constant 48 : i32
        %parallel_loop3A_399 = vector.broadcast %parallel_loop3A_398 : i32 to vector<16xi32>
        %parallel_loop3A_400 = arith.addi %iota3A, %parallel_loop3A_399 : vector<16xi32>
        %parallel_loop3A_401 = arith.addi %parallel_loop3A_369, %parallel_loop3A_400 : vector<16xi32>
        %parallel_loop3A_402 = tpu.vector_load_idx %arg9[%parallel_loop3A_401] : memref<16384xf32, #tpu.memory_space<vmem>>[vector<16xi32>], vector<16xf32>,
        %parallel_loop3A_403 = arith.index_cast %parallel_loop3A_373 : i32 to index
        %parallel_loop3A_404 = arith.constant 48 : index
        %parallel_loop3A_405 = tpu.vector_load %arg8[%parallel_loop3A_403, %parallel_loop3A_404] {strides = array<i32>} : memref<400x64xf32, #tpu.memory_space<vmem>>, vector<16xf32>,
        tpu.vector_store %arg8[%parallel_loop3A_403, %parallel_loop3A_404], %parallel_loop3A_402 {strides = array<i32>} : memref<400x64xf32, #tpu.memory_space<vmem>>, vector<16xf32>,
        %parallel_loop3A_406 = arith.constant 8 : i32
        %parallel_loop3A_407 = vector.broadcast %parallel_loop3A_406 : i32 to vector<16x1xi32>
        %parallel_loop3A_408 = vector.shape_cast %parallel_loop3A_407 : vector<16x1xi32> to vector<16xi32>
        %parallel_loop3A_409 = tpu.dynamic_gather %parallel_loop3A_85[%parallel_loop3A_408] in [0] : vector<16xi32>, vector<16xi32> -> vector<16xi32>
        %parallel_loop3A_410 = arith.constant 16 : i32
        %parallel_loop3A_411 = arith.muli %parallel_loop3A_78, %parallel_loop3A_410 : i32
        %parallel_loop3A_412 = arith.constant 8 : i32
        %parallel_loop3A_413 = arith.addi %parallel_loop3A_411, %parallel_loop3A_412 : i32
        %parallel_loop3A_414 = arith.constant 0 : i32
        %parallel_loop3A_415 = vector.broadcast %parallel_loop3A_414 : i32 to vector<16xi32>
        %parallel_loop3A_416 = arith.addi %iota3A, %parallel_loop3A_415 : vector<16xi32>
        %parallel_loop3A_417 = arith.addi %parallel_loop3A_409, %parallel_loop3A_416 : vector<16xi32>
        %parallel_loop3A_418 = tpu.vector_load_idx %arg9[%parallel_loop3A_417] : memref<16384xf32, #tpu.memory_space<vmem>>[vector<16xi32>], vector<16xf32>,
        %parallel_loop3A_419 = arith.index_cast %parallel_loop3A_413 : i32 to index
        %parallel_loop3A_420 = arith.constant 0 : index
        %parallel_loop3A_421 = tpu.vector_load %arg8[%parallel_loop3A_419, %parallel_loop3A_420] {strides = array<i32>} : memref<400x64xf32, #tpu.memory_space<vmem>>, vector<16xf32>,
        tpu.vector_store %arg8[%parallel_loop3A_419, %parallel_loop3A_420], %parallel_loop3A_418 {strides = array<i32>} : memref<400x64xf32, #tpu.memory_space<vmem>>, vector<16xf32>,
        %parallel_loop3A_422 = arith.constant 16 : i32
        %parallel_loop3A_423 = vector.broadcast %parallel_loop3A_422 : i32 to vector<16xi32>
        %parallel_loop3A_424 = arith.addi %iota3A, %parallel_loop3A_423 : vector<16xi32>
        %parallel_loop3A_425 = arith.addi %parallel_loop3A_409, %parallel_loop3A_424 : vector<16xi32>
        %parallel_loop3A_426 = tpu.vector_load_idx %arg9[%parallel_loop3A_425] : memref<16384xf32, #tpu.memory_space<vmem>>[vector<16xi32>], vector<16xf32>,
        %parallel_loop3A_427 = arith.index_cast %parallel_loop3A_413 : i32 to index
        %parallel_loop3A_428 = arith.constant 16 : index
        %parallel_loop3A_429 = tpu.vector_load %arg8[%parallel_loop3A_427, %parallel_loop3A_428] {strides = array<i32>} : memref<400x64xf32, #tpu.memory_space<vmem>>, vector<16xf32>,
        tpu.vector_store %arg8[%parallel_loop3A_427, %parallel_loop3A_428], %parallel_loop3A_426 {strides = array<i32>} : memref<400x64xf32, #tpu.memory_space<vmem>>, vector<16xf32>,
        %parallel_loop3A_430 = arith.constant 32 : i32
        %parallel_loop3A_431 = vector.broadcast %parallel_loop3A_430 : i32 to vector<16xi32>
        %parallel_loop3A_432 = arith.addi %iota3A, %parallel_loop3A_431 : vector<16xi32>
        %parallel_loop3A_433 = arith.addi %parallel_loop3A_409, %parallel_loop3A_432 : vector<16xi32>
        %parallel_loop3A_434 = tpu.vector_load_idx %arg9[%parallel_loop3A_433] : memref<16384xf32, #tpu.memory_space<vmem>>[vector<16xi32>], vector<16xf32>,
        %parallel_loop3A_435 = arith.index_cast %parallel_loop3A_413 : i32 to index
        %parallel_loop3A_436 = arith.constant 32 : index
        %parallel_loop3A_437 = tpu.vector_load %arg8[%parallel_loop3A_435, %parallel_loop3A_436] {strides = array<i32>} : memref<400x64xf32, #tpu.memory_space<vmem>>, vector<16xf32>,
        tpu.vector_store %arg8[%parallel_loop3A_435, %parallel_loop3A_436], %parallel_loop3A_434 {strides = array<i32>} : memref<400x64xf32, #tpu.memory_space<vmem>>, vector<16xf32>,
        %parallel_loop3A_438 = arith.constant 48 : i32
        %parallel_loop3A_439 = vector.broadcast %parallel_loop3A_438 : i32 to vector<16xi32>
        %parallel_loop3A_440 = arith.addi %iota3A, %parallel_loop3A_439 : vector<16xi32>
        %parallel_loop3A_441 = arith.addi %parallel_loop3A_409, %parallel_loop3A_440 : vector<16xi32>
        %parallel_loop3A_442 = tpu.vector_load_idx %arg9[%parallel_loop3A_441] : memref<16384xf32, #tpu.memory_space<vmem>>[vector<16xi32>], vector<16xf32>,
        %parallel_loop3A_443 = arith.index_cast %parallel_loop3A_413 : i32 to index
        %parallel_loop3A_444 = arith.constant 48 : index
        %parallel_loop3A_445 = tpu.vector_load %arg8[%parallel_loop3A_443, %parallel_loop3A_444] {strides = array<i32>} : memref<400x64xf32, #tpu.memory_space<vmem>>, vector<16xf32>,
        tpu.vector_store %arg8[%parallel_loop3A_443, %parallel_loop3A_444], %parallel_loop3A_442 {strides = array<i32>} : memref<400x64xf32, #tpu.memory_space<vmem>>, vector<16xf32>,
        %parallel_loop3A_446 = arith.constant 9 : i32
        %parallel_loop3A_447 = vector.broadcast %parallel_loop3A_446 : i32 to vector<16x1xi32>
        %parallel_loop3A_448 = vector.shape_cast %parallel_loop3A_447 : vector<16x1xi32> to vector<16xi32>
        %parallel_loop3A_449 = tpu.dynamic_gather %parallel_loop3A_85[%parallel_loop3A_448] in [0] : vector<16xi32>, vector<16xi32> -> vector<16xi32>
        %parallel_loop3A_450 = arith.constant 16 : i32
        %parallel_loop3A_451 = arith.muli %parallel_loop3A_78, %parallel_loop3A_450 : i32
        %parallel_loop3A_452 = arith.constant 9 : i32
        %parallel_loop3A_453 = arith.addi %parallel_loop3A_451, %parallel_loop3A_452 : i32
        %parallel_loop3A_454 = arith.constant 0 : i32
        %parallel_loop3A_455 = vector.broadcast %parallel_loop3A_454 : i32 to vector<16xi32>
        %parallel_loop3A_456 = arith.addi %iota3A, %parallel_loop3A_455 : vector<16xi32>
        %parallel_loop3A_457 = arith.addi %parallel_loop3A_449, %parallel_loop3A_456 : vector<16xi32>
        %parallel_loop3A_458 = tpu.vector_load_idx %arg9[%parallel_loop3A_457] : memref<16384xf32, #tpu.memory_space<vmem>>[vector<16xi32>], vector<16xf32>,
        %parallel_loop3A_459 = arith.index_cast %parallel_loop3A_453 : i32 to index
        %parallel_loop3A_460 = arith.constant 0 : index
        %parallel_loop3A_461 = tpu.vector_load %arg8[%parallel_loop3A_459, %parallel_loop3A_460] {strides = array<i32>} : memref<400x64xf32, #tpu.memory_space<vmem>>, vector<16xf32>,
        tpu.vector_store %arg8[%parallel_loop3A_459, %parallel_loop3A_460], %parallel_loop3A_458 {strides = array<i32>} : memref<400x64xf32, #tpu.memory_space<vmem>>, vector<16xf32>,
        %parallel_loop3A_462 = arith.constant 16 : i32
        %parallel_loop3A_463 = vector.broadcast %parallel_loop3A_462 : i32 to vector<16xi32>
        %parallel_loop3A_464 = arith.addi %iota3A, %parallel_loop3A_463 : vector<16xi32>
        %parallel_loop3A_465 = arith.addi %parallel_loop3A_449, %parallel_loop3A_464 : vector<16xi32>
        %parallel_loop3A_466 = tpu.vector_load_idx %arg9[%parallel_loop3A_465] : memref<16384xf32, #tpu.memory_space<vmem>>[vector<16xi32>], vector<16xf32>,
        %parallel_loop3A_467 = arith.index_cast %parallel_loop3A_453 : i32 to index
        %parallel_loop3A_468 = arith.constant 16 : index
        %parallel_loop3A_469 = tpu.vector_load %arg8[%parallel_loop3A_467, %parallel_loop3A_468] {strides = array<i32>} : memref<400x64xf32, #tpu.memory_space<vmem>>, vector<16xf32>,
        tpu.vector_store %arg8[%parallel_loop3A_467, %parallel_loop3A_468], %parallel_loop3A_466 {strides = array<i32>} : memref<400x64xf32, #tpu.memory_space<vmem>>, vector<16xf32>,
        %parallel_loop3A_470 = arith.constant 32 : i32
        %parallel_loop3A_471 = vector.broadcast %parallel_loop3A_470 : i32 to vector<16xi32>
        %parallel_loop3A_472 = arith.addi %iota3A, %parallel_loop3A_471 : vector<16xi32>
        %parallel_loop3A_473 = arith.addi %parallel_loop3A_449, %parallel_loop3A_472 : vector<16xi32>
        %parallel_loop3A_474 = tpu.vector_load_idx %arg9[%parallel_loop3A_473] : memref<16384xf32, #tpu.memory_space<vmem>>[vector<16xi32>], vector<16xf32>,
        %parallel_loop3A_475 = arith.index_cast %parallel_loop3A_453 : i32 to index
        %parallel_loop3A_476 = arith.constant 32 : index
        %parallel_loop3A_477 = tpu.vector_load %arg8[%parallel_loop3A_475, %parallel_loop3A_476] {strides = array<i32>} : memref<400x64xf32, #tpu.memory_space<vmem>>, vector<16xf32>,
        tpu.vector_store %arg8[%parallel_loop3A_475, %parallel_loop3A_476], %parallel_loop3A_474 {strides = array<i32>} : memref<400x64xf32, #tpu.memory_space<vmem>>, vector<16xf32>,
        %parallel_loop3A_478 = arith.constant 48 : i32
        %parallel_loop3A_479 = vector.broadcast %parallel_loop3A_478 : i32 to vector<16xi32>
        %parallel_loop3A_480 = arith.addi %iota3A, %parallel_loop3A_479 : vector<16xi32>
        %parallel_loop3A_481 = arith.addi %parallel_loop3A_449, %parallel_loop3A_480 : vector<16xi32>
        %parallel_loop3A_482 = tpu.vector_load_idx %arg9[%parallel_loop3A_481] : memref<16384xf32, #tpu.memory_space<vmem>>[vector<16xi32>], vector<16xf32>,
        %parallel_loop3A_483 = arith.index_cast %parallel_loop3A_453 : i32 to index
        %parallel_loop3A_484 = arith.constant 48 : index
        %parallel_loop3A_485 = tpu.vector_load %arg8[%parallel_loop3A_483, %parallel_loop3A_484] {strides = array<i32>} : memref<400x64xf32, #tpu.memory_space<vmem>>, vector<16xf32>,
        tpu.vector_store %arg8[%parallel_loop3A_483, %parallel_loop3A_484], %parallel_loop3A_482 {strides = array<i32>} : memref<400x64xf32, #tpu.memory_space<vmem>>, vector<16xf32>,
        %parallel_loop3A_486 = arith.constant 10 : i32
        %parallel_loop3A_487 = vector.broadcast %parallel_loop3A_486 : i32 to vector<16x1xi32>
        %parallel_loop3A_488 = vector.shape_cast %parallel_loop3A_487 : vector<16x1xi32> to vector<16xi32>
        %parallel_loop3A_489 = tpu.dynamic_gather %parallel_loop3A_85[%parallel_loop3A_488] in [0] : vector<16xi32>, vector<16xi32> -> vector<16xi32>
        %parallel_loop3A_490 = arith.constant 16 : i32
        %parallel_loop3A_491 = arith.muli %parallel_loop3A_78, %parallel_loop3A_490 : i32
        %parallel_loop3A_492 = arith.constant 10 : i32
        %parallel_loop3A_493 = arith.addi %parallel_loop3A_491, %parallel_loop3A_492 : i32
        %parallel_loop3A_494 = arith.constant 0 : i32
        %parallel_loop3A_495 = vector.broadcast %parallel_loop3A_494 : i32 to vector<16xi32>
        %parallel_loop3A_496 = arith.addi %iota3A, %parallel_loop3A_495 : vector<16xi32>
        %parallel_loop3A_497 = arith.addi %parallel_loop3A_489, %parallel_loop3A_496 : vector<16xi32>
        %parallel_loop3A_498 = tpu.vector_load_idx %arg9[%parallel_loop3A_497] : memref<16384xf32, #tpu.memory_space<vmem>>[vector<16xi32>], vector<16xf32>,
        %parallel_loop3A_499 = arith.index_cast %parallel_loop3A_493 : i32 to index
        %parallel_loop3A_500 = arith.constant 0 : index
        %parallel_loop3A_501 = tpu.vector_load %arg8[%parallel_loop3A_499, %parallel_loop3A_500] {strides = array<i32>} : memref<400x64xf32, #tpu.memory_space<vmem>>, vector<16xf32>,
        tpu.vector_store %arg8[%parallel_loop3A_499, %parallel_loop3A_500], %parallel_loop3A_498 {strides = array<i32>} : memref<400x64xf32, #tpu.memory_space<vmem>>, vector<16xf32>,
        %parallel_loop3A_502 = arith.constant 16 : i32
        %parallel_loop3A_503 = vector.broadcast %parallel_loop3A_502 : i32 to vector<16xi32>
        %parallel_loop3A_504 = arith.addi %iota3A, %parallel_loop3A_503 : vector<16xi32>
        %parallel_loop3A_505 = arith.addi %parallel_loop3A_489, %parallel_loop3A_504 : vector<16xi32>
        %parallel_loop3A_506 = tpu.vector_load_idx %arg9[%parallel_loop3A_505] : memref<16384xf32, #tpu.memory_space<vmem>>[vector<16xi32>], vector<16xf32>,
        %parallel_loop3A_507 = arith.index_cast %parallel_loop3A_493 : i32 to index
        %parallel_loop3A_508 = arith.constant 16 : index
        %parallel_loop3A_509 = tpu.vector_load %arg8[%parallel_loop3A_507, %parallel_loop3A_508] {strides = array<i32>} : memref<400x64xf32, #tpu.memory_space<vmem>>, vector<16xf32>,
        tpu.vector_store %arg8[%parallel_loop3A_507, %parallel_loop3A_508], %parallel_loop3A_506 {strides = array<i32>} : memref<400x64xf32, #tpu.memory_space<vmem>>, vector<16xf32>,
        %parallel_loop3A_510 = arith.constant 32 : i32
        %parallel_loop3A_511 = vector.broadcast %parallel_loop3A_510 : i32 to vector<16xi32>
        %parallel_loop3A_512 = arith.addi %iota3A, %parallel_loop3A_511 : vector<16xi32>
        %parallel_loop3A_513 = arith.addi %parallel_loop3A_489, %parallel_loop3A_512 : vector<16xi32>
        %parallel_loop3A_514 = tpu.vector_load_idx %arg9[%parallel_loop3A_513] : memref<16384xf32, #tpu.memory_space<vmem>>[vector<16xi32>], vector<16xf32>,
        %parallel_loop3A_515 = arith.index_cast %parallel_loop3A_493 : i32 to index
        %parallel_loop3A_516 = arith.constant 32 : index
        %parallel_loop3A_517 = tpu.vector_load %arg8[%parallel_loop3A_515, %parallel_loop3A_516] {strides = array<i32>} : memref<400x64xf32, #tpu.memory_space<vmem>>, vector<16xf32>,
        tpu.vector_store %arg8[%parallel_loop3A_515, %parallel_loop3A_516], %parallel_loop3A_514 {strides = array<i32>} : memref<400x64xf32, #tpu.memory_space<vmem>>, vector<16xf32>,
        %parallel_loop3A_518 = arith.constant 48 : i32
        %parallel_loop3A_519 = vector.broadcast %parallel_loop3A_518 : i32 to vector<16xi32>
        %parallel_loop3A_520 = arith.addi %iota3A, %parallel_loop3A_519 : vector<16xi32>
        %parallel_loop3A_521 = arith.addi %parallel_loop3A_489, %parallel_loop3A_520 : vector<16xi32>
        %parallel_loop3A_522 = tpu.vector_load_idx %arg9[%parallel_loop3A_521] : memref<16384xf32, #tpu.memory_space<vmem>>[vector<16xi32>], vector<16xf32>,
        %parallel_loop3A_523 = arith.index_cast %parallel_loop3A_493 : i32 to index
        %parallel_loop3A_524 = arith.constant 48 : index
        %parallel_loop3A_525 = tpu.vector_load %arg8[%parallel_loop3A_523, %parallel_loop3A_524] {strides = array<i32>} : memref<400x64xf32, #tpu.memory_space<vmem>>, vector<16xf32>,
        tpu.vector_store %arg8[%parallel_loop3A_523, %parallel_loop3A_524], %parallel_loop3A_522 {strides = array<i32>} : memref<400x64xf32, #tpu.memory_space<vmem>>, vector<16xf32>,
        %parallel_loop3A_526 = arith.constant 11 : i32
        %parallel_loop3A_527 = vector.broadcast %parallel_loop3A_526 : i32 to vector<16x1xi32>
        %parallel_loop3A_528 = vector.shape_cast %parallel_loop3A_527 : vector<16x1xi32> to vector<16xi32>
        %parallel_loop3A_529 = tpu.dynamic_gather %parallel_loop3A_85[%parallel_loop3A_528] in [0] : vector<16xi32>, vector<16xi32> -> vector<16xi32>
        %parallel_loop3A_530 = arith.constant 16 : i32
        %parallel_loop3A_531 = arith.muli %parallel_loop3A_78, %parallel_loop3A_530 : i32
        %parallel_loop3A_532 = arith.constant 11 : i32
        %parallel_loop3A_533 = arith.addi %parallel_loop3A_531, %parallel_loop3A_532 : i32
        %parallel_loop3A_534 = arith.constant 0 : i32
        %parallel_loop3A_535 = vector.broadcast %parallel_loop3A_534 : i32 to vector<16xi32>
        %parallel_loop3A_536 = arith.addi %iota3A, %parallel_loop3A_535 : vector<16xi32>
        %parallel_loop3A_537 = arith.addi %parallel_loop3A_529, %parallel_loop3A_536 : vector<16xi32>
        %parallel_loop3A_538 = tpu.vector_load_idx %arg9[%parallel_loop3A_537] : memref<16384xf32, #tpu.memory_space<vmem>>[vector<16xi32>], vector<16xf32>,
        %parallel_loop3A_539 = arith.index_cast %parallel_loop3A_533 : i32 to index
        %parallel_loop3A_540 = arith.constant 0 : index
        %parallel_loop3A_541 = tpu.vector_load %arg8[%parallel_loop3A_539, %parallel_loop3A_540] {strides = array<i32>} : memref<400x64xf32, #tpu.memory_space<vmem>>, vector<16xf32>,
        tpu.vector_store %arg8[%parallel_loop3A_539, %parallel_loop3A_540], %parallel_loop3A_538 {strides = array<i32>} : memref<400x64xf32, #tpu.memory_space<vmem>>, vector<16xf32>,
        %parallel_loop3A_542 = arith.constant 16 : i32
        %parallel_loop3A_543 = vector.broadcast %parallel_loop3A_542 : i32 to vector<16xi32>
        %parallel_loop3A_544 = arith.addi %iota3A, %parallel_loop3A_543 : vector<16xi32>
        %parallel_loop3A_545 = arith.addi %parallel_loop3A_529, %parallel_loop3A_544 : vector<16xi32>
        %parallel_loop3A_546 = tpu.vector_load_idx %arg9[%parallel_loop3A_545] : memref<16384xf32, #tpu.memory_space<vmem>>[vector<16xi32>], vector<16xf32>,
        %parallel_loop3A_547 = arith.index_cast %parallel_loop3A_533 : i32 to index
        %parallel_loop3A_548 = arith.constant 16 : index
        %parallel_loop3A_549 = tpu.vector_load %arg8[%parallel_loop3A_547, %parallel_loop3A_548] {strides = array<i32>} : memref<400x64xf32, #tpu.memory_space<vmem>>, vector<16xf32>,
        tpu.vector_store %arg8[%parallel_loop3A_547, %parallel_loop3A_548], %parallel_loop3A_546 {strides = array<i32>} : memref<400x64xf32, #tpu.memory_space<vmem>>, vector<16xf32>,
        %parallel_loop3A_550 = arith.constant 32 : i32
        %parallel_loop3A_551 = vector.broadcast %parallel_loop3A_550 : i32 to vector<16xi32>
        %parallel_loop3A_552 = arith.addi %iota3A, %parallel_loop3A_551 : vector<16xi32>
        %parallel_loop3A_553 = arith.addi %parallel_loop3A_529, %parallel_loop3A_552 : vector<16xi32>
        %parallel_loop3A_554 = tpu.vector_load_idx %arg9[%parallel_loop3A_553] : memref<16384xf32, #tpu.memory_space<vmem>>[vector<16xi32>], vector<16xf32>,
        %parallel_loop3A_555 = arith.index_cast %parallel_loop3A_533 : i32 to index
        %parallel_loop3A_556 = arith.constant 32 : index
        %parallel_loop3A_557 = tpu.vector_load %arg8[%parallel_loop3A_555, %parallel_loop3A_556] {strides = array<i32>} : memref<400x64xf32, #tpu.memory_space<vmem>>, vector<16xf32>,
        tpu.vector_store %arg8[%parallel_loop3A_555, %parallel_loop3A_556], %parallel_loop3A_554 {strides = array<i32>} : memref<400x64xf32, #tpu.memory_space<vmem>>, vector<16xf32>,
        %parallel_loop3A_558 = arith.constant 48 : i32
        %parallel_loop3A_559 = vector.broadcast %parallel_loop3A_558 : i32 to vector<16xi32>
        %parallel_loop3A_560 = arith.addi %iota3A, %parallel_loop3A_559 : vector<16xi32>
        %parallel_loop3A_561 = arith.addi %parallel_loop3A_529, %parallel_loop3A_560 : vector<16xi32>
        %parallel_loop3A_562 = tpu.vector_load_idx %arg9[%parallel_loop3A_561] : memref<16384xf32, #tpu.memory_space<vmem>>[vector<16xi32>], vector<16xf32>,
        %parallel_loop3A_563 = arith.index_cast %parallel_loop3A_533 : i32 to index
        %parallel_loop3A_564 = arith.constant 48 : index
        %parallel_loop3A_565 = tpu.vector_load %arg8[%parallel_loop3A_563, %parallel_loop3A_564] {strides = array<i32>} : memref<400x64xf32, #tpu.memory_space<vmem>>, vector<16xf32>,
        tpu.vector_store %arg8[%parallel_loop3A_563, %parallel_loop3A_564], %parallel_loop3A_562 {strides = array<i32>} : memref<400x64xf32, #tpu.memory_space<vmem>>, vector<16xf32>,
        %parallel_loop3A_566 = arith.constant 12 : i32
        %parallel_loop3A_567 = vector.broadcast %parallel_loop3A_566 : i32 to vector<16x1xi32>
        %parallel_loop3A_568 = vector.shape_cast %parallel_loop3A_567 : vector<16x1xi32> to vector<16xi32>
        %parallel_loop3A_569 = tpu.dynamic_gather %parallel_loop3A_85[%parallel_loop3A_568] in [0] : vector<16xi32>, vector<16xi32> -> vector<16xi32>
        %parallel_loop3A_570 = arith.constant 16 : i32
        %parallel_loop3A_571 = arith.muli %parallel_loop3A_78, %parallel_loop3A_570 : i32
        %parallel_loop3A_572 = arith.constant 12 : i32
        %parallel_loop3A_573 = arith.addi %parallel_loop3A_571, %parallel_loop3A_572 : i32
        %parallel_loop3A_574 = arith.constant 0 : i32
        %parallel_loop3A_575 = vector.broadcast %parallel_loop3A_574 : i32 to vector<16xi32>
        %parallel_loop3A_576 = arith.addi %iota3A, %parallel_loop3A_575 : vector<16xi32>
        %parallel_loop3A_577 = arith.addi %parallel_loop3A_569, %parallel_loop3A_576 : vector<16xi32>
        %parallel_loop3A_578 = tpu.vector_load_idx %arg9[%parallel_loop3A_577] : memref<16384xf32, #tpu.memory_space<vmem>>[vector<16xi32>], vector<16xf32>,
        %parallel_loop3A_579 = arith.index_cast %parallel_loop3A_573 : i32 to index
        %parallel_loop3A_580 = arith.constant 0 : index
        %parallel_loop3A_581 = tpu.vector_load %arg8[%parallel_loop3A_579, %parallel_loop3A_580] {strides = array<i32>} : memref<400x64xf32, #tpu.memory_space<vmem>>, vector<16xf32>,
        tpu.vector_store %arg8[%parallel_loop3A_579, %parallel_loop3A_580], %parallel_loop3A_578 {strides = array<i32>} : memref<400x64xf32, #tpu.memory_space<vmem>>, vector<16xf32>,
        %parallel_loop3A_582 = arith.constant 16 : i32
        %parallel_loop3A_583 = vector.broadcast %parallel_loop3A_582 : i32 to vector<16xi32>
        %parallel_loop3A_584 = arith.addi %iota3A, %parallel_loop3A_583 : vector<16xi32>
        %parallel_loop3A_585 = arith.addi %parallel_loop3A_569, %parallel_loop3A_584 : vector<16xi32>
        %parallel_loop3A_586 = tpu.vector_load_idx %arg9[%parallel_loop3A_585] : memref<16384xf32, #tpu.memory_space<vmem>>[vector<16xi32>], vector<16xf32>,
        %parallel_loop3A_587 = arith.index_cast %parallel_loop3A_573 : i32 to index
        %parallel_loop3A_588 = arith.constant 16 : index
        %parallel_loop3A_589 = tpu.vector_load %arg8[%parallel_loop3A_587, %parallel_loop3A_588] {strides = array<i32>} : memref<400x64xf32, #tpu.memory_space<vmem>>, vector<16xf32>,
        tpu.vector_store %arg8[%parallel_loop3A_587, %parallel_loop3A_588], %parallel_loop3A_586 {strides = array<i32>} : memref<400x64xf32, #tpu.memory_space<vmem>>, vector<16xf32>,
        %parallel_loop3A_590 = arith.constant 32 : i32
        %parallel_loop3A_591 = vector.broadcast %parallel_loop3A_590 : i32 to vector<16xi32>
        %parallel_loop3A_592 = arith.addi %iota3A, %parallel_loop3A_591 : vector<16xi32>
        %parallel_loop3A_593 = arith.addi %parallel_loop3A_569, %parallel_loop3A_592 : vector<16xi32>
        %parallel_loop3A_594 = tpu.vector_load_idx %arg9[%parallel_loop3A_593] : memref<16384xf32, #tpu.memory_space<vmem>>[vector<16xi32>], vector<16xf32>,
        %parallel_loop3A_595 = arith.index_cast %parallel_loop3A_573 : i32 to index
        %parallel_loop3A_596 = arith.constant 32 : index
        %parallel_loop3A_597 = tpu.vector_load %arg8[%parallel_loop3A_595, %parallel_loop3A_596] {strides = array<i32>} : memref<400x64xf32, #tpu.memory_space<vmem>>, vector<16xf32>,
        tpu.vector_store %arg8[%parallel_loop3A_595, %parallel_loop3A_596], %parallel_loop3A_594 {strides = array<i32>} : memref<400x64xf32, #tpu.memory_space<vmem>>, vector<16xf32>,
        %parallel_loop3A_598 = arith.constant 48 : i32
        %parallel_loop3A_599 = vector.broadcast %parallel_loop3A_598 : i32 to vector<16xi32>
        %parallel_loop3A_600 = arith.addi %iota3A, %parallel_loop3A_599 : vector<16xi32>
        %parallel_loop3A_601 = arith.addi %parallel_loop3A_569, %parallel_loop3A_600 : vector<16xi32>
        %parallel_loop3A_602 = tpu.vector_load_idx %arg9[%parallel_loop3A_601] : memref<16384xf32, #tpu.memory_space<vmem>>[vector<16xi32>], vector<16xf32>,
        %parallel_loop3A_603 = arith.index_cast %parallel_loop3A_573 : i32 to index
        %parallel_loop3A_604 = arith.constant 48 : index
        %parallel_loop3A_605 = tpu.vector_load %arg8[%parallel_loop3A_603, %parallel_loop3A_604] {strides = array<i32>} : memref<400x64xf32, #tpu.memory_space<vmem>>, vector<16xf32>,
        tpu.vector_store %arg8[%parallel_loop3A_603, %parallel_loop3A_604], %parallel_loop3A_602 {strides = array<i32>} : memref<400x64xf32, #tpu.memory_space<vmem>>, vector<16xf32>,
        %parallel_loop3A_606 = arith.constant 13 : i32
        %parallel_loop3A_607 = vector.broadcast %parallel_loop3A_606 : i32 to vector<16x1xi32>
        %parallel_loop3A_608 = vector.shape_cast %parallel_loop3A_607 : vector<16x1xi32> to vector<16xi32>
        %parallel_loop3A_609 = tpu.dynamic_gather %parallel_loop3A_85[%parallel_loop3A_608] in [0] : vector<16xi32>, vector<16xi32> -> vector<16xi32>
        %parallel_loop3A_610 = arith.constant 16 : i32
        %parallel_loop3A_611 = arith.muli %parallel_loop3A_78, %parallel_loop3A_610 : i32
        %parallel_loop3A_612 = arith.constant 13 : i32
        %parallel_loop3A_613 = arith.addi %parallel_loop3A_611, %parallel_loop3A_612 : i32
        %parallel_loop3A_614 = arith.constant 0 : i32
        %parallel_loop3A_615 = vector.broadcast %parallel_loop3A_614 : i32 to vector<16xi32>
        %parallel_loop3A_616 = arith.addi %iota3A, %parallel_loop3A_615 : vector<16xi32>
        %parallel_loop3A_617 = arith.addi %parallel_loop3A_609, %parallel_loop3A_616 : vector<16xi32>
        %parallel_loop3A_618 = tpu.vector_load_idx %arg9[%parallel_loop3A_617] : memref<16384xf32, #tpu.memory_space<vmem>>[vector<16xi32>], vector<16xf32>,
        %parallel_loop3A_619 = arith.index_cast %parallel_loop3A_613 : i32 to index
        %parallel_loop3A_620 = arith.constant 0 : index
        %parallel_loop3A_621 = tpu.vector_load %arg8[%parallel_loop3A_619, %parallel_loop3A_620] {strides = array<i32>} : memref<400x64xf32, #tpu.memory_space<vmem>>, vector<16xf32>,
        tpu.vector_store %arg8[%parallel_loop3A_619, %parallel_loop3A_620], %parallel_loop3A_618 {strides = array<i32>} : memref<400x64xf32, #tpu.memory_space<vmem>>, vector<16xf32>,
        %parallel_loop3A_622 = arith.constant 16 : i32
        %parallel_loop3A_623 = vector.broadcast %parallel_loop3A_622 : i32 to vector<16xi32>
        %parallel_loop3A_624 = arith.addi %iota3A, %parallel_loop3A_623 : vector<16xi32>
        %parallel_loop3A_625 = arith.addi %parallel_loop3A_609, %parallel_loop3A_624 : vector<16xi32>
        %parallel_loop3A_626 = tpu.vector_load_idx %arg9[%parallel_loop3A_625] : memref<16384xf32, #tpu.memory_space<vmem>>[vector<16xi32>], vector<16xf32>,
        %parallel_loop3A_627 = arith.index_cast %parallel_loop3A_613 : i32 to index
        %parallel_loop3A_628 = arith.constant 16 : index
        %parallel_loop3A_629 = tpu.vector_load %arg8[%parallel_loop3A_627, %parallel_loop3A_628] {strides = array<i32>} : memref<400x64xf32, #tpu.memory_space<vmem>>, vector<16xf32>,
        tpu.vector_store %arg8[%parallel_loop3A_627, %parallel_loop3A_628], %parallel_loop3A_626 {strides = array<i32>} : memref<400x64xf32, #tpu.memory_space<vmem>>, vector<16xf32>,
        %parallel_loop3A_630 = arith.constant 32 : i32
        %parallel_loop3A_631 = vector.broadcast %parallel_loop3A_630 : i32 to vector<16xi32>
        %parallel_loop3A_632 = arith.addi %iota3A, %parallel_loop3A_631 : vector<16xi32>
        %parallel_loop3A_633 = arith.addi %parallel_loop3A_609, %parallel_loop3A_632 : vector<16xi32>
        %parallel_loop3A_634 = tpu.vector_load_idx %arg9[%parallel_loop3A_633] : memref<16384xf32, #tpu.memory_space<vmem>>[vector<16xi32>], vector<16xf32>,
        %parallel_loop3A_635 = arith.index_cast %parallel_loop3A_613 : i32 to index
        %parallel_loop3A_636 = arith.constant 32 : index
        %parallel_loop3A_637 = tpu.vector_load %arg8[%parallel_loop3A_635, %parallel_loop3A_636] {strides = array<i32>} : memref<400x64xf32, #tpu.memory_space<vmem>>, vector<16xf32>,
        tpu.vector_store %arg8[%parallel_loop3A_635, %parallel_loop3A_636], %parallel_loop3A_634 {strides = array<i32>} : memref<400x64xf32, #tpu.memory_space<vmem>>, vector<16xf32>,
        %parallel_loop3A_638 = arith.constant 48 : i32
        %parallel_loop3A_639 = vector.broadcast %parallel_loop3A_638 : i32 to vector<16xi32>
        %parallel_loop3A_640 = arith.addi %iota3A, %parallel_loop3A_639 : vector<16xi32>
        %parallel_loop3A_641 = arith.addi %parallel_loop3A_609, %parallel_loop3A_640 : vector<16xi32>
        %parallel_loop3A_642 = tpu.vector_load_idx %arg9[%parallel_loop3A_641] : memref<16384xf32, #tpu.memory_space<vmem>>[vector<16xi32>], vector<16xf32>,
        %parallel_loop3A_643 = arith.index_cast %parallel_loop3A_613 : i32 to index
        %parallel_loop3A_644 = arith.constant 48 : index
        %parallel_loop3A_645 = tpu.vector_load %arg8[%parallel_loop3A_643, %parallel_loop3A_644] {strides = array<i32>} : memref<400x64xf32, #tpu.memory_space<vmem>>, vector<16xf32>,
        tpu.vector_store %arg8[%parallel_loop3A_643, %parallel_loop3A_644], %parallel_loop3A_642 {strides = array<i32>} : memref<400x64xf32, #tpu.memory_space<vmem>>, vector<16xf32>,
        %parallel_loop3A_646 = arith.constant 14 : i32
        %parallel_loop3A_647 = vector.broadcast %parallel_loop3A_646 : i32 to vector<16x1xi32>
        %parallel_loop3A_648 = vector.shape_cast %parallel_loop3A_647 : vector<16x1xi32> to vector<16xi32>
        %parallel_loop3A_649 = tpu.dynamic_gather %parallel_loop3A_85[%parallel_loop3A_648] in [0] : vector<16xi32>, vector<16xi32> -> vector<16xi32>
        %parallel_loop3A_650 = arith.constant 16 : i32
        %parallel_loop3A_651 = arith.muli %parallel_loop3A_78, %parallel_loop3A_650 : i32
        %parallel_loop3A_652 = arith.constant 14 : i32
        %parallel_loop3A_653 = arith.addi %parallel_loop3A_651, %parallel_loop3A_652 : i32
        %parallel_loop3A_654 = arith.constant 0 : i32
        %parallel_loop3A_655 = vector.broadcast %parallel_loop3A_654 : i32 to vector<16xi32>
        %parallel_loop3A_656 = arith.addi %iota3A, %parallel_loop3A_655 : vector<16xi32>
        %parallel_loop3A_657 = arith.addi %parallel_loop3A_649, %parallel_loop3A_656 : vector<16xi32>
        %parallel_loop3A_658 = tpu.vector_load_idx %arg9[%parallel_loop3A_657] : memref<16384xf32, #tpu.memory_space<vmem>>[vector<16xi32>], vector<16xf32>,
        %parallel_loop3A_659 = arith.index_cast %parallel_loop3A_653 : i32 to index
        %parallel_loop3A_660 = arith.constant 0 : index
        %parallel_loop3A_661 = tpu.vector_load %arg8[%parallel_loop3A_659, %parallel_loop3A_660] {strides = array<i32>} : memref<400x64xf32, #tpu.memory_space<vmem>>, vector<16xf32>,
        tpu.vector_store %arg8[%parallel_loop3A_659, %parallel_loop3A_660], %parallel_loop3A_658 {strides = array<i32>} : memref<400x64xf32, #tpu.memory_space<vmem>>, vector<16xf32>,
        %parallel_loop3A_662 = arith.constant 16 : i32
        %parallel_loop3A_663 = vector.broadcast %parallel_loop3A_662 : i32 to vector<16xi32>
        %parallel_loop3A_664 = arith.addi %iota3A, %parallel_loop3A_663 : vector<16xi32>
        %parallel_loop3A_665 = arith.addi %parallel_loop3A_649, %parallel_loop3A_664 : vector<16xi32>
        %parallel_loop3A_666 = tpu.vector_load_idx %arg9[%parallel_loop3A_665] : memref<16384xf32, #tpu.memory_space<vmem>>[vector<16xi32>], vector<16xf32>,
        %parallel_loop3A_667 = arith.index_cast %parallel_loop3A_653 : i32 to index
        %parallel_loop3A_668 = arith.constant 16 : index
        %parallel_loop3A_669 = tpu.vector_load %arg8[%parallel_loop3A_667, %parallel_loop3A_668] {strides = array<i32>} : memref<400x64xf32, #tpu.memory_space<vmem>>, vector<16xf32>,
        tpu.vector_store %arg8[%parallel_loop3A_667, %parallel_loop3A_668], %parallel_loop3A_666 {strides = array<i32>} : memref<400x64xf32, #tpu.memory_space<vmem>>, vector<16xf32>,
        %parallel_loop3A_670 = arith.constant 32 : i32
        %parallel_loop3A_671 = vector.broadcast %parallel_loop3A_670 : i32 to vector<16xi32>
        %parallel_loop3A_672 = arith.addi %iota3A, %parallel_loop3A_671 : vector<16xi32>
        %parallel_loop3A_673 = arith.addi %parallel_loop3A_649, %parallel_loop3A_672 : vector<16xi32>
        %parallel_loop3A_674 = tpu.vector_load_idx %arg9[%parallel_loop3A_673] : memref<16384xf32, #tpu.memory_space<vmem>>[vector<16xi32>], vector<16xf32>,
        %parallel_loop3A_675 = arith.index_cast %parallel_loop3A_653 : i32 to index
        %parallel_loop3A_676 = arith.constant 32 : index
        %parallel_loop3A_677 = tpu.vector_load %arg8[%parallel_loop3A_675, %parallel_loop3A_676] {strides = array<i32>} : memref<400x64xf32, #tpu.memory_space<vmem>>, vector<16xf32>,
        tpu.vector_store %arg8[%parallel_loop3A_675, %parallel_loop3A_676], %parallel_loop3A_674 {strides = array<i32>} : memref<400x64xf32, #tpu.memory_space<vmem>>, vector<16xf32>,
        %parallel_loop3A_678 = arith.constant 48 : i32
        %parallel_loop3A_679 = vector.broadcast %parallel_loop3A_678 : i32 to vector<16xi32>
        %parallel_loop3A_680 = arith.addi %iota3A, %parallel_loop3A_679 : vector<16xi32>
        %parallel_loop3A_681 = arith.addi %parallel_loop3A_649, %parallel_loop3A_680 : vector<16xi32>
        %parallel_loop3A_682 = tpu.vector_load_idx %arg9[%parallel_loop3A_681] : memref<16384xf32, #tpu.memory_space<vmem>>[vector<16xi32>], vector<16xf32>,
        %parallel_loop3A_683 = arith.index_cast %parallel_loop3A_653 : i32 to index
        %parallel_loop3A_684 = arith.constant 48 : index
        %parallel_loop3A_685 = tpu.vector_load %arg8[%parallel_loop3A_683, %parallel_loop3A_684] {strides = array<i32>} : memref<400x64xf32, #tpu.memory_space<vmem>>, vector<16xf32>,
        tpu.vector_store %arg8[%parallel_loop3A_683, %parallel_loop3A_684], %parallel_loop3A_682 {strides = array<i32>} : memref<400x64xf32, #tpu.memory_space<vmem>>, vector<16xf32>,
        %parallel_loop3A_686 = arith.constant 15 : i32
        %parallel_loop3A_687 = vector.broadcast %parallel_loop3A_686 : i32 to vector<16x1xi32>
        %parallel_loop3A_688 = vector.shape_cast %parallel_loop3A_687 : vector<16x1xi32> to vector<16xi32>
        %parallel_loop3A_689 = tpu.dynamic_gather %parallel_loop3A_85[%parallel_loop3A_688] in [0] : vector<16xi32>, vector<16xi32> -> vector<16xi32>
        %parallel_loop3A_690 = arith.constant 16 : i32
        %parallel_loop3A_691 = arith.muli %parallel_loop3A_78, %parallel_loop3A_690 : i32
        %parallel_loop3A_692 = arith.constant 15 : i32
        %parallel_loop3A_693 = arith.addi %parallel_loop3A_691, %parallel_loop3A_692 : i32
        %parallel_loop3A_694 = arith.constant 0 : i32
        %parallel_loop3A_695 = vector.broadcast %parallel_loop3A_694 : i32 to vector<16xi32>
        %parallel_loop3A_696 = arith.addi %iota3A, %parallel_loop3A_695 : vector<16xi32>
        %parallel_loop3A_697 = arith.addi %parallel_loop3A_689, %parallel_loop3A_696 : vector<16xi32>
        %parallel_loop3A_698 = tpu.vector_load_idx %arg9[%parallel_loop3A_697] : memref<16384xf32, #tpu.memory_space<vmem>>[vector<16xi32>], vector<16xf32>,
        %parallel_loop3A_699 = arith.index_cast %parallel_loop3A_693 : i32 to index
        %parallel_loop3A_700 = arith.constant 0 : index
        %parallel_loop3A_701 = tpu.vector_load %arg8[%parallel_loop3A_699, %parallel_loop3A_700] {strides = array<i32>} : memref<400x64xf32, #tpu.memory_space<vmem>>, vector<16xf32>,
        tpu.vector_store %arg8[%parallel_loop3A_699, %parallel_loop3A_700], %parallel_loop3A_698 {strides = array<i32>} : memref<400x64xf32, #tpu.memory_space<vmem>>, vector<16xf32>,
        %parallel_loop3A_702 = arith.constant 16 : i32
        %parallel_loop3A_703 = vector.broadcast %parallel_loop3A_702 : i32 to vector<16xi32>
        %parallel_loop3A_704 = arith.addi %iota3A, %parallel_loop3A_703 : vector<16xi32>
        %parallel_loop3A_705 = arith.addi %parallel_loop3A_689, %parallel_loop3A_704 : vector<16xi32>
        %parallel_loop3A_706 = tpu.vector_load_idx %arg9[%parallel_loop3A_705] : memref<16384xf32, #tpu.memory_space<vmem>>[vector<16xi32>], vector<16xf32>,
        %parallel_loop3A_707 = arith.index_cast %parallel_loop3A_693 : i32 to index
        %parallel_loop3A_708 = arith.constant 16 : index
        %parallel_loop3A_709 = tpu.vector_load %arg8[%parallel_loop3A_707, %parallel_loop3A_708] {strides = array<i32>} : memref<400x64xf32, #tpu.memory_space<vmem>>, vector<16xf32>,
        tpu.vector_store %arg8[%parallel_loop3A_707, %parallel_loop3A_708], %parallel_loop3A_706 {strides = array<i32>} : memref<400x64xf32, #tpu.memory_space<vmem>>, vector<16xf32>,
        %parallel_loop3A_710 = arith.constant 32 : i32
        %parallel_loop3A_711 = vector.broadcast %parallel_loop3A_710 : i32 to vector<16xi32>
        %parallel_loop3A_712 = arith.addi %iota3A, %parallel_loop3A_711 : vector<16xi32>
        %parallel_loop3A_713 = arith.addi %parallel_loop3A_689, %parallel_loop3A_712 : vector<16xi32>
        %parallel_loop3A_714 = tpu.vector_load_idx %arg9[%parallel_loop3A_713] : memref<16384xf32, #tpu.memory_space<vmem>>[vector<16xi32>], vector<16xf32>,
        %parallel_loop3A_715 = arith.index_cast %parallel_loop3A_693 : i32 to index
        %parallel_loop3A_716 = arith.constant 32 : index
        %parallel_loop3A_717 = tpu.vector_load %arg8[%parallel_loop3A_715, %parallel_loop3A_716] {strides = array<i32>} : memref<400x64xf32, #tpu.memory_space<vmem>>, vector<16xf32>,
        tpu.vector_store %arg8[%parallel_loop3A_715, %parallel_loop3A_716], %parallel_loop3A_714 {strides = array<i32>} : memref<400x64xf32, #tpu.memory_space<vmem>>, vector<16xf32>,
        %parallel_loop3A_718 = arith.constant 48 : i32
        %parallel_loop3A_719 = vector.broadcast %parallel_loop3A_718 : i32 to vector<16xi32>
        %parallel_loop3A_720 = arith.addi %iota3A, %parallel_loop3A_719 : vector<16xi32>
        %parallel_loop3A_721 = arith.addi %parallel_loop3A_689, %parallel_loop3A_720 : vector<16xi32>
        %parallel_loop3A_722 = tpu.vector_load_idx %arg9[%parallel_loop3A_721] : memref<16384xf32, #tpu.memory_space<vmem>>[vector<16xi32>], vector<16xf32>,
        %parallel_loop3A_723 = arith.index_cast %parallel_loop3A_693 : i32 to index
        %parallel_loop3A_724 = arith.constant 48 : index
        %parallel_loop3A_725 = tpu.vector_load %arg8[%parallel_loop3A_723, %parallel_loop3A_724] {strides = array<i32>} : memref<400x64xf32, #tpu.memory_space<vmem>>, vector<16xf32>,
        tpu.vector_store %arg8[%parallel_loop3A_723, %parallel_loop3A_724], %parallel_loop3A_722 {strides = array<i32>} : memref<400x64xf32, #tpu.memory_space<vmem>>, vector<16xf32>,
      } {sc.loop_unroll_factor = 1 : i64, sc.parallel_access}
      %dma_start3A_74 = arith.constant 0 : i32
      %dma_start3A_75 = tpu.memref_slice %arg4[%add3A_54, %dma_start3A_74] : memref<819200x64xf32, #tpu.memory_space<hbm>> -> memref<400x64xf32, #tpu.memory_space<hbm>>
      %dma_start3A_76 = arith.constant 0 : i32
      %dma_start3A_77 = tpu.memref_slice %arg4[%add3A_54, %dma_start3A_76] : memref<819200x64xf32, #tpu.memory_space<hbm>> -> memref<400x64xf32, #tpu.memory_space<hbm>>
      tpu.enqueue_dma source(%arg8 : memref<400x64xf32, #tpu.memory_space<vmem>>) target(%dma_start3A_77 : memref<400x64xf32, #tpu.memory_space<hbm>>) target_semaphore(%arg13 : memref<!tpu.dma_semaphore, #tpu.memory_space<semaphore_mem>>)
    }
    %scan3A_8 = arith.constant 32 : i32
    %dma_wait3A = arith.constant 0 : i32
    %dma_wait3A_9 = arith.constant 0 : i32
    %dma_wait3A_10 = tpu.memref_slice %arg4[%dma_wait3A, %dma_wait3A_9] : memref<819200x64xf32, #tpu.memory_space<hbm>> -> memref<400x64xf32, #tpu.memory_space<hbm>>
    %dma_wait3A_11 = arith.constant 0 : i32
    %dma_wait3A_12 = arith.constant 0 : i32
    %dma_wait3A_13 = tpu.memref_slice %arg4[%dma_wait3A_11, %dma_wait3A_12] : memref<819200x64xf32, #tpu.memory_space<hbm>> -> memref<400x64xf32, #tpu.memory_space<hbm>>
    tpu.wait_dma2 semaphore(%arg12 : memref<!tpu.dma_semaphore, #tpu.memory_space<semaphore_mem>>) src(%arg7 : memref<400x64xf32, #tpu.memory_space<vmem>>) dst(%dma_wait3A_13 : memref<400x64xf32, #tpu.memory_space<hbm>>)
    %dma_wait3A_14 = arith.constant 0 : i32
    %dma_wait3A_15 = arith.constant 0 : i32
    %dma_wait3A_16 = tpu.memref_slice %arg4[%dma_wait3A_14, %dma_wait3A_15] : memref<819200x64xf32, #tpu.memory_space<hbm>> -> memref<400x64xf32, #tpu.memory_space<hbm>>
    %dma_wait3A_17 = arith.constant 0 : i32
    %dma_wait3A_18 = arith.constant 0 : i32
    %dma_wait3A_19 = tpu.memref_slice %arg4[%dma_wait3A_17, %dma_wait3A_18] : memref<819200x64xf32, #tpu.memory_space<hbm>> -> memref<400x64xf32, #tpu.memory_space<hbm>>
    tpu.wait_dma2 semaphore(%arg13 : memref<!tpu.dma_semaphore, #tpu.memory_space<semaphore_mem>>) src(%arg8 : memref<400x64xf32, #tpu.memory_space<vmem>>) dst(%dma_wait3A_19 : memref<400x64xf32, #tpu.memory_space<hbm>>)
    %dma_wait3A_20 = tpu.memref_slice %arg2[%mul3A_2] : memref<819200xi32, #tpu.memory_space<hbm>> -> memref<400xi32, #tpu.memory_space<hbm>>
    %dma_wait3A_21 = tpu.memref_slice %arg2[%mul3A_2] : memref<819200xi32, #tpu.memory_space<hbm>> -> memref<400xi32, #tpu.memory_space<hbm>>
    tpu.wait_dma2 semaphore(%arg10 : memref<!tpu.dma_semaphore, #tpu.memory_space<semaphore_mem>>) src(%dma_wait3A_21 : memref<400xi32, #tpu.memory_space<hbm>>) dst(%arg5 : memref<400xi32, #tpu.memory_space<vmem>>)
    return
  }
}

</mosaic_0001>

<sc_bundles>
// kernel: kernel.3.cloned.1.call-start
scs
__scs_entry_jumppad:
0x0: {  	(pc) =	sbr.rel $0x88, $3  }
0x1: {  	(tag) =	ssettag $0x0;
	lr =	simm.s32 $0x1  }
0x2: {  	[smem:$0x3F9F] =	sst lr;
	_ =	strace $0xD0000000  }
0x3: {  	_ = 	snop  }
0x4: {  	_ = 	snop  }
0x5: {  	_ = 	snop  }
0x6: {  	_ = 	snop  }
0x7: {  	_ = 	snop  }
__scs_overlays_trampoline_lowered:
0x8: {  	[smem:$0x3FAE] =	sst s0  }
0x9: {  	[smem:$0x3FAF] =	sst s1  }
0xa: {  	[smem:$0x3FB0] =	sst s2  }
0xb: {  	[smem:$0x3FB1] =	sst s3  }
0xc: {  	[smem:$0x3FB2] =	sst s4  }
0xd: {  	[smem:$0x3FB3] =	sst s5  }
0xe: {  	[smem:$0x3FB4] =	sst s6  }
0xf: {  	[smem:$0x3FB5] =	sst s7  }
0x10: {  	[smem:$0x3FB6] =	sst s8  }
0x11: {  	[smem:$0x3FB7] =	sst s9;
	s0 =	simm.s32 @!p0 $0x0  }
0x12: {  	s1 =	sld [smem:$0x3F9D];
	s0 =	simm.s32 @p0 $0x1  }
0x13: {  	[smem:$0x3FB8] =	sst s0;
	s0 =	simm.s32 @!p1 $0x0  }
0x14: {  	s2 =	sld [smem:$0x3F9C];
	s0 =	simm.s32 @p1 $0x1  }
0x15: {  	[smem:$0x3FB9] =	sst s0;
	s0 =	simm.s32 @!p2 $0x0  }
0x16: {  	s3 =	sld [smem:$0x3FDB];
	s0 =	simm.s32 @p2 $0x1  }
0x17: {  	s4 =	simm.s32 $0x1BF5;
	[smem:$0x3FBB] =	sst s0  }
0x18: {  	s0 =	sld [smem:$0x3F9E];
	_ =	swait.ge [sflag:s4], $0x0  }
0x19: {  	s7 =	sld [smem:$0x3F9F]  }
0x1a: {  	s8 =	sadd.s32 $0xFFFFE003, lr  }
0x1b: {  	s9 =	sadd.s32 $0xFFFFFEF7, lr;
	s5 =	simm.s32 $0xFFFFFFFF;
	p2 =	slt.u32 s8, $0xFFFFF086  }
0x1c: {  	p1 =	slt.u32 s9, $0xF7A;
	s5 =	simm.s32 @!p2 $0x0  }
0x1d: {  	s5 =	simm.s32 @p1 $0x1;
	p0 =	seq.s32 s7, s2  }
0x1e: {  	s7 =	smul.u32 @!p0 $0xF7A, s2;
	p2 =	seq.s32 @!p0 s5, $0x0  }
0x1f: {  	s9 =	smul.u32 $0xF7A, s1;
	s8 =	simm.s32 @!p0 $0x1BF5;
	p2 =	por !p2, p0  }
0x20: {  	[sflag:s8] =	ssyncset.s32 @!p0 $0xFFFFF086;
	s6 =	sadd.s32 @!p0 s3, s7;
	s7 =	simm.s32 @!p0 $0x108  }
0x21: {  	s3 =	sadd.s32 s3, s9;
	s6 =	sadd.s32 @!p0 $0x88, s6;
	s7 =	simm.s32 @p2 $0x1082  }
0x22: {  	[simem:s7], [sflag:s8] =	dma.local @!p0 [hbm:s6], $0xF7A  }
0x23: {  	s9 =	sor.u32 $0xD0000000, s2;
	s6 =	simm.s32 $0x108;
	_ =	swait.ge @!p0 [sflag:s8], $0x0  }
0x24: {  	s3 =	sadd.s32 $0x88, s3;
	s6 =	simm.s32 @!p1 $0x1082;
	[sflag:s4] =	ssyncset.s32 $0xFFFFF086  }
0x25: {  	[simem:s6], [sflag:s4] =	dma.local [hbm:s3], $0xF7A  }
0x26: {  	[smem:$0x3F9F] =	sst s1;
	(tag) =	ssettag s2;
	_ =	strace s9  }
0x27: {  	s1 =	sld [smem:$0x3FAF]  }
0x28: {  	s2 =	sld [smem:$0x3FB0]  }
0x29: {  	s4 =	sld [smem:$0x3FB2]  }
0x2a: {  	p0 =	seq.s32 s5, $0x0;
	s5 =	sld [smem:$0x3FB3]  }
0x2b: {  	s6 =	sld [smem:$0x3FB4]  }
0x2c: {  	s7 =	sld [smem:$0x3FB5]  }
0x2d: {  	s3 =	simm.s32 $0x108;
	s8 =	sld [smem:$0x3FB6]  }
0x2e: {  	s3 =	simm.s32 @!p0 $0x1082;
	s9 =	sld [smem:$0x3FB7]  }
0x2f: {  	lr =	sadd.s32 s0, s3;
	s0 =	sld [smem:$0x3FAE]  }
0x30: {  	s3 =	sld [smem:$0x3FB1]  }
0x31: {  	[smem:$0x3FBA] =	sst s10  }
0x32: {  	s10 =	sld [smem:$0x3FB8];
	_ =	sdelay $0x3  }
0x33: {  	p0 =	seq.s32 s10, $0x1;
	s10 =	sld [smem:$0x3FBA];
	_ =	sdelay $0x3  }
0x34: {  	[smem:$0x3FBA] =	sst s10  }
0x35: {  	s10 =	sld [smem:$0x3FB9];
	_ =	sdelay $0x3  }
0x36: {  	p1 =	seq.s32 s10, $0x1;
	s10 =	sld [smem:$0x3FBA];
	_ =	sdelay $0x3  }
0x37: {  	[smem:$0x3FBA] =	sst s10  }
0x38: {  	s10 =	sld [smem:$0x3FBB]  }
0x39: {  	_ = 	snop;
	(pc) =	sbr.ind lr, $3  }
0x3a: {  	_ = 	snop  }
0x3b: {  	_ = 	snop  }
0x3c: {  	p2 =	seq.s32 s10, $0x1;
	s10 =	sld [smem:$0x3FBA]  }
0x3d: {  	_ =	shalt  }
0x3e: {  	_ =	shalt  }
0x3f: {  	_ =	shalt  }
0x40: {  	_ =	shalt  }
0x41: {  	_ =	shalt  }
0x42: {  	_ =	shalt  }
0x43: {  	_ =	shalt  }
0x44: {  	_ =	shalt  }
0x45: {  	_ =	shalt  }
0x46: {  	_ =	shalt  }
0x47: {  	_ =	shalt  }
0x48: {  	_ =	shalt  }
0x49: {  	_ =	shalt  }
0x4a: {  	_ =	shalt  }
0x4b: {  	_ =	shalt  }
0x4c: {  	_ =	shalt  }
0x4d: {  	_ =	shalt  }
0x4e: {  	_ =	shalt  }
0x4f: {  	_ =	shalt  }
0x50: {  	_ =	shalt  }
0x51: {  	_ =	shalt  }
0x52: {  	_ =	shalt  }
0x53: {  	_ =	shalt  }
0x54: {  	_ =	shalt  }
0x55: {  	_ =	shalt  }
0x56: {  	_ =	shalt  }
0x57: {  	_ =	shalt  }
0x58: {  	_ =	shalt  }
0x59: {  	_ =	shalt  }
0x5a: {  	_ =	shalt  }
0x5b: {  	_ =	shalt  }
0x5c: {  	_ =	shalt  }
0x5d: {  	_ =	shalt  }
0x5e: {  	_ =	shalt  }
0x5f: {  	_ =	shalt  }
0x60: {  	_ =	shalt  }
0x61: {  	_ =	shalt  }
0x62: {  	_ =	shalt  }
0x63: {  	_ =	shalt  }
0x64: {  	_ =	shalt  }
0x65: {  	_ =	shalt  }
0x66: {  	_ =	shalt  }
0x67: {  	_ =	shalt  }
0x68: {  	_ =	shalt  }
0x69: {  	_ =	shalt  }
0x6a: {  	_ =	shalt  }
0x6b: {  	_ =	shalt  }
0x6c: {  	_ =	shalt  }
0x6d: {  	_ =	shalt  }
0x6e: {  	_ =	shalt  }
0x6f: {  	_ =	shalt  }
0x70: {  	_ =	shalt  }
0x71: {  	_ =	shalt  }
0x72: {  	_ =	shalt  }
0x73: {  	_ =	shalt  }
0x74: {  	_ =	shalt  }
0x75: {  	_ =	shalt  }
0x76: {  	_ =	shalt  }
0x77: {  	_ =	shalt  }
0x78: {  	_ =	shalt  }
0x79: {  	_ =	shalt  }
0x7a: {  	_ =	shalt  }
0x7b: {  	_ =	shalt  }
0x7c: {  	_ =	shalt  }
0x7d: {  	_ =	shalt  }
0x7e: {  	_ =	shalt  }
0x7f: {  	_ =	shalt  }
0x80: {  	_ =	shalt  }
0x81: {  	_ =	shalt  }
0x82: {  	_ =	shalt  }
0x83: {  	_ =	shalt  }
0x84: {  	_ =	shalt  }
0x85: {  	_ =	shalt  }
0x86: {  	_ =	shalt  }
0x87: {  	_ =	shalt  }
.Lfunc_end0:
.L_simem_size_0:
called_computation.1_lowered:
.L_overlay_start_0:
0x88: {  	s2 =	sld [smem:$0x3FD9]  }
0x89: {  	s3 =	sld [smem:$0x3FFE];
	_ =	sdelay $0x1  }
0x8a: {  	s1 =	srdreg.scid  }
0x8b: {  	s0 =	sand.u32 $0x1, s1  }
0x8c: {  	s17 =	sshll.u32 s0, $0xA;
	s2 =	sadd.s32 s3, s2  }
0x8d: {  	s2 =	sadd.s32 s2, s17  }
0x8e: {  	[smem:$0x3FC6] =	sst s2  }
0x8f: {  	_ = 	snop  }
0x90: {  	s2 =	sld [smem:$0x3FD0];
	(tm) =	ssettm $0x1  }
0x91: {  	s18 =	sld [smem:$0x3FFB];
	_ =	sdelay $0x3  }
0x92: {  	_ =	strace s18  }
0x93: {  	s3 =	sld [smem:$0x3FFC];
	_ =	sdelay $0x3  }
0x94: {  	_ =	strace s3  }
0x95: {  	s3 =	sld [smem:$0x3FFD];
	_ =	sdelay $0x3  }
0x96: {  	_ =	strace s3  }
0x97: {  	_ =	strace $0x8FFFFFFF  }
0x98: {  	s19 =	sld [smem:$0x3FDB];
	_ =	sdelay $0x1  }
0x99: {  	s4 =	simm.s32 $_scs_section_size  }
0x9a: {  	s5 =	simm.s32 $_size__tile_overlayer_lowered;
	s6 =	simm.s32 $_tile_overlayer_lowered  }
0x9b: {  	s22 =	simm.s32 $0x1BFF;
	s21 =	sshll.u32 s6, $0x1;
	s3 =	sadd.s32 s4, s19  }
0x9c: {  	s7 =	simm.s32 $0x0;
	s20 =	sshll.u32 s5, $0x1;
	s5 =	sadd.s32 s21, s3  }
0x9d: {  	[timem:s7], [sflag:s22] =	dma.local [hbm:s5], s20  }
0x9e: {  	_ =	swait.ge [sflag:s22], s20  }
0x9f: {  	s4 =	ssub.s32 $0x0, s20;
	[sflag:s22] =	ssyncset.done $0x0  }
0xa0: {  	[sflag:s22] =	ssyncadd.s32 s4;
	_ =	sdelay $0x1  }
0xa1: {  	s23 =	simm.s32 $0x1B8B  }
0xa2: {  	_ =	swait.ge [sflag:s23], $0x1  }
0xa3: {  	[sflag:s23] =	ssyncset.done $0x0  }
0xa4: {  	s25 =	simm.s32 $0x1B8E;
	s24 =	sld [smem:$0x3FFE];
	[sflag:s23] =	ssyncadd.s32 $0xFFFFFFFF  }
0xa5: {  	s26 =	simm.s32 $execute0_lowered;
	[smem:$0x3FD2] =	sst s25  }
0xa6: {  	s5 =	sshll.u32 s26, $0x1;
	_ =	strace $0x80000046;
	[dreg:$0x1] =	wrdreg $0xFFFFFFFF  }
0xa7: {  	s28 =	simm.s32 $_size_execute0_lowered;
	s3 =	sadd.s32 s3, s5;
	[dreg:$0x0] =	wrdreg $0x0  }
0xa8: {  	s5 =	sshll.u32 s28, $0x1;
	[dreg:$0x2] =	wrdreg s3  }
0xa9: {  	[dreg:$0x3] =	wrdreg s5  }
0xaa: {  	[dreg:$0x4] =	wrdreg $0xC0  }
0xab: {  	_ =	task [dreg:s7], $0x5FFFF  }
0xac: {  	[dreg:$0x1] =	wrdreg $0xFFFFFFFF  }
0xad: {  	[dreg:$0x0] =	wrdreg $0x60  }
0xae: {  	[dreg:$0x2] =	wrdreg s2  }
0xaf: {  	[dreg:$0x3] =	wrdreg s24  }
0xb0: {  	[dreg:$0x4] =	wrdreg $0x9  }
0xb1: {  	_ =	task.clear_ibuf [dreg:s7], $0x5FFFF;
	_ =	strace $0x90000046  }
0xb2: {  	s29 =	simm.s32 $0x9;
	_ =	strace $0x80000048  }
0xb3: {  	_ =	swait.ge [sflag:s29], $0x1  }
0xb4: {  	[sflag:s29] =	ssyncadd.s32 $0xFFFFFFFF  }
0xb5: {  	_ =	strace $0x90000048  }
0xb6: {  	_ =	sfence  }
0xb7: {  	s30 =	sld [smem:$0x0];
	_ =	sdelay $0x2  }
0xb8: {  	s31 =	sshll.u32 s1, $0xD;
	s1 =	sshrl.u32 s1, $0x2  }
0xb9: {  	s3 =	sand.u32 $0x4000, s31;
	s1 =	sadd.s32 s1, s30  }
0xba: {  	s0 =	sor.u32 s3, s0;
	s1 =	sshll.u32 s1, $0x11  }
0xbb: {  	s0 =	sor.u32 s1, s0  }
0xbc: {  	s0 =	sadd.s32 $0x8F2B, s0  }
0xbd: {  	[sflag:s0] =	ssyncadd.remote.s32 $0x1  }
0xbe: {  	_ =	sfence.sel $0xFFFF  }
0xbf: {  	[dreg:$0x0] =	wrdreg $0xFFFFFFFF;
	(pc) =	sbr.abs _section_cstart, $3  }
0xc0: {  	[dreg:$0x1] =	wrdreg $0xFFFFFFFF  }
0xc1: {  	_ =	task.clear_ibuf [dreg:s7], $0x2FFFF;
	_ =	strace $0x9FFFFFFF  }
0xc2: {  	(tm) =	ssettm $0x7FFFFFFF  }
0xc3: {  	_ =	shalt  }
tec
execute0_lowered:
.L_overlay_start_1:
0x0: {  	(tag) =	ssettag $0x1  }
0x1: {  	s2 =	rddreg [dreg:$0x0]  }
0x2: {  	s1 =	srdreg.scid;
	s0 =	stileid.u32  }
0x3: {  	s6 =	rddreg [dreg:$0x1];
	s3 =	simm.s32 $0x0;
	s11 =	simm.s32 $0x19400  }
0x4: {  	s12 =	simm.s32 $0x2;
	s13 =	simm.s32 $0x1;
	s14 =	simm.s32 $0x200  }
0x5: {  	v0 =	vimm.s32 $0x7;
	v1 =	vlaneseq.u32;
	s15 =	simm.s32 $0x400;
	s16 =	simm.s32 $0xCC00;
	s17 =	simm.s32 $0x3  }
0x6: {  	v2 =	vimm.s32 $0x0;
	v6 =	vimm.s32 $0x1;
	v7 =	vimm.s32 $0x2;
	s18 =	simm.s32 $0x4;
	s1 =	sand.u32 $0x1, s1;
	s4 =	sshll.u32 s0, $0x1  }
0x7: {  	v8 =	vimm.s32 $0x3;
	v9 =	vimm.s32 $0x4;
	v10 =	vimm.s32 $0x5;
	s19 =	simm.s32 $0x0;
	[smem:$0x7FF] =	sst s3;
	s4 =	sor.u32 s1, s4  }
0x8: {  	v11 =	vimm.s32 $0x6;
	v12 =	vimm.s32 $0x8;
	v13 =	vimm.s32 $0x9;
	s5 =	sadd.s32 $0x800, s6;
	s1 =	ssub.s32 $0x2, s1;
	s4 =	smul.u32 $0x6400, s4  }
0x9: {  	v14 =	vimm.s32 $0xA;
	v15 =	vimm.s32 $0xB;
	v16 =	vimm.s32 $0xC;
	s6 =	sadd.s32 $0x1000, s6;
	_ =	strace $0x80000047;
	s7 =	sshrl.u32 s1, $0x1  }
0xa: {  	v17 =	vimm.s32 $0xD;
	v18 =	vimm.s32 $0xE;
	v19 =	vimm.s32 $0xF;
	s1 =	ssub.s32 s1, s7;
	s8 =	sshrl.u32 s4, $0x3;
	s9 =	sor.u32 $0x320, s4  }
0xb: {  	v3 =	vor.u32 $0x10, v1;
	v4 =	vor.u32 $0x20, v1;
	v5 =	vor.u32 $0x30, v1;
	s10 =	smax.u32 s1, $0x1;
	s7 =	sadd.s32 s2, s8;
	s8 =	sor.u32 $0x190, s4  }
.LBB2_1:
0xc: {  	[tilespmem:s11], [sflag:$0x2] =	stream.linear.gather [hbm4b:s5+s3], $0x4000, $0x38;
	[tilespmem:$0x1D400] =	vst v63  }
0xd: {  	_ = 	snop  }
0xe: {  	[tilespmem:s3], [sflag:$0x1] =	stream.linear.gather [hbm4b:s7+s3], $0x190, $0x38;
	[tilespmem:$0x1D400] =	vst v63  }
0xf: {  	_ =	swait.ge [sflag:s12], $0x4000  }
0x10: {  	[sflag:s12] =	ssyncset.done $0x0  }
0x11: {  	s20 =	simm.s32 $0x0;
	[sflag:s12] =	ssyncadd.s32 $0xFFFFC000  }
.LBB2_2:
0x12: {  	s31 =	smul.u32 $0x320, s20;
	_ =	sdelay $0x1  }
0x13: {  	_ =	swait.ge [sflag:s13], $0x190;
	s21 =	sadd.s32 s31, s8  }
0x14: {  	[sflag:s13] =	ssyncset.done $0x0;
	s1 =	sshrl.u32 s21, $0x3  }
0x15: {  	p0 =	seq.s32 s20, $0x0;
	[sflag:s13] =	ssyncadd.s32 $0xFFFFFE70;
	s1 =	sadd.s32 s2, s1  }
0x16: {  	[tilespmem:s14], [sflag:$0x1] =	stream.linear.gather [hbm4b:s1+s3], $0x190, $0x38;
	[tilespmem:$0x1D400] =	vst v63  }
0x17: {  	s1 =	simm.s32 @!p0 $0x3  }
0x18: {  	_ =	swait.ge @!p0 [sflag:s1], $0xC800  }
0x19: {  	[sflag:s1] =	ssyncset.done @!p0 $0x0  }
0x1a: {  	s0 =	simm.s32 $0x0;
	[sflag:s1] =	ssyncadd.s32 @!p0 $0xFFFF3800  }
0x1b: {  	v20 =	vld [tilespmem:s0+$0x0];
	_ =	sdelay $0x4  }
0x1c: {  	v26 =	vshll.u32 v20, $0x7  }
0x1d: {  	v20 =	vperm.xlane v26, v2;
	_ =	sdelay $0x1  }
0x1e: {  	v21 =	vadd.s32 v1, v20;
	_ =	sdelay $0x2  }
0x1f: {  	s22 =	simm.s32 $0x10  }
0x20: {  	v22 =	vld [tilespmem:s22+$0x0]  }
0x21: {  	v21 =	vld.idx.msk [tilespmem:v21+s11+$0x0], $0xffff  }
0x22: {  	v23 =	vadd.s32 v3, v20;
	_ =	sdelay $0x2  }
0x23: {  	s29 =	simm.s32 $0x800  }
0x24: {  	[tilespmem:s29+$0xFFFFFC00] =	vst v21  }
0x25: {  	v21 =	vld.idx.msk [tilespmem:v23+s11+$0x0], $0xffff  }
0x26: {  	v23 =	vadd.s32 v4, v20;
	_ =	sdelay $0x3  }
0x27: {  	[tilespmem:s29+$0xFFFFFC10] =	vst v21  }
0x28: {  	v21 =	vld.idx.msk [tilespmem:v23+s11+$0x0], $0xffff  }
0x29: {  	v20 =	vadd.s32 v5, v20;
	_ =	sdelay $0x3  }
0x2a: {  	[tilespmem:s29+$0xFFFFFC20] =	vst v21;
	v21 =	vperm.xlane v26, v6  }
0x2b: {  	v20 =	vld.idx.msk [tilespmem:v20+s11+$0x0], $0xffff  }
0x2c: {  	v23 =	vadd.s32 v1, v21;
	_ =	sdelay $0x3  }
0x2d: {  	[tilespmem:s29+$0xFFFFFC30] =	vst v20  }
0x2e: {  	v20 =	vld.idx.msk [tilespmem:v23+s11+$0x0], $0xffff  }
0x2f: {  	v23 =	vadd.s32 v3, v21;
	_ =	sdelay $0x3  }
0x30: {  	[tilespmem:s29+$0xFFFFFC80] =	vst v20  }
0x31: {  	v20 =	vld.idx.msk [tilespmem:v23+s11+$0x0], $0xffff  }
0x32: {  	v23 =	vadd.s32 v4, v21;
	_ =	sdelay $0x3  }
0x33: {  	[tilespmem:s29+$0xFFFFFC90] =	vst v20  }
0x34: {  	v20 =	vld.idx.msk [tilespmem:v23+s11+$0x0], $0xffff  }
0x35: {  	v21 =	vadd.s32 v5, v21;
	_ =	sdelay $0x3  }
0x36: {  	[tilespmem:s29+$0xFFFFFCA0] =	vst v20;
	v20 =	vperm.xlane v26, v7  }
0x37: {  	v21 =	vld.idx.msk [tilespmem:v21+s11+$0x0], $0xffff  }
0x38: {  	v23 =	vadd.s32 v1, v20;
	_ =	sdelay $0x3  }
0x39: {  	[tilespmem:s29+$0xFFFFFCB0] =	vst v21  }
0x3a: {  	v22 =	vshll.u32 v22, $0x7;
	v21 =	vld.idx.msk [tilespmem:v23+s11+$0x0], $0xffff  }
0x3b: {  	v24 =	vadd.s32 v3, v20;
	v23 =	vperm.xlane v22, v2;
	_ =	sdelay $0x1  }
0x3c: {  	v25 =	vadd.s32 v1, v23;
	_ =	sdelay $0x1  }
0x3d: {  	[tilespmem:s29+$0xFFFFFD00] =	vst v21  }
0x3e: {  	v21 =	vld.idx.msk [tilespmem:v24+s11+$0x0], $0xffff  }
0x3f: {  	v24 =	vadd.s32 v4, v20  }
0x40: {  	v25 =	vld.idx.msk [tilespmem:v25+s11+$0x0], $0xffff  }
0x41: {  	v27 =	vadd.s32 v3, v23;
	_ =	sdelay $0x1  }
0x42: {  	[tilespmem:s29+$0xFFFFFD10] =	vst v21  }
0x43: {  	s24 =	simm.s32 $0x1000;
	v21 =	vld.idx.msk [tilespmem:v24+s11+$0x0], $0xffff  }
0x44: {  	v20 =	vadd.s32 v5, v20;
	[tilespmem:s24+$0xFFFFFC00] =	vst v25  }
0x45: {  	v24 =	vld.idx.msk [tilespmem:v27+s11+$0x0], $0xffff  }
0x46: {  	v25 =	vadd.s32 v4, v23;
	_ =	sdelay $0x1  }
0x47: {  	[tilespmem:s29+$0xFFFFFD20] =	vst v21;
	v21 =	vperm.xlane v26, v8  }
0x48: {  	v20 =	vld.idx.msk [tilespmem:v20+s11+$0x0], $0xffff  }
0x49: {  	[tilespmem:s24+$0xFFFFFC10] =	vst v24;
	v24 =	vadd.s32 v1, v21  }
0x4a: {  	v25 =	vld.idx.msk [tilespmem:v25+s11+$0x0], $0xffff  }
0x4b: {  	v23 =	vadd.s32 v5, v23;
	_ =	sdelay $0x1  }
0x4c: {  	[tilespmem:s29+$0xFFFFFD30] =	vst v20  }
0x4d: {  	v20 =	vld.idx.msk [tilespmem:v24+s11+$0x0], $0xffff  }
0x4e: {  	[tilespmem:s24+$0xFFFFFC20] =	vst v25;
	v24 =	vperm.xlane v22, v6;
	v25 =	vadd.s32 v3, v21  }
0x4f: {  	v23 =	vld.idx.msk [tilespmem:v23+s11+$0x0], $0xffff  }
0x50: {  	v27 =	vadd.s32 v1, v24;
	_ =	sdelay $0x1  }
0x51: {  	[tilespmem:s29+$0xFFFFFD80] =	vst v20  }
0x52: {  	v20 =	vld.idx.msk [tilespmem:v25+s11+$0x0], $0xffff  }
0x53: {  	[tilespmem:s24+$0xFFFFFC30] =	vst v23;
	v23 =	vadd.s32 v4, v21  }
0x54: {  	v25 =	vld.idx.msk [tilespmem:v27+s11+$0x0], $0xffff  }
0x55: {  	v27 =	vadd.s32 v3, v24;
	_ =	sdelay $0x1  }
0x56: {  	[tilespmem:s29+$0xFFFFFD90] =	vst v20  }
0x57: {  	v20 =	vld.idx.msk [tilespmem:v23+s11+$0x0], $0xffff  }
0x58: {  	v21 =	vadd.s32 v5, v21;
	[tilespmem:s24+$0xFFFFFC80] =	vst v25  }
0x59: {  	v23 =	vld.idx.msk [tilespmem:v27+s11+$0x0], $0xffff  }
0x5a: {  	v25 =	vadd.s32 v4, v24;
	_ =	sdelay $0x1  }
0x5b: {  	v27 =	vperm.xlane v26, v9;
	[tilespmem:s29+$0xFFFFFDA0] =	vst v20  }
0x5c: {  	v20 =	vld.idx.msk [tilespmem:v21+s11+$0x0], $0xffff  }
0x5d: {  	[tilespmem:s24+$0xFFFFFC90] =	vst v23;
	v21 =	vadd.s32 v1, v27  }
0x5e: {  	v23 =	vld.idx.msk [tilespmem:v25+s11+$0x0], $0xffff  }
0x5f: {  	v24 =	vadd.s32 v5, v24;
	_ =	sdelay $0x1  }
0x60: {  	[tilespmem:s29+$0xFFFFFDB0] =	vst v20  }
0x61: {  	v20 =	vld.idx.msk [tilespmem:v21+s11+$0x0], $0xffff  }
0x62: {  	[tilespmem:s24+$0xFFFFFCA0] =	vst v23;
	v21 =	vperm.xlane v22, v7;
	v23 =	vadd.s32 v3, v27  }
0x63: {  	s23 =	simm.s32 $0x20;
	v24 =	vld.idx.msk [tilespmem:v24+s11+$0x0], $0xffff  }
0x64: {  	v25 =	vld [tilespmem:s23+$0x0];
	v28 =	vadd.s32 v1, v21;
	_ =	sdelay $0x1  }
0x65: {  	[tilespmem:s29+$0xFFFFFE00] =	vst v20  }
0x66: {  	v23 =	vld.idx.msk [tilespmem:v23+s11+$0x0], $0xffff  }
0x67: {  	[tilespmem:s24+$0xFFFFFCB0] =	vst v24;
	v24 =	vadd.s32 v4, v27  }
0x68: {  	v20 =	vshll.u32 v25, $0x7;
	v28 =	vld.idx.msk [tilespmem:v28+s11+$0x0], $0xffff  }
0x69: {  	v29 =	vadd.s32 v3, v21;
	v25 =	vperm.xlane v20, v2;
	_ =	sdelay $0x1  }
0x6a: {  	v30 =	vadd.s32 v1, v25;
	[tilespmem:s29+$0xFFFFFE10] =	vst v23  }
0x6b: {  	v23 =	vld.idx.msk [tilespmem:v24+s11+$0x0], $0xffff  }
0x6c: {  	[tilespmem:s24+$0xFFFFFD00] =	vst v28;
	v24 =	vadd.s32 v5, v27  }
0x6d: {  	v27 =	vld.idx.msk [tilespmem:v29+s11+$0x0], $0xffff  }
0x6e: {  	v28 =	vadd.s32 v4, v21  }
0x6f: {  	v29 =	vld.idx.msk [tilespmem:v30+s11+$0x0], $0xffff  }
0x70: {  	v30 =	vadd.s32 v3, v25;
	[tilespmem:s29+$0xFFFFFE20] =	vst v23;
	v23 =	vperm.xlane v26, v10  }
0x71: {  	v24 =	vld.idx.msk [tilespmem:v24+s11+$0x0], $0xffff  }
0x72: {  	[tilespmem:s24+$0xFFFFFD10] =	vst v27;
	v27 =	vadd.s32 v1, v23  }
0x73: {  	s22 =	simm.s32 $0x1800;
	v28 =	vld.idx.msk [tilespmem:v28+s11+$0x0], $0xffff  }
0x74: {  	v21 =	vadd.s32 v5, v21;
	[tilespmem:s22+$0xFFFFFC00] =	vst v29  }
0x75: {  	v29 =	vld.idx.msk [tilespmem:v30+s11+$0x0], $0xffff  }
0x76: {  	v30 =	vadd.s32 v4, v25;
	[tilespmem:s29+$0xFFFFFE30] =	vst v24  }
0x77: {  	v24 =	vld.idx.msk [tilespmem:v27+s11+$0x0], $0xffff  }
0x78: {  	[tilespmem:s24+$0xFFFFFD20] =	vst v28;
	v27 =	vperm.xlane v22, v8;
	v28 =	vadd.s32 v3, v23  }
0x79: {  	v21 =	vld.idx.msk [tilespmem:v21+s11+$0x0], $0xffff  }
0x7a: {  	[tilespmem:s22+$0xFFFFFC10] =	vst v29;
	v29 =	vadd.s32 v1, v27  }
0x7b: {  	v30 =	vld.idx.msk [tilespmem:v30+s11+$0x0], $0xffff  }
0x7c: {  	v25 =	vadd.s32 v5, v25;
	[tilespmem:s29+$0xFFFFFE80] =	vst v24  }
0x7d: {  	v24 =	vld.idx.msk [tilespmem:v28+s11+$0x0], $0xffff  }
0x7e: {  	[tilespmem:s24+$0xFFFFFD30] =	vst v21;
	v21 =	vadd.s32 v4, v23  }
0x7f: {  	v28 =	vld.idx.msk [tilespmem:v29+s11+$0x0], $0xffff  }
0x80: {  	[tilespmem:s22+$0xFFFFFC20] =	vst v30;
	v30 =	vadd.s32 v3, v27;
	v29 =	vperm.xlane v20, v6  }
0x81: {  	v25 =	vld.idx.msk [tilespmem:v25+s11+$0x0], $0xffff  }
0x82: {  	v31 =	vadd.s32 v1, v29;
	[tilespmem:s29+$0xFFFFFE90] =	vst v24  }
0x83: {  	v21 =	vld.idx.msk [tilespmem:v21+s11+$0x0], $0xffff  }
0x84: {  	v23 =	vadd.s32 v5, v23;
	[tilespmem:s24+$0xFFFFFD80] =	vst v28  }
0x85: {  	v24 =	vld.idx.msk [tilespmem:v30+s11+$0x0], $0xffff  }
0x86: {  	[tilespmem:s22+$0xFFFFFC30] =	vst v25;
	v25 =	vadd.s32 v4, v27  }
0x87: {  	v28 =	vld.idx.msk [tilespmem:v31+s11+$0x0], $0xffff  }
0x88: {  	v30 =	vadd.s32 v3, v29;
	[tilespmem:s29+$0xFFFFFEA0] =	vst v21;
	v21 =	vperm.xlane v26, v11  }
0x89: {  	v23 =	vld.idx.msk [tilespmem:v23+s11+$0x0], $0xffff  }
0x8a: {  	[tilespmem:s24+$0xFFFFFD90] =	vst v24;
	v24 =	vadd.s32 v1, v21  }
0x8b: {  	v25 =	vld.idx.msk [tilespmem:v25+s11+$0x0], $0xffff  }
0x8c: {  	v27 =	vadd.s32 v5, v27;
	[tilespmem:s22+$0xFFFFFC80] =	vst v28  }
0x8d: {  	v28 =	vld.idx.msk [tilespmem:v30+s11+$0x0], $0xffff  }
0x8e: {  	v30 =	vadd.s32 v4, v29;
	[tilespmem:s29+$0xFFFFFEB0] =	vst v23  }
0x8f: {  	v23 =	vld.idx.msk [tilespmem:v24+s11+$0x0], $0xffff  }
0x90: {  	[tilespmem:s24+$0xFFFFFDA0] =	vst v25;
	v24 =	vperm.xlane v22, v9;
	v25 =	vadd.s32 v3, v21  }
0x91: {  	v27 =	vld.idx.msk [tilespmem:v27+s11+$0x0], $0xffff  }
0x92: {  	[tilespmem:s22+$0xFFFFFC90] =	vst v28;
	v28 =	vadd.s32 v1, v24  }
0x93: {  	v30 =	vld.idx.msk [tilespmem:v30+s11+$0x0], $0xffff  }
0x94: {  	v29 =	vadd.s32 v5, v29;
	[tilespmem:s29+$0xFFFFFF00] =	vst v23  }
0x95: {  	v23 =	vld.idx.msk [tilespmem:v25+s11+$0x0], $0xffff  }
0x96: {  	[tilespmem:s24+$0xFFFFFDB0] =	vst v27;
	v25 =	vadd.s32 v4, v21  }
0x97: {  	s25 =	simm.s32 $0x30;
	v27 =	vld.idx.msk [tilespmem:v28+s11+$0x0], $0xffff  }
0x98: {  	v31 =	vadd.s32 v3, v24;
	v28 =	vld [tilespmem:s25+$0x0];
	[tilespmem:s22+$0xFFFFFCA0] =	vst v30;
	v30 =	vperm.xlane v20, v7  }
0x99: {  	v29 =	vld.idx.msk [tilespmem:v29+s11+$0x0], $0xffff  }
0x9a: {  	v32 =	vadd.s32 v1, v30;
	[tilespmem:s29+$0xFFFFFF10] =	vst v23  }
0x9b: {  	v23 =	vld.idx.msk [tilespmem:v25+s11+$0x0], $0xffff  }
0x9c: {  	[tilespmem:s24+$0xFFFFFE00] =	vst v27;
	v25 =	vadd.s32 v5, v21  }
0x9d: {  	v27 =	vld.idx.msk [tilespmem:v31+s11+$0x0], $0xffff  }
0x9e: {  	v21 =	vshll.u32 v28, $0x7;
	[tilespmem:s22+$0xFFFFFCB0] =	vst v29;
	v29 =	vadd.s32 v4, v24  }
0x9f: {  	v31 =	vperm.xlane v21, v2;
	v28 =	vld.idx.msk [tilespmem:v32+s11+$0x0], $0xffff  }
0xa0: {  	v43 =	vadd.s32 v3, v30;
	[tilespmem:s29+$0xFFFFFF20] =	vst v23;
	v23 =	vperm.xlane v26, v0  }
0xa1: {  	v33 =	vadd.s32 v1, v31;
	v25 =	vld.idx.msk [tilespmem:v25+s11+$0x0], $0xffff  }
0xa2: {  	[tilespmem:s24+$0xFFFFFE10] =	vst v27;
	v27 =	vadd.s32 v1, v23  }
0xa3: {  	v29 =	vld.idx.msk [tilespmem:v29+s11+$0x0], $0xffff  }
0xa4: {  	v24 =	vadd.s32 v5, v24;
	[tilespmem:s22+$0xFFFFFD00] =	vst v28  }
0xa5: {  	v28 =	vld.idx.msk [tilespmem:v43+s11+$0x0], $0xffff  }
0xa6: {  	v45 =	vadd.s32 v4, v30;
	v44 =	vld.idx.msk [tilespmem:v33+s11+$0x0], $0xffff;
	[tilespmem:s29+$0xFFFFFF30] =	vst v25  }
0xa7: {  	v25 =	vld.idx.msk [tilespmem:v27+s11+$0x0], $0xffff;
	v27 =	vadd.s32 v3, v31  }
0xa8: {  	v34 =	vadd.s32 v3, v23;
	[tilespmem:s24+$0xFFFFFE20] =	vst v29;
	v29 =	vperm.xlane v22, v10  }
0xa9: {  	v24 =	vld.idx.msk [tilespmem:v24+s11+$0x0], $0xffff  }
0xaa: {  	s23 =	simm.s32 $0x2000;
	[tilespmem:s22+$0xFFFFFD10] =	vst v28;
	v28 =	vadd.s32 v1, v29  }
0xab: {  	[tilespmem:s23+$0xFFFFFC00] =	vst v44;
	v33 =	vld.idx.msk [tilespmem:v45+s11+$0x0], $0xffff  }
0xac: {  	v30 =	vadd.s32 v5, v30;
	v27 =	vld.idx.msk [tilespmem:v27+s11+$0x0], $0xffff;
	[tilespmem:s29+$0xFFFFFF80] =	vst v25  }
0xad: {  	v46 =	vadd.s32 v4, v31;
	v25 =	vld.idx.msk [tilespmem:v34+s11+$0x0], $0xffff  }
0xae: {  	[tilespmem:s24+$0xFFFFFE30] =	vst v24;
	v24 =	vadd.s32 v4, v23  }
0xaf: {  	v28 =	vld.idx.msk [tilespmem:v28+s11+$0x0], $0xffff  }
0xb0: {  	v47 =	vperm.xlane v20, v8;
	v48 =	vadd.s32 v3, v29;
	[tilespmem:s22+$0xFFFFFD20] =	vst v33  }
0xb1: {  	v30 =	vld.idx.msk [tilespmem:v30+s11+$0x0], $0xffff;
	[tilespmem:s23+$0xFFFFFC10] =	vst v27  }
0xb2: {  	v49 =	vadd.s32 v1, v47;
	v27 =	vld.idx.msk [tilespmem:v46+s11+$0x0], $0xffff;
	[tilespmem:s29+$0xFFFFFF90] =	vst v25  }
0xb3: {  	v25 =	vadd.s32 v5, v31;
	v24 =	vld.idx.msk [tilespmem:v24+s11+$0x0], $0xffff  }
0xb4: {  	v23 =	vadd.s32 v5, v23;
	[tilespmem:s24+$0xFFFFFE80] =	vst v28  }
0xb5: {  	v28 =	vld.idx.msk [tilespmem:v48+s11+$0x0], $0xffff  }
0xb6: {  	[tilespmem:s22+$0xFFFFFD30] =	vst v30;
	v30 =	vadd.s32 v4, v29  }
0xb7: {  	v31 =	vld.idx.msk [tilespmem:v49+s11+$0x0], $0xffff;
	[tilespmem:s23+$0xFFFFFC20] =	vst v27;
	v27 =	vperm.xlane v21, v6  }
0xb8: {  	v50 =	vadd.s32 v3, v47;
	v25 =	vld.idx.msk [tilespmem:v25+s11+$0x0], $0xffff;
	[tilespmem:s29+$0xFFFFFFA0] =	vst v24;
	v24 =	vperm.xlane v26, v12  }
0xb9: {  	v23 =	vld.idx.msk [tilespmem:v23+s11+$0x0], $0xffff;
	v51 =	vadd.s32 v1, v27  }
0xba: {  	[tilespmem:s24+$0xFFFFFE90] =	vst v28;
	v28 =	vadd.s32 v1, v24  }
0xbb: {  	v30 =	vld.idx.msk [tilespmem:v30+s11+$0x0], $0xffff  }
0xbc: {  	v29 =	vadd.s32 v5, v29;
	[tilespmem:s22+$0xFFFFFD80] =	vst v31  }
0xbd: {  	v31 =	vld.idx.msk [tilespmem:v50+s11+$0x0], $0xffff;
	[tilespmem:s23+$0xFFFFFC30] =	vst v25  }
0xbe: {  	v52 =	vadd.s32 v4, v47;
	v25 =	vld.idx.msk [tilespmem:v51+s11+$0x0], $0xffff;
	[tilespmem:s29+$0xFFFFFFB0] =	vst v23  }
0xbf: {  	v23 =	vld.idx.msk [tilespmem:v28+s11+$0x0], $0xffff;
	v28 =	vadd.s32 v3, v27  }
0xc0: {  	v53 =	vadd.s32 v3, v24;
	[tilespmem:s24+$0xFFFFFEA0] =	vst v30;
	v30 =	vperm.xlane v22, v11  }
0xc1: {  	v29 =	vld.idx.msk [tilespmem:v29+s11+$0x0], $0xffff  }
0xc2: {  	[tilespmem:s22+$0xFFFFFD90] =	vst v31;
	v31 =	vadd.s32 v1, v30  }
0xc3: {  	v32 =	vld.idx.msk [tilespmem:v52+s11+$0x0], $0xffff;
	[tilespmem:s23+$0xFFFFFC80] =	vst v25  }
0xc4: {  	v25 =	vld.idx.msk [tilespmem:v28+s11+$0x0], $0xffff;
	v28 =	vadd.s32 v5, v47;
	[tilespmem:s29+$0x0] =	vst v23  }
0xc5: {  	v54 =	vadd.s32 v4, v27;
	v23 =	vld.idx.msk [tilespmem:v53+s11+$0x0], $0xffff  }
0xc6: {  	[tilespmem:s24+$0xFFFFFEB0] =	vst v29;
	v29 =	vadd.s32 v4, v24  }
0xc7: {  	v31 =	vld.idx.msk [tilespmem:v31+s11+$0x0], $0xffff  }
0xc8: {  	v55 =	vperm.xlane v20, v9;
	v56 =	vadd.s32 v3, v30;
	[tilespmem:s22+$0xFFFFFDA0] =	vst v32  }
0xc9: {  	v28 =	vld.idx.msk [tilespmem:v28+s11+$0x0], $0xffff;
	[tilespmem:s23+$0xFFFFFC90] =	vst v25  }
0xca: {  	v57 =	vadd.s32 v1, v55;
	v25 =	vld.idx.msk [tilespmem:v54+s11+$0x0], $0xffff;
	[tilespmem:s29+$0x10] =	vst v23  }
0xcb: {  	v27 =	vadd.s32 v5, v27;
	v23 =	vld.idx.msk [tilespmem:v29+s11+$0x0], $0xffff  }
0xcc: {  	v24 =	vadd.s32 v5, v24;
	[tilespmem:s24+$0xFFFFFF00] =	vst v31  }
0xcd: {  	s26 =	simm.s32 $0x40;
	v29 =	vld.idx.msk [tilespmem:v56+s11+$0x0], $0xffff  }
0xce: {  	v31 =	vld [tilespmem:s26+$0x0];
	[tilespmem:s22+$0xFFFFFDB0] =	vst v28;
	v28 =	vadd.s32 v4, v30  }
0xcf: {  	v33 =	vld.idx.msk [tilespmem:v57+s11+$0x0], $0xffff;
	[tilespmem:s23+$0xFFFFFCA0] =	vst v25;
	v25 =	vperm.xlane v21, v7  }
0xd0: {  	v35 =	vperm.xlane v26, v13;
	v58 =	vadd.s32 v3, v55;
	v27 =	vld.idx.msk [tilespmem:v27+s11+$0x0], $0xffff;
	[tilespmem:s29+$0x20] =	vst v23  }
0xd1: {  	v23 =	vld.idx.msk [tilespmem:v24+s11+$0x0], $0xffff;
	v24 =	vadd.s32 v1, v25  }
0xd2: {  	[tilespmem:s24+$0xFFFFFF10] =	vst v29;
	v29 =	vadd.s32 v1, v35  }
0xd3: {  	v28 =	vld.idx.msk [tilespmem:v28+s11+$0x0], $0xffff  }
0xd4: {  	v30 =	vadd.s32 v5, v30;
	[tilespmem:s22+$0xFFFFFE00] =	vst v33  }
0xd5: {  	v33 =	vld.idx.msk [tilespmem:v58+s11+$0x0], $0xffff;
	[tilespmem:s23+$0xFFFFFCB0] =	vst v27  }
0xd6: {  	v27 =	vadd.s32 v4, v55;
	v24 =	vld.idx.msk [tilespmem:v24+s11+$0x0], $0xffff;
	[tilespmem:s29+$0x30] =	vst v23;
	v23 =	vshll.u32 v31, $0x7  }
0xd7: {  	v59 =	vadd.s32 v3, v25;
	v29 =	vld.idx.msk [tilespmem:v29+s11+$0x0], $0xffff;
	v31 =	vperm.xlane v23, v2  }
0xd8: {  	v36 =	vadd.s32 v3, v35;
	[tilespmem:s24+$0xFFFFFF20] =	vst v28;
	v28 =	vperm.xlane v22, v0  }
0xd9: {  	v30 =	vld.idx.msk [tilespmem:v30+s11+$0x0], $0xffff;
	v37 =	vadd.s32 v1, v31  }
0xda: {  	[tilespmem:s22+$0xFFFFFE10] =	vst v33;
	v60 =	vadd.s32 v1, v28  }
0xdb: {  	v27 =	vld.idx.msk [tilespmem:v27+s11+$0x0], $0xffff;
	[tilespmem:s23+$0xFFFFFD00] =	vst v24  }
0xdc: {  	v32 =	vadd.s32 v5, v55;
	v24 =	vld.idx.msk [tilespmem:v59+s11+$0x0], $0xffff;
	[tilespmem:s29+$0x80] =	vst v29  }
0xdd: {  	v61 =	vadd.s32 v4, v25;
	v29 =	vld.idx.msk [tilespmem:v36+s11+$0x0], $0xffff  }
0xde: {  	v62 =	vld.idx.msk [tilespmem:v37+s11+$0x0], $0xffff;
	[tilespmem:s24+$0xFFFFFF30] =	vst v30;
	v30 =	vadd.s32 v4, v35  }
0xdf: {  	v63 =	vadd.s32 v3, v31;
	v33 =	vld.idx.msk [tilespmem:v60+s11+$0x0], $0xffff  }
0xe0: {  	v38 =	vadd.s32 v3, v28;
	[tilespmem:s22+$0xFFFFFE20] =	vst v27;
	v27 =	vperm.xlane v20, v10  }
0xe1: {  	v32 =	vld.idx.msk [tilespmem:v32+s11+$0x0], $0xffff;
	[tilespmem:s23+$0xFFFFFD10] =	vst v24  }
0xe2: {  	s25 =	simm.s32 $0x2800;
	v24 =	vld.idx.msk [tilespmem:v61+s11+$0x0], $0xffff;
	v40 =	vadd.s32 v1, v27;
	[tilespmem:s29+$0x90] =	vst v29  }
0xe3: {  	v25 =	vadd.s32 v5, v25;
	[tilespmem:s25+$0xFFFFFC00] =	vst v62;
	v29 =	vld.idx.msk [tilespmem:v30+s11+$0x0], $0xffff  }
0xe4: {  	v41 =	vadd.s32 v5, v35;
	v30 =	vld.idx.msk [tilespmem:v63+s11+$0x0], $0xffff;
	[tilespmem:s24+$0xFFFFFF80] =	vst v33  }
0xe5: {  	v43 =	vadd.s32 v4, v31;
	v42 =	vld.idx.msk [tilespmem:v38+s11+$0x0], $0xffff  }
0xe6: {  	v44 =	vadd.s32 v4, v28;
	[tilespmem:s22+$0xFFFFFE30] =	vst v32  }
0xe7: {  	v34 =	vld.idx.msk [tilespmem:v40+s11+$0x0], $0xffff;
	[tilespmem:s23+$0xFFFFFD20] =	vst v24;
	v24 =	vperm.xlane v21, v8  }
0xe8: {  	v45 =	vadd.s32 v3, v27;
	v25 =	vld.idx.msk [tilespmem:v25+s11+$0x0], $0xffff;
	[tilespmem:s29+$0xA0] =	vst v29;
	v29 =	vperm.xlane v26, v14  }
0xe9: {  	[tilespmem:s25+$0xFFFFFC10] =	vst v30;
	v30 =	vld.idx.msk [tilespmem:v41+s11+$0x0], $0xffff;
	v46 =	vadd.s32 v1, v24  }
0xea: {  	v36 =	vld.idx.msk [tilespmem:v43+s11+$0x0], $0xffff;
	[tilespmem:s24+$0xFFFFFF90] =	vst v42;
	v47 =	vadd.s32 v1, v29  }
0xeb: {  	v31 =	vadd.s32 v5, v31;
	v32 =	vld.idx.msk [tilespmem:v44+s11+$0x0], $0xffff  }
0xec: {  	v28 =	vadd.s32 v5, v28;
	[tilespmem:s22+$0xFFFFFE80] =	vst v34  }
0xed: {  	v34 =	vld.idx.msk [tilespmem:v45+s11+$0x0], $0xffff;
	[tilespmem:s23+$0xFFFFFD30] =	vst v25  }
0xee: {  	v48 =	vadd.s32 v4, v27;
	v25 =	vld.idx.msk [tilespmem:v46+s11+$0x0], $0xffff;
	[tilespmem:s29+$0xB0] =	vst v30  }
0xef: {  	v49 =	vperm.xlane v23, v6;
	v50 =	vadd.s32 v3, v24;
	[tilespmem:s25+$0xFFFFFC20] =	vst v36;
	v30 =	vld.idx.msk [tilespmem:v47+s11+$0x0], $0xffff  }
0xf0: {  	v51 =	vperm.xlane v22, v12;
	v52 =	vadd.s32 v3, v29;
	v31 =	vld.idx.msk [tilespmem:v31+s11+$0x0], $0xffff;
	[tilespmem:s24+$0xFFFFFFA0] =	vst v32  }
0xf1: {  	v53 =	vadd.s32 v1, v49;
	v28 =	vld.idx.msk [tilespmem:v28+s11+$0x0], $0xffff  }
0xf2: {  	v54 =	vadd.s32 v1, v51;
	[tilespmem:s22+$0xFFFFFE90] =	vst v34  }
0xf3: {  	v33 =	vld.idx.msk [tilespmem:v48+s11+$0x0], $0xffff;
	[tilespmem:s23+$0xFFFFFD80] =	vst v25  }
0xf4: {  	v27 =	vadd.s32 v5, v27;
	v25 =	vld.idx.msk [tilespmem:v50+s11+$0x0], $0xffff;
	[tilespmem:s29+$0x100] =	vst v30  }
0xf5: {  	[tilespmem:s25+$0xFFFFFC30] =	vst v31;
	v30 =	vld.idx.msk [tilespmem:v52+s11+$0x0], $0xffff;
	v31 =	vadd.s32 v4, v24  }
0xf6: {  	v55 =	vld.idx.msk [tilespmem:v53+s11+$0x0], $0xffff;
	[tilespmem:s24+$0xFFFFFFB0] =	vst v28;
	v28 =	vadd.s32 v4, v29  }
0xf7: {  	v56 =	vadd.s32 v3, v49;
	v34 =	vld.idx.msk [tilespmem:v54+s11+$0x0], $0xffff  }
0xf8: {  	v57 =	vperm.xlane v20, v11;
	v58 =	vadd.s32 v3, v51;
	[tilespmem:s22+$0xFFFFFEA0] =	vst v33  }
0xf9: {  	v27 =	vld.idx.msk [tilespmem:v27+s11+$0x0], $0xffff;
	[tilespmem:s23+$0xFFFFFD90] =	vst v25  }
0xfa: {  	v25 =	vld.idx.msk [tilespmem:v31+s11+$0x0], $0xffff;
	v31 =	vadd.s32 v1, v57;
	[tilespmem:s29+$0x110] =	vst v30  }
0xfb: {  	v24 =	vadd.s32 v5, v24;
	[tilespmem:s25+$0xFFFFFC80] =	vst v55;
	v28 =	vld.idx.msk [tilespmem:v28+s11+$0x0], $0xffff  }
0xfc: {  	v29 =	vadd.s32 v5, v29;
	v30 =	vld.idx.msk [tilespmem:v56+s11+$0x0], $0xffff;
	[tilespmem:s24+$0x0] =	vst v34  }
0xfd: {  	v59 =	vadd.s32 v4, v49;
	v34 =	vld.idx.msk [tilespmem:v58+s11+$0x0], $0xffff  }
0xfe: {  	[tilespmem:s22+$0xFFFFFEB0] =	vst v27;
	v27 =	vadd.s32 v4, v51  }
0xff: {  	v60 =	vperm.xlane v21, v9;
	v31 =	vld.idx.msk [tilespmem:v31+s11+$0x0], $0xffff;
	[tilespmem:s23+$0xFFFFFDA0] =	vst v25  }
0x100: {  	v25 =	vadd.s32 v3, v57;
	v24 =	vld.idx.msk [tilespmem:v24+s11+$0x0], $0xffff;
	[tilespmem:s29+$0x120] =	vst v28;
	v28 =	vperm.xlane v26, v15  }
0x101: {  	[tilespmem:s25+$0xFFFFFC90] =	vst v30;
	v29 =	vld.idx.msk [tilespmem:v29+s11+$0x0], $0xffff;
	v30 =	vadd.s32 v1, v60  }
0x102: {  	v36 =	vld.idx.msk [tilespmem:v59+s11+$0x0], $0xffff;
	[tilespmem:s24+$0x10] =	vst v34;
	v61 =	vadd.s32 v1, v28  }
0x103: {  	s0 =	simm.s32 $0x50;
	v35 =	vadd.s32 v5, v49;
	v27 =	vld.idx.msk [tilespmem:v27+s11+$0x0], $0xffff  }
0x104: {  	v62 =	vld [tilespmem:s0+$0x0];
	[tilespmem:s22+$0xFFFFFF00] =	vst v31;
	v31 =	vadd.s32 v5, v51  }
0x105: {  	v25 =	vld.idx.msk [tilespmem:v25+s11+$0x0], $0xffff;
	[tilespmem:s23+$0xFFFFFDB0] =	vst v24  }
0x106: {  	v24 =	vld.idx.msk [tilespmem:v30+s11+$0x0], $0xffff;
	v30 =	vadd.s32 v4, v57;
	[tilespmem:s29+$0x130] =	vst v29  }
0x107: {  	v63 =	vperm.xlane v23, v7;
	v45 =	vadd.s32 v3, v60;
	[tilespmem:s25+$0xFFFFFCA0] =	vst v36;
	v29 =	vld.idx.msk [tilespmem:v61+s11+$0x0], $0xffff  }
0x108: {  	v46 =	vadd.s32 v3, v28;
	v35 =	vld.idx.msk [tilespmem:v35+s11+$0x0], $0xffff;
	[tilespmem:s24+$0x20] =	vst v27;
	v27 =	vperm.xlane v22, v13  }
0x109: {  	v39 =	vadd.s32 v1, v63;
	v31 =	vld.idx.msk [tilespmem:v31+s11+$0x0], $0xffff  }
0x10a: {  	[tilespmem:s22+$0xFFFFFF10] =	vst v25;
	v25 =	vadd.s32 v1, v27  }
0x10b: {  	v30 =	vld.idx.msk [tilespmem:v30+s11+$0x0], $0xffff;
	[tilespmem:s23+$0xFFFFFE00] =	vst v24  }
0x10c: {  	v33 =	vadd.s32 v5, v57;
	v24 =	vshll.u32 v62, $0x7;
	v34 =	vld.idx.msk [tilespmem:v45+s11+$0x0], $0xffff;
	[tilespmem:s29+$0x180] =	vst v29  }
0x10d: {  	v47 =	vadd.s32 v4, v60;
	v50 =	vperm.xlane v24, v2;
	[tilespmem:s25+$0xFFFFFCB0] =	vst v35;
	v29 =	vld.idx.msk [tilespmem:v46+s11+$0x0], $0xffff  }
0x10e: {  	v48 =	vld.idx.msk [tilespmem:v39+s11+$0x0], $0xffff;
	[tilespmem:s24+$0x30] =	vst v31;
	v31 =	vadd.s32 v4, v28  }
0x10f: {  	s26 =	simm.s32 $0x60;
	v42 =	vadd.s32 v1, v50;
	v49 =	vld.idx.msk [tilespmem:v25+s11+$0x0], $0xffff  }
0x110: {  	v40 =	vadd.s32 v3, v63;
	v25 =	vld [tilespmem:s26+$0x0];
	[tilespmem:s22+$0xFFFFFF20] =	vst v30;
	v30 =	vperm.xlane v20, v0  }
0x111: {  	v41 =	vadd.s32 v3, v27;
	v33 =	vld.idx.msk [tilespmem:v33+s11+$0x0], $0xffff;
	[tilespmem:s23+$0xFFFFFE10] =	vst v34  }
0x112: {  	v34 =	vld.idx.msk [tilespmem:v47+s11+$0x0], $0xffff;
	v51 =	vadd.s32 v1, v30;
	[tilespmem:s29+$0x190] =	vst v29  }
0x113: {  	v29 =	vld.idx.msk [tilespmem:v31+s11+$0x0], $0xffff;
	v31 =	vadd.s32 v5, v60  }
0x114: {  	v28 =	vadd.s32 v5, v28;
	[tilespmem:s25+$0xFFFFFD00] =	vst v48;
	v54 =	vld.idx.msk [tilespmem:v42+s11+$0x0], $0xffff  }
0x115: {  	v56 =	vadd.s32 v3, v50;
	v36 =	vld.idx.msk [tilespmem:v40+s11+$0x0], $0xffff;
	[tilespmem:s24+$0x80] =	vst v49  }
0x116: {  	v53 =	vadd.s32 v4, v63;
	v52 =	vld.idx.msk [tilespmem:v41+s11+$0x0], $0xffff;
	[tilespmem:s22+$0xFFFFFF30] =	vst v33  }
0x117: {  	v57 =	vperm.xlane v21, v10;
	v55 =	vadd.s32 v4, v27;
	v35 =	vld.idx.msk [tilespmem:v51+s11+$0x0], $0xffff;
	[tilespmem:s23+$0xFFFFFE20] =	vst v34  }
0x118: {  	s26 =	simm.s32 $0x3000;
	v58 =	vadd.s32 v3, v30;
	v31 =	vld.idx.msk [tilespmem:v31+s11+$0x0], $0xffff;
	[tilespmem:s29+$0x1A0] =	vst v29;
	v29 =	vperm.xlane v26, v16  }
0x119: {  	v59 =	vadd.s32 v1, v57;
	[tilespmem:s26+$0xFFFFFC00] =	vst v54;
	v28 =	vld.idx.msk [tilespmem:v28+s11+$0x0], $0xffff  }
0x11a: {  	[tilespmem:s25+$0xFFFFFD10] =	vst v36;
	v40 =	vld.idx.msk [tilespmem:v56+s11+$0x0], $0xffff;
	v60 =	vadd.s32 v1, v29  }
0x11b: {  	v61 =	vadd.s32 v4, v50;
	v38 =	vld.idx.msk [tilespmem:v53+s11+$0x0], $0xffff;
	[tilespmem:s24+$0x90] =	vst v52  }
0x11c: {  	v32 =	vadd.s32 v5, v63;
	v33 =	vld.idx.msk [tilespmem:v55+s11+$0x0], $0xffff;
	[tilespmem:s22+$0xFFFFFF80] =	vst v35  }
0x11d: {  	v27 =	vadd.s32 v5, v27;
	v35 =	vld.idx.msk [tilespmem:v58+s11+$0x0], $0xffff;
	[tilespmem:s23+$0xFFFFFE30] =	vst v31  }
0x11e: {  	v31 =	vld.idx.msk [tilespmem:v59+s11+$0x0], $0xffff;
	[tilespmem:s29+$0x1B0] =	vst v28  }
0x11f: {  	v62 =	vadd.s32 v4, v30;
	[tilespmem:s26+$0xFFFFFC10] =	vst v40;
	v28 =	vld.idx.msk [tilespmem:v60+s11+$0x0], $0xffff  }
0x120: {  	v45 =	vadd.s32 v3, v57;
	[tilespmem:s25+$0xFFFFFD20] =	vst v38;
	v41 =	vld.idx.msk [tilespmem:v61+s11+$0x0], $0xffff  }
0x121: {  	v63 =	vperm.xlane v23, v8;
	v47 =	vadd.s32 v3, v29;
	v32 =	vld.idx.msk [tilespmem:v32+s11+$0x0], $0xffff;
	[tilespmem:s24+$0xA0] =	vst v33  }
0x122: {  	v46 =	vperm.xlane v22, v14;
	v39 =	vadd.s32 v5, v50;
	v27 =	vld.idx.msk [tilespmem:v27+s11+$0x0], $0xffff;
	[tilespmem:s22+$0xFFFFFF90] =	vst v35  }
0x123: {  	v48 =	vadd.s32 v1, v63;
	[tilespmem:s23+$0xFFFFFE80] =	vst v31  }
0x124: {  	v49 =	vadd.s32 v1, v46;
	v36 =	vld.idx.msk [tilespmem:v62+s11+$0x0], $0xffff;
	[tilespmem:s29+$0x200] =	vst v28  }
0x125: {  	v30 =	vadd.s32 v5, v30;
	v31 =	vld.idx.msk [tilespmem:v45+s11+$0x0], $0xffff;
	[tilespmem:s26+$0xFFFFFC20] =	vst v41  }
0x126: {  	v50 =	vadd.s32 v4, v57;
	v52 =	vperm.xlane v24, v6;
	[tilespmem:s25+$0xFFFFFD30] =	vst v32;
	v28 =	vld.idx.msk [tilespmem:v47+s11+$0x0], $0xffff  }
0x127: {  	v39 =	vld.idx.msk [tilespmem:v39+s11+$0x0], $0xffff;
	[tilespmem:s24+$0xB0] =	vst v27;
	v27 =	vadd.s32 v4, v29  }
0x128: {  	v43 =	vadd.s32 v1, v52;
	v51 =	vld.idx.msk [tilespmem:v48+s11+$0x0], $0xffff  }
0x129: {  	v54 =	vperm.xlane v20, v12;
	v53 =	vadd.s32 v3, v63;
	v35 =	vld.idx.msk [tilespmem:v49+s11+$0x0], $0xffff;
	[tilespmem:s22+$0xFFFFFFA0] =	vst v36  }
0x12a: {  	v55 =	vadd.s32 v3, v46;
	v30 =	vld.idx.msk [tilespmem:v30+s11+$0x0], $0xffff;
	[tilespmem:s23+$0xFFFFFE90] =	vst v31  }
0x12b: {  	v56 =	vadd.s32 v1, v54;
	v31 =	vld.idx.msk [tilespmem:v50+s11+$0x0], $0xffff;
	[tilespmem:s29+$0x210] =	vst v28  }
0x12c: {  	v28 =	vadd.s32 v5, v57;
	[tilespmem:s26+$0xFFFFFC30] =	vst v39;
	v27 =	vld.idx.msk [tilespmem:v27+s11+$0x0], $0xffff  }
0x12d: {  	v29 =	vadd.s32 v5, v29;
	[tilespmem:s25+$0xFFFFFD80] =	vst v51;
	v39 =	vld.idx.msk [tilespmem:v43+s11+$0x0], $0xffff  }
0x12e: {  	v59 =	vadd.s32 v3, v52;
	v57 =	vld.idx.msk [tilespmem:v53+s11+$0x0], $0xffff;
	[tilespmem:s24+$0x100] =	vst v35  }
0x12f: {  	v58 =	vadd.s32 v4, v63;
	v35 =	vld.idx.msk [tilespmem:v55+s11+$0x0], $0xffff;
	[tilespmem:s22+$0xFFFFFFB0] =	vst v30  }
0x130: {  	v30 =	vadd.s32 v4, v46;
	v32 =	vld.idx.msk [tilespmem:v56+s11+$0x0], $0xffff;
	[tilespmem:s23+$0xFFFFFEA0] =	vst v31  }
0x131: {  	v60 =	vadd.s32 v3, v54;
	v31 =	vperm.xlane v21, v11;
	v28 =	vld.idx.msk [tilespmem:v28+s11+$0x0], $0xffff;
	[tilespmem:s29+$0x220] =	vst v27  }
0x132: {  	v27 =	vperm.xlane v26, v17;
	[tilespmem:s26+$0xFFFFFC80] =	vst v39;
	v29 =	vld.idx.msk [tilespmem:v29+s11+$0x0], $0xffff  }
0x133: {  	[tilespmem:s25+$0xFFFFFD90] =	vst v57;
	v61 =	vadd.s32 v1, v31;
	v39 =	vld.idx.msk [tilespmem:v59+s11+$0x0], $0xffff  }
0x134: {  	v37 =	vadd.s32 v5, v63;
	v38 =	vld.idx.msk [tilespmem:v58+s11+$0x0], $0xffff;
	[tilespmem:s24+$0x110] =	vst v35;
	v62 =	vadd.s32 v1, v27  }
0x135: {  	v63 =	vadd.s32 v5, v46;
	v46 =	vadd.s32 v4, v52;
	v30 =	vld.idx.msk [tilespmem:v30+s11+$0x0], $0xffff;
	[tilespmem:s22+$0x0] =	vst v32  }
0x136: {  	s0 =	simm.s32 $0x70;
	v47 =	vadd.s32 v4, v54;
	v36 =	vadd.s32 v5, v54;
	v45 =	vld.idx.msk [tilespmem:v60+s11+$0x0], $0xffff  }
0x137: {  	v49 =	vadd.s32 v3, v27;
	v54 =	vadd.s32 v4, v27;
	[tilespmem:s23+$0xFFFFFEB0] =	vst v28;
	v60 =	vadd.s32 v5, v27;
	v27 =	vld [tilespmem:s0+$0x0]  }
0x138: {  	v28 =	vld.idx.msk [tilespmem:v61+s11+$0x0], $0xffff;
	[tilespmem:s29+$0x230] =	vst v29  }
0x139: {  	v48 =	vadd.s32 v3, v31;
	[tilespmem:s26+$0xFFFFFC90] =	vst v39;
	v29 =	vld.idx.msk [tilespmem:v62+s11+$0x0], $0xffff  }
0x13a: {  	v35 =	vperm.xlane v23, v9;
	[tilespmem:s25+$0xFFFFFDA0] =	vst v38;
	v41 =	vld.idx.msk [tilespmem:v46+s11+$0x0], $0xffff  }
0x13b: {  	v40 =	vadd.s32 v5, v52;
	v37 =	vld.idx.msk [tilespmem:v37+s11+$0x0], $0xffff;
	[tilespmem:s24+$0x120] =	vst v30;
	v30 =	vperm.xlane v22, v15  }
0x13c: {  	v50 =	vadd.s32 v1, v35;
	v32 =	vld.idx.msk [tilespmem:v63+s11+$0x0], $0xffff;
	[tilespmem:s22+$0x10] =	vst v45  }
0x13d: {  	v51 =	vadd.s32 v1, v30;
	v34 =	vld.idx.msk [tilespmem:v47+s11+$0x0], $0xffff;
	[tilespmem:s23+$0xFFFFFF00] =	vst v28  }
0x13e: {  	v28 =	vld.idx.msk [tilespmem:v48+s11+$0x0], $0xffff;
	[tilespmem:s29+$0x280] =	vst v29  }
0x13f: {  	v52 =	vadd.s32 v4, v31;
	v39 =	vperm.xlane v24, v7;
	[tilespmem:s26+$0xFFFFFCA0] =	vst v41;
	v29 =	vld.idx.msk [tilespmem:v49+s11+$0x0], $0xffff  }
0x140: {  	[tilespmem:s25+$0xFFFFFDB0] =	vst v37;
	v40 =	vld.idx.msk [tilespmem:v40+s11+$0x0], $0xffff  }
0x141: {  	v57 =	vadd.s32 v1, v39;
	v53 =	vld.idx.msk [tilespmem:v50+s11+$0x0], $0xffff;
	[tilespmem:s24+$0x130] =	vst v32  }
0x142: {  	v55 =	vadd.s32 v3, v35;
	v33 =	vld.idx.msk [tilespmem:v51+s11+$0x0], $0xffff;
	[tilespmem:s22+$0x20] =	vst v34;
	v34 =	vperm.xlane v20, v13  }
0x143: {  	v56 =	vadd.s32 v3, v30;
	v36 =	vld.idx.msk [tilespmem:v36+s11+$0x0], $0xffff;
	[tilespmem:s23+$0xFFFFFF10] =	vst v28  }
0x144: {  	v28 =	vld.idx.msk [tilespmem:v52+s11+$0x0], $0xffff;
	v58 =	vadd.s32 v1, v34;
	[tilespmem:s29+$0x290] =	vst v29  }
0x145: {  	v31 =	vadd.s32 v5, v31;
	[tilespmem:s26+$0xFFFFFCB0] =	vst v40;
	v29 =	vld.idx.msk [tilespmem:v54+s11+$0x0], $0xffff  }
0x146: {  	[tilespmem:s25+$0xFFFFFE00] =	vst v53;
	v40 =	vld.idx.msk [tilespmem:v57+s11+$0x0], $0xffff  }
0x147: {  	v63 =	vadd.s32 v3, v39;
	v59 =	vld.idx.msk [tilespmem:v55+s11+$0x0], $0xffff;
	[tilespmem:s24+$0x180] =	vst v33  }
0x148: {  	v25 =	vshll.u32 v25, $0x7;
	v61 =	vadd.s32 v4, v35;
	v33 =	vld.idx.msk [tilespmem:v56+s11+$0x0], $0xffff;
	[tilespmem:s22+$0x30] =	vst v36  }
0x149: {  	v42 =	vperm.xlane v25, v2;
	v62 =	vadd.s32 v4, v30;
	v36 =	vld.idx.msk [tilespmem:v58+s11+$0x0], $0xffff;
	[tilespmem:s23+$0xFFFFFF20] =	vst v28  }
0x14a: {  	v44 =	vadd.s32 v3, v34;
	v28 =	vld.idx.msk [tilespmem:v31+s11+$0x0], $0xffff;
	v31 =	vperm.xlane v21, v0;
	[tilespmem:s29+$0x2A0] =	vst v29  }
0x14b: {  	v38 =	vperm.xlane v26, v18;
	v29 =	vadd.s32 v1, v42;
	[tilespmem:s26+$0xFFFFFD00] =	vst v40;
	v48 =	vld.idx.msk [tilespmem:v60+s11+$0x0], $0xffff  }
0x14c: {  	[tilespmem:s25+$0xFFFFFE10] =	vst v59;
	v40 =	vld.idx.msk [tilespmem:v63+s11+$0x0], $0xffff;
	v45 =	vadd.s32 v1, v31  }
0x14d: {  	v49 =	vadd.s32 v1, v38;
	v41 =	vld.idx.msk [tilespmem:v61+s11+$0x0], $0xffff;
	[tilespmem:s24+$0x190] =	vst v33  }
0x14e: {  	v50 =	vadd.s32 v4, v39;
	v33 =	vld.idx.msk [tilespmem:v62+s11+$0x0], $0xffff;
	[tilespmem:s22+$0x80] =	vst v36  }
0x14f: {  	v35 =	vadd.s32 v5, v35;
	v36 =	vld.idx.msk [tilespmem:v44+s11+$0x0], $0xffff  }
0x150: {  	v30 =	vadd.s32 v5, v30;
	v29 =	vld.idx.msk [tilespmem:v29+s11+$0x0], $0xffff;
	[tilespmem:s23+$0xFFFFFF30] =	vst v28  }
0x151: {  	v51 =	vadd.s32 v4, v34;
	[tilespmem:s29+$0x2B0] =	vst v48;
	v28 =	vld.idx.msk [tilespmem:v45+s11+$0x0], $0xffff  }
0x152: {  	v52 =	vadd.s32 v3, v42;
	[tilespmem:s26+$0xFFFFFD10] =	vst v40;
	v37 =	vld.idx.msk [tilespmem:v49+s11+$0x0], $0xffff  }
0x153: {  	v53 =	vadd.s32 v3, v31;
	[tilespmem:s25+$0xFFFFFE20] =	vst v41;
	v43 =	vld.idx.msk [tilespmem:v50+s11+$0x0], $0xffff  }
0x154: {  	v54 =	vadd.s32 v3, v38;
	v41 =	vperm.xlane v23, v10;
	v35 =	vld.idx.msk [tilespmem:v35+s11+$0x0], $0xffff;
	[tilespmem:s24+$0x1A0] =	vst v33  }
0x155: {  	s28 =	simm.s32 $0x3800;
	v39 =	vadd.s32 v5, v39;
	v33 =	vperm.xlane v22, v16;
	v30 =	vld.idx.msk [tilespmem:v30+s11+$0x0], $0xffff;
	[tilespmem:s22+$0x90] =	vst v36  }
0x156: {  	v46 =	vadd.s32 v1, v41;
	[tilespmem:s28+$0xFFFFFC00] =	vst v29;
	v29 =	vld.idx.msk [tilespmem:v51+s11+$0x0], $0xffff  }
0x157: {  	v55 =	vadd.s32 v1, v33;
	v32 =	vld.idx.msk [tilespmem:v52+s11+$0x0], $0xffff;
	[tilespmem:s23+$0xFFFFFF80] =	vst v28  }
0x158: {  	v34 =	vadd.s32 v5, v34;
	[tilespmem:s29+$0x300] =	vst v37;
	v28 =	vld.idx.msk [tilespmem:v53+s11+$0x0], $0xffff  }
0x159: {  	v56 =	vadd.s32 v4, v42;
	[tilespmem:s26+$0xFFFFFD20] =	vst v43;
	v57 =	vld.idx.msk [tilespmem:v54+s11+$0x0], $0xffff  }
0x15a: {  	v59 =	vadd.s32 v4, v31;
	v43 =	vperm.xlane v24, v8;
	[tilespmem:s25+$0xFFFFFE30] =	vst v35;
	v39 =	vld.idx.msk [tilespmem:v39+s11+$0x0], $0xffff  }
0x15b: {  	v60 =	vadd.s32 v4, v38;
	v58 =	vld.idx.msk [tilespmem:v46+s11+$0x0], $0xffff;
	[tilespmem:s24+$0x1B0] =	vst v30  }
0x15c: {  	v63 =	vadd.s32 v1, v43;
	v30 =	vld.idx.msk [tilespmem:v55+s11+$0x0], $0xffff;
	[tilespmem:s22+$0xA0] =	vst v29  }
0x15d: {  	v61 =	vadd.s32 v3, v41;
	[tilespmem:s28+$0xFFFFFC10] =	vst v32;
	v32 =	vperm.xlane v20, v14;
	v29 =	vld.idx.msk [tilespmem:v34+s11+$0x0], $0xffff  }
0x15e: {  	v62 =	vadd.s32 v3, v33;
	v37 =	vld.idx.msk [tilespmem:v56+s11+$0x0], $0xffff;
	[tilespmem:s23+$0xFFFFFF90] =	vst v28  }
0x15f: {  	v48 =	vadd.s32 v1, v32;
	[tilespmem:s29+$0x310] =	vst v57;
	v28 =	vld.idx.msk [tilespmem:v59+s11+$0x0], $0xffff  }
0x160: {  	v49 =	vadd.s32 v5, v42;
	[tilespmem:s26+$0xFFFFFD30] =	vst v39;
	v36 =	vld.idx.msk [tilespmem:v60+s11+$0x0], $0xffff  }
0x161: {  	v31 =	vadd.s32 v5, v31;
	[tilespmem:s25+$0xFFFFFE80] =	vst v58;
	v51 =	vld.idx.msk [tilespmem:v63+s11+$0x0], $0xffff  }
0x162: {  	v50 =	vadd.s32 v5, v38;
	v40 =	vld.idx.msk [tilespmem:v61+s11+$0x0], $0xffff;
	[tilespmem:s24+$0x200] =	vst v30  }
0x163: {  	v54 =	vadd.s32 v3, v43;
	v30 =	vld.idx.msk [tilespmem:v62+s11+$0x0], $0xffff;
	[tilespmem:s22+$0xB0] =	vst v29  }
0x164: {  	v42 =	vperm.xlane v25, v6;
	v52 =	vadd.s32 v4, v41;
	[tilespmem:s28+$0xFFFFFC20] =	vst v37;
	v29 =	vld.idx.msk [tilespmem:v48+s11+$0x0], $0xffff  }
0x165: {  	v53 =	vadd.s32 v4, v33;
	v35 =	vld.idx.msk [tilespmem:v49+s11+$0x0], $0xffff;
	[tilespmem:s23+$0xFFFFFFA0] =	vst v28  }
0x166: {  	v45 =	vperm.xlane v21, v12;
	v55 =	vadd.s32 v1, v42;
	[tilespmem:s29+$0x320] =	vst v36;
	v28 =	vld.idx.msk [tilespmem:v31+s11+$0x0], $0xffff  }
0x167: {  	[tilespmem:s26+$0xFFFFFD80] =	vst v51;
	v31 =	vadd.s32 v3, v32;
	v34 =	vld.idx.msk [tilespmem:v50+s11+$0x0], $0xffff  }
0x168: {  	v56 =	vadd.s32 v1, v45;
	[tilespmem:s25+$0xFFFFFE90] =	vst v40;
	v40 =	vperm.xlane v26, v19;
	v38 =	vld.idx.msk [tilespmem:v54+s11+$0x0], $0xffff  }
0x169: {  	v59 =	vadd.s32 v4, v43;
	v26 =	vld.idx.msk [tilespmem:v52+s11+$0x0], $0xffff;
	[tilespmem:s24+$0x210] =	vst v30  }
0x16a: {  	v30 =	vld.idx.msk [tilespmem:v53+s11+$0x0], $0xffff;
	v57 =	vadd.s32 v1, v40;
	[tilespmem:s28+$0xFFFFFC30] =	vst v35  }
0x16b: {  	v41 =	vadd.s32 v5, v41;
	[tilespmem:s22+$0x100] =	vst v29;
	v58 =	vld.idx.msk [tilespmem:v55+s11+$0x0], $0xffff  }
0x16c: {  	v29 =	vld.idx.msk [tilespmem:v31+s11+$0x0], $0xffff;
	v31 =	vadd.s32 v5, v33;
	[tilespmem:s23+$0xFFFFFFB0] =	vst v28  }
0x16d: {  	v61 =	vadd.s32 v3, v42;
	[tilespmem:s26+$0xFFFFFD90] =	vst v38;
	v28 =	vld.idx.msk [tilespmem:v56+s11+$0x0], $0xffff  }
0x16e: {  	v60 =	vadd.s32 v4, v32;
	[tilespmem:s29+$0x330] =	vst v34;
	v35 =	vld.idx.msk [tilespmem:v59+s11+$0x0], $0xffff  }
0x16f: {  	v63 =	vadd.s32 v3, v45;
	[tilespmem:s25+$0xFFFFFEA0] =	vst v26;
	v37 =	vld.idx.msk [tilespmem:v57+s11+$0x0], $0xffff  }
0x170: {  	v51 =	vadd.s32 v5, v43;
	v26 =	vperm.xlane v23, v11;
	v62 =	vld.idx.msk [tilespmem:v41+s11+$0x0], $0xffff;
	[tilespmem:s24+$0x220] =	vst v30  }
0x171: {  	v48 =	vadd.s32 v3, v40;
	[tilespmem:s28+$0xFFFFFC80] =	vst v58;
	v30 =	vld.idx.msk [tilespmem:v31+s11+$0x0], $0xffff  }
0x172: {  	v49 =	vadd.s32 v1, v26;
	v31 =	vperm.xlane v22, v17;
	[tilespmem:s22+$0x110] =	vst v29;
	v34 =	vld.idx.msk [tilespmem:v61+s11+$0x0], $0xffff  }
0x173: {  	v52 =	vadd.s32 v4, v42;
	v50 =	vld.idx.msk [tilespmem:v60+s11+$0x0], $0xffff;
	[tilespmem:s23+$0x0] =	vst v28  }
0x174: {  	[tilespmem:s26+$0xFFFFFDA0] =	vst v35;
	v29 =	vadd.s32 v1, v31;
	v28 =	vld.idx.msk [tilespmem:v63+s11+$0x0], $0xffff  }
0x175: {  	v32 =	vadd.s32 v5, v32;
	[tilespmem:s29+$0x380] =	vst v37;
	v36 =	vld.idx.msk [tilespmem:v51+s11+$0x0], $0xffff  }
0x176: {  	v53 =	vadd.s32 v4, v45;
	[tilespmem:s25+$0xFFFFFEB0] =	vst v62;
	v38 =	vld.idx.msk [tilespmem:v48+s11+$0x0], $0xffff  }
0x177: {  	v55 =	vadd.s32 v4, v40;
	v39 =	vld.idx.msk [tilespmem:v49+s11+$0x0], $0xffff;
	[tilespmem:s28+$0xFFFFFC90] =	vst v34  }
0x178: {  	v56 =	vadd.s32 v3, v26;
	[tilespmem:s24+$0x230] =	vst v30;
	v34 =	vld.idx.msk [tilespmem:v52+s11+$0x0], $0xffff  }
0x179: {  	v60 =	vadd.s32 v5, v42;
	[tilespmem:s22+$0x120] =	vst v50;
	v54 =	vld.idx.msk [tilespmem:v29+s11+$0x0], $0xffff;
	v29 =	vperm.xlane v24, v9  }
0x17a: {  	v57 =	vadd.s32 v3, v31;
	v30 =	vperm.xlane v20, v15;
	v33 =	vld.idx.msk [tilespmem:v32+s11+$0x0], $0xffff;
	[tilespmem:s23+$0x10] =	vst v28  }
0x17b: {  	v28 =	vld.idx.msk [tilespmem:v53+s11+$0x0], $0xffff;
	[tilespmem:s29+$0x390] =	vst v38;
	v58 =	vadd.s32 v1, v29  }
0x17c: {  	v59 =	vadd.s32 v1, v30;
	[tilespmem:s25+$0xFFFFFF00] =	vst v39;
	v61 =	vld.idx.msk [tilespmem:v55+s11+$0x0], $0xffff  }
0x17d: {  	v62 =	vadd.s32 v5, v45;
	v44 =	vld.idx.msk [tilespmem:v56+s11+$0x0], $0xffff;
	[tilespmem:s28+$0xFFFFFCA0] =	vst v34  }
0x17e: {  	v63 =	vadd.s32 v5, v40;
	[tilespmem:s24+$0x280] =	vst v54;
	v38 =	vld.idx.msk [tilespmem:v60+s11+$0x0], $0xffff  }
0x17f: {  	v40 =	vadd.s32 v4, v26;
	[tilespmem:s26+$0xFFFFFDB0] =	vst v36;
	v32 =	vld.idx.msk [tilespmem:v57+s11+$0x0], $0xffff  }
0x180: {  	v39 =	vadd.s32 v4, v31;
	[tilespmem:s22+$0x130] =	vst v33;
	v35 =	vld.idx.msk [tilespmem:v58+s11+$0x0], $0xffff  }
0x181: {  	v41 =	vadd.s32 v3, v29;
	v33 =	vperm.xlane v25, v7;
	v36 =	vld.idx.msk [tilespmem:v59+s11+$0x0], $0xffff;
	[tilespmem:s23+$0x20] =	vst v28  }
0x182: {  	v42 =	vadd.s32 v3, v30;
	v28 =	vperm.xlane v21, v13;
	v37 =	vld.idx.msk [tilespmem:v62+s11+$0x0], $0xffff;
	[tilespmem:s29+$0x3A0] =	vst v61  }
0x183: {  	s30 =	sshll.u32 s20, $0x1;
	s31 =	sadd.s32 s4, s31;
	s1 =	simm.s32 $0x200;
	v43 =	vadd.s32 v1, v33;
	[tilespmem:s25+$0xFFFFFF10] =	vst v44;
	v34 =	vld.idx.msk [tilespmem:v63+s11+$0x0], $0xffff  }
.LBB2_3:
0x184: {  	p1 =	sne.s32 s1, $0x600;
	v40 =	vld.idx.msk [tilespmem:v40+s11+$0x0], $0xffff;
	v44 =	vadd.s32 v1, v28;
	[tilespmem:s24+$0x290] =	vst v32  }
0x185: {  	[tilespmem:s26+$0xFFFFFE00] =	vst v35;
	v32 =	vld.idx.msk [tilespmem:v39+s11+$0x0], $0xffff  }
0x186: {  	v39 =	vadd.s32 v5, v26;
	v35 =	vld.idx.msk [tilespmem:v41+s11+$0x0], $0xffff;
	[tilespmem:s22+$0x180] =	vst v36  }
0x187: {  	v31 =	vadd.s32 v5, v31;
	[tilespmem:s28+$0xFFFFFCB0] =	vst v38;
	v36 =	vld.idx.msk [tilespmem:v42+s11+$0x0], $0xffff  }
0x188: {  	v41 =	vadd.s32 v4, v29;
	v38 =	vld.idx.msk [tilespmem:v43+s11+$0x0], $0xffff;
	[tilespmem:s23+$0x30] =	vst v37  }
0x189: {  	s0 =	sshra.s32 s1, $0x2;
	v26 =	vshll.u32 v27, $0x7;
	v42 =	vadd.s32 v4, v30;
	v37 =	vld.idx.msk [tilespmem:v44+s11+$0x0], $0xffff;
	[tilespmem:s29+$0x3B0] =	vst v34;
	s29 =	smov.u32 s24;
	s24 =	smov.u32 s22  }
0x18a: {  	v43 =	vadd.s32 v3, v33;
	v34 =	vperm.xlane v26, v2;
	s22 =	smov.u32 s23;
	s23 =	smov.u32 s25;
	v27 =	vld [tilespmem:s0+$0x0];
	[tilespmem:s25+$0xFFFFFF20] =	vst v40;
	s25 =	smov.u32 s26  }
0x18b: {  	v44 =	vadd.s32 v3, v28;
	v40 =	vperm.xlane v23, v0;
	s26 =	smov.u32 s28;
	v39 =	vld.idx.msk [tilespmem:v39+s11+$0x0], $0xffff;
	[tilespmem:s29+$0x2A0] =	vst v32  }
0x18c: {  	v32 =	vadd.s32 v1, v34;
	[tilespmem:s25+$0xFFFFFE10] =	vst v35;
	v31 =	vld.idx.msk [tilespmem:v31+s11+$0x0], $0xffff;
	v35 =	vperm.xlane v22, v18  }
0x18d: {  	v45 =	vadd.s32 v1, v40;
	v41 =	vld.idx.msk [tilespmem:v41+s11+$0x0], $0xffff;
	[tilespmem:s24+$0x190] =	vst v36  }
0x18e: {  	[tilespmem:s28+$0xFFFFFD00] =	vst v38;
	v36 =	vld.idx.msk [tilespmem:v42+s11+$0x0], $0xffff;
	v38 =	vadd.s32 v1, v35  }
0x18f: {  	v29 =	vadd.s32 v5, v29;
	v42 =	vld.idx.msk [tilespmem:v43+s11+$0x0], $0xffff;
	[tilespmem:s22+$0x80] =	vst v37  }
0x190: {  	v30 =	vadd.s32 v5, v30;
	v37 =	vld.idx.msk [tilespmem:v44+s11+$0x0], $0xffff  }
0x191: {  	v43 =	vadd.s32 v4, v33;
	v32 =	vld.idx.msk [tilespmem:v32+s11+$0x0], $0xffff;
	[tilespmem:s23+$0xFFFFFF30] =	vst v39  }
0x192: {  	v44 =	vadd.s32 v4, v28;
	v39 =	vld.idx.msk [tilespmem:v45+s11+$0x0], $0xffff;
	[tilespmem:s29+$0x2B0] =	vst v31  }
0x193: {  	v31 =	vadd.s32 v3, v34;
	[tilespmem:s25+$0xFFFFFE20] =	vst v41;
	v38 =	vld.idx.msk [tilespmem:v38+s11+$0x0], $0xffff  }
0x194: {  	v45 =	vadd.s32 v3, v40;
	v41 =	vperm.xlane v24, v10;
	v29 =	vld.idx.msk [tilespmem:v29+s11+$0x0], $0xffff;
	[tilespmem:s24+$0x1A0] =	vst v36  }
0x195: {  	v36 =	vperm.xlane v20, v16;
	[tilespmem:s28+$0xFFFFFD10] =	vst v42;
	v30 =	vld.idx.msk [tilespmem:v30+s11+$0x0], $0xffff;
	v42 =	vadd.s32 v3, v35  }
0x196: {  	s28 =	sadd.s32 $0x800, s28;
	v46 =	vadd.s32 v1, v41;
	v43 =	vld.idx.msk [tilespmem:v43+s11+$0x0], $0xffff;
	[tilespmem:s22+$0x90] =	vst v37  }
0x197: {  	v37 =	vadd.s32 v1, v36;
	[tilespmem:s28+$0xFFFFFC00] =	vst v32;
	v32 =	vld.idx.msk [tilespmem:v44+s11+$0x0], $0xffff  }
0x198: {  	v33 =	vadd.s32 v5, v33;
	v31 =	vld.idx.msk [tilespmem:v31+s11+$0x0], $0xffff;
	[tilespmem:s23+$0xFFFFFF80] =	vst v39  }
0x199: {  	v28 =	vadd.s32 v5, v28;
	v39 =	vld.idx.msk [tilespmem:v45+s11+$0x0], $0xffff;
	[tilespmem:s29+$0x300] =	vst v38  }
0x19a: {  	v38 =	vadd.s32 v4, v34;
	[tilespmem:s25+$0xFFFFFE30] =	vst v29;
	v29 =	vld.idx.msk [tilespmem:v42+s11+$0x0], $0xffff  }
0x19b: {  	v44 =	vadd.s32 v4, v40;
	v42 =	vld.idx.msk [tilespmem:v46+s11+$0x0], $0xffff;
	[tilespmem:s24+$0x1B0] =	vst v30  }
0x19c: {  	[tilespmem:s26+$0xFFFFFD20] =	vst v43;
	v30 =	vld.idx.msk [tilespmem:v37+s11+$0x0], $0xffff;
	v37 =	vadd.s32 v4, v35  }
0x19d: {  	v45 =	vadd.s32 v3, v41;
	v43 =	vperm.xlane v25, v8;
	v33 =	vld.idx.msk [tilespmem:v33+s11+$0x0], $0xffff;
	[tilespmem:s22+$0xA0] =	vst v32  }
0x19e: {  	v32 =	vperm.xlane v21, v14;
	[tilespmem:s28+$0xFFFFFC10] =	vst v31;
	v28 =	vld.idx.msk [tilespmem:v28+s11+$0x0], $0xffff;
	v31 =	vadd.s32 v3, v36  }
0x19f: {  	v46 =	vadd.s32 v1, v43;
	v38 =	vld.idx.msk [tilespmem:v38+s11+$0x0], $0xffff;
	[tilespmem:s23+$0xFFFFFF90] =	vst v39  }
0x1a0: {  	v39 =	vld.idx.msk [tilespmem:v44+s11+$0x0], $0xffff;
	v44 =	vadd.s32 v1, v32;
	[tilespmem:s29+$0x310] =	vst v29  }
0x1a1: {  	v29 =	vadd.s32 v5, v34;
	[tilespmem:s25+$0xFFFFFE80] =	vst v42;
	v34 =	vld.idx.msk [tilespmem:v37+s11+$0x0], $0xffff  }
0x1a2: {  	v40 =	vadd.s32 v5, v40;
	v37 =	vld.idx.msk [tilespmem:v45+s11+$0x0], $0xffff;
	[tilespmem:s24+$0x200] =	vst v30  }
0x1a3: {  	[tilespmem:s26+$0xFFFFFD30] =	vst v33;
	v30 =	vld.idx.msk [tilespmem:v31+s11+$0x0], $0xffff;
	v31 =	vadd.s32 v5, v35  }
0x1a4: {  	v35 =	vadd.s32 v4, v41;
	v33 =	vld.idx.msk [tilespmem:v46+s11+$0x0], $0xffff;
	[tilespmem:s22+$0xB0] =	vst v28  }
0x1a5: {  	[tilespmem:s28+$0xFFFFFC20] =	vst v38;
	v28 =	vld.idx.msk [tilespmem:v44+s11+$0x0], $0xffff;
	v38 =	vadd.s32 v4, v36  }
0x1a6: {  	v42 =	vperm.xlane v26, v6;
	v44 =	vadd.s32 v3, v43;
	v29 =	vld.idx.msk [tilespmem:v29+s11+$0x0], $0xffff;
	[tilespmem:s23+$0xFFFFFFA0] =	vst v39  }
0x1a7: {  	v45 =	vadd.s32 v3, v32;
	v39 =	vld.idx.msk [tilespmem:v40+s11+$0x0], $0xffff;
	v40 =	vperm.xlane v23, v12;
	[tilespmem:s29+$0x320] =	vst v34  }
0x1a8: {  	v34 =	vadd.s32 v1, v42;
	[tilespmem:s25+$0xFFFFFE90] =	vst v37;
	v31 =	vld.idx.msk [tilespmem:v31+s11+$0x0], $0xffff;
	v37 =	vperm.xlane v22, v19;
	v22 =	vmov v20  }
0x1a9: {  	v20 =	vmovc v21;
	v21 =	vmov v23;
	v23 =	vmov v24;
	v35 =	vld.idx.msk [tilespmem:v35+s11+$0x0], $0xffff;
	v46 =	vadd.s32 v1, v40;
	[tilespmem:s24+$0x210] =	vst v30  }
0x1aa: {  	v24 =	vmov v25;
	v25 =	vmov v26;
	[tilespmem:s26+$0xFFFFFD80] =	vst v33;
	v30 =	vld.idx.msk [tilespmem:v38+s11+$0x0], $0xffff;
	v33 =	vadd.s32 v1, v37  }
0x1ab: {  	v26 =	vadd.s32 v5, v41;
	v38 =	vld.idx.msk [tilespmem:v44+s11+$0x0], $0xffff;
	[tilespmem:s22+$0x100] =	vst v28  }
0x1ac: {  	[tilespmem:s28+$0xFFFFFC30] =	vst v29;
	v28 =	vld.idx.msk [tilespmem:v45+s11+$0x0], $0xffff;
	v29 =	vadd.s32 v5, v36  }
0x1ad: {  	v36 =	vadd.s32 v4, v43;
	v34 =	vld.idx.msk [tilespmem:v34+s11+$0x0], $0xffff;
	[tilespmem:s23+$0xFFFFFFB0] =	vst v39  }
0x1ae: {  	v41 =	vadd.s32 v4, v32;
	v39 =	vld.idx.msk [tilespmem:v46+s11+$0x0], $0xffff;
	[tilespmem:s29+$0x330] =	vst v31  }
0x1af: {  	v44 =	vadd.s32 v3, v42;
	[tilespmem:s25+$0xFFFFFEA0] =	vst v35;
	v33 =	vld.idx.msk [tilespmem:v33+s11+$0x0], $0xffff  }
0x1b0: {  	v45 =	vadd.s32 v3, v40;
	v35 =	vld.idx.msk [tilespmem:v26+s11+$0x0], $0xffff;
	v26 =	vperm.xlane v23, v11;
	[tilespmem:s24+$0x220] =	vst v30  }
0x1b1: {  	v31 =	vperm.xlane v22, v17;
	v30 =	vadd.s32 v3, v37;
	[tilespmem:s26+$0xFFFFFD90] =	vst v38;
	v29 =	vld.idx.msk [tilespmem:v29+s11+$0x0], $0xffff  }
0x1b2: {  	v36 =	vld.idx.msk [tilespmem:v36+s11+$0x0], $0xffff;
	v38 =	vadd.s32 v1, v26;
	[tilespmem:s22+$0x110] =	vst v28  }
0x1b3: {  	[tilespmem:s28+$0xFFFFFC80] =	vst v34;
	v28 =	vld.idx.msk [tilespmem:v41+s11+$0x0], $0xffff;
	v34 =	vadd.s32 v1, v31  }
0x1b4: {  	v43 =	vadd.s32 v5, v43;
	v41 =	vld.idx.msk [tilespmem:v44+s11+$0x0], $0xffff;
	[tilespmem:s23+$0x0] =	vst v39  }
0x1b5: {  	v32 =	vadd.s32 v5, v32;
	v39 =	vld.idx.msk [tilespmem:v45+s11+$0x0], $0xffff;
	[tilespmem:s29+$0x380] =	vst v33  }
0x1b6: {  	v33 =	vadd.s32 v4, v42;
	[tilespmem:s25+$0xFFFFFEB0] =	vst v35;
	v35 =	vld.idx.msk [tilespmem:v30+s11+$0x0], $0xffff  }
0x1b7: {  	v44 =	vadd.s32 v4, v40;
	v38 =	vld.idx.msk [tilespmem:v38+s11+$0x0], $0xffff;
	[tilespmem:s24+$0x230] =	vst v29  }
0x1b8: {  	[tilespmem:s26+$0xFFFFFDA0] =	vst v36;
	v34 =	vld.idx.msk [tilespmem:v34+s11+$0x0], $0xffff;
	v36 =	vadd.s32 v4, v37  }
0x1b9: {  	v45 =	vadd.s32 v3, v26;
	v29 =	vperm.xlane v24, v9;
	v43 =	vld.idx.msk [tilespmem:v43+s11+$0x0], $0xffff;
	[tilespmem:s22+$0x120] =	vst v28  }
0x1ba: {  	v30 =	vperm.xlane v20, v15;
	[tilespmem:s28+$0xFFFFFC90] =	vst v41;
	v28 =	vld.idx.msk [tilespmem:v32+s11+$0x0], $0xffff;
	v32 =	vadd.s32 v3, v31  }
0x1bb: {  	v41 =	vadd.s32 v1, v29;
	v33 =	vld.idx.msk [tilespmem:v33+s11+$0x0], $0xffff;
	[tilespmem:s23+$0x10] =	vst v39  }
0x1bc: {  	v39 =	vadd.s32 v1, v30;
	v44 =	vld.idx.msk [tilespmem:v44+s11+$0x0], $0xffff;
	[tilespmem:s29+$0x390] =	vst v35  }
0x1bd: {  	v42 =	vadd.s32 v5, v42;
	[tilespmem:s25+$0xFFFFFF00] =	vst v38;
	v46 =	vld.idx.msk [tilespmem:v36+s11+$0x0], $0xffff  }
0x1be: {  	v47 =	vadd.s32 v5, v40;
	v45 =	vld.idx.msk [tilespmem:v45+s11+$0x0], $0xffff;
	[tilespmem:s24+$0x280] =	vst v34  }
0x1bf: {  	v34 =	vadd.s32 v5, v37;
	[tilespmem:s26+$0xFFFFFDB0] =	vst v43;
	v32 =	vld.idx.msk [tilespmem:v32+s11+$0x0], $0xffff  }
.Ltmp0:
0x1c0: {  	v40 =	vadd.s32 v4, v26;
	v35 =	vld.idx.msk [tilespmem:v41+s11+$0x0], $0xffff;
	[tilespmem:s22+$0x130] =	vst v28;
	(pc) =	sbr.rel @p1 .LBB2_3-.Ltmp0, $4  }
0x1c1: {  	[tilespmem:s28+$0xFFFFFCA0] =	vst v33;
	v36 =	vld.idx.msk [tilespmem:v39+s11+$0x0], $0xffff;
	v39 =	vadd.s32 v4, v31  }
0x1c2: {  	v41 =	vadd.s32 v3, v29;
	v33 =	vperm.xlane v25, v7;
	v38 =	vld.idx.msk [tilespmem:v42+s11+$0x0], $0xffff;
	[tilespmem:s23+$0x20] =	vst v44  }
0x1c3: {  	v28 =	vperm.xlane v21, v13;
	v42 =	vadd.s32 v3, v30;
	v37 =	vld.idx.msk [tilespmem:v47+s11+$0x0], $0xffff;
	[tilespmem:s29+$0x3A0] =	vst v46  }
0x1c4: {  	s1 =	sadd.s32 $0x40, s1;
	v43 =	vadd.s32 v1, v33;
	[tilespmem:s25+$0xFFFFFF10] =	vst v45;
	v34 =	vld.idx.msk [tilespmem:v34+s11+$0x0], $0xffff  }
0x1c5: {  	_ =	sdelay $0x3  }
0x1c6: {  	v40 =	vld.idx.msk [tilespmem:v40+s11+$0x0], $0xffff;
	v44 =	vadd.s32 v1, v28;
	[tilespmem:s24+$0x290] =	vst v32  }
0x1c7: {  	[tilespmem:s26+$0xFFFFFE00] =	vst v35;
	v56 =	vadd.s32 v5, v26;
	v55 =	vld.idx.msk [tilespmem:v39+s11+$0x0], $0xffff  }
0x1c8: {  	v31 =	vadd.s32 v5, v31;
	v26 =	vshll.u32 v27, $0x7;
	v57 =	vld.idx.msk [tilespmem:v41+s11+$0x0], $0xffff;
	[tilespmem:s22+$0x180] =	vst v36  }
0x1c9: {  	v58 =	vadd.s32 v4, v29;
	v62 =	vperm.xlane v26, v2;
	[tilespmem:s28+$0xFFFFFCB0] =	vst v38;
	v36 =	vld.idx.msk [tilespmem:v42+s11+$0x0], $0xffff  }
0x1ca: {  	v60 =	vadd.s32 v4, v30;
	v59 =	vld.idx.msk [tilespmem:v43+s11+$0x0], $0xffff;
	[tilespmem:s23+$0x30] =	vst v37  }
0x1cb: {  	v48 =	vadd.s32 v1, v62;
	v61 =	vld.idx.msk [tilespmem:v44+s11+$0x0], $0xffff;
	[tilespmem:s25+$0xFFFFFF20] =	vst v40  }
0x1cc: {  	v63 =	vadd.s32 v3, v33;
	v32 =	vperm.xlane v23, v0;
	v40 =	vld.idx.msk [tilespmem:v56+s11+$0x0], $0xffff;
	[tilespmem:s24+$0x2A0] =	vst v55  }
0x1cd: {  	v45 =	vadd.s32 v3, v28;
	v27 =	vperm.xlane v22, v18;
	[tilespmem:s26+$0xFFFFFE10] =	vst v57;
	v31 =	vld.idx.msk [tilespmem:v31+s11+$0x0], $0xffff  }
0x1ce: {  	v49 =	vadd.s32 v1, v32;
	v38 =	vld.idx.msk [tilespmem:v58+s11+$0x0], $0xffff;
	[tilespmem:s22+$0x190] =	vst v36  }
0x1cf: {  	v50 =	vadd.s32 v1, v27;
	[tilespmem:s29+$0x3B0] =	vst v34;
	v36 =	vld.idx.msk [tilespmem:v60+s11+$0x0], $0xffff  }
0x1d0: {  	v29 =	vadd.s32 v5, v29;
	[tilespmem:s28+$0xFFFFFD00] =	vst v59;
	v35 =	vld.idx.msk [tilespmem:v48+s11+$0x0], $0xffff  }
0x1d1: {  	v51 =	vadd.s32 v5, v30;
	v41 =	vld.idx.msk [tilespmem:v63+s11+$0x0], $0xffff;
	[tilespmem:s23+$0x80] =	vst v61  }
0x1d2: {  	v52 =	vadd.s32 v4, v33;
	v42 =	vld.idx.msk [tilespmem:v45+s11+$0x0], $0xffff;
	[tilespmem:s25+$0xFFFFFF30] =	vst v40  }
0x1d3: {  	v53 =	vadd.s32 v4, v28;
	v34 =	vld.idx.msk [tilespmem:v49+s11+$0x0], $0xffff;
	[tilespmem:s24+$0x2B0] =	vst v31  }
0x1d4: {  	v54 =	vadd.s32 v3, v62;
	[tilespmem:s26+$0xFFFFFE20] =	vst v38;
	v30 =	vld.idx.msk [tilespmem:v50+s11+$0x0], $0xffff  }
0x1d5: {  	v37 =	vld.idx.msk [tilespmem:v29+s11+$0x0], $0xffff;
	[tilespmem:s22+$0x1A0] =	vst v36  }
0x1d6: {  	[tilespmem:s28+$0xFFFFFD10] =	vst v41;
	v29 =	vld.idx.msk [tilespmem:v51+s11+$0x0], $0xffff  }
0x1d7: {  	s29 =	sadd.s32 $0x800, s28;
	v55 =	vld.idx.msk [tilespmem:v52+s11+$0x0], $0xffff;
	[tilespmem:s23+$0x90] =	vst v42  }
0x1d8: {  	[tilespmem:s29+$0xFFFFFC00] =	vst v35;
	v31 =	vld.idx.msk [tilespmem:v53+s11+$0x0], $0xffff  }
0x1d9: {  	v35 =	vld.idx.msk [tilespmem:v54+s11+$0x0], $0xffff  }
0x1da: {  	v56 =	vadd.s32 v4, v62;
	_ =	sdelay $0x3  }
0x1db: {  	[tilespmem:s29+$0xFFFFFC10] =	vst v35  }
0x1dc: {  	v35 =	vld.idx.msk [tilespmem:v56+s11+$0x0], $0xffff  }
0x1dd: {  	v57 =	vadd.s32 v5, v62;
	_ =	sdelay $0x3  }
0x1de: {  	v58 =	vperm.xlane v26, v6;
	[tilespmem:s29+$0xFFFFFC20] =	vst v35  }
0x1df: {  	v38 =	vld.idx.msk [tilespmem:v57+s11+$0x0], $0xffff  }
0x1e0: {  	v59 =	vadd.s32 v1, v58;
	_ =	sdelay $0x3  }
0x1e1: {  	[tilespmem:s29+$0xFFFFFC30] =	vst v38  }
0x1e2: {  	v38 =	vld.idx.msk [tilespmem:v59+s11+$0x0], $0xffff  }
0x1e3: {  	v60 =	vadd.s32 v3, v58;
	_ =	sdelay $0x3  }
0x1e4: {  	[tilespmem:s29+$0xFFFFFC80] =	vst v38  }
0x1e5: {  	v38 =	vld.idx.msk [tilespmem:v60+s11+$0x0], $0xffff  }
0x1e6: {  	v61 =	vadd.s32 v4, v58;
	_ =	sdelay $0x3  }
0x1e7: {  	[tilespmem:s29+$0xFFFFFC90] =	vst v38  }
0x1e8: {  	v38 =	vld.idx.msk [tilespmem:v61+s11+$0x0], $0xffff  }
0x1e9: {  	v35 =	vadd.s32 v5, v58;
	_ =	sdelay $0x3  }
0x1ea: {  	v62 =	vperm.xlane v26, v7;
	[tilespmem:s29+$0xFFFFFCA0] =	vst v38  }
0x1eb: {  	v35 =	vld.idx.msk [tilespmem:v35+s11+$0x0], $0xffff  }
0x1ec: {  	v63 =	vadd.s32 v1, v62;
	_ =	sdelay $0x3  }
0x1ed: {  	[tilespmem:s29+$0xFFFFFCB0] =	vst v35  }
0x1ee: {  	v35 =	vld.idx.msk [tilespmem:v63+s11+$0x0], $0xffff  }
0x1ef: {  	v42 =	vadd.s32 v3, v62;
	_ =	sdelay $0x3  }
0x1f0: {  	[tilespmem:s29+$0xFFFFFD00] =	vst v35  }
0x1f1: {  	v35 =	vld.idx.msk [tilespmem:v42+s11+$0x0], $0xffff  }
0x1f2: {  	v43 =	vadd.s32 v4, v62;
	_ =	sdelay $0x3  }
0x1f3: {  	[tilespmem:s29+$0xFFFFFD10] =	vst v35  }
0x1f4: {  	v44 =	vadd.s32 v5, v33;
	v35 =	vld.idx.msk [tilespmem:v43+s11+$0x0], $0xffff  }
0x1f5: {  	v38 =	vadd.s32 v5, v62;
	_ =	sdelay $0x2  }
0x1f6: {  	v45 =	vperm.xlane v25, v8;
	[tilespmem:s28+$0xFFFFFD20] =	vst v55  }
0x1f7: {  	v46 =	vperm.xlane v26, v8;
	v33 =	vld.idx.msk [tilespmem:v44+s11+$0x0], $0xffff;
	[tilespmem:s29+$0xFFFFFD20] =	vst v35  }
0x1f8: {  	v47 =	vadd.s32 v1, v45;
	v38 =	vld.idx.msk [tilespmem:v38+s11+$0x0], $0xffff  }
0x1f9: {  	v48 =	vadd.s32 v1, v46;
	_ =	sdelay $0x2  }
0x1fa: {  	[tilespmem:s28+$0xFFFFFD30] =	vst v33  }
0x1fb: {  	v33 =	vld.idx.msk [tilespmem:v47+s11+$0x0], $0xffff;
	[tilespmem:s29+$0xFFFFFD30] =	vst v38  }
0x1fc: {  	v49 =	vadd.s32 v3, v45;
	v50 =	vld.idx.msk [tilespmem:v48+s11+$0x0], $0xffff  }
0x1fd: {  	v51 =	vadd.s32 v3, v46;
	_ =	sdelay $0x2  }
0x1fe: {  	[tilespmem:s28+$0xFFFFFD80] =	vst v33  }
0x1ff: {  	v33 =	vld.idx.msk [tilespmem:v49+s11+$0x0], $0xffff;
	[tilespmem:s29+$0xFFFFFD80] =	vst v50  }
0x200: {  	v52 =	vadd.s32 v4, v45;
	v39 =	vld.idx.msk [tilespmem:v51+s11+$0x0], $0xffff  }
0x201: {  	v53 =	vadd.s32 v4, v46;
	_ =	sdelay $0x2  }
0x202: {  	[tilespmem:s28+$0xFFFFFD90] =	vst v33  }
0x203: {  	v33 =	vld.idx.msk [tilespmem:v52+s11+$0x0], $0xffff;
	[tilespmem:s29+$0xFFFFFD90] =	vst v39  }
0x204: {  	v36 =	vadd.s32 v5, v45;
	v54 =	vld.idx.msk [tilespmem:v53+s11+$0x0], $0xffff  }
0x205: {  	v35 =	vadd.s32 v5, v46;
	_ =	sdelay $0x2  }
0x206: {  	v55 =	vperm.xlane v25, v9;
	[tilespmem:s28+$0xFFFFFDA0] =	vst v33  }
0x207: {  	v56 =	vperm.xlane v26, v9;
	v36 =	vld.idx.msk [tilespmem:v36+s11+$0x0], $0xffff;
	[tilespmem:s29+$0xFFFFFDA0] =	vst v54  }
0x208: {  	v57 =	vadd.s32 v1, v55;
	v35 =	vld.idx.msk [tilespmem:v35+s11+$0x0], $0xffff  }
0x209: {  	v58 =	vadd.s32 v1, v56;
	_ =	sdelay $0x2  }
0x20a: {  	[tilespmem:s28+$0xFFFFFDB0] =	vst v36  }
0x20b: {  	v36 =	vld.idx.msk [tilespmem:v57+s11+$0x0], $0xffff;
	[tilespmem:s29+$0xFFFFFDB0] =	vst v35  }
0x20c: {  	v59 =	vadd.s32 v3, v55;
	v60 =	vld.idx.msk [tilespmem:v58+s11+$0x0], $0xffff  }
0x20d: {  	v61 =	vadd.s32 v3, v56;
	_ =	sdelay $0x2  }
0x20e: {  	[tilespmem:s28+$0xFFFFFE00] =	vst v36  }
0x20f: {  	v35 =	vld.idx.msk [tilespmem:v59+s11+$0x0], $0xffff;
	[tilespmem:s29+$0xFFFFFE00] =	vst v60  }
0x210: {  	v62 =	vadd.s32 v4, v55;
	v39 =	vld.idx.msk [tilespmem:v61+s11+$0x0], $0xffff  }
0x211: {  	v63 =	vadd.s32 v4, v56;
	_ =	sdelay $0x2  }
0x212: {  	[tilespmem:s28+$0xFFFFFE10] =	vst v35  }
0x213: {  	v35 =	vld.idx.msk [tilespmem:v62+s11+$0x0], $0xffff;
	[tilespmem:s29+$0xFFFFFE10] =	vst v39  }
0x214: {  	v33 =	vadd.s32 v5, v55;
	v44 =	vld.idx.msk [tilespmem:v63+s11+$0x0], $0xffff  }
0x215: {  	v38 =	vadd.s32 v5, v56;
	_ =	sdelay $0x1  }
0x216: {  	v45 =	vperm.xlane v24, v10  }
0x217: {  	v46 =	vperm.xlane v25, v10;
	[tilespmem:s28+$0xFFFFFE20] =	vst v35  }
0x218: {  	v47 =	vadd.s32 v1, v45;
	v48 =	vperm.xlane v26, v10;
	v33 =	vld.idx.msk [tilespmem:v33+s11+$0x0], $0xffff;
	[tilespmem:s29+$0xFFFFFE20] =	vst v44  }
0x219: {  	v49 =	vadd.s32 v1, v46;
	v38 =	vld.idx.msk [tilespmem:v38+s11+$0x0], $0xffff  }
0x21a: {  	v50 =	vadd.s32 v1, v48;
	_ =	sdelay $0x1  }
0x21b: {  	[tilespmem:s26+$0xFFFFFE30] =	vst v37  }
0x21c: {  	v37 =	vld.idx.msk [tilespmem:v47+s11+$0x0], $0xffff;
	[tilespmem:s28+$0xFFFFFE30] =	vst v33  }
0x21d: {  	v51 =	vadd.s32 v3, v45;
	v52 =	vld.idx.msk [tilespmem:v49+s11+$0x0], $0xffff;
	[tilespmem:s29+$0xFFFFFE30] =	vst v38  }
0x21e: {  	v53 =	vadd.s32 v3, v46;
	v54 =	vld.idx.msk [tilespmem:v50+s11+$0x0], $0xffff  }
0x21f: {  	v55 =	vadd.s32 v3, v48;
	_ =	sdelay $0x1  }
0x220: {  	[tilespmem:s26+$0xFFFFFE80] =	vst v37  }
0x221: {  	v33 =	vld.idx.msk [tilespmem:v51+s11+$0x0], $0xffff;
	[tilespmem:s28+$0xFFFFFE80] =	vst v52  }
0x222: {  	v56 =	vadd.s32 v4, v45;
	v38 =	vld.idx.msk [tilespmem:v53+s11+$0x0], $0xffff;
	[tilespmem:s29+$0xFFFFFE80] =	vst v54  }
0x223: {  	v57 =	vadd.s32 v4, v46;
	v41 =	vld.idx.msk [tilespmem:v55+s11+$0x0], $0xffff  }
0x224: {  	v58 =	vadd.s32 v4, v48;
	_ =	sdelay $0x1  }
0x225: {  	[tilespmem:s26+$0xFFFFFE90] =	vst v33  }
0x226: {  	v33 =	vld.idx.msk [tilespmem:v56+s11+$0x0], $0xffff;
	[tilespmem:s28+$0xFFFFFE90] =	vst v38  }
0x227: {  	v59 =	vadd.s32 v5, v45;
	v38 =	vld.idx.msk [tilespmem:v57+s11+$0x0], $0xffff;
	[tilespmem:s29+$0xFFFFFE90] =	vst v41  }
0x228: {  	v35 =	vadd.s32 v5, v46;
	v60 =	vld.idx.msk [tilespmem:v58+s11+$0x0], $0xffff  }
0x229: {  	v36 =	vadd.s32 v5, v48;
	_ =	sdelay $0x1  }
0x22a: {  	v61 =	vperm.xlane v24, v11;
	[tilespmem:s26+$0xFFFFFEA0] =	vst v33  }
0x22b: {  	v62 =	vperm.xlane v25, v11;
	v37 =	vld.idx.msk [tilespmem:v59+s11+$0x0], $0xffff;
	[tilespmem:s28+$0xFFFFFEA0] =	vst v38  }
0x22c: {  	v45 =	vperm.xlane v26, v11;
	v63 =	vadd.s32 v1, v61;
	v35 =	vld.idx.msk [tilespmem:v35+s11+$0x0], $0xffff;
	[tilespmem:s29+$0xFFFFFEA0] =	vst v60  }
0x22d: {  	v46 =	vadd.s32 v1, v62;
	v36 =	vld.idx.msk [tilespmem:v36+s11+$0x0], $0xffff  }
0x22e: {  	v47 =	vadd.s32 v1, v45;
	_ =	sdelay $0x1  }
0x22f: {  	[tilespmem:s26+$0xFFFFFEB0] =	vst v37  }
0x230: {  	v37 =	vld.idx.msk [tilespmem:v63+s11+$0x0], $0xffff;
	[tilespmem:s28+$0xFFFFFEB0] =	vst v35  }
0x231: {  	v48 =	vadd.s32 v3, v61;
	v49 =	vld.idx.msk [tilespmem:v46+s11+$0x0], $0xffff;
	[tilespmem:s29+$0xFFFFFEB0] =	vst v36  }
0x232: {  	v50 =	vadd.s32 v3, v62;
	v51 =	vld.idx.msk [tilespmem:v47+s11+$0x0], $0xffff  }
0x233: {  	v52 =	vadd.s32 v3, v45;
	_ =	sdelay $0x1  }
0x234: {  	[tilespmem:s26+$0xFFFFFF00] =	vst v37  }
0x235: {  	v35 =	vld.idx.msk [tilespmem:v48+s11+$0x0], $0xffff;
	[tilespmem:s28+$0xFFFFFF00] =	vst v49  }
0x236: {  	v53 =	vadd.s32 v4, v61;
	v36 =	vld.idx.msk [tilespmem:v50+s11+$0x0], $0xffff;
	[tilespmem:s29+$0xFFFFFF00] =	vst v51  }
0x237: {  	v54 =	vadd.s32 v4, v62;
	v41 =	vld.idx.msk [tilespmem:v52+s11+$0x0], $0xffff  }
0x238: {  	v55 =	vadd.s32 v4, v45;
	_ =	sdelay $0x1  }
0x239: {  	[tilespmem:s26+$0xFFFFFF10] =	vst v35  }
0x23a: {  	v35 =	vld.idx.msk [tilespmem:v53+s11+$0x0], $0xffff;
	[tilespmem:s28+$0xFFFFFF10] =	vst v36  }
0x23b: {  	v33 =	vadd.s32 v5, v61;
	v36 =	vld.idx.msk [tilespmem:v54+s11+$0x0], $0xffff;
	[tilespmem:s29+$0xFFFFFF10] =	vst v41  }
0x23c: {  	v56 =	vadd.s32 v5, v62;
	v57 =	vld.idx.msk [tilespmem:v55+s11+$0x0], $0xffff  }
0x23d: {  	v39 =	vadd.s32 v5, v45;
	_ =	sdelay $0x1  }
0x23e: {  	v58 =	vperm.xlane v24, v0;
	[tilespmem:s26+$0xFFFFFF20] =	vst v35  }
0x23f: {  	v59 =	vperm.xlane v25, v0;
	v45 =	vadd.s32 v3, v32;
	v33 =	vld.idx.msk [tilespmem:v33+s11+$0x0], $0xffff;
	[tilespmem:s28+$0xFFFFFF20] =	vst v36  }
0x240: {  	v61 =	vperm.xlane v26, v0;
	v60 =	vadd.s32 v1, v58;
	v37 =	vld.idx.msk [tilespmem:v56+s11+$0x0], $0xffff;
	[tilespmem:s29+$0xFFFFFF20] =	vst v57  }
0x241: {  	v62 =	vadd.s32 v1, v59;
	v39 =	vld.idx.msk [tilespmem:v39+s11+$0x0], $0xffff  }
0x242: {  	v63 =	vadd.s32 v1, v61  }
0x243: {  	[tilespmem:s25+$0xFFFFFF80] =	vst v34  }
0x244: {  	[tilespmem:s26+$0xFFFFFF30] =	vst v33;
	v33 =	vld.idx.msk [tilespmem:v45+s11+$0x0], $0xffff  }
0x245: {  	v49 =	vadd.s32 v4, v32;
	v40 =	vld.idx.msk [tilespmem:v60+s11+$0x0], $0xffff;
	[tilespmem:s28+$0xFFFFFF30] =	vst v37  }
0x246: {  	v46 =	vadd.s32 v3, v58;
	v41 =	vld.idx.msk [tilespmem:v62+s11+$0x0], $0xffff;
	[tilespmem:s29+$0xFFFFFF30] =	vst v39  }
0x247: {  	v47 =	vadd.s32 v3, v59;
	v42 =	vld.idx.msk [tilespmem:v63+s11+$0x0], $0xffff  }
0x248: {  	v48 =	vadd.s32 v3, v61  }
0x249: {  	[tilespmem:s25+$0xFFFFFF90] =	vst v33  }
0x24a: {  	[tilespmem:s26+$0xFFFFFF80] =	vst v40;
	v33 =	vld.idx.msk [tilespmem:v49+s11+$0x0], $0xffff  }
0x24b: {  	v32 =	vadd.s32 v5, v32;
	v37 =	vld.idx.msk [tilespmem:v46+s11+$0x0], $0xffff;
	[tilespmem:s28+$0xFFFFFF80] =	vst v41  }
0x24c: {  	v50 =	vadd.s32 v4, v58;
	v39 =	vld.idx.msk [tilespmem:v47+s11+$0x0], $0xffff;
	[tilespmem:s29+$0xFFFFFF80] =	vst v42  }
0x24d: {  	v51 =	vadd.s32 v4, v59;
	v42 =	vld.idx.msk [tilespmem:v48+s11+$0x0], $0xffff  }
0x24e: {  	v52 =	vadd.s32 v4, v61  }
0x24f: {  	v56 =	vperm.xlane v23, v12;
	[tilespmem:s25+$0xFFFFFFA0] =	vst v33  }
0x250: {  	[tilespmem:s26+$0xFFFFFF90] =	vst v37;
	v32 =	vld.idx.msk [tilespmem:v32+s11+$0x0], $0xffff  }
0x251: {  	v35 =	vadd.s32 v5, v58;
	v58 =	vadd.s32 v1, v56;
	v53 =	vld.idx.msk [tilespmem:v50+s11+$0x0], $0xffff;
	[tilespmem:s28+$0xFFFFFF90] =	vst v39  }
0x252: {  	v54 =	vld.idx.msk [tilespmem:v51+s11+$0x0], $0xffff;
	[tilespmem:s29+$0xFFFFFF90] =	vst v42  }
0x253: {  	v36 =	vadd.s32 v5, v59;
	v55 =	vld.idx.msk [tilespmem:v52+s11+$0x0], $0xffff  }
0x254: {  	v38 =	vadd.s32 v5, v61  }
0x255: {  	[tilespmem:s25+$0xFFFFFFB0] =	vst v32  }
0x256: {  	v57 =	vperm.xlane v24, v12;
	[tilespmem:s26+$0xFFFFFFA0] =	vst v53;
	v32 =	vld.idx.msk [tilespmem:v58+s11+$0x0], $0xffff  }
0x257: {  	v59 =	vperm.xlane v25, v12;
	v45 =	vadd.s32 v3, v56;
	v35 =	vld.idx.msk [tilespmem:v35+s11+$0x0], $0xffff;
	[tilespmem:s28+$0xFFFFFFA0] =	vst v54  }
0x258: {  	v61 =	vperm.xlane v26, v12;
	v60 =	vadd.s32 v1, v57;
	v36 =	vld.idx.msk [tilespmem:v36+s11+$0x0], $0xffff;
	[tilespmem:s29+$0xFFFFFFA0] =	vst v55  }
0x259: {  	v62 =	vadd.s32 v1, v59;
	v38 =	vld.idx.msk [tilespmem:v38+s11+$0x0], $0xffff  }
0x25a: {  	v63 =	vadd.s32 v1, v61  }
0x25b: {  	[tilespmem:s25+$0x0] =	vst v32  }
0x25c: {  	[tilespmem:s26+$0xFFFFFFB0] =	vst v35;
	v32 =	vld.idx.msk [tilespmem:v45+s11+$0x0], $0xffff  }
0x25d: {  	v46 =	vld.idx.msk [tilespmem:v60+s11+$0x0], $0xffff;
	v52 =	vadd.s32 v4, v56;
	[tilespmem:s28+$0xFFFFFFB0] =	vst v36  }
0x25e: {  	v47 =	vadd.s32 v3, v57;
	v48 =	vld.idx.msk [tilespmem:v62+s11+$0x0], $0xffff;
	[tilespmem:s29+$0xFFFFFFB0] =	vst v38  }
0x25f: {  	v49 =	vadd.s32 v3, v59;
	v50 =	vld.idx.msk [tilespmem:v63+s11+$0x0], $0xffff  }
0x260: {  	v51 =	vadd.s32 v3, v61  }
0x261: {  	[tilespmem:s25+$0x10] =	vst v32  }
0x262: {  	[tilespmem:s26+$0x0] =	vst v46;
	v32 =	vld.idx.msk [tilespmem:v52+s11+$0x0], $0xffff  }
0x263: {  	v33 =	vadd.s32 v5, v56;
	v36 =	vld.idx.msk [tilespmem:v47+s11+$0x0], $0xffff;
	[tilespmem:s28+$0x0] =	vst v48  }
0x264: {  	v53 =	vadd.s32 v4, v57;
	v38 =	vld.idx.msk [tilespmem:v49+s11+$0x0], $0xffff;
	[tilespmem:s29+$0x0] =	vst v50  }
0x265: {  	v54 =	vadd.s32 v4, v59;
	v42 =	vld.idx.msk [tilespmem:v51+s11+$0x0], $0xffff  }
0x266: {  	v55 =	vadd.s32 v4, v61  }
0x267: {  	v37 =	vadd.s32 v5, v59;
	v59 =	vperm.xlane v23, v13;
	[tilespmem:s25+$0x20] =	vst v32  }
0x268: {  	[tilespmem:s26+$0x10] =	vst v36;
	v33 =	vld.idx.msk [tilespmem:v33+s11+$0x0], $0xffff  }
0x269: {  	v39 =	vadd.s32 v5, v61;
	v61 =	vadd.s32 v1, v59;
	v56 =	vld.idx.msk [tilespmem:v53+s11+$0x0], $0xffff;
	[tilespmem:s28+$0x10] =	vst v38  }
0x26a: {  	v34 =	vadd.s32 v5, v57;
	v57 =	vld.idx.msk [tilespmem:v54+s11+$0x0], $0xffff;
	[tilespmem:s29+$0x10] =	vst v42  }
0x26b: {  	v58 =	vld.idx.msk [tilespmem:v55+s11+$0x0], $0xffff;
	_ =	sdelay $0x1  }
0x26c: {  	[tilespmem:s25+$0x30] =	vst v33  }
0x26d: {  	v60 =	vperm.xlane v24, v13;
	[tilespmem:s26+$0x20] =	vst v56;
	v33 =	vld.idx.msk [tilespmem:v61+s11+$0x0], $0xffff  }
0x26e: {  	v62 =	vperm.xlane v25, v13;
	v48 =	vadd.s32 v3, v59;
	v34 =	vld.idx.msk [tilespmem:v34+s11+$0x0], $0xffff;
	[tilespmem:s28+$0x20] =	vst v57  }
0x26f: {  	v45 =	vperm.xlane v26, v13;
	v63 =	vadd.s32 v1, v60;
	v37 =	vld.idx.msk [tilespmem:v37+s11+$0x0], $0xffff;
	[tilespmem:s29+$0x20] =	vst v58  }
0x270: {  	v46 =	vadd.s32 v1, v62;
	v39 =	vld.idx.msk [tilespmem:v39+s11+$0x0], $0xffff  }
0x271: {  	v47 =	vadd.s32 v1, v45  }
0x272: {  	[tilespmem:s25+$0x80] =	vst v33  }
0x273: {  	[tilespmem:s26+$0x30] =	vst v34;
	v33 =	vld.idx.msk [tilespmem:v48+s11+$0x0], $0xffff  }
0x274: {  	v49 =	vld.idx.msk [tilespmem:v63+s11+$0x0], $0xffff;
	v55 =	vadd.s32 v4, v59;
	[tilespmem:s28+$0x30] =	vst v37  }
0x275: {  	v50 =	vadd.s32 v3, v60;
	v51 =	vld.idx.msk [tilespmem:v46+s11+$0x0], $0xffff;
	[tilespmem:s29+$0x30] =	vst v39  }
0x276: {  	v52 =	vadd.s32 v3, v62;
	v53 =	vld.idx.msk [tilespmem:v47+s11+$0x0], $0xffff  }
0x277: {  	v54 =	vadd.s32 v3, v45  }
0x278: {  	[tilespmem:s25+$0x90] =	vst v33  }
0x279: {  	[tilespmem:s26+$0x80] =	vst v49;
	v33 =	vld.idx.msk [tilespmem:v55+s11+$0x0], $0xffff  }
0x27a: {  	v32 =	vadd.s32 v5, v59;
	v37 =	vld.idx.msk [tilespmem:v50+s11+$0x0], $0xffff;
	[tilespmem:s28+$0x80] =	vst v51  }
0x27b: {  	v56 =	vadd.s32 v4, v60;
	v39 =	vld.idx.msk [tilespmem:v52+s11+$0x0], $0xffff;
	[tilespmem:s29+$0x80] =	vst v53  }
0x27c: {  	v57 =	vadd.s32 v4, v62;
	v42 =	vld.idx.msk [tilespmem:v54+s11+$0x0], $0xffff  }
0x27d: {  	v58 =	vadd.s32 v4, v45  }
0x27e: {  	v28 =	vadd.s32 v5, v28;
	[tilespmem:s25+$0xA0] =	vst v33;
	v33 =	vperm.xlane v23, v14  }
0x27f: {  	[tilespmem:s26+$0x90] =	vst v37;
	v32 =	vld.idx.msk [tilespmem:v32+s11+$0x0], $0xffff  }
0x280: {  	v59 =	vld.idx.msk [tilespmem:v56+s11+$0x0], $0xffff;
	v47 =	vadd.s32 v1, v33;
	[tilespmem:s28+$0x90] =	vst v39  }
0x281: {  	v35 =	vadd.s32 v5, v60;
	v60 =	vld.idx.msk [tilespmem:v57+s11+$0x0], $0xffff;
	[tilespmem:s29+$0x90] =	vst v42  }
0x282: {  	[tilespmem:s23+$0xA0] =	vst v31;
	v31 =	vperm.xlane v21, v14;
	v36 =	vadd.s32 v5, v62;
	v61 =	vld.idx.msk [tilespmem:v58+s11+$0x0], $0xffff  }
0x283: {  	[tilespmem:s24+$0x300] =	vst v30;
	v28 =	vld.idx.msk [tilespmem:v28+s11+$0x0], $0xffff;
	v38 =	vadd.s32 v5, v45  }
0x284: {  	v62 =	vadd.s32 v1, v31;
	[tilespmem:s25+$0xB0] =	vst v32  }
0x285: {  	v63 =	vperm.xlane v24, v14;
	[tilespmem:s26+$0xA0] =	vst v59;
	v41 =	vld.idx.msk [tilespmem:v47+s11+$0x0], $0xffff  }
0x286: {  	v48 =	vperm.xlane v25, v14;
	v35 =	vld.idx.msk [tilespmem:v35+s11+$0x0], $0xffff;
	v53 =	vadd.s32 v3, v33;
	[tilespmem:s28+$0xA0] =	vst v60  }
0x287: {  	v49 =	vadd.s32 v1, v63;
	v50 =	vperm.xlane v26, v14;
	v36 =	vld.idx.msk [tilespmem:v36+s11+$0x0], $0xffff;
	[tilespmem:s29+$0xA0] =	vst v61  }
0x288: {  	[tilespmem:s23+$0xB0] =	vst v28;
	v30 =	vadd.s32 v1, v48;
	v38 =	vld.idx.msk [tilespmem:v38+s11+$0x0], $0xffff  }
0x289: {  	[tilespmem:s22+$0x1B0] =	vst v29;
	v40 =	vld.idx.msk [tilespmem:v62+s11+$0x0], $0xffff;
	v28 =	vadd.s32 v1, v50  }
0x28a: {  	v52 =	vadd.s32 v3, v31;
	[tilespmem:s25+$0x100] =	vst v41  }
0x28b: {  	[tilespmem:s26+$0xB0] =	vst v35;
	v35 =	vld.idx.msk [tilespmem:v53+s11+$0x0], $0xffff  }
0x28c: {  	v42 =	vld.idx.msk [tilespmem:v49+s11+$0x0], $0xffff;
	v58 =	vadd.s32 v4, v33;
	[tilespmem:s28+$0xB0] =	vst v36  }
0x28d: {  	v54 =	vadd.s32 v3, v63;
	v30 =	vld.idx.msk [tilespmem:v30+s11+$0x0], $0xffff;
	[tilespmem:s29+$0xB0] =	vst v38  }
0x28e: {  	v29 =	vadd.s32 v3, v48;
	[tilespmem:s23+$0x100] =	vst v40;
	v28 =	vld.idx.msk [tilespmem:v28+s11+$0x0], $0xffff  }
0x28f: {  	v55 =	vadd.s32 v3, v50;
	v32 =	vld.idx.msk [tilespmem:v52+s11+$0x0], $0xffff  }
0x290: {  	v57 =	vadd.s32 v4, v31;
	[tilespmem:s25+$0x110] =	vst v35  }
0x291: {  	v51 =	vadd.s32 v3, v27;
	[tilespmem:s26+$0x100] =	vst v42;
	v35 =	vld.idx.msk [tilespmem:v58+s11+$0x0], $0xffff  }
0x292: {  	v33 =	vadd.s32 v5, v33;
	v36 =	vld.idx.msk [tilespmem:v54+s11+$0x0], $0xffff;
	[tilespmem:s28+$0x100] =	vst v30  }
0x293: {  	v30 =	vadd.s32 v4, v63;
	v29 =	vld.idx.msk [tilespmem:v29+s11+$0x0], $0xffff;
	[tilespmem:s29+$0x100] =	vst v28  }
0x294: {  	[tilespmem:s23+$0x110] =	vst v32;
	v28 =	vadd.s32 v4, v48;
	v40 =	vld.idx.msk [tilespmem:v55+s11+$0x0], $0xffff  }
0x295: {  	v60 =	vadd.s32 v4, v50;
	v41 =	vld.idx.msk [tilespmem:v57+s11+$0x0], $0xffff  }
0x296: {  	v43 =	vld.idx.msk [tilespmem:v51+s11+$0x0], $0xffff;
	v31 =	vadd.s32 v5, v31;
	v47 =	vperm.xlane v23, v15;
	[tilespmem:s25+$0x120] =	vst v35  }
0x297: {  	v61 =	vadd.s32 v4, v27;
	[tilespmem:s26+$0x110] =	vst v36;
	v33 =	vld.idx.msk [tilespmem:v33+s11+$0x0], $0xffff  }
0x298: {  	v49 =	vadd.s32 v1, v47;
	v30 =	vld.idx.msk [tilespmem:v30+s11+$0x0], $0xffff;
	[tilespmem:s28+$0x110] =	vst v29  }
0x299: {  	v29 =	vadd.s32 v5, v63;
	v28 =	vld.idx.msk [tilespmem:v28+s11+$0x0], $0xffff;
	[tilespmem:s29+$0x110] =	vst v40  }
0x29a: {  	v62 =	vadd.s32 v5, v48;
	v45 =	vperm.xlane v21, v15;
	[tilespmem:s23+$0x120] =	vst v41;
	v32 =	vld.idx.msk [tilespmem:v60+s11+$0x0], $0xffff  }
0x29b: {  	v39 =	vadd.s32 v5, v50;
	[tilespmem:s24+$0x310] =	vst v43;
	v31 =	vld.idx.msk [tilespmem:v31+s11+$0x0], $0xffff;
	v38 =	vperm.xlane v20, v16  }
0x29c: {  	v63 =	vld.idx.msk [tilespmem:v61+s11+$0x0], $0xffff;
	[tilespmem:s25+$0x130] =	vst v33;
	v48 =	vadd.s32 v1, v45  }
0x29d: {  	v56 =	vadd.s32 v1, v38;
	v42 =	vld.idx.msk [tilespmem:v49+s11+$0x0], $0xffff;
	[tilespmem:s26+$0x120] =	vst v30;
	v30 =	vperm.xlane v24, v15  }
0x29e: {  	v27 =	vadd.s32 v5, v27;
	v29 =	vld.idx.msk [tilespmem:v29+s11+$0x0], $0xffff;
	[tilespmem:s28+$0x120] =	vst v28;
	v28 =	vperm.xlane v25, v15  }
0x29f: {  	v51 =	vperm.xlane v26, v15;
	v50 =	vadd.s32 v1, v30;
	v34 =	vld.idx.msk [tilespmem:v62+s11+$0x0], $0xffff;
	[tilespmem:s29+$0x120] =	vst v32  }
0x2a0: {  	[tilespmem:s23+$0x130] =	vst v31;
	v52 =	vadd.s32 v1, v28;
	v39 =	vld.idx.msk [tilespmem:v39+s11+$0x0], $0xffff  }
0x2a1: {  	v31 =	vadd.s32 v1, v51;
	[tilespmem:s24+$0x320] =	vst v63;
	v41 =	vld.idx.msk [tilespmem:v48+s11+$0x0], $0xffff  }
0x2a2: {  	v53 =	vadd.s32 v3, v45;
	v59 =	vld.idx.msk [tilespmem:v56+s11+$0x0], $0xffff;
	[tilespmem:s25+$0x180] =	vst v42  }
0x2a3: {  	v46 =	vadd.s32 v3, v38;
	v27 =	vld.idx.msk [tilespmem:v27+s11+$0x0], $0xffff;
	[tilespmem:s26+$0x130] =	vst v29  }
0x2a4: {  	v29 =	vadd.s32 v3, v47;
	v43 =	vld.idx.msk [tilespmem:v50+s11+$0x0], $0xffff;
	[tilespmem:s28+$0x130] =	vst v34  }
0x2a5: {  	v54 =	vadd.s32 v3, v30;
	v36 =	vld.idx.msk [tilespmem:v52+s11+$0x0], $0xffff;
	[tilespmem:s29+$0x130] =	vst v39  }
0x2a6: {  	[tilespmem:s23+$0x180] =	vst v41;
	v55 =	vadd.s32 v3, v28;
	v31 =	vld.idx.msk [tilespmem:v31+s11+$0x0], $0xffff  }
0x2a7: {  	v22 =	vperm.xlane v22, v19;
	v56 =	vadd.s32 v3, v51;
	[tilespmem:s22+$0x200] =	vst v59;
	v33 =	vld.idx.msk [tilespmem:v53+s11+$0x0], $0xffff  }
0x2a8: {  	v58 =	vadd.s32 v4, v45;
	v40 =	vld.idx.msk [tilespmem:v46+s11+$0x0], $0xffff;
	[tilespmem:s24+$0x330] =	vst v27  }
0x2a9: {  	v63 =	vadd.s32 v1, v22;
	v29 =	vld.idx.msk [tilespmem:v29+s11+$0x0], $0xffff;
	[tilespmem:s26+$0x180] =	vst v43  }
0x2aa: {  	v59 =	vadd.s32 v4, v47;
	v34 =	vld.idx.msk [tilespmem:v54+s11+$0x0], $0xffff;
	[tilespmem:s28+$0x180] =	vst v36  }
0x2ab: {  	v60 =	vadd.s32 v4, v30;
	v39 =	vld.idx.msk [tilespmem:v55+s11+$0x0], $0xffff;
	[tilespmem:s29+$0x180] =	vst v31  }
0x2ac: {  	v27 =	vadd.s32 v4, v28;
	[tilespmem:s23+$0x190] =	vst v33;
	v31 =	vld.idx.msk [tilespmem:v56+s11+$0x0], $0xffff  }
0x2ad: {  	v62 =	vadd.s32 v4, v51;
	[tilespmem:s22+$0x210] =	vst v40;
	v42 =	vld.idx.msk [tilespmem:v58+s11+$0x0], $0xffff  }
0x2ae: {  	v48 =	vld.idx.msk [tilespmem:v63+s11+$0x0], $0xffff;
	[tilespmem:s25+$0x190] =	vst v29;
	v29 =	vadd.s32 v5, v45  }
0x2af: {  	v57 =	vadd.s32 v4, v38;
	v45 =	vld.idx.msk [tilespmem:v59+s11+$0x0], $0xffff;
	[tilespmem:s26+$0x190] =	vst v34  }
0x2b0: {  	v46 =	vadd.s32 v5, v47;
	v47 =	vld.idx.msk [tilespmem:v60+s11+$0x0], $0xffff;
	[tilespmem:s28+$0x190] =	vst v39  }
0x2b1: {  	v30 =	vadd.s32 v5, v30;
	v27 =	vld.idx.msk [tilespmem:v27+s11+$0x0], $0xffff;
	[tilespmem:s29+$0x190] =	vst v31  }
0x2b2: {  	v49 =	vperm.xlane v21, v16;
	v28 =	vadd.s32 v5, v28;
	[tilespmem:s23+$0x1A0] =	vst v42;
	v31 =	vld.idx.msk [tilespmem:v62+s11+$0x0], $0xffff  }
0x2b3: {  	v32 =	vadd.s32 v5, v51;
	[tilespmem:s24+$0x380] =	vst v48;
	v29 =	vld.idx.msk [tilespmem:v29+s11+$0x0], $0xffff  }
0x2b4: {  	v50 =	vperm.xlane v23, v16;
	v51 =	vadd.s32 v1, v49;
	v61 =	vld.idx.msk [tilespmem:v57+s11+$0x0], $0xffff;
	[tilespmem:s25+$0x1A0] =	vst v45  }
0x2b5: {  	v38 =	vadd.s32 v5, v38;
	v52 =	vperm.xlane v24, v16;
	v34 =	vld.idx.msk [tilespmem:v46+s11+$0x0], $0xffff;
	[tilespmem:s26+$0x1A0] =	vst v47  }
0x2b6: {  	v53 =	vadd.s32 v1, v50;
	v30 =	vld.idx.msk [tilespmem:v30+s11+$0x0], $0xffff;
	[tilespmem:s28+$0x1A0] =	vst v27;
	v27 =	vperm.xlane v25, v16  }
0x2b7: {  	v54 =	vadd.s32 v1, v52;
	v28 =	vld.idx.msk [tilespmem:v28+s11+$0x0], $0xffff;
	[tilespmem:s29+$0x1A0] =	vst v31;
	v31 =	vperm.xlane v26, v16  }
0x2b8: {  	[tilespmem:s23+$0x1B0] =	vst v29;
	v55 =	vadd.s32 v1, v27;
	v32 =	vld.idx.msk [tilespmem:v32+s11+$0x0], $0xffff  }
0x2b9: {  	[tilespmem:s22+$0x220] =	vst v61;
	v39 =	vld.idx.msk [tilespmem:v51+s11+$0x0], $0xffff;
	v29 =	vadd.s32 v1, v31  }
0x2ba: {  	v57 =	vadd.s32 v3, v49;
	v38 =	vld.idx.msk [tilespmem:v38+s11+$0x0], $0xffff;
	[tilespmem:s25+$0x1B0] =	vst v34  }
0x2bb: {  	v56 =	vadd.s32 v3, v22;
	v40 =	vld.idx.msk [tilespmem:v53+s11+$0x0], $0xffff;
	[tilespmem:s26+$0x1B0] =	vst v30  }
0x2bc: {  	v30 =	vadd.s32 v3, v50;
	v41 =	vld.idx.msk [tilespmem:v54+s11+$0x0], $0xffff;
	[tilespmem:s28+$0x1B0] =	vst v28  }
0x2bd: {  	v28 =	vadd.s32 v3, v52;
	v33 =	vld.idx.msk [tilespmem:v55+s11+$0x0], $0xffff;
	[tilespmem:s29+$0x1B0] =	vst v32  }
0x2be: {  	[tilespmem:s23+$0x200] =	vst v39;
	v58 =	vadd.s32 v3, v27;
	v29 =	vld.idx.msk [tilespmem:v29+s11+$0x0], $0xffff  }
0x2bf: {  	[tilespmem:s22+$0x230] =	vst v38;
	v34 =	vld.idx.msk [tilespmem:v57+s11+$0x0], $0xffff;
	v59 =	vadd.s32 v3, v31  }
0x2c0: {  	v61 =	vadd.s32 v4, v49;
	v42 =	vld.idx.msk [tilespmem:v56+s11+$0x0], $0xffff;
	[tilespmem:s25+$0x200] =	vst v40  }
0x2c1: {  	v47 =	vadd.s32 v4, v22;
	v30 =	vld.idx.msk [tilespmem:v30+s11+$0x0], $0xffff;
	[tilespmem:s26+$0x200] =	vst v41  }
0x2c2: {  	v62 =	vadd.s32 v4, v50;
	v28 =	vld.idx.msk [tilespmem:v28+s11+$0x0], $0xffff;
	[tilespmem:s28+$0x200] =	vst v33  }
0x2c3: {  	v63 =	vadd.s32 v4, v52;
	v38 =	vld.idx.msk [tilespmem:v58+s11+$0x0], $0xffff;
	[tilespmem:s29+$0x200] =	vst v29  }
0x2c4: {  	[tilespmem:s23+$0x210] =	vst v34;
	v29 =	vadd.s32 v4, v27;
	v39 =	vld.idx.msk [tilespmem:v59+s11+$0x0], $0xffff  }
0x2c5: {  	[tilespmem:s24+$0x390] =	vst v42;
	v46 =	vadd.s32 v4, v31;
	v32 =	vperm.xlane v20, v17;
	v40 =	vld.idx.msk [tilespmem:v61+s11+$0x0], $0xffff  }
0x2c6: {  	[tilespmem:s25+$0x210] =	vst v30;
	v30 =	vadd.s32 v5, v49;
	v49 =	vld.idx.msk [tilespmem:v47+s11+$0x0], $0xffff  }
0x2c7: {  	v60 =	vadd.s32 v1, v32;
	v48 =	vld.idx.msk [tilespmem:v62+s11+$0x0], $0xffff;
	[tilespmem:s26+$0x210] =	vst v28  }
0x2c8: {  	v28 =	vadd.s32 v5, v50;
	v33 =	vld.idx.msk [tilespmem:v63+s11+$0x0], $0xffff;
	[tilespmem:s28+$0x210] =	vst v38  }
0x2c9: {  	v35 =	vadd.s32 v5, v52;
	v29 =	vld.idx.msk [tilespmem:v29+s11+$0x0], $0xffff;
	[tilespmem:s29+$0x210] =	vst v39  }
0x2ca: {  	[tilespmem:s23+$0x220] =	vst v40;
	v27 =	vadd.s32 v5, v27;
	v34 =	vld.idx.msk [tilespmem:v46+s11+$0x0], $0xffff  }
0x2cb: {  	v31 =	vadd.s32 v5, v31;
	v30 =	vld.idx.msk [tilespmem:v30+s11+$0x0], $0xffff;
	[tilespmem:s24+$0x3A0] =	vst v49;
	v50 =	vperm.xlane v21, v17  }
0x2cc: {  	v22 =	vadd.s32 v5, v22;
	v52 =	vperm.xlane v23, v17;
	v45 =	vld.idx.msk [tilespmem:v60+s11+$0x0], $0xffff;
	[tilespmem:s25+$0x220] =	vst v48  }
0x2cd: {  	v54 =	vperm.xlane v24, v17;
	v53 =	vadd.s32 v1, v50;
	v28 =	vld.idx.msk [tilespmem:v28+s11+$0x0], $0xffff;
	[tilespmem:s26+$0x220] =	vst v33  }
0x2ce: {  	v55 =	vadd.s32 v1, v52;
	v35 =	vld.idx.msk [tilespmem:v35+s11+$0x0], $0xffff;
	[tilespmem:s28+$0x220] =	vst v29;
	v29 =	vperm.xlane v25, v17  }
0x2cf: {  	v56 =	vadd.s32 v1, v54;
	v57 =	vperm.xlane v26, v17;
	v27 =	vld.idx.msk [tilespmem:v27+s11+$0x0], $0xffff;
	[tilespmem:s29+$0x220] =	vst v34  }
0x2d0: {  	[tilespmem:s23+$0x230] =	vst v30;
	v58 =	vadd.s32 v1, v29;
	v31 =	vld.idx.msk [tilespmem:v31+s11+$0x0], $0xffff  }
0x2d1: {  	v22 =	vld.idx.msk [tilespmem:v22+s11+$0x0], $0xffff;
	v30 =	vadd.s32 v1, v57;
	[tilespmem:s22+$0x280] =	vst v45  }
0x2d2: {  	v51 =	vadd.s32 v3, v32;
	v40 =	vld.idx.msk [tilespmem:v53+s11+$0x0], $0xffff;
	[tilespmem:s25+$0x230] =	vst v28  }
0x2d3: {  	v28 =	vadd.s32 v3, v50;
	v41 =	vld.idx.msk [tilespmem:v55+s11+$0x0], $0xffff;
	[tilespmem:s26+$0x230] =	vst v35  }
0x2d4: {  	v59 =	vadd.s32 v3, v52;
	v42 =	vld.idx.msk [tilespmem:v56+s11+$0x0], $0xffff;
	[tilespmem:s28+$0x230] =	vst v27  }
0x2d5: {  	v27 =	vadd.s32 v3, v54;
	v37 =	vld.idx.msk [tilespmem:v58+s11+$0x0], $0xffff;
	[tilespmem:s29+$0x230] =	vst v31  }
0x2d6: {  	[tilespmem:s24+$0x3B0] =	vst v22;
	v31 =	vadd.s32 v3, v29;
	v30 =	vld.idx.msk [tilespmem:v30+s11+$0x0], $0xffff  }
0x2d7: {  	v60 =	vadd.s32 v3, v57;
	v39 =	vld.idx.msk [tilespmem:v51+s11+$0x0], $0xffff;
	[tilespmem:s23+$0x280] =	vst v40  }
0x2d8: {  	v61 =	vadd.s32 v4, v32;
	v28 =	vld.idx.msk [tilespmem:v28+s11+$0x0], $0xffff;
	[tilespmem:s25+$0x280] =	vst v41  }
0x2d9: {  	v62 =	vadd.s32 v4, v50;
	v35 =	vld.idx.msk [tilespmem:v59+s11+$0x0], $0xffff;
	[tilespmem:s26+$0x280] =	vst v42  }
0x2da: {  	v63 =	vadd.s32 v4, v52;
	v27 =	vld.idx.msk [tilespmem:v27+s11+$0x0], $0xffff;
	[tilespmem:s28+$0x280] =	vst v37  }
0x2db: {  	v45 =	vadd.s32 v4, v54;
	v31 =	vld.idx.msk [tilespmem:v31+s11+$0x0], $0xffff;
	[tilespmem:s29+$0x280] =	vst v30  }
0x2dc: {  	[tilespmem:s22+$0x290] =	vst v39;
	v22 =	vadd.s32 v4, v29;
	v30 =	vld.idx.msk [tilespmem:v60+s11+$0x0], $0xffff  }
0x2dd: {  	v46 =	vld.idx.msk [tilespmem:v61+s11+$0x0], $0xffff;
	[tilespmem:s23+$0x290] =	vst v28;
	v28 =	vadd.s32 v4, v57  }
0x2de: {  	v32 =	vadd.s32 v5, v32;
	v47 =	vld.idx.msk [tilespmem:v62+s11+$0x0], $0xffff;
	[tilespmem:s25+$0x290] =	vst v35  }
0x2df: {  	v48 =	vadd.s32 v5, v50;
	v49 =	vld.idx.msk [tilespmem:v63+s11+$0x0], $0xffff;
	[tilespmem:s26+$0x290] =	vst v27  }
0x2e0: {  	v27 =	vadd.s32 v5, v52;
	v50 =	vld.idx.msk [tilespmem:v45+s11+$0x0], $0xffff;
	[tilespmem:s28+$0x290] =	vst v31  }
0x2e1: {  	v31 =	vadd.s32 v5, v54;
	v22 =	vld.idx.msk [tilespmem:v22+s11+$0x0], $0xffff;
	[tilespmem:s29+$0x290] =	vst v30  }
0x2e2: {  	[tilespmem:s22+$0x2A0] =	vst v46;
	v29 =	vadd.s32 v5, v29;
	v30 =	vperm.xlane v20, v18;
	v28 =	vld.idx.msk [tilespmem:v28+s11+$0x0], $0xffff  }
0x2e3: {  	v51 =	vperm.xlane v21, v18;
	v34 =	vadd.s32 v5, v57;
	v32 =	vld.idx.msk [tilespmem:v32+s11+$0x0], $0xffff;
	[tilespmem:s23+$0x2A0] =	vst v47  }
0x2e4: {  	v53 =	vperm.xlane v23, v18;
	v35 =	vld.idx.msk [tilespmem:v48+s11+$0x0], $0xffff;
	[tilespmem:s25+$0x2A0] =	vst v49;
	v52 =	vadd.s32 v1, v30  }
0x2e5: {  	v55 =	vperm.xlane v24, v18;
	v54 =	vadd.s32 v1, v51;
	v27 =	vld.idx.msk [tilespmem:v27+s11+$0x0], $0xffff;
	[tilespmem:s26+$0x2A0] =	vst v50  }
0x2e6: {  	v56 =	vadd.s32 v1, v53;
	v31 =	vld.idx.msk [tilespmem:v31+s11+$0x0], $0xffff;
	[tilespmem:s28+$0x2A0] =	vst v22;
	v22 =	vperm.xlane v25, v18  }
0x2e7: {  	v57 =	vadd.s32 v1, v55;
	v29 =	vld.idx.msk [tilespmem:v29+s11+$0x0], $0xffff;
	[tilespmem:s29+$0x2A0] =	vst v28;
	v28 =	vperm.xlane v26, v18  }
0x2e8: {  	[tilespmem:s22+$0x2B0] =	vst v32;
	v58 =	vadd.s32 v1, v22;
	v34 =	vld.idx.msk [tilespmem:v34+s11+$0x0], $0xffff  }
0x2e9: {  	[tilespmem:s23+$0x2B0] =	vst v35;
	v37 =	vld.idx.msk [tilespmem:v52+s11+$0x0], $0xffff;
	v59 =	vadd.s32 v1, v28  }
0x2ea: {  	v60 =	vadd.s32 v3, v30;
	v39 =	vld.idx.msk [tilespmem:v54+s11+$0x0], $0xffff;
	[tilespmem:s25+$0x2B0] =	vst v27  }
0x2eb: {  	v27 =	vadd.s32 v3, v51;
	v40 =	vld.idx.msk [tilespmem:v56+s11+$0x0], $0xffff;
	[tilespmem:s26+$0x2B0] =	vst v31  }
0x2ec: {  	v31 =	vadd.s32 v3, v53;
	v41 =	vld.idx.msk [tilespmem:v57+s11+$0x0], $0xffff;
	[tilespmem:s28+$0x2B0] =	vst v29  }
0x2ed: {  	v29 =	vadd.s32 v3, v55;
	v32 =	vld.idx.msk [tilespmem:v58+s11+$0x0], $0xffff;
	[tilespmem:s29+$0x2B0] =	vst v34  }
0x2ee: {  	v61 =	vadd.s32 v3, v22;
	[tilespmem:s22+$0x300] =	vst v37;
	v35 =	vld.idx.msk [tilespmem:v59+s11+$0x0], $0xffff  }
0x2ef: {  	v62 =	vadd.s32 v3, v28;
	[tilespmem:s23+$0x300] =	vst v39;
	v37 =	vld.idx.msk [tilespmem:v60+s11+$0x0], $0xffff  }
0x2f0: {  	v63 =	vadd.s32 v4, v30;
	v27 =	vld.idx.msk [tilespmem:v27+s11+$0x0], $0xffff;
	[tilespmem:s25+$0x300] =	vst v40  }
0x2f1: {  	v45 =	vadd.s32 v4, v51;
	v31 =	vld.idx.msk [tilespmem:v31+s11+$0x0], $0xffff;
	[tilespmem:s26+$0x300] =	vst v41  }
0x2f2: {  	v46 =	vadd.s32 v4, v53;
	v29 =	vld.idx.msk [tilespmem:v29+s11+$0x0], $0xffff;
	[tilespmem:s28+$0x300] =	vst v32  }
0x2f3: {  	v47 =	vadd.s32 v4, v55;
	v34 =	vld.idx.msk [tilespmem:v61+s11+$0x0], $0xffff;
	[tilespmem:s29+$0x300] =	vst v35  }
0x2f4: {  	v48 =	vadd.s32 v4, v22;
	[tilespmem:s22+$0x310] =	vst v37;
	v49 =	vld.idx.msk [tilespmem:v62+s11+$0x0], $0xffff  }
0x2f5: {  	[tilespmem:s23+$0x310] =	vst v27;
	v27 =	vadd.s32 v4, v28;
	v50 =	vld.idx.msk [tilespmem:v63+s11+$0x0], $0xffff  }
0x2f6: {  	v30 =	vadd.s32 v5, v30;
	v40 =	vld.idx.msk [tilespmem:v45+s11+$0x0], $0xffff;
	[tilespmem:s25+$0x310] =	vst v31  }
0x2f7: {  	v31 =	vadd.s32 v5, v51;
	v51 =	vld.idx.msk [tilespmem:v46+s11+$0x0], $0xffff;
	[tilespmem:s26+$0x310] =	vst v29  }
0x2f8: {  	v29 =	vadd.s32 v5, v53;
	v32 =	vld.idx.msk [tilespmem:v47+s11+$0x0], $0xffff;
	[tilespmem:s28+$0x310] =	vst v34  }
0x2f9: {  	v52 =	vadd.s32 v5, v55;
	v35 =	vld.idx.msk [tilespmem:v48+s11+$0x0], $0xffff;
	[tilespmem:s29+$0x310] =	vst v49  }
0x2fa: {  	v20 =	vperm.xlane v20, v19;
	v22 =	vadd.s32 v5, v22;
	[tilespmem:s22+$0x320] =	vst v50;
	v27 =	vld.idx.msk [tilespmem:v27+s11+$0x0], $0xffff  }
0x2fb: {  	v21 =	vperm.xlane v21, v19;
	v28 =	vadd.s32 v5, v28;
	[tilespmem:s23+$0x320] =	vst v40;
	v30 =	vld.idx.msk [tilespmem:v30+s11+$0x0], $0xffff  }
0x2fc: {  	v23 =	vperm.xlane v23, v19;
	v53 =	vadd.s32 v1, v20;
	v31 =	vld.idx.msk [tilespmem:v31+s11+$0x0], $0xffff;
	[tilespmem:s25+$0x320] =	vst v51  }
0x2fd: {  	v24 =	vperm.xlane v24, v19;
	v54 =	vadd.s32 v1, v21;
	v29 =	vld.idx.msk [tilespmem:v29+s11+$0x0], $0xffff;
	[tilespmem:s26+$0x320] =	vst v32  }
0x2fe: {  	v25 =	vperm.xlane v25, v19;
	v55 =	vadd.s32 v1, v23;
	v34 =	vld.idx.msk [tilespmem:v52+s11+$0x0], $0xffff;
	[tilespmem:s28+$0x320] =	vst v35  }
0x2ff: {  	v26 =	vperm.xlane v26, v19;
	v56 =	vadd.s32 v1, v24;
	v22 =	vld.idx.msk [tilespmem:v22+s11+$0x0], $0xffff;
	[tilespmem:s29+$0x320] =	vst v27  }
0x300: {  	[tilespmem:s22+$0x330] =	vst v30;
	v27 =	vadd.s32 v1, v25;
	v28 =	vld.idx.msk [tilespmem:v28+s11+$0x0], $0xffff  }
0x301: {  	[tilespmem:s23+$0x330] =	vst v31;
	v31 =	vadd.s32 v1, v26;
	v30 =	vld.idx.msk [tilespmem:v53+s11+$0x0], $0xffff  }
0x302: {  	v57 =	vadd.s32 v3, v20;
	v33 =	vld.idx.msk [tilespmem:v54+s11+$0x0], $0xffff;
	[tilespmem:s25+$0x330] =	vst v29  }
0x303: {  	v29 =	vadd.s32 v3, v21;
	v32 =	vld.idx.msk [tilespmem:v55+s11+$0x0], $0xffff;
	[tilespmem:s26+$0x330] =	vst v34  }
0x304: {  	v58 =	vadd.s32 v3, v23;
	v35 =	vld.idx.msk [tilespmem:v56+s11+$0x0], $0xffff;
	[tilespmem:s28+$0x330] =	vst v22  }
0x305: {  	v22 =	vadd.s32 v3, v24;
	v27 =	vld.idx.msk [tilespmem:v27+s11+$0x0], $0xffff;
	[tilespmem:s29+$0x330] =	vst v28  }
0x306: {  	[tilespmem:s22+$0x380] =	vst v30;
	v28 =	vadd.s32 v3, v25;
	v30 =	vld.idx.msk [tilespmem:v31+s11+$0x0], $0xffff  }
0x307: {  	v59 =	vadd.s32 v3, v26;
	[tilespmem:s23+$0x380] =	vst v33;
	v31 =	vld.idx.msk [tilespmem:v57+s11+$0x0], $0xffff  }
0x308: {  	v60 =	vadd.s32 v4, v20;
	v29 =	vld.idx.msk [tilespmem:v29+s11+$0x0], $0xffff;
	[tilespmem:s25+$0x380] =	vst v32  }
0x309: {  	v61 =	vadd.s32 v4, v21;
	v34 =	vld.idx.msk [tilespmem:v58+s11+$0x0], $0xffff;
	[tilespmem:s26+$0x380] =	vst v35  }
0x30a: {  	v62 =	vadd.s32 v4, v23;
	v22 =	vld.idx.msk [tilespmem:v22+s11+$0x0], $0xffff;
	[tilespmem:s28+$0x380] =	vst v27  }
0x30b: {  	v27 =	vadd.s32 v4, v24;
	v28 =	vld.idx.msk [tilespmem:v28+s11+$0x0], $0xffff;
	[tilespmem:s29+$0x380] =	vst v30  }
0x30c: {  	[tilespmem:s22+$0x390] =	vst v31;
	v30 =	vadd.s32 v4, v25;
	v31 =	vld.idx.msk [tilespmem:v59+s11+$0x0], $0xffff  }
0x30d: {  	[tilespmem:s23+$0x390] =	vst v29;
	v29 =	vadd.s32 v4, v26;
	v63 =	vld.idx.msk [tilespmem:v60+s11+$0x0], $0xffff  }
0x30e: {  	v20 =	vadd.s32 v5, v20;
	v32 =	vld.idx.msk [tilespmem:v61+s11+$0x0], $0xffff;
	[tilespmem:s25+$0x390] =	vst v34  }
0x30f: {  	v21 =	vadd.s32 v5, v21;
	v34 =	vld.idx.msk [tilespmem:v62+s11+$0x0], $0xffff;
	[tilespmem:s26+$0x390] =	vst v22  }
0x310: {  	v22 =	vadd.s32 v5, v23;
	v23 =	vld.idx.msk [tilespmem:v27+s11+$0x0], $0xffff;
	[tilespmem:s28+$0x390] =	vst v28  }
0x311: {  	v24 =	vadd.s32 v5, v24;
	v27 =	vld.idx.msk [tilespmem:v30+s11+$0x0], $0xffff;
	[tilespmem:s29+$0x390] =	vst v31  }
0x312: {  	v25 =	vadd.s32 v5, v25;
	[tilespmem:s22+$0x3A0] =	vst v63;
	v28 =	vld.idx.msk [tilespmem:v29+s11+$0x0], $0xffff  }
0x313: {  	v26 =	vadd.s32 v5, v26;
	[tilespmem:s23+$0x3A0] =	vst v32;
	v20 =	vld.idx.msk [tilespmem:v20+s11+$0x0], $0xffff  }
0x314: {  	v21 =	vld.idx.msk [tilespmem:v21+s11+$0x0], $0xffff;
	[tilespmem:s25+$0x3A0] =	vst v34  }
0x315: {  	v22 =	vld.idx.msk [tilespmem:v22+s11+$0x0], $0xffff;
	[tilespmem:s26+$0x3A0] =	vst v23  }
0x316: {  	v23 =	vld.idx.msk [tilespmem:v24+s11+$0x0], $0xffff;
	[tilespmem:s28+$0x3A0] =	vst v27  }
0x317: {  	v24 =	vld.idx.msk [tilespmem:v25+s11+$0x0], $0xffff;
	[tilespmem:s29+$0x3A0] =	vst v28  }
0x318: {  	[tilespmem:s22+$0x3B0] =	vst v20;
	v20 =	vld.idx.msk [tilespmem:v26+s11+$0x0], $0xffff  }
0x319: {  	[tilespmem:s23+$0x3B0] =	vst v21  }
0x31a: {  	[tilespmem:s25+$0x3B0] =	vst v22  }
0x31b: {  	[tilespmem:s26+$0x3B0] =	vst v23  }
0x31c: {  	s0 =	sshll.u32 s31, $0x4;
	s1 =	smin.u32 s30, $0x3D;
	[tilespmem:s28+$0x3B0] =	vst v24  }
0x31d: {  	s0 =	sadd.s32 s6, s0;
	s1 =	smul.u32 $0x190, s1;
	[tilespmem:s29+$0x3B0] =	vst v20  }
0x31e: {  	[hbm4b:s0+s3] =	stream.linear.scatter [tilespmem:s15], [sflag:$0x3], $0xC800, $0x38;
	[tilespmem:$0x1D400] =	vst v63  }
0x31f: {  	s30 =	sadd.s32 s1, s9;
	_ =	swait.ge [sflag:s13], $0x190  }
0x320: {  	s0 =	sshrl.u32 s30, $0x3;
	[sflag:s13] =	ssyncset.done $0x0  }
0x321: {  	s0 =	sadd.s32 s2, s0;
	[sflag:s13] =	ssyncadd.s32 $0xFFFFFE70  }
0x322: {  	[tilespmem:s3], [sflag:$0x1] =	stream.linear.gather [hbm4b:s0+s3], $0x190, $0x38;
	[tilespmem:$0x1D400] =	vst v63  }
0x323: {  	s0 =	simm.s32 @!p0 $0x4  }
0x324: {  	_ =	swait.ge @!p0 [sflag:s0], $0xC800  }
0x325: {  	[sflag:s0] =	ssyncset.done @!p0 $0x0  }
0x326: {  	s31 =	simm.s32 $0x0;
	[sflag:s0] =	ssyncadd.s32 @!p0 $0xFFFF3800  }
0x327: {  	v20 =	vld [tilespmem:s31+$0x200];
	_ =	sdelay $0x4  }
0x328: {  	v26 =	vshll.u32 v20, $0x7  }
0x329: {  	v20 =	vperm.xlane v26, v2;
	_ =	sdelay $0x1  }
0x32a: {  	v21 =	vadd.s32 v1, v20;
	_ =	sdelay $0x2  }
0x32b: {  	s1 =	simm.s32 $0x10  }
0x32c: {  	v22 =	vld [tilespmem:s1+$0x200]  }
0x32d: {  	v21 =	vld.idx.msk [tilespmem:v21+s11+$0x0], $0xffff  }
0x32e: {  	v23 =	vadd.s32 v3, v20;
	_ =	sdelay $0x2  }
0x32f: {  	s29 =	simm.s32 $0xD000  }
0x330: {  	[tilespmem:s29+$0xFFFFFC00] =	vst v21  }
0x331: {  	v21 =	vld.idx.msk [tilespmem:v23+s11+$0x0], $0xffff  }
0x332: {  	v23 =	vadd.s32 v4, v20;
	_ =	sdelay $0x3  }
0x333: {  	[tilespmem:s29+$0xFFFFFC10] =	vst v21  }
0x334: {  	v21 =	vld.idx.msk [tilespmem:v23+s11+$0x0], $0xffff  }
0x335: {  	v20 =	vadd.s32 v5, v20;
	_ =	sdelay $0x3  }
0x336: {  	[tilespmem:s29+$0xFFFFFC20] =	vst v21;
	v21 =	vperm.xlane v26, v6  }
0x337: {  	v20 =	vld.idx.msk [tilespmem:v20+s11+$0x0], $0xffff  }
0x338: {  	v23 =	vadd.s32 v1, v21;
	_ =	sdelay $0x3  }
0x339: {  	[tilespmem:s29+$0xFFFFFC30] =	vst v20  }
0x33a: {  	v20 =	vld.idx.msk [tilespmem:v23+s11+$0x0], $0xffff  }
0x33b: {  	v23 =	vadd.s32 v3, v21;
	_ =	sdelay $0x3  }
0x33c: {  	[tilespmem:s29+$0xFFFFFC80] =	vst v20  }
0x33d: {  	v20 =	vld.idx.msk [tilespmem:v23+s11+$0x0], $0xffff  }
0x33e: {  	v23 =	vadd.s32 v4, v21;
	_ =	sdelay $0x3  }
0x33f: {  	[tilespmem:s29+$0xFFFFFC90] =	vst v20  }
0x340: {  	v20 =	vld.idx.msk [tilespmem:v23+s11+$0x0], $0xffff  }
0x341: {  	v21 =	vadd.s32 v5, v21;
	_ =	sdelay $0x3  }
0x342: {  	[tilespmem:s29+$0xFFFFFCA0] =	vst v20;
	v20 =	vperm.xlane v26, v7  }
0x343: {  	v21 =	vld.idx.msk [tilespmem:v21+s11+$0x0], $0xffff  }
0x344: {  	v23 =	vadd.s32 v1, v20;
	_ =	sdelay $0x3  }
0x345: {  	[tilespmem:s29+$0xFFFFFCB0] =	vst v21  }
0x346: {  	v22 =	vshll.u32 v22, $0x7;
	v21 =	vld.idx.msk [tilespmem:v23+s11+$0x0], $0xffff  }
0x347: {  	v24 =	vadd.s32 v3, v20;
	v23 =	vperm.xlane v22, v2;
	_ =	sdelay $0x1  }
0x348: {  	v25 =	vadd.s32 v1, v23;
	_ =	sdelay $0x1  }
0x349: {  	[tilespmem:s29+$0xFFFFFD00] =	vst v21  }
0x34a: {  	v21 =	vld.idx.msk [tilespmem:v24+s11+$0x0], $0xffff  }
0x34b: {  	v24 =	vadd.s32 v4, v20  }
0x34c: {  	v25 =	vld.idx.msk [tilespmem:v25+s11+$0x0], $0xffff  }
0x34d: {  	v27 =	vadd.s32 v3, v23;
	_ =	sdelay $0x1  }
0x34e: {  	[tilespmem:s29+$0xFFFFFD10] =	vst v21  }
0x34f: {  	s24 =	simm.s32 $0xD800;
	v21 =	vld.idx.msk [tilespmem:v24+s11+$0x0], $0xffff  }
0x350: {  	v20 =	vadd.s32 v5, v20;
	[tilespmem:s24+$0xFFFFFC00] =	vst v25  }
0x351: {  	v24 =	vld.idx.msk [tilespmem:v27+s11+$0x0], $0xffff  }
0x352: {  	v25 =	vadd.s32 v4, v23;
	_ =	sdelay $0x1  }
0x353: {  	[tilespmem:s29+$0xFFFFFD20] =	vst v21;
	v21 =	vperm.xlane v26, v8  }
0x354: {  	v20 =	vld.idx.msk [tilespmem:v20+s11+$0x0], $0xffff  }
0x355: {  	[tilespmem:s24+$0xFFFFFC10] =	vst v24;
	v24 =	vadd.s32 v1, v21  }
0x356: {  	v25 =	vld.idx.msk [tilespmem:v25+s11+$0x0], $0xffff  }
0x357: {  	v23 =	vadd.s32 v5, v23;
	_ =	sdelay $0x1  }
0x358: {  	[tilespmem:s29+$0xFFFFFD30] =	vst v20  }
0x359: {  	v20 =	vld.idx.msk [tilespmem:v24+s11+$0x0], $0xffff  }
0x35a: {  	[tilespmem:s24+$0xFFFFFC20] =	vst v25;
	v24 =	vperm.xlane v22, v6;
	v25 =	vadd.s32 v3, v21  }
0x35b: {  	v23 =	vld.idx.msk [tilespmem:v23+s11+$0x0], $0xffff  }
0x35c: {  	v27 =	vadd.s32 v1, v24;
	_ =	sdelay $0x1  }
0x35d: {  	[tilespmem:s29+$0xFFFFFD80] =	vst v20  }
0x35e: {  	v20 =	vld.idx.msk [tilespmem:v25+s11+$0x0], $0xffff  }
0x35f: {  	[tilespmem:s24+$0xFFFFFC30] =	vst v23;
	v23 =	vadd.s32 v4, v21  }
0x360: {  	v25 =	vld.idx.msk [tilespmem:v27+s11+$0x0], $0xffff  }
0x361: {  	v27 =	vadd.s32 v3, v24;
	_ =	sdelay $0x1  }
0x362: {  	[tilespmem:s29+$0xFFFFFD90] =	vst v20  }
0x363: {  	v20 =	vld.idx.msk [tilespmem:v23+s11+$0x0], $0xffff  }
0x364: {  	v21 =	vadd.s32 v5, v21;
	[tilespmem:s24+$0xFFFFFC80] =	vst v25  }
0x365: {  	v23 =	vld.idx.msk [tilespmem:v27+s11+$0x0], $0xffff  }
0x366: {  	v25 =	vadd.s32 v4, v24;
	_ =	sdelay $0x1  }
0x367: {  	v27 =	vperm.xlane v26, v9;
	[tilespmem:s29+$0xFFFFFDA0] =	vst v20  }
0x368: {  	v20 =	vld.idx.msk [tilespmem:v21+s11+$0x0], $0xffff  }
0x369: {  	[tilespmem:s24+$0xFFFFFC90] =	vst v23;
	v21 =	vadd.s32 v1, v27  }
0x36a: {  	v23 =	vld.idx.msk [tilespmem:v25+s11+$0x0], $0xffff  }
0x36b: {  	v24 =	vadd.s32 v5, v24;
	_ =	sdelay $0x1  }
0x36c: {  	[tilespmem:s29+$0xFFFFFDB0] =	vst v20  }
0x36d: {  	v20 =	vld.idx.msk [tilespmem:v21+s11+$0x0], $0xffff  }
0x36e: {  	[tilespmem:s24+$0xFFFFFCA0] =	vst v23;
	v21 =	vperm.xlane v22, v7;
	v23 =	vadd.s32 v3, v27  }
0x36f: {  	s22 =	simm.s32 $0x20;
	v24 =	vld.idx.msk [tilespmem:v24+s11+$0x0], $0xffff  }
0x370: {  	v25 =	vld [tilespmem:s22+$0x200];
	v28 =	vadd.s32 v1, v21;
	_ =	sdelay $0x1  }
0x371: {  	[tilespmem:s29+$0xFFFFFE00] =	vst v20  }
0x372: {  	v23 =	vld.idx.msk [tilespmem:v23+s11+$0x0], $0xffff  }
0x373: {  	[tilespmem:s24+$0xFFFFFCB0] =	vst v24;
	v24 =	vadd.s32 v4, v27  }
0x374: {  	v20 =	vshll.u32 v25, $0x7;
	v28 =	vld.idx.msk [tilespmem:v28+s11+$0x0], $0xffff  }
0x375: {  	v29 =	vadd.s32 v3, v21;
	v25 =	vperm.xlane v20, v2;
	_ =	sdelay $0x1  }
0x376: {  	v30 =	vadd.s32 v1, v25;
	[tilespmem:s29+$0xFFFFFE10] =	vst v23  }
0x377: {  	v23 =	vld.idx.msk [tilespmem:v24+s11+$0x0], $0xffff  }
0x378: {  	[tilespmem:s24+$0xFFFFFD00] =	vst v28;
	v24 =	vadd.s32 v5, v27  }
0x379: {  	v27 =	vld.idx.msk [tilespmem:v29+s11+$0x0], $0xffff  }
0x37a: {  	v28 =	vadd.s32 v4, v21  }
0x37b: {  	v29 =	vld.idx.msk [tilespmem:v30+s11+$0x0], $0xffff  }
0x37c: {  	v30 =	vadd.s32 v3, v25;
	[tilespmem:s29+$0xFFFFFE20] =	vst v23;
	v23 =	vperm.xlane v26, v10  }
0x37d: {  	v24 =	vld.idx.msk [tilespmem:v24+s11+$0x0], $0xffff  }
0x37e: {  	[tilespmem:s24+$0xFFFFFD10] =	vst v27;
	v27 =	vadd.s32 v1, v23  }
0x37f: {  	s22 =	simm.s32 $0xE000;
	v28 =	vld.idx.msk [tilespmem:v28+s11+$0x0], $0xffff  }
0x380: {  	v21 =	vadd.s32 v5, v21;
	[tilespmem:s22+$0xFFFFFC00] =	vst v29  }
0x381: {  	v29 =	vld.idx.msk [tilespmem:v30+s11+$0x0], $0xffff  }
0x382: {  	v30 =	vadd.s32 v4, v25;
	[tilespmem:s29+$0xFFFFFE30] =	vst v24  }
0x383: {  	v24 =	vld.idx.msk [tilespmem:v27+s11+$0x0], $0xffff  }
0x384: {  	[tilespmem:s24+$0xFFFFFD20] =	vst v28;
	v27 =	vperm.xlane v22, v8;
	v28 =	vadd.s32 v3, v23  }
0x385: {  	v21 =	vld.idx.msk [tilespmem:v21+s11+$0x0], $0xffff  }
0x386: {  	[tilespmem:s22+$0xFFFFFC10] =	vst v29;
	v29 =	vadd.s32 v1, v27  }
0x387: {  	v30 =	vld.idx.msk [tilespmem:v30+s11+$0x0], $0xffff  }
0x388: {  	v25 =	vadd.s32 v5, v25;
	[tilespmem:s29+$0xFFFFFE80] =	vst v24  }
0x389: {  	v24 =	vld.idx.msk [tilespmem:v28+s11+$0x0], $0xffff  }
0x38a: {  	[tilespmem:s24+$0xFFFFFD30] =	vst v21;
	v21 =	vadd.s32 v4, v23  }
0x38b: {  	v28 =	vld.idx.msk [tilespmem:v29+s11+$0x0], $0xffff  }
0x38c: {  	[tilespmem:s22+$0xFFFFFC20] =	vst v30;
	v30 =	vadd.s32 v3, v27;
	v29 =	vperm.xlane v20, v6  }
0x38d: {  	v25 =	vld.idx.msk [tilespmem:v25+s11+$0x0], $0xffff  }
0x38e: {  	v31 =	vadd.s32 v1, v29;
	[tilespmem:s29+$0xFFFFFE90] =	vst v24  }
0x38f: {  	v21 =	vld.idx.msk [tilespmem:v21+s11+$0x0], $0xffff  }
0x390: {  	v23 =	vadd.s32 v5, v23;
	[tilespmem:s24+$0xFFFFFD80] =	vst v28  }
0x391: {  	v24 =	vld.idx.msk [tilespmem:v30+s11+$0x0], $0xffff  }
0x392: {  	[tilespmem:s22+$0xFFFFFC30] =	vst v25;
	v25 =	vadd.s32 v4, v27  }
0x393: {  	v28 =	vld.idx.msk [tilespmem:v31+s11+$0x0], $0xffff  }
0x394: {  	v30 =	vadd.s32 v3, v29;
	[tilespmem:s29+$0xFFFFFEA0] =	vst v21;
	v21 =	vperm.xlane v26, v11  }
0x395: {  	v23 =	vld.idx.msk [tilespmem:v23+s11+$0x0], $0xffff  }
0x396: {  	[tilespmem:s24+$0xFFFFFD90] =	vst v24;
	v24 =	vadd.s32 v1, v21  }
0x397: {  	v25 =	vld.idx.msk [tilespmem:v25+s11+$0x0], $0xffff  }
0x398: {  	v27 =	vadd.s32 v5, v27;
	[tilespmem:s22+$0xFFFFFC80] =	vst v28  }
0x399: {  	v28 =	vld.idx.msk [tilespmem:v30+s11+$0x0], $0xffff  }
0x39a: {  	v30 =	vadd.s32 v4, v29;
	[tilespmem:s29+$0xFFFFFEB0] =	vst v23  }
0x39b: {  	v23 =	vld.idx.msk [tilespmem:v24+s11+$0x0], $0xffff  }
0x39c: {  	[tilespmem:s24+$0xFFFFFDA0] =	vst v25;
	v24 =	vperm.xlane v22, v9;
	v25 =	vadd.s32 v3, v21  }
0x39d: {  	v27 =	vld.idx.msk [tilespmem:v27+s11+$0x0], $0xffff  }
0x39e: {  	[tilespmem:s22+$0xFFFFFC90] =	vst v28;
	v28 =	vadd.s32 v1, v24  }
0x39f: {  	v30 =	vld.idx.msk [tilespmem:v30+s11+$0x0], $0xffff  }
0x3a0: {  	v29 =	vadd.s32 v5, v29;
	[tilespmem:s29+$0xFFFFFF00] =	vst v23  }
0x3a1: {  	v23 =	vld.idx.msk [tilespmem:v25+s11+$0x0], $0xffff  }
0x3a2: {  	[tilespmem:s24+$0xFFFFFDB0] =	vst v27;
	v25 =	vadd.s32 v4, v21  }
0x3a3: {  	s23 =	simm.s32 $0x30;
	v27 =	vld.idx.msk [tilespmem:v28+s11+$0x0], $0xffff  }
0x3a4: {  	v31 =	vadd.s32 v3, v24;
	v28 =	vld [tilespmem:s23+$0x200];
	[tilespmem:s22+$0xFFFFFCA0] =	vst v30;
	v30 =	vperm.xlane v20, v7  }
0x3a5: {  	v29 =	vld.idx.msk [tilespmem:v29+s11+$0x0], $0xffff  }
0x3a6: {  	v36 =	vadd.s32 v1, v30;
	[tilespmem:s29+$0xFFFFFF10] =	vst v23  }
0x3a7: {  	v23 =	vld.idx.msk [tilespmem:v25+s11+$0x0], $0xffff  }
0x3a8: {  	[tilespmem:s24+$0xFFFFFE00] =	vst v27;
	v25 =	vadd.s32 v5, v21  }
0x3a9: {  	v27 =	vld.idx.msk [tilespmem:v31+s11+$0x0], $0xffff  }
0x3aa: {  	v21 =	vshll.u32 v28, $0x7;
	[tilespmem:s22+$0xFFFFFCB0] =	vst v29;
	v29 =	vadd.s32 v4, v24  }
0x3ab: {  	v31 =	vperm.xlane v21, v2;
	v28 =	vld.idx.msk [tilespmem:v36+s11+$0x0], $0xffff  }
0x3ac: {  	v37 =	vadd.s32 v3, v30;
	[tilespmem:s29+$0xFFFFFF20] =	vst v23;
	v23 =	vperm.xlane v26, v0  }
0x3ad: {  	v38 =	vadd.s32 v1, v31;
	v25 =	vld.idx.msk [tilespmem:v25+s11+$0x0], $0xffff  }
0x3ae: {  	[tilespmem:s24+$0xFFFFFE10] =	vst v27;
	v27 =	vadd.s32 v1, v23  }
0x3af: {  	v29 =	vld.idx.msk [tilespmem:v29+s11+$0x0], $0xffff  }
0x3b0: {  	v24 =	vadd.s32 v5, v24;
	[tilespmem:s22+$0xFFFFFD00] =	vst v28  }
0x3b1: {  	v28 =	vld.idx.msk [tilespmem:v37+s11+$0x0], $0xffff  }
0x3b2: {  	v40 =	vadd.s32 v4, v30;
	v39 =	vld.idx.msk [tilespmem:v38+s11+$0x0], $0xffff;
	[tilespmem:s29+$0xFFFFFF30] =	vst v25  }
0x3b3: {  	v25 =	vld.idx.msk [tilespmem:v27+s11+$0x0], $0xffff;
	v27 =	vadd.s32 v3, v31  }
0x3b4: {  	v41 =	vadd.s32 v3, v23;
	[tilespmem:s24+$0xFFFFFE20] =	vst v29;
	v29 =	vperm.xlane v22, v10  }
0x3b5: {  	v24 =	vld.idx.msk [tilespmem:v24+s11+$0x0], $0xffff  }
0x3b6: {  	s23 =	simm.s32 $0xE800;
	[tilespmem:s22+$0xFFFFFD10] =	vst v28;
	v28 =	vadd.s32 v1, v29  }
0x3b7: {  	[tilespmem:s23+$0xFFFFFC00] =	vst v39;
	v33 =	vld.idx.msk [tilespmem:v40+s11+$0x0], $0xffff  }
0x3b8: {  	v30 =	vadd.s32 v5, v30;
	v27 =	vld.idx.msk [tilespmem:v27+s11+$0x0], $0xffff;
	[tilespmem:s29+$0xFFFFFF80] =	vst v25  }
0x3b9: {  	v42 =	vadd.s32 v4, v31;
	v25 =	vld.idx.msk [tilespmem:v41+s11+$0x0], $0xffff  }
0x3ba: {  	[tilespmem:s24+$0xFFFFFE30] =	vst v24;
	v24 =	vadd.s32 v4, v23  }
0x3bb: {  	v28 =	vld.idx.msk [tilespmem:v28+s11+$0x0], $0xffff  }
0x3bc: {  	v43 =	vperm.xlane v20, v8;
	v44 =	vadd.s32 v3, v29;
	[tilespmem:s22+$0xFFFFFD20] =	vst v33  }
0x3bd: {  	v30 =	vld.idx.msk [tilespmem:v30+s11+$0x0], $0xffff;
	[tilespmem:s23+$0xFFFFFC10] =	vst v27  }
0x3be: {  	v45 =	vadd.s32 v1, v43;
	v27 =	vld.idx.msk [tilespmem:v42+s11+$0x0], $0xffff;
	[tilespmem:s29+$0xFFFFFF90] =	vst v25  }
0x3bf: {  	v25 =	vadd.s32 v5, v31;
	v24 =	vld.idx.msk [tilespmem:v24+s11+$0x0], $0xffff  }
0x3c0: {  	v23 =	vadd.s32 v5, v23;
	[tilespmem:s24+$0xFFFFFE80] =	vst v28  }
0x3c1: {  	v28 =	vld.idx.msk [tilespmem:v44+s11+$0x0], $0xffff  }
0x3c2: {  	[tilespmem:s22+$0xFFFFFD30] =	vst v30;
	v30 =	vadd.s32 v4, v29  }
0x3c3: {  	v31 =	vld.idx.msk [tilespmem:v45+s11+$0x0], $0xffff;
	[tilespmem:s23+$0xFFFFFC20] =	vst v27;
	v27 =	vperm.xlane v21, v6  }
0x3c4: {  	v46 =	vadd.s32 v3, v43;
	v25 =	vld.idx.msk [tilespmem:v25+s11+$0x0], $0xffff;
	[tilespmem:s29+$0xFFFFFFA0] =	vst v24;
	v24 =	vperm.xlane v26, v12  }
0x3c5: {  	v23 =	vld.idx.msk [tilespmem:v23+s11+$0x0], $0xffff;
	v47 =	vadd.s32 v1, v27  }
0x3c6: {  	[tilespmem:s24+$0xFFFFFE90] =	vst v28;
	v28 =	vadd.s32 v1, v24  }
0x3c7: {  	v30 =	vld.idx.msk [tilespmem:v30+s11+$0x0], $0xffff  }
0x3c8: {  	v29 =	vadd.s32 v5, v29;
	[tilespmem:s22+$0xFFFFFD80] =	vst v31  }
0x3c9: {  	v31 =	vld.idx.msk [tilespmem:v46+s11+$0x0], $0xffff;
	[tilespmem:s23+$0xFFFFFC30] =	vst v25  }
0x3ca: {  	v48 =	vadd.s32 v4, v43;
	v25 =	vld.idx.msk [tilespmem:v47+s11+$0x0], $0xffff;
	[tilespmem:s29+$0xFFFFFFB0] =	vst v23  }
0x3cb: {  	v23 =	vld.idx.msk [tilespmem:v28+s11+$0x0], $0xffff;
	v28 =	vadd.s32 v3, v27  }
0x3cc: {  	v49 =	vadd.s32 v3, v24;
	[tilespmem:s24+$0xFFFFFEA0] =	vst v30;
	v30 =	vperm.xlane v22, v11  }
0x3cd: {  	v29 =	vld.idx.msk [tilespmem:v29+s11+$0x0], $0xffff  }
0x3ce: {  	[tilespmem:s22+$0xFFFFFD90] =	vst v31;
	v31 =	vadd.s32 v1, v30  }
0x3cf: {  	v32 =	vld.idx.msk [tilespmem:v48+s11+$0x0], $0xffff;
	[tilespmem:s23+$0xFFFFFC80] =	vst v25  }
0x3d0: {  	v25 =	vld.idx.msk [tilespmem:v28+s11+$0x0], $0xffff;
	v28 =	vadd.s32 v5, v43;
	[tilespmem:s29+$0x0] =	vst v23  }
0x3d1: {  	v50 =	vadd.s32 v4, v27;
	v23 =	vld.idx.msk [tilespmem:v49+s11+$0x0], $0xffff  }
0x3d2: {  	[tilespmem:s24+$0xFFFFFEB0] =	vst v29;
	v29 =	vadd.s32 v4, v24  }
0x3d3: {  	v31 =	vld.idx.msk [tilespmem:v31+s11+$0x0], $0xffff  }
0x3d4: {  	v51 =	vperm.xlane v20, v9;
	v52 =	vadd.s32 v3, v30;
	[tilespmem:s22+$0xFFFFFDA0] =	vst v32  }
0x3d5: {  	v28 =	vld.idx.msk [tilespmem:v28+s11+$0x0], $0xffff;
	[tilespmem:s23+$0xFFFFFC90] =	vst v25  }
0x3d6: {  	v53 =	vadd.s32 v1, v51;
	v25 =	vld.idx.msk [tilespmem:v50+s11+$0x0], $0xffff;
	[tilespmem:s29+$0x10] =	vst v23  }
0x3d7: {  	v27 =	vadd.s32 v5, v27;
	v23 =	vld.idx.msk [tilespmem:v29+s11+$0x0], $0xffff  }
0x3d8: {  	v24 =	vadd.s32 v5, v24;
	[tilespmem:s24+$0xFFFFFF00] =	vst v31  }
0x3d9: {  	s25 =	simm.s32 $0x40;
	v29 =	vld.idx.msk [tilespmem:v52+s11+$0x0], $0xffff  }
0x3da: {  	v31 =	vld [tilespmem:s25+$0x200];
	[tilespmem:s22+$0xFFFFFDB0] =	vst v28;
	v28 =	vadd.s32 v4, v30  }
0x3db: {  	v33 =	vld.idx.msk [tilespmem:v53+s11+$0x0], $0xffff;
	[tilespmem:s23+$0xFFFFFCA0] =	vst v25;
	v25 =	vperm.xlane v21, v7  }
0x3dc: {  	v55 =	vperm.xlane v26, v13;
	v54 =	vadd.s32 v3, v51;
	v27 =	vld.idx.msk [tilespmem:v27+s11+$0x0], $0xffff;
	[tilespmem:s29+$0x20] =	vst v23  }
0x3dd: {  	v23 =	vld.idx.msk [tilespmem:v24+s11+$0x0], $0xffff;
	v24 =	vadd.s32 v1, v25  }
0x3de: {  	[tilespmem:s24+$0xFFFFFF10] =	vst v29;
	v29 =	vadd.s32 v1, v55  }
0x3df: {  	v28 =	vld.idx.msk [tilespmem:v28+s11+$0x0], $0xffff  }
0x3e0: {  	v30 =	vadd.s32 v5, v30;
	[tilespmem:s22+$0xFFFFFE00] =	vst v33  }
0x3e1: {  	v33 =	vld.idx.msk [tilespmem:v54+s11+$0x0], $0xffff;
	[tilespmem:s23+$0xFFFFFCB0] =	vst v27  }
0x3e2: {  	v27 =	vadd.s32 v4, v51;
	v24 =	vld.idx.msk [tilespmem:v24+s11+$0x0], $0xffff;
	[tilespmem:s29+$0x30] =	vst v23;
	v23 =	vshll.u32 v31, $0x7  }
0x3e3: {  	v56 =	vadd.s32 v3, v25;
	v29 =	vld.idx.msk [tilespmem:v29+s11+$0x0], $0xffff;
	v31 =	vperm.xlane v23, v2  }
0x3e4: {  	v57 =	vadd.s32 v3, v55;
	[tilespmem:s24+$0xFFFFFF20] =	vst v28;
	v28 =	vperm.xlane v22, v0  }
0x3e5: {  	v30 =	vld.idx.msk [tilespmem:v30+s11+$0x0], $0xffff;
	v58 =	vadd.s32 v1, v31  }
0x3e6: {  	[tilespmem:s22+$0xFFFFFE10] =	vst v33;
	v59 =	vadd.s32 v1, v28  }
0x3e7: {  	v27 =	vld.idx.msk [tilespmem:v27+s11+$0x0], $0xffff;
	[tilespmem:s23+$0xFFFFFD00] =	vst v24  }
0x3e8: {  	v32 =	vadd.s32 v5, v51;
	v24 =	vld.idx.msk [tilespmem:v56+s11+$0x0], $0xffff;
	[tilespmem:s29+$0x80] =	vst v29  }
0x3e9: {  	v60 =	vadd.s32 v4, v25;
	v29 =	vld.idx.msk [tilespmem:v57+s11+$0x0], $0xffff  }
0x3ea: {  	v61 =	vld.idx.msk [tilespmem:v58+s11+$0x0], $0xffff;
	[tilespmem:s24+$0xFFFFFF30] =	vst v30;
	v30 =	vadd.s32 v4, v55  }
0x3eb: {  	v62 =	vadd.s32 v3, v31;
	v33 =	vld.idx.msk [tilespmem:v59+s11+$0x0], $0xffff  }
0x3ec: {  	v63 =	vadd.s32 v3, v28;
	[tilespmem:s22+$0xFFFFFE20] =	vst v27;
	v27 =	vperm.xlane v20, v10  }
0x3ed: {  	v32 =	vld.idx.msk [tilespmem:v32+s11+$0x0], $0xffff;
	[tilespmem:s23+$0xFFFFFD10] =	vst v24  }
0x3ee: {  	s25 =	simm.s32 $0xF000;
	v24 =	vld.idx.msk [tilespmem:v60+s11+$0x0], $0xffff;
	v40 =	vadd.s32 v1, v27;
	[tilespmem:s29+$0x90] =	vst v29  }
0x3ef: {  	v25 =	vadd.s32 v5, v25;
	[tilespmem:s25+$0xFFFFFC00] =	vst v61;
	v29 =	vld.idx.msk [tilespmem:v30+s11+$0x0], $0xffff  }
0x3f0: {  	v41 =	vadd.s32 v5, v55;
	v30 =	vld.idx.msk [tilespmem:v62+s11+$0x0], $0xffff;
	[tilespmem:s24+$0xFFFFFF80] =	vst v33  }
0x3f1: {  	v43 =	vadd.s32 v4, v31;
	v42 =	vld.idx.msk [tilespmem:v63+s11+$0x0], $0xffff  }
0x3f2: {  	v44 =	vadd.s32 v4, v28;
	[tilespmem:s22+$0xFFFFFE30] =	vst v32  }
0x3f3: {  	v34 =	vld.idx.msk [tilespmem:v40+s11+$0x0], $0xffff;
	[tilespmem:s23+$0xFFFFFD20] =	vst v24;
	v24 =	vperm.xlane v21, v8  }
0x3f4: {  	v45 =	vadd.s32 v3, v27;
	v25 =	vld.idx.msk [tilespmem:v25+s11+$0x0], $0xffff;
	[tilespmem:s29+$0xA0] =	vst v29;
	v29 =	vperm.xlane v26, v14  }
0x3f5: {  	[tilespmem:s25+$0xFFFFFC10] =	vst v30;
	v30 =	vld.idx.msk [tilespmem:v41+s11+$0x0], $0xffff;
	v46 =	vadd.s32 v1, v24  }
0x3f6: {  	v36 =	vld.idx.msk [tilespmem:v43+s11+$0x0], $0xffff;
	[tilespmem:s24+$0xFFFFFF90] =	vst v42;
	v47 =	vadd.s32 v1, v29  }
0x3f7: {  	v31 =	vadd.s32 v5, v31;
	v32 =	vld.idx.msk [tilespmem:v44+s11+$0x0], $0xffff  }
0x3f8: {  	v28 =	vadd.s32 v5, v28;
	[tilespmem:s22+$0xFFFFFE80] =	vst v34  }
0x3f9: {  	v34 =	vld.idx.msk [tilespmem:v45+s11+$0x0], $0xffff;
	[tilespmem:s23+$0xFFFFFD30] =	vst v25  }
0x3fa: {  	v48 =	vadd.s32 v4, v27;
	v25 =	vld.idx.msk [tilespmem:v46+s11+$0x0], $0xffff;
	[tilespmem:s29+$0xB0] =	vst v30  }
0x3fb: {  	v49 =	vperm.xlane v23, v6;
	v50 =	vadd.s32 v3, v24;
	[tilespmem:s25+$0xFFFFFC20] =	vst v36;
	v30 =	vld.idx.msk [tilespmem:v47+s11+$0x0], $0xffff  }
0x3fc: {  	v51 =	vperm.xlane v22, v12;
	v52 =	vadd.s32 v3, v29;
	v31 =	vld.idx.msk [tilespmem:v31+s11+$0x0], $0xffff;
	[tilespmem:s24+$0xFFFFFFA0] =	vst v32  }
0x3fd: {  	v53 =	vadd.s32 v1, v49;
	v28 =	vld.idx.msk [tilespmem:v28+s11+$0x0], $0xffff  }
0x3fe: {  	v54 =	vadd.s32 v1, v51;
	[tilespmem:s22+$0xFFFFFE90] =	vst v34  }
0x3ff: {  	v33 =	vld.idx.msk [tilespmem:v48+s11+$0x0], $0xffff;
	[tilespmem:s23+$0xFFFFFD80] =	vst v25  }
0x400: {  	v27 =	vadd.s32 v5, v27;
	v25 =	vld.idx.msk [tilespmem:v50+s11+$0x0], $0xffff;
	[tilespmem:s29+$0x100] =	vst v30  }
0x401: {  	[tilespmem:s25+$0xFFFFFC30] =	vst v31;
	v30 =	vld.idx.msk [tilespmem:v52+s11+$0x0], $0xffff;
	v31 =	vadd.s32 v4, v24  }
0x402: {  	v55 =	vld.idx.msk [tilespmem:v53+s11+$0x0], $0xffff;
	[tilespmem:s24+$0xFFFFFFB0] =	vst v28;
	v28 =	vadd.s32 v4, v29  }
0x403: {  	v56 =	vadd.s32 v3, v49;
	v34 =	vld.idx.msk [tilespmem:v54+s11+$0x0], $0xffff  }
0x404: {  	v57 =	vperm.xlane v20, v11;
	v58 =	vadd.s32 v3, v51;
	[tilespmem:s22+$0xFFFFFEA0] =	vst v33  }
0x405: {  	v27 =	vld.idx.msk [tilespmem:v27+s11+$0x0], $0xffff;
	[tilespmem:s23+$0xFFFFFD90] =	vst v25  }
0x406: {  	v25 =	vld.idx.msk [tilespmem:v31+s11+$0x0], $0xffff;
	v31 =	vadd.s32 v1, v57;
	[tilespmem:s29+$0x110] =	vst v30  }
0x407: {  	v24 =	vadd.s32 v5, v24;
	[tilespmem:s25+$0xFFFFFC80] =	vst v55;
	v28 =	vld.idx.msk [tilespmem:v28+s11+$0x0], $0xffff  }
0x408: {  	v29 =	vadd.s32 v5, v29;
	v30 =	vld.idx.msk [tilespmem:v56+s11+$0x0], $0xffff;
	[tilespmem:s24+$0x0] =	vst v34  }
0x409: {  	v59 =	vadd.s32 v4, v49;
	v34 =	vld.idx.msk [tilespmem:v58+s11+$0x0], $0xffff  }
0x40a: {  	[tilespmem:s22+$0xFFFFFEB0] =	vst v27;
	v27 =	vadd.s32 v4, v51  }
0x40b: {  	v60 =	vperm.xlane v21, v9;
	v31 =	vld.idx.msk [tilespmem:v31+s11+$0x0], $0xffff;
	[tilespmem:s23+$0xFFFFFDA0] =	vst v25  }
0x40c: {  	v25 =	vadd.s32 v3, v57;
	v24 =	vld.idx.msk [tilespmem:v24+s11+$0x0], $0xffff;
	[tilespmem:s29+$0x120] =	vst v28;
	v28 =	vperm.xlane v26, v15  }
0x40d: {  	[tilespmem:s25+$0xFFFFFC90] =	vst v30;
	v29 =	vld.idx.msk [tilespmem:v29+s11+$0x0], $0xffff;
	v30 =	vadd.s32 v1, v60  }
0x40e: {  	v36 =	vld.idx.msk [tilespmem:v59+s11+$0x0], $0xffff;
	[tilespmem:s24+$0x10] =	vst v34;
	v61 =	vadd.s32 v1, v28  }
0x40f: {  	s26 =	simm.s32 $0x50;
	v35 =	vadd.s32 v5, v49;
	v27 =	vld.idx.msk [tilespmem:v27+s11+$0x0], $0xffff  }
0x410: {  	v62 =	vld [tilespmem:s26+$0x200];
	[tilespmem:s22+$0xFFFFFF00] =	vst v31;
	v31 =	vadd.s32 v5, v51  }
0x411: {  	v25 =	vld.idx.msk [tilespmem:v25+s11+$0x0], $0xffff;
	[tilespmem:s23+$0xFFFFFDB0] =	vst v24  }
0x412: {  	v24 =	vld.idx.msk [tilespmem:v30+s11+$0x0], $0xffff;
	v30 =	vadd.s32 v4, v57;
	[tilespmem:s29+$0x130] =	vst v29  }
0x413: {  	v45 =	vadd.s32 v3, v60;
	[tilespmem:s25+$0xFFFFFCA0] =	vst v36;
	v29 =	vld.idx.msk [tilespmem:v61+s11+$0x0], $0xffff  }
0x414: {  	v63 =	vperm.xlane v23, v7;
	v46 =	vadd.s32 v3, v28;
	v35 =	vld.idx.msk [tilespmem:v35+s11+$0x0], $0xffff;
	[tilespmem:s24+$0x20] =	vst v27  }
0x415: {  	v27 =	vperm.xlane v22, v13;
	v31 =	vld.idx.msk [tilespmem:v31+s11+$0x0], $0xffff  }
0x416: {  	v47 =	vadd.s32 v1, v63;
	[tilespmem:s22+$0xFFFFFF10] =	vst v25  }
0x417: {  	v25 =	vadd.s32 v1, v27;
	v30 =	vld.idx.msk [tilespmem:v30+s11+$0x0], $0xffff;
	[tilespmem:s23+$0xFFFFFE00] =	vst v24  }
0x418: {  	v33 =	vadd.s32 v5, v57;
	v24 =	vshll.u32 v62, $0x7;
	v34 =	vld.idx.msk [tilespmem:v45+s11+$0x0], $0xffff;
	[tilespmem:s29+$0x180] =	vst v29  }
0x419: {  	v48 =	vadd.s32 v4, v60;
	v39 =	vperm.xlane v24, v2;
	[tilespmem:s25+$0xFFFFFCB0] =	vst v35;
	v29 =	vld.idx.msk [tilespmem:v46+s11+$0x0], $0xffff  }
0x41a: {  	[tilespmem:s24+$0x30] =	vst v31;
	v31 =	vadd.s32 v4, v28  }
0x41b: {  	v49 =	vld.idx.msk [tilespmem:v47+s11+$0x0], $0xffff;
	v53 =	vadd.s32 v1, v39  }
0x41c: {  	v51 =	vadd.s32 v3, v63;
	v50 =	vld.idx.msk [tilespmem:v25+s11+$0x0], $0xffff;
	[tilespmem:s22+$0xFFFFFF20] =	vst v30;
	v30 =	vperm.xlane v20, v0  }
0x41d: {  	v52 =	vadd.s32 v3, v27;
	v33 =	vld.idx.msk [tilespmem:v33+s11+$0x0], $0xffff;
	[tilespmem:s23+$0xFFFFFE10] =	vst v34  }
0x41e: {  	v34 =	vld.idx.msk [tilespmem:v48+s11+$0x0], $0xffff;
	v54 =	vadd.s32 v1, v30;
	[tilespmem:s29+$0x190] =	vst v29  }
0x41f: {  	v29 =	vld.idx.msk [tilespmem:v31+s11+$0x0], $0xffff;
	v31 =	vadd.s32 v5, v60  }
0x420: {  	v28 =	vadd.s32 v5, v28;
	[tilespmem:s25+$0xFFFFFD00] =	vst v49;
	v57 =	vld.idx.msk [tilespmem:v53+s11+$0x0], $0xffff  }
0x421: {  	v59 =	vadd.s32 v3, v39;
	v36 =	vld.idx.msk [tilespmem:v51+s11+$0x0], $0xffff;
	[tilespmem:s24+$0x80] =	vst v50  }
0x422: {  	v56 =	vadd.s32 v4, v63;
	v55 =	vld.idx.msk [tilespmem:v52+s11+$0x0], $0xffff;
	[tilespmem:s22+$0xFFFFFF30] =	vst v33  }
0x423: {  	v58 =	vadd.s32 v4, v27;
	v35 =	vld.idx.msk [tilespmem:v54+s11+$0x0], $0xffff;
	[tilespmem:s23+$0xFFFFFE20] =	vst v34;
	v34 =	vperm.xlane v21, v10  }
0x424: {  	s26 =	simm.s32 $0xF800;
	v60 =	vadd.s32 v3, v30;
	v31 =	vld.idx.msk [tilespmem:v31+s11+$0x0], $0xffff;
	[tilespmem:s29+$0x1A0] =	vst v29;
	v29 =	vperm.xlane v26, v16  }
0x425: {  	[tilespmem:s26+$0xFFFFFC00] =	vst v57;
	v28 =	vld.idx.msk [tilespmem:v28+s11+$0x0], $0xffff;
	v61 =	vadd.s32 v1, v34  }
0x426: {  	[tilespmem:s25+$0xFFFFFD10] =	vst v36;
	v40 =	vld.idx.msk [tilespmem:v59+s11+$0x0], $0xffff;
	v62 =	vadd.s32 v1, v29  }
0x427: {  	v32 =	vadd.s32 v5, v63;
	v63 =	vadd.s32 v4, v39;
	v38 =	vld.idx.msk [tilespmem:v56+s11+$0x0], $0xffff;
	[tilespmem:s24+$0x90] =	vst v55  }
0x428: {  	v33 =	vld.idx.msk [tilespmem:v58+s11+$0x0], $0xffff;
	[tilespmem:s22+$0xFFFFFF80] =	vst v35  }
0x429: {  	v27 =	vadd.s32 v5, v27;
	v35 =	vld.idx.msk [tilespmem:v60+s11+$0x0], $0xffff;
	[tilespmem:s23+$0xFFFFFE30] =	vst v31  }
0x42a: {  	v31 =	vld.idx.msk [tilespmem:v61+s11+$0x0], $0xffff;
	[tilespmem:s29+$0x1B0] =	vst v28  }
0x42b: {  	v45 =	vadd.s32 v4, v30;
	[tilespmem:s26+$0xFFFFFC10] =	vst v40;
	v28 =	vld.idx.msk [tilespmem:v62+s11+$0x0], $0xffff  }
0x42c: {  	v47 =	vadd.s32 v3, v34;
	[tilespmem:s25+$0xFFFFFD20] =	vst v38;
	v41 =	vld.idx.msk [tilespmem:v63+s11+$0x0], $0xffff  }
0x42d: {  	v46 =	vperm.xlane v23, v8;
	v49 =	vadd.s32 v3, v29;
	v32 =	vld.idx.msk [tilespmem:v32+s11+$0x0], $0xffff;
	[tilespmem:s24+$0xA0] =	vst v33  }
0x42e: {  	s30 =	simm.s32 $0x60;
	v39 =	vadd.s32 v5, v39;
	v48 =	vperm.xlane v22, v14;
	v27 =	vld.idx.msk [tilespmem:v27+s11+$0x0], $0xffff;
	[tilespmem:s22+$0xFFFFFF90] =	vst v35  }
0x42f: {  	v25 =	vld [tilespmem:s30+$0x200];
	v50 =	vadd.s32 v1, v46;
	[tilespmem:s23+$0xFFFFFE80] =	vst v31  }
0x430: {  	v51 =	vadd.s32 v1, v48;
	v36 =	vld.idx.msk [tilespmem:v45+s11+$0x0], $0xffff;
	[tilespmem:s29+$0x200] =	vst v28  }
0x431: {  	v30 =	vadd.s32 v5, v30;
	v31 =	vld.idx.msk [tilespmem:v47+s11+$0x0], $0xffff;
	[tilespmem:s26+$0xFFFFFC20] =	vst v41  }
0x432: {  	v54 =	vperm.xlane v24, v6;
	v52 =	vadd.s32 v4, v34;
	[tilespmem:s25+$0xFFFFFD30] =	vst v32;
	v28 =	vld.idx.msk [tilespmem:v49+s11+$0x0], $0xffff  }
0x433: {  	v39 =	vld.idx.msk [tilespmem:v39+s11+$0x0], $0xffff;
	[tilespmem:s24+$0xB0] =	vst v27;
	v27 =	vadd.s32 v4, v29  }
0x434: {  	v58 =	vadd.s32 v1, v54;
	v53 =	vld.idx.msk [tilespmem:v50+s11+$0x0], $0xffff  }
0x435: {  	v55 =	vadd.s32 v3, v46;
	v56 =	vperm.xlane v20, v12;
	v35 =	vld.idx.msk [tilespmem:v51+s11+$0x0], $0xffff;
	[tilespmem:s22+$0xFFFFFFA0] =	vst v36  }
0x436: {  	v57 =	vadd.s32 v3, v48;
	v30 =	vld.idx.msk [tilespmem:v30+s11+$0x0], $0xffff;
	[tilespmem:s23+$0xFFFFFE90] =	vst v31  }
0x437: {  	v59 =	vadd.s32 v1, v56;
	v31 =	vld.idx.msk [tilespmem:v52+s11+$0x0], $0xffff;
	[tilespmem:s29+$0x210] =	vst v28  }
0x438: {  	v28 =	vadd.s32 v5, v34;
	[tilespmem:s26+$0xFFFFFC30] =	vst v39;
	v27 =	vld.idx.msk [tilespmem:v27+s11+$0x0], $0xffff  }
0x439: {  	v29 =	vadd.s32 v5, v29;
	[tilespmem:s25+$0xFFFFFD80] =	vst v53;
	v39 =	vld.idx.msk [tilespmem:v58+s11+$0x0], $0xffff  }
0x43a: {  	v62 =	vadd.s32 v3, v54;
	v60 =	vld.idx.msk [tilespmem:v55+s11+$0x0], $0xffff;
	[tilespmem:s24+$0x100] =	vst v35  }
0x43b: {  	v61 =	vadd.s32 v4, v46;
	v35 =	vld.idx.msk [tilespmem:v57+s11+$0x0], $0xffff;
	[tilespmem:s22+$0xFFFFFFB0] =	vst v30  }
0x43c: {  	v30 =	vadd.s32 v4, v48;
	v32 =	vld.idx.msk [tilespmem:v59+s11+$0x0], $0xffff;
	[tilespmem:s23+$0xFFFFFEA0] =	vst v31;
	v31 =	vperm.xlane v21, v11  }
0x43d: {  	v63 =	vadd.s32 v3, v56;
	v28 =	vld.idx.msk [tilespmem:v28+s11+$0x0], $0xffff;
	[tilespmem:s29+$0x220] =	vst v27;
	v27 =	vperm.xlane v26, v17  }
0x43e: {  	[tilespmem:s26+$0xFFFFFC80] =	vst v39;
	v29 =	vld.idx.msk [tilespmem:v29+s11+$0x0], $0xffff;
	v44 =	vadd.s32 v1, v31  }
0x43f: {  	v37 =	vadd.s32 v5, v46;
	[tilespmem:s25+$0xFFFFFD90] =	vst v60;
	v39 =	vld.idx.msk [tilespmem:v62+s11+$0x0], $0xffff;
	v45 =	vadd.s32 v1, v27  }
0x440: {  	v46 =	vadd.s32 v5, v48;
	v48 =	vadd.s32 v4, v54;
	v38 =	vld.idx.msk [tilespmem:v61+s11+$0x0], $0xffff;
	[tilespmem:s24+$0x110] =	vst v35  }
0x441: {  	v30 =	vld.idx.msk [tilespmem:v30+s11+$0x0], $0xffff;
	[tilespmem:s22+$0x0] =	vst v32  }
0x442: {  	v47 =	vld.idx.msk [tilespmem:v63+s11+$0x0], $0xffff;
	[tilespmem:s23+$0xFFFFFEB0] =	vst v28  }
0x443: {  	v49 =	vadd.s32 v4, v56;
	v28 =	vld.idx.msk [tilespmem:v44+s11+$0x0], $0xffff;
	[tilespmem:s29+$0x230] =	vst v29  }
0x444: {  	v50 =	vadd.s32 v3, v31;
	[tilespmem:s26+$0xFFFFFC90] =	vst v39;
	v29 =	vld.idx.msk [tilespmem:v45+s11+$0x0], $0xffff  }
0x445: {  	v35 =	vperm.xlane v23, v9;
	v51 =	vadd.s32 v3, v27;
	[tilespmem:s25+$0xFFFFFDA0] =	vst v38;
	v41 =	vld.idx.msk [tilespmem:v48+s11+$0x0], $0xffff  }
0x446: {  	v40 =	vadd.s32 v5, v54;
	v37 =	vld.idx.msk [tilespmem:v37+s11+$0x0], $0xffff;
	[tilespmem:s24+$0x120] =	vst v30;
	v30 =	vperm.xlane v22, v15  }
0x447: {  	v52 =	vadd.s32 v1, v35;
	v32 =	vld.idx.msk [tilespmem:v46+s11+$0x0], $0xffff;
	[tilespmem:s22+$0x10] =	vst v47  }
0x448: {  	v53 =	vadd.s32 v1, v30;
	v34 =	vld.idx.msk [tilespmem:v49+s11+$0x0], $0xffff;
	[tilespmem:s23+$0xFFFFFF00] =	vst v28  }
0x449: {  	v36 =	vadd.s32 v5, v56;
	v28 =	vld.idx.msk [tilespmem:v50+s11+$0x0], $0xffff;
	[tilespmem:s29+$0x280] =	vst v29  }
0x44a: {  	v54 =	vadd.s32 v4, v31;
	v39 =	vperm.xlane v24, v7;
	[tilespmem:s26+$0xFFFFFCA0] =	vst v41;
	v29 =	vld.idx.msk [tilespmem:v51+s11+$0x0], $0xffff  }
0x44b: {  	v56 =	vadd.s32 v4, v27;
	[tilespmem:s25+$0xFFFFFDB0] =	vst v37;
	v40 =	vld.idx.msk [tilespmem:v40+s11+$0x0], $0xffff  }
0x44c: {  	v59 =	vadd.s32 v1, v39;
	v55 =	vld.idx.msk [tilespmem:v52+s11+$0x0], $0xffff;
	[tilespmem:s24+$0x130] =	vst v32  }
0x44d: {  	v57 =	vadd.s32 v3, v35;
	v33 =	vld.idx.msk [tilespmem:v53+s11+$0x0], $0xffff;
	[tilespmem:s22+$0x20] =	vst v34;
	v34 =	vperm.xlane v20, v13  }
0x44e: {  	v58 =	vadd.s32 v3, v30;
	v36 =	vld.idx.msk [tilespmem:v36+s11+$0x0], $0xffff;
	[tilespmem:s23+$0xFFFFFF10] =	vst v28  }
0x44f: {  	v37 =	vld.idx.msk [tilespmem:v54+s11+$0x0], $0xffff;
	v28 =	vadd.s32 v1, v34;
	[tilespmem:s29+$0x290] =	vst v29  }
0x450: {  	[tilespmem:s26+$0xFFFFFCB0] =	vst v40;
	v29 =	vld.idx.msk [tilespmem:v56+s11+$0x0], $0xffff  }
0x451: {  	v31 =	vadd.s32 v5, v31;
	[tilespmem:s25+$0xFFFFFE00] =	vst v55;
	v61 =	vld.idx.msk [tilespmem:v59+s11+$0x0], $0xffff  }
0x452: {  	v27 =	vadd.s32 v5, v27;
	v60 =	vld.idx.msk [tilespmem:v57+s11+$0x0], $0xffff;
	[tilespmem:s24+$0x180] =	vst v33  }
0x453: {  	v48 =	vadd.s32 v3, v39;
	v33 =	vld.idx.msk [tilespmem:v58+s11+$0x0], $0xffff;
	[tilespmem:s22+$0x30] =	vst v36  }
0x454: {  	s31 =	simm.s32 $0x70;
	v25 =	vshll.u32 v25, $0x7;
	v62 =	vadd.s32 v4, v35;
	v36 =	vld.idx.msk [tilespmem:v28+s11+$0x0], $0xffff  }
0x455: {  	v42 =	vperm.xlane v25, v2;
	v63 =	vadd.s32 v4, v30;
	v28 =	vld [tilespmem:s31+$0x200];
	[tilespmem:s23+$0xFFFFFF20] =	vst v37  }
0x456: {  	v49 =	vadd.s32 v3, v34;
	v37 =	vperm.xlane v21, v0;
	v31 =	vld.idx.msk [tilespmem:v31+s11+$0x0], $0xffff;
	[tilespmem:s29+$0x2A0] =	vst v29  }
0x457: {  	v32 =	vperm.xlane v26, v18;
	v29 =	vadd.s32 v1, v42;
	[tilespmem:s26+$0xFFFFFD00] =	vst v61;
	v27 =	vld.idx.msk [tilespmem:v27+s11+$0x0], $0xffff  }
0x458: {  	[tilespmem:s25+$0xFFFFFE10] =	vst v60;
	v50 =	vadd.s32 v1, v37;
	v52 =	vld.idx.msk [tilespmem:v48+s11+$0x0], $0xffff  }
0x459: {  	v51 =	vadd.s32 v1, v32;
	v40 =	vld.idx.msk [tilespmem:v62+s11+$0x0], $0xffff;
	[tilespmem:s24+$0x190] =	vst v33  }
0x45a: {  	v53 =	vadd.s32 v4, v39;
	v33 =	vld.idx.msk [tilespmem:v63+s11+$0x0], $0xffff;
	[tilespmem:s22+$0x80] =	vst v36  }
0x45b: {  	v35 =	vadd.s32 v5, v35;
	v36 =	vld.idx.msk [tilespmem:v49+s11+$0x0], $0xffff  }
0x45c: {  	v30 =	vadd.s32 v5, v30;
	v29 =	vld.idx.msk [tilespmem:v29+s11+$0x0], $0xffff;
	[tilespmem:s23+$0xFFFFFF30] =	vst v31  }
0x45d: {  	v54 =	vadd.s32 v4, v34;
	v31 =	vld.idx.msk [tilespmem:v50+s11+$0x0], $0xffff;
	[tilespmem:s29+$0x2B0] =	vst v27  }
0x45e: {  	v27 =	vadd.s32 v3, v42;
	[tilespmem:s26+$0xFFFFFD10] =	vst v52;
	v38 =	vld.idx.msk [tilespmem:v51+s11+$0x0], $0xffff  }
0x45f: {  	v55 =	vadd.s32 v3, v37;
	[tilespmem:s25+$0xFFFFFE20] =	vst v40;
	v43 =	vld.idx.msk [tilespmem:v53+s11+$0x0], $0xffff  }
0x460: {  	v56 =	vadd.s32 v3, v32;
	v40 =	vperm.xlane v23, v10;
	v35 =	vld.idx.msk [tilespmem:v35+s11+$0x0], $0xffff;
	[tilespmem:s24+$0x1A0] =	vst v33  }
0x461: {  	s28 =	simm.s32 $0x10000;
	v39 =	vadd.s32 v5, v39;
	v33 =	vperm.xlane v22, v16;
	v30 =	vld.idx.msk [tilespmem:v30+s11+$0x0], $0xffff;
	[tilespmem:s22+$0x90] =	vst v36  }
0x462: {  	v46 =	vadd.s32 v1, v40;
	[tilespmem:s28+$0xFFFFFC00] =	vst v29;
	v29 =	vld.idx.msk [tilespmem:v54+s11+$0x0], $0xffff  }
0x463: {  	v57 =	vadd.s32 v1, v33;
	v27 =	vld.idx.msk [tilespmem:v27+s11+$0x0], $0xffff;
	[tilespmem:s23+$0xFFFFFF80] =	vst v31  }
0x464: {  	v34 =	vadd.s32 v5, v34;
	v31 =	vld.idx.msk [tilespmem:v55+s11+$0x0], $0xffff;
	[tilespmem:s29+$0x300] =	vst v38  }
0x465: {  	v58 =	vadd.s32 v4, v42;
	[tilespmem:s26+$0xFFFFFD20] =	vst v43;
	v59 =	vld.idx.msk [tilespmem:v56+s11+$0x0], $0xffff  }
0x466: {  	v61 =	vadd.s32 v4, v37;
	v43 =	vperm.xlane v24, v8;
	[tilespmem:s25+$0xFFFFFE30] =	vst v35;
	v39 =	vld.idx.msk [tilespmem:v39+s11+$0x0], $0xffff  }
0x467: {  	v62 =	vadd.s32 v4, v32;
	v60 =	vld.idx.msk [tilespmem:v46+s11+$0x0], $0xffff;
	[tilespmem:s24+$0x1B0] =	vst v30  }
0x468: {  	v49 =	vadd.s32 v1, v43;
	v30 =	vld.idx.msk [tilespmem:v57+s11+$0x0], $0xffff;
	[tilespmem:s22+$0xA0] =	vst v29  }
0x469: {  	v63 =	vadd.s32 v3, v40;
	[tilespmem:s28+$0xFFFFFC10] =	vst v27;
	v29 =	vperm.xlane v20, v14;
	v27 =	vld.idx.msk [tilespmem:v34+s11+$0x0], $0xffff  }
0x46a: {  	v48 =	vadd.s32 v3, v33;
	v38 =	vld.idx.msk [tilespmem:v58+s11+$0x0], $0xffff;
	[tilespmem:s23+$0xFFFFFF90] =	vst v31  }
0x46b: {  	v31 =	vld.idx.msk [tilespmem:v61+s11+$0x0], $0xffff;
	v50 =	vadd.s32 v1, v29;
	[tilespmem:s29+$0x310] =	vst v59  }
0x46c: {  	v51 =	vadd.s32 v5, v42;
	[tilespmem:s26+$0xFFFFFD30] =	vst v39;
	v36 =	vld.idx.msk [tilespmem:v62+s11+$0x0], $0xffff  }
0x46d: {  	v37 =	vadd.s32 v5, v37;
	[tilespmem:s25+$0xFFFFFE80] =	vst v60;
	v52 =	vld.idx.msk [tilespmem:v49+s11+$0x0], $0xffff  }
0x46e: {  	v32 =	vadd.s32 v5, v32;
	v41 =	vld.idx.msk [tilespmem:v63+s11+$0x0], $0xffff;
	[tilespmem:s24+$0x200] =	vst v30  }
0x46f: {  	v55 =	vadd.s32 v3, v43;
	v30 =	vld.idx.msk [tilespmem:v48+s11+$0x0], $0xffff;
	[tilespmem:s22+$0xB0] =	vst v27  }
0x470: {  	v53 =	vadd.s32 v4, v40;
	[tilespmem:s28+$0xFFFFFC20] =	vst v38;
	v27 =	vld.idx.msk [tilespmem:v50+s11+$0x0], $0xffff  }
0x471: {  	v42 =	vperm.xlane v25, v6;
	v54 =	vadd.s32 v4, v33;
	v35 =	vld.idx.msk [tilespmem:v51+s11+$0x0], $0xffff;
	[tilespmem:s23+$0xFFFFFFA0] =	vst v31  }
0x472: {  	v56 =	vadd.s32 v3, v29;
	v31 =	vld.idx.msk [tilespmem:v37+s11+$0x0], $0xffff;
	v37 =	vperm.xlane v21, v12;
	[tilespmem:s29+$0x320] =	vst v36  }
0x473: {  	v57 =	vadd.s32 v1, v42;
	[tilespmem:s26+$0xFFFFFD80] =	vst v52;
	v32 =	vld.idx.msk [tilespmem:v32+s11+$0x0], $0xffff  }
0x474: {  	[tilespmem:s25+$0xFFFFFE90] =	vst v41;
	v41 =	vperm.xlane v26, v19;
	v60 =	vld.idx.msk [tilespmem:v55+s11+$0x0], $0xffff;
	v58 =	vadd.s32 v1, v37  }
0x475: {  	v61 =	vadd.s32 v4, v43;
	v26 =	vld.idx.msk [tilespmem:v53+s11+$0x0], $0xffff;
	[tilespmem:s24+$0x210] =	vst v30  }
0x476: {  	v30 =	vld.idx.msk [tilespmem:v54+s11+$0x0], $0xffff;
	v59 =	vadd.s32 v1, v41;
	[tilespmem:s22+$0x100] =	vst v27  }
0x477: {  	v40 =	vadd.s32 v5, v40;
	[tilespmem:s28+$0xFFFFFC30] =	vst v35;
	v27 =	vld.idx.msk [tilespmem:v56+s11+$0x0], $0xffff  }
0x478: {  	v33 =	vadd.s32 v5, v33;
	v35 =	vld.idx.msk [tilespmem:v57+s11+$0x0], $0xffff;
	[tilespmem:s23+$0xFFFFFFB0] =	vst v31  }
0x479: {  	v62 =	vadd.s32 v4, v29;
	[tilespmem:s26+$0xFFFFFD90] =	vst v60;
	v39 =	vld.idx.msk [tilespmem:v58+s11+$0x0], $0xffff  }
0x47a: {  	v63 =	vadd.s32 v3, v42;
	[tilespmem:s29+$0x330] =	vst v32;
	v36 =	vld.idx.msk [tilespmem:v61+s11+$0x0], $0xffff  }
0x47b: {  	v48 =	vadd.s32 v3, v37;
	[tilespmem:s25+$0xFFFFFEA0] =	vst v26;
	v34 =	vld.idx.msk [tilespmem:v59+s11+$0x0], $0xffff  }
0x47c: {  	v43 =	vadd.s32 v5, v43;
	v26 =	vperm.xlane v23, v11;
	v40 =	vld.idx.msk [tilespmem:v40+s11+$0x0], $0xffff;
	[tilespmem:s24+$0x220] =	vst v30  }
0x47d: {  	v49 =	vadd.s32 v3, v41;
	v31 =	vperm.xlane v22, v17;
	v30 =	vld.idx.msk [tilespmem:v33+s11+$0x0], $0xffff;
	[tilespmem:s22+$0x110] =	vst v27  }
0x47e: {  	v50 =	vadd.s32 v1, v26;
	[tilespmem:s28+$0xFFFFFC80] =	vst v35;
	v27 =	vld.idx.msk [tilespmem:v62+s11+$0x0], $0xffff  }
0x47f: {  	v51 =	vadd.s32 v1, v31;
	v32 =	vld.idx.msk [tilespmem:v63+s11+$0x0], $0xffff;
	[tilespmem:s23+$0x0] =	vst v39  }
0x480: {  	v29 =	vadd.s32 v5, v29;
	[tilespmem:s26+$0xFFFFFDA0] =	vst v36;
	v39 =	vld.idx.msk [tilespmem:v48+s11+$0x0], $0xffff  }
0x481: {  	v52 =	vadd.s32 v4, v42;
	[tilespmem:s29+$0x380] =	vst v34;
	v43 =	vld.idx.msk [tilespmem:v43+s11+$0x0], $0xffff  }
0x482: {  	v53 =	vadd.s32 v4, v37;
	[tilespmem:s25+$0xFFFFFEB0] =	vst v40;
	v33 =	vld.idx.msk [tilespmem:v49+s11+$0x0], $0xffff  }
0x483: {  	v54 =	vadd.s32 v4, v41;
	v38 =	vld.idx.msk [tilespmem:v50+s11+$0x0], $0xffff;
	[tilespmem:s24+$0x230] =	vst v30  }
0x484: {  	v55 =	vadd.s32 v3, v26;
	v30 =	vperm.xlane v24, v9;
	v35 =	vld.idx.msk [tilespmem:v51+s11+$0x0], $0xffff;
	[tilespmem:s22+$0x120] =	vst v27  }
0x485: {  	v56 =	vadd.s32 v3, v31;
	[tilespmem:s28+$0xFFFFFC90] =	vst v32;
	v27 =	vperm.xlane v20, v15;
	v29 =	vld.idx.msk [tilespmem:v29+s11+$0x0], $0xffff  }
0x486: {  	v58 =	vadd.s32 v1, v30;
	v57 =	vld.idx.msk [tilespmem:v52+s11+$0x0], $0xffff;
	[tilespmem:s23+$0x10] =	vst v39  }
0x487: {  	v60 =	vadd.s32 v1, v27;
	v59 =	vld.idx.msk [tilespmem:v53+s11+$0x0], $0xffff;
	[tilespmem:s29+$0x390] =	vst v33  }
0x488: {  	v61 =	vadd.s32 v5, v42;
	[tilespmem:s25+$0xFFFFFF00] =	vst v38;
	v62 =	vld.idx.msk [tilespmem:v54+s11+$0x0], $0xffff  }
0x489: {  	v37 =	vadd.s32 v5, v37;
	v44 =	vld.idx.msk [tilespmem:v55+s11+$0x0], $0xffff;
	[tilespmem:s24+$0x280] =	vst v35  }
0x48a: {  	v63 =	vadd.s32 v5, v41;
	[tilespmem:s26+$0xFFFFFDB0] =	vst v43;
	v32 =	vld.idx.msk [tilespmem:v56+s11+$0x0], $0xffff  }
0x48b: {  	v40 =	vadd.s32 v4, v26;
	v34 =	vld.idx.msk [tilespmem:v58+s11+$0x0], $0xffff;
	[tilespmem:s22+$0x130] =	vst v29  }
0x48c: {  	v39 =	vadd.s32 v4, v31;
	[tilespmem:s28+$0xFFFFFCA0] =	vst v57;
	v36 =	vld.idx.msk [tilespmem:v60+s11+$0x0], $0xffff  }
0x48d: {  	v41 =	vadd.s32 v3, v30;
	v33 =	vperm.xlane v25, v7;
	v38 =	vld.idx.msk [tilespmem:v61+s11+$0x0], $0xffff;
	[tilespmem:s23+$0x20] =	vst v59  }
0x48e: {  	v42 =	vadd.s32 v3, v27;
	v29 =	vperm.xlane v21, v13;
	v37 =	vld.idx.msk [tilespmem:v37+s11+$0x0], $0xffff;
	[tilespmem:s29+$0x3A0] =	vst v62  }
0x48f: {  	s1 =	simm.s32 $0x200;
	v43 =	vadd.s32 v1, v33;
	[tilespmem:s25+$0xFFFFFF10] =	vst v44;
	v35 =	vld.idx.msk [tilespmem:v63+s11+$0x0], $0xffff  }
.LBB2_5:
0x490: {  	p0 =	sne.s32 s1, $0x600;
	v40 =	vld.idx.msk [tilespmem:v40+s11+$0x0], $0xffff;
	v44 =	vadd.s32 v1, v29;
	[tilespmem:s24+$0x290] =	vst v32  }
0x491: {  	[tilespmem:s26+$0xFFFFFE00] =	vst v34;
	v32 =	vld.idx.msk [tilespmem:v39+s11+$0x0], $0xffff  }
0x492: {  	v39 =	vadd.s32 v5, v26;
	v34 =	vld.idx.msk [tilespmem:v41+s11+$0x0], $0xffff;
	[tilespmem:s22+$0x180] =	vst v36  }
0x493: {  	v31 =	vadd.s32 v5, v31;
	[tilespmem:s28+$0xFFFFFCB0] =	vst v38;
	v36 =	vld.idx.msk [tilespmem:v42+s11+$0x0], $0xffff  }
0x494: {  	v41 =	vadd.s32 v4, v30;
	v38 =	vld.idx.msk [tilespmem:v43+s11+$0x0], $0xffff;
	[tilespmem:s23+$0x30] =	vst v37  }
0x495: {  	s0 =	sshra.s32 s1, $0x2;
	v26 =	vshll.u32 v28, $0x7;
	v42 =	vadd.s32 v4, v27;
	v37 =	vld.idx.msk [tilespmem:v44+s11+$0x0], $0xffff;
	[tilespmem:s29+$0x3B0] =	vst v35;
	s29 =	smov.u32 s24;
	s24 =	smov.u32 s22  }
0x496: {  	v43 =	vadd.s32 v3, v33;
	v35 =	vperm.xlane v26, v2;
	s22 =	smov.u32 s23;
	s23 =	smov.u32 s25;
	v28 =	vld [tilespmem:s0+$0x200];
	[tilespmem:s25+$0xFFFFFF20] =	vst v40;
	s25 =	smov.u32 s26  }
0x497: {  	v44 =	vadd.s32 v3, v29;
	v40 =	vperm.xlane v23, v0;
	s26 =	smov.u32 s28;
	v39 =	vld.idx.msk [tilespmem:v39+s11+$0x0], $0xffff;
	[tilespmem:s29+$0x2A0] =	vst v32  }
0x498: {  	v32 =	vadd.s32 v1, v35;
	[tilespmem:s25+$0xFFFFFE10] =	vst v34;
	v31 =	vld.idx.msk [tilespmem:v31+s11+$0x0], $0xffff;
	v34 =	vperm.xlane v22, v18  }
0x499: {  	v45 =	vadd.s32 v1, v40;
	v41 =	vld.idx.msk [tilespmem:v41+s11+$0x0], $0xffff;
	[tilespmem:s24+$0x190] =	vst v36  }
0x49a: {  	[tilespmem:s28+$0xFFFFFD00] =	vst v38;
	v36 =	vld.idx.msk [tilespmem:v42+s11+$0x0], $0xffff;
	v38 =	vadd.s32 v1, v34  }
0x49b: {  	v30 =	vadd.s32 v5, v30;
	v42 =	vld.idx.msk [tilespmem:v43+s11+$0x0], $0xffff;
	[tilespmem:s22+$0x80] =	vst v37  }
0x49c: {  	v27 =	vadd.s32 v5, v27;
	v37 =	vld.idx.msk [tilespmem:v44+s11+$0x0], $0xffff  }
0x49d: {  	v43 =	vadd.s32 v4, v33;
	v32 =	vld.idx.msk [tilespmem:v32+s11+$0x0], $0xffff;
	[tilespmem:s23+$0xFFFFFF30] =	vst v39  }
0x49e: {  	v44 =	vadd.s32 v4, v29;
	v39 =	vld.idx.msk [tilespmem:v45+s11+$0x0], $0xffff;
	[tilespmem:s29+$0x2B0] =	vst v31  }
0x49f: {  	v31 =	vadd.s32 v3, v35;
	[tilespmem:s25+$0xFFFFFE20] =	vst v41;
	v38 =	vld.idx.msk [tilespmem:v38+s11+$0x0], $0xffff  }
0x4a0: {  	v45 =	vadd.s32 v3, v40;
	v41 =	vperm.xlane v24, v10;
	v30 =	vld.idx.msk [tilespmem:v30+s11+$0x0], $0xffff;
	[tilespmem:s24+$0x1A0] =	vst v36  }
0x4a1: {  	v36 =	vperm.xlane v20, v16;
	[tilespmem:s28+$0xFFFFFD10] =	vst v42;
	v27 =	vld.idx.msk [tilespmem:v27+s11+$0x0], $0xffff;
	v42 =	vadd.s32 v3, v34  }
0x4a2: {  	s28 =	sadd.s32 $0x800, s28;
	v46 =	vadd.s32 v1, v41;
	v43 =	vld.idx.msk [tilespmem:v43+s11+$0x0], $0xffff;
	[tilespmem:s22+$0x90] =	vst v37  }
0x4a3: {  	v37 =	vadd.s32 v1, v36;
	[tilespmem:s28+$0xFFFFFC00] =	vst v32;
	v32 =	vld.idx.msk [tilespmem:v44+s11+$0x0], $0xffff  }
0x4a4: {  	v33 =	vadd.s32 v5, v33;
	v31 =	vld.idx.msk [tilespmem:v31+s11+$0x0], $0xffff;
	[tilespmem:s23+$0xFFFFFF80] =	vst v39  }
0x4a5: {  	v29 =	vadd.s32 v5, v29;
	v39 =	vld.idx.msk [tilespmem:v45+s11+$0x0], $0xffff;
	[tilespmem:s29+$0x300] =	vst v38  }
0x4a6: {  	v38 =	vadd.s32 v4, v35;
	[tilespmem:s25+$0xFFFFFE30] =	vst v30;
	v30 =	vld.idx.msk [tilespmem:v42+s11+$0x0], $0xffff  }
0x4a7: {  	v44 =	vadd.s32 v4, v40;
	v42 =	vld.idx.msk [tilespmem:v46+s11+$0x0], $0xffff;
	[tilespmem:s24+$0x1B0] =	vst v27  }
0x4a8: {  	[tilespmem:s26+$0xFFFFFD20] =	vst v43;
	v27 =	vld.idx.msk [tilespmem:v37+s11+$0x0], $0xffff;
	v37 =	vadd.s32 v4, v34  }
0x4a9: {  	v45 =	vadd.s32 v3, v41;
	v43 =	vperm.xlane v25, v8;
	v33 =	vld.idx.msk [tilespmem:v33+s11+$0x0], $0xffff;
	[tilespmem:s22+$0xA0] =	vst v32  }
0x4aa: {  	v32 =	vperm.xlane v21, v14;
	[tilespmem:s28+$0xFFFFFC10] =	vst v31;
	v29 =	vld.idx.msk [tilespmem:v29+s11+$0x0], $0xffff;
	v31 =	vadd.s32 v3, v36  }
0x4ab: {  	v46 =	vadd.s32 v1, v43;
	v38 =	vld.idx.msk [tilespmem:v38+s11+$0x0], $0xffff;
	[tilespmem:s23+$0xFFFFFF90] =	vst v39  }
0x4ac: {  	v39 =	vld.idx.msk [tilespmem:v44+s11+$0x0], $0xffff;
	v44 =	vadd.s32 v1, v32;
	[tilespmem:s29+$0x310] =	vst v30  }
0x4ad: {  	v30 =	vadd.s32 v5, v35;
	[tilespmem:s25+$0xFFFFFE80] =	vst v42;
	v35 =	vld.idx.msk [tilespmem:v37+s11+$0x0], $0xffff  }
0x4ae: {  	v40 =	vadd.s32 v5, v40;
	v37 =	vld.idx.msk [tilespmem:v45+s11+$0x0], $0xffff;
	[tilespmem:s24+$0x200] =	vst v27  }
0x4af: {  	[tilespmem:s26+$0xFFFFFD30] =	vst v33;
	v27 =	vld.idx.msk [tilespmem:v31+s11+$0x0], $0xffff;
	v31 =	vadd.s32 v5, v34  }
0x4b0: {  	v34 =	vadd.s32 v4, v41;
	v33 =	vld.idx.msk [tilespmem:v46+s11+$0x0], $0xffff;
	[tilespmem:s22+$0xB0] =	vst v29  }
0x4b1: {  	[tilespmem:s28+$0xFFFFFC20] =	vst v38;
	v29 =	vld.idx.msk [tilespmem:v44+s11+$0x0], $0xffff;
	v38 =	vadd.s32 v4, v36  }
0x4b2: {  	v42 =	vperm.xlane v26, v6;
	v44 =	vadd.s32 v3, v43;
	v30 =	vld.idx.msk [tilespmem:v30+s11+$0x0], $0xffff;
	[tilespmem:s23+$0xFFFFFFA0] =	vst v39  }
0x4b3: {  	v45 =	vadd.s32 v3, v32;
	v39 =	vld.idx.msk [tilespmem:v40+s11+$0x0], $0xffff;
	v40 =	vperm.xlane v23, v12;
	[tilespmem:s29+$0x320] =	vst v35  }
0x4b4: {  	v35 =	vadd.s32 v1, v42;
	[tilespmem:s25+$0xFFFFFE90] =	vst v37;
	v31 =	vld.idx.msk [tilespmem:v31+s11+$0x0], $0xffff;
	v37 =	vperm.xlane v22, v19;
	v22 =	vmov v20  }
0x4b5: {  	v20 =	vmovc v21;
	v21 =	vmov v23;
	v23 =	vmov v24;
	v34 =	vld.idx.msk [tilespmem:v34+s11+$0x0], $0xffff;
	v46 =	vadd.s32 v1, v40;
	[tilespmem:s24+$0x210] =	vst v27  }
0x4b6: {  	v24 =	vmov v25;
	v25 =	vmov v26;
	[tilespmem:s26+$0xFFFFFD80] =	vst v33;
	v27 =	vld.idx.msk [tilespmem:v38+s11+$0x0], $0xffff;
	v33 =	vadd.s32 v1, v37  }
0x4b7: {  	v26 =	vadd.s32 v5, v41;
	v38 =	vld.idx.msk [tilespmem:v44+s11+$0x0], $0xffff;
	[tilespmem:s22+$0x100] =	vst v29  }
0x4b8: {  	[tilespmem:s28+$0xFFFFFC30] =	vst v30;
	v29 =	vld.idx.msk [tilespmem:v45+s11+$0x0], $0xffff;
	v30 =	vadd.s32 v5, v36  }
0x4b9: {  	v36 =	vadd.s32 v4, v43;
	v35 =	vld.idx.msk [tilespmem:v35+s11+$0x0], $0xffff;
	[tilespmem:s23+$0xFFFFFFB0] =	vst v39  }
0x4ba: {  	v41 =	vadd.s32 v4, v32;
	v39 =	vld.idx.msk [tilespmem:v46+s11+$0x0], $0xffff;
	[tilespmem:s29+$0x330] =	vst v31  }
0x4bb: {  	v44 =	vadd.s32 v3, v42;
	[tilespmem:s25+$0xFFFFFEA0] =	vst v34;
	v33 =	vld.idx.msk [tilespmem:v33+s11+$0x0], $0xffff  }
0x4bc: {  	v45 =	vadd.s32 v3, v40;
	v34 =	vld.idx.msk [tilespmem:v26+s11+$0x0], $0xffff;
	v26 =	vperm.xlane v23, v11;
	[tilespmem:s24+$0x220] =	vst v27  }
0x4bd: {  	v31 =	vperm.xlane v22, v17;
	[tilespmem:s26+$0xFFFFFD90] =	vst v38;
	v27 =	vld.idx.msk [tilespmem:v30+s11+$0x0], $0xffff;
	v30 =	vadd.s32 v3, v37  }
0x4be: {  	v36 =	vld.idx.msk [tilespmem:v36+s11+$0x0], $0xffff;
	v38 =	vadd.s32 v1, v26;
	[tilespmem:s22+$0x110] =	vst v29  }
0x4bf: {  	[tilespmem:s28+$0xFFFFFC80] =	vst v35;
	v29 =	vld.idx.msk [tilespmem:v41+s11+$0x0], $0xffff;
	v35 =	vadd.s32 v1, v31  }
0x4c0: {  	v43 =	vadd.s32 v5, v43;
	v41 =	vld.idx.msk [tilespmem:v44+s11+$0x0], $0xffff;
	[tilespmem:s23+$0x0] =	vst v39  }
0x4c1: {  	v32 =	vadd.s32 v5, v32;
	v39 =	vld.idx.msk [tilespmem:v45+s11+$0x0], $0xffff;
	[tilespmem:s29+$0x380] =	vst v33  }
0x4c2: {  	v33 =	vadd.s32 v4, v42;
	[tilespmem:s25+$0xFFFFFEB0] =	vst v34;
	v34 =	vld.idx.msk [tilespmem:v30+s11+$0x0], $0xffff  }
0x4c3: {  	v44 =	vadd.s32 v4, v40;
	v38 =	vld.idx.msk [tilespmem:v38+s11+$0x0], $0xffff;
	[tilespmem:s24+$0x230] =	vst v27  }
0x4c4: {  	[tilespmem:s26+$0xFFFFFDA0] =	vst v36;
	v35 =	vld.idx.msk [tilespmem:v35+s11+$0x0], $0xffff;
	v36 =	vadd.s32 v4, v37  }
0x4c5: {  	v45 =	vadd.s32 v3, v26;
	v30 =	vperm.xlane v24, v9;
	v43 =	vld.idx.msk [tilespmem:v43+s11+$0x0], $0xffff;
	[tilespmem:s22+$0x120] =	vst v29  }
0x4c6: {  	v27 =	vperm.xlane v20, v15;
	[tilespmem:s28+$0xFFFFFC90] =	vst v41;
	v29 =	vld.idx.msk [tilespmem:v32+s11+$0x0], $0xffff;
	v32 =	vadd.s32 v3, v31  }
0x4c7: {  	v41 =	vadd.s32 v1, v30;
	v33 =	vld.idx.msk [tilespmem:v33+s11+$0x0], $0xffff;
	[tilespmem:s23+$0x10] =	vst v39  }
0x4c8: {  	v39 =	vadd.s32 v1, v27;
	v44 =	vld.idx.msk [tilespmem:v44+s11+$0x0], $0xffff;
	[tilespmem:s29+$0x390] =	vst v34  }
0x4c9: {  	v42 =	vadd.s32 v5, v42;
	[tilespmem:s25+$0xFFFFFF00] =	vst v38;
	v46 =	vld.idx.msk [tilespmem:v36+s11+$0x0], $0xffff  }
0x4ca: {  	v47 =	vadd.s32 v5, v40;
	v45 =	vld.idx.msk [tilespmem:v45+s11+$0x0], $0xffff;
	[tilespmem:s24+$0x280] =	vst v35  }
0x4cb: {  	v35 =	vadd.s32 v5, v37;
	[tilespmem:s26+$0xFFFFFDB0] =	vst v43;
	v32 =	vld.idx.msk [tilespmem:v32+s11+$0x0], $0xffff  }
.Ltmp1:
0x4cc: {  	v40 =	vadd.s32 v4, v26;
	v34 =	vld.idx.msk [tilespmem:v41+s11+$0x0], $0xffff;
	[tilespmem:s22+$0x130] =	vst v29;
	(pc) =	sbr.rel @p0 .LBB2_5-.Ltmp1, $4  }
0x4cd: {  	[tilespmem:s28+$0xFFFFFCA0] =	vst v33;
	v36 =	vld.idx.msk [tilespmem:v39+s11+$0x0], $0xffff;
	v39 =	vadd.s32 v4, v31  }
0x4ce: {  	v41 =	vadd.s32 v3, v30;
	v33 =	vperm.xlane v25, v7;
	v38 =	vld.idx.msk [tilespmem:v42+s11+$0x0], $0xffff;
	[tilespmem:s23+$0x20] =	vst v44  }
0x4cf: {  	v29 =	vperm.xlane v21, v13;
	v42 =	vadd.s32 v3, v27;
	v37 =	vld.idx.msk [tilespmem:v47+s11+$0x0], $0xffff;
	[tilespmem:s29+$0x3A0] =	vst v46  }
0x4d0: {  	s1 =	sadd.s32 $0x40, s1;
	v43 =	vadd.s32 v1, v33;
	[tilespmem:s25+$0xFFFFFF10] =	vst v45;
	v35 =	vld.idx.msk [tilespmem:v35+s11+$0x0], $0xffff  }
0x4d1: {  	_ =	sdelay $0x3  }
0x4d2: {  	v40 =	vld.idx.msk [tilespmem:v40+s11+$0x0], $0xffff;
	v44 =	vadd.s32 v1, v29;
	[tilespmem:s24+$0x290] =	vst v32  }
0x4d3: {  	[tilespmem:s26+$0xFFFFFE00] =	vst v34;
	v51 =	vadd.s32 v5, v26;
	v50 =	vld.idx.msk [tilespmem:v39+s11+$0x0], $0xffff  }
0x4d4: {  	v31 =	vadd.s32 v5, v31;
	v26 =	vshll.u32 v28, $0x7;
	v52 =	vld.idx.msk [tilespmem:v41+s11+$0x0], $0xffff;
	[tilespmem:s22+$0x180] =	vst v36  }
0x4d5: {  	v53 =	vadd.s32 v4, v30;
	v57 =	vperm.xlane v26, v2;
	[tilespmem:s28+$0xFFFFFCB0] =	vst v38;
	v36 =	vld.idx.msk [tilespmem:v42+s11+$0x0], $0xffff  }
0x4d6: {  	v55 =	vadd.s32 v4, v27;
	v54 =	vld.idx.msk [tilespmem:v43+s11+$0x0], $0xffff;
	[tilespmem:s23+$0x30] =	vst v37  }
0x4d7: {  	v59 =	vadd.s32 v1, v57;
	v56 =	vld.idx.msk [tilespmem:v44+s11+$0x0], $0xffff;
	[tilespmem:s25+$0xFFFFFF20] =	vst v40  }
0x4d8: {  	v58 =	vadd.s32 v3, v33;
	v32 =	vperm.xlane v23, v0;
	v40 =	vld.idx.msk [tilespmem:v51+s11+$0x0], $0xffff;
	[tilespmem:s24+$0x2A0] =	vst v50  }
0x4d9: {  	v45 =	vadd.s32 v3, v29;
	v28 =	vperm.xlane v22, v18;
	[tilespmem:s26+$0xFFFFFE10] =	vst v52;
	v60 =	vld.idx.msk [tilespmem:v31+s11+$0x0], $0xffff  }
0x4da: {  	v46 =	vadd.s32 v1, v32;
	v38 =	vld.idx.msk [tilespmem:v53+s11+$0x0], $0xffff;
	[tilespmem:s22+$0x190] =	vst v36  }
0x4db: {  	v61 =	vadd.s32 v1, v28;
	[tilespmem:s29+$0x3B0] =	vst v35;
	v36 =	vld.idx.msk [tilespmem:v55+s11+$0x0], $0xffff  }
0x4dc: {  	v62 =	vadd.s32 v5, v30;
	[tilespmem:s28+$0xFFFFFD00] =	vst v54;
	v63 =	vld.idx.msk [tilespmem:v59+s11+$0x0], $0xffff  }
0x4dd: {  	v41 =	vld.idx.msk [tilespmem:v58+s11+$0x0], $0xffff;
	[tilespmem:s23+$0x80] =	vst v56  }
0x4de: {  	v31 =	vld.idx.msk [tilespmem:v45+s11+$0x0], $0xffff;
	[tilespmem:s25+$0xFFFFFF30] =	vst v40;
	v45 =	vadd.s32 v3, v57  }
0x4df: {  	v34 =	vld.idx.msk [tilespmem:v46+s11+$0x0], $0xffff;
	[tilespmem:s24+$0x2B0] =	vst v60  }
0x4e0: {  	[tilespmem:s26+$0xFFFFFE20] =	vst v38;
	v30 =	vld.idx.msk [tilespmem:v61+s11+$0x0], $0xffff  }
0x4e1: {  	s31 =	sadd.s32 $0x800, s28;
	v35 =	vld.idx.msk [tilespmem:v62+s11+$0x0], $0xffff;
	[tilespmem:s22+$0x1A0] =	vst v36  }
0x4e2: {  	[tilespmem:s31+$0xFFFFFC00] =	vst v63  }
0x4e3: {  	v36 =	vld.idx.msk [tilespmem:v45+s11+$0x0], $0xffff  }
0x4e4: {  	v46 =	vadd.s32 v4, v57;
	_ =	sdelay $0x3  }
0x4e5: {  	[tilespmem:s31+$0xFFFFFC10] =	vst v36  }
0x4e6: {  	v36 =	vld.idx.msk [tilespmem:v46+s11+$0x0], $0xffff  }
0x4e7: {  	v47 =	vadd.s32 v5, v57;
	_ =	sdelay $0x3  }
0x4e8: {  	v48 =	vperm.xlane v26, v6;
	[tilespmem:s31+$0xFFFFFC20] =	vst v36  }
0x4e9: {  	v37 =	vld.idx.msk [tilespmem:v47+s11+$0x0], $0xffff  }
0x4ea: {  	v49 =	vadd.s32 v1, v48;
	_ =	sdelay $0x3  }
0x4eb: {  	[tilespmem:s31+$0xFFFFFC30] =	vst v37  }
0x4ec: {  	v37 =	vld.idx.msk [tilespmem:v49+s11+$0x0], $0xffff  }
0x4ed: {  	v50 =	vadd.s32 v3, v48;
	_ =	sdelay $0x3  }
0x4ee: {  	[tilespmem:s31+$0xFFFFFC80] =	vst v37  }
0x4ef: {  	v37 =	vld.idx.msk [tilespmem:v50+s11+$0x0], $0xffff  }
0x4f0: {  	v51 =	vadd.s32 v4, v48;
	_ =	sdelay $0x3  }
0x4f1: {  	[tilespmem:s31+$0xFFFFFC90] =	vst v37  }
0x4f2: {  	v37 =	vld.idx.msk [tilespmem:v51+s11+$0x0], $0xffff  }
0x4f3: {  	v36 =	vadd.s32 v5, v48;
	_ =	sdelay $0x3  }
0x4f4: {  	v52 =	vperm.xlane v26, v7;
	[tilespmem:s31+$0xFFFFFCA0] =	vst v37  }
0x4f5: {  	v36 =	vld.idx.msk [tilespmem:v36+s11+$0x0], $0xffff  }
0x4f6: {  	v53 =	vadd.s32 v1, v52;
	_ =	sdelay $0x3  }
0x4f7: {  	[tilespmem:s31+$0xFFFFFCB0] =	vst v36  }
0x4f8: {  	v36 =	vld.idx.msk [tilespmem:v53+s11+$0x0], $0xffff  }
0x4f9: {  	v54 =	vadd.s32 v3, v52;
	_ =	sdelay $0x3  }
0x4fa: {  	[tilespmem:s31+$0xFFFFFD00] =	vst v36  }
0x4fb: {  	v55 =	vadd.s32 v4, v33;
	v38 =	vld.idx.msk [tilespmem:v54+s11+$0x0], $0xffff  }
0x4fc: {  	v56 =	vadd.s32 v4, v52;
	_ =	sdelay $0x2  }
0x4fd: {  	[tilespmem:s28+$0xFFFFFD10] =	vst v41  }
0x4fe: {  	v36 =	vld.idx.msk [tilespmem:v55+s11+$0x0], $0xffff;
	[tilespmem:s31+$0xFFFFFD10] =	vst v38  }
0x4ff: {  	v57 =	vadd.s32 v5, v33;
	v38 =	vld.idx.msk [tilespmem:v56+s11+$0x0], $0xffff  }
0x500: {  	v37 =	vadd.s32 v5, v52;
	_ =	sdelay $0x2  }
0x501: {  	v58 =	vperm.xlane v25, v8;
	[tilespmem:s28+$0xFFFFFD20] =	vst v36  }
0x502: {  	v59 =	vperm.xlane v26, v8;
	v33 =	vld.idx.msk [tilespmem:v57+s11+$0x0], $0xffff;
	[tilespmem:s31+$0xFFFFFD20] =	vst v38  }
0x503: {  	v60 =	vadd.s32 v1, v58;
	v37 =	vld.idx.msk [tilespmem:v37+s11+$0x0], $0xffff  }
0x504: {  	v61 =	vadd.s32 v1, v59;
	_ =	sdelay $0x2  }
0x505: {  	[tilespmem:s28+$0xFFFFFD30] =	vst v33  }
0x506: {  	v33 =	vld.idx.msk [tilespmem:v60+s11+$0x0], $0xffff;
	[tilespmem:s31+$0xFFFFFD30] =	vst v37  }
0x507: {  	v62 =	vadd.s32 v3, v58;
	v63 =	vld.idx.msk [tilespmem:v61+s11+$0x0], $0xffff  }
0x508: {  	v44 =	vadd.s32 v3, v59;
	_ =	sdelay $0x2  }
0x509: {  	[tilespmem:s28+$0xFFFFFD80] =	vst v33  }
0x50a: {  	v33 =	vld.idx.msk [tilespmem:v62+s11+$0x0], $0xffff;
	[tilespmem:s31+$0xFFFFFD80] =	vst v63  }
0x50b: {  	v45 =	vadd.s32 v4, v58;
	v39 =	vld.idx.msk [tilespmem:v44+s11+$0x0], $0xffff  }
0x50c: {  	v46 =	vadd.s32 v4, v59;
	_ =	sdelay $0x2  }
0x50d: {  	[tilespmem:s28+$0xFFFFFD90] =	vst v33  }
0x50e: {  	v33 =	vld.idx.msk [tilespmem:v45+s11+$0x0], $0xffff;
	[tilespmem:s31+$0xFFFFFD90] =	vst v39  }
0x50f: {  	v36 =	vadd.s32 v5, v58;
	v47 =	vld.idx.msk [tilespmem:v46+s11+$0x0], $0xffff  }
0x510: {  	v38 =	vadd.s32 v5, v59;
	_ =	sdelay $0x2  }
0x511: {  	v48 =	vperm.xlane v25, v9;
	[tilespmem:s28+$0xFFFFFDA0] =	vst v33  }
0x512: {  	v49 =	vperm.xlane v26, v9;
	v36 =	vld.idx.msk [tilespmem:v36+s11+$0x0], $0xffff;
	[tilespmem:s31+$0xFFFFFDA0] =	vst v47  }
0x513: {  	v50 =	vadd.s32 v1, v48;
	v38 =	vld.idx.msk [tilespmem:v38+s11+$0x0], $0xffff  }
0x514: {  	v51 =	vadd.s32 v1, v49;
	_ =	sdelay $0x2  }
0x515: {  	[tilespmem:s28+$0xFFFFFDB0] =	vst v36  }
0x516: {  	v36 =	vld.idx.msk [tilespmem:v50+s11+$0x0], $0xffff;
	[tilespmem:s31+$0xFFFFFDB0] =	vst v38  }
0x517: {  	v52 =	vadd.s32 v3, v48;
	v53 =	vld.idx.msk [tilespmem:v51+s11+$0x0], $0xffff  }
0x518: {  	v54 =	vadd.s32 v3, v49;
	_ =	sdelay $0x2  }
0x519: {  	[tilespmem:s28+$0xFFFFFE00] =	vst v36  }
0x51a: {  	v36 =	vld.idx.msk [tilespmem:v52+s11+$0x0], $0xffff;
	[tilespmem:s31+$0xFFFFFE00] =	vst v53  }
0x51b: {  	v55 =	vadd.s32 v4, v48;
	v39 =	vld.idx.msk [tilespmem:v54+s11+$0x0], $0xffff  }
0x51c: {  	v56 =	vadd.s32 v4, v49;
	_ =	sdelay $0x2  }
0x51d: {  	[tilespmem:s28+$0xFFFFFE10] =	vst v36  }
0x51e: {  	v36 =	vld.idx.msk [tilespmem:v55+s11+$0x0], $0xffff;
	[tilespmem:s31+$0xFFFFFE10] =	vst v39  }
0x51f: {  	v33 =	vadd.s32 v5, v48;
	v57 =	vld.idx.msk [tilespmem:v56+s11+$0x0], $0xffff  }
0x520: {  	v37 =	vadd.s32 v5, v49  }
0x521: {  	v58 =	vperm.xlane v24, v10;
	_ =	sdelay $0x1  }
0x522: {  	v59 =	vperm.xlane v25, v10;
	v60 =	vadd.s32 v1, v58;
	[tilespmem:s28+$0xFFFFFE20] =	vst v36  }
0x523: {  	v61 =	vperm.xlane v26, v10;
	v33 =	vld.idx.msk [tilespmem:v33+s11+$0x0], $0xffff;
	[tilespmem:s31+$0xFFFFFE20] =	vst v57  }
0x524: {  	v62 =	vadd.s32 v1, v59;
	v37 =	vld.idx.msk [tilespmem:v37+s11+$0x0], $0xffff  }
0x525: {  	v63 =	vadd.s32 v1, v61  }
0x526: {  	[tilespmem:s26+$0xFFFFFE30] =	vst v35  }
0x527: {  	v35 =	vld.idx.msk [tilespmem:v60+s11+$0x0], $0xffff  }
0x528: {  	v45 =	vadd.s32 v3, v58;
	[tilespmem:s28+$0xFFFFFE30] =	vst v33  }
0x529: {  	v46 =	vld.idx.msk [tilespmem:v62+s11+$0x0], $0xffff;
	[tilespmem:s31+$0xFFFFFE30] =	vst v37  }
0x52a: {  	v47 =	vadd.s32 v3, v59;
	v48 =	vld.idx.msk [tilespmem:v63+s11+$0x0], $0xffff  }
0x52b: {  	v49 =	vadd.s32 v3, v61  }
0x52c: {  	[tilespmem:s26+$0xFFFFFE80] =	vst v35  }
0x52d: {  	v33 =	vld.idx.msk [tilespmem:v45+s11+$0x0], $0xffff  }
0x52e: {  	v50 =	vadd.s32 v4, v58;
	[tilespmem:s28+$0xFFFFFE80] =	vst v46  }
0x52f: {  	v37 =	vld.idx.msk [tilespmem:v47+s11+$0x0], $0xffff;
	[tilespmem:s31+$0xFFFFFE80] =	vst v48  }
0x530: {  	v51 =	vadd.s32 v4, v59;
	v41 =	vld.idx.msk [tilespmem:v49+s11+$0x0], $0xffff  }
0x531: {  	v52 =	vadd.s32 v4, v61  }
0x532: {  	[tilespmem:s26+$0xFFFFFE90] =	vst v33  }
0x533: {  	v33 =	vld.idx.msk [tilespmem:v50+s11+$0x0], $0xffff  }
0x534: {  	v53 =	vadd.s32 v5, v58;
	[tilespmem:s28+$0xFFFFFE90] =	vst v37  }
0x535: {  	v37 =	vld.idx.msk [tilespmem:v51+s11+$0x0], $0xffff;
	[tilespmem:s31+$0xFFFFFE90] =	vst v41  }
0x536: {  	v36 =	vadd.s32 v5, v59;
	v54 =	vld.idx.msk [tilespmem:v52+s11+$0x0], $0xffff  }
0x537: {  	v38 =	vadd.s32 v5, v61  }
0x538: {  	v55 =	vperm.xlane v24, v11;
	[tilespmem:s26+$0xFFFFFEA0] =	vst v33  }
0x539: {  	v35 =	vld.idx.msk [tilespmem:v53+s11+$0x0], $0xffff  }
0x53a: {  	v56 =	vperm.xlane v25, v11;
	v57 =	vadd.s32 v1, v55;
	[tilespmem:s28+$0xFFFFFEA0] =	vst v37  }
0x53b: {  	v58 =	vperm.xlane v26, v11;
	v36 =	vld.idx.msk [tilespmem:v36+s11+$0x0], $0xffff;
	[tilespmem:s31+$0xFFFFFEA0] =	vst v54  }
0x53c: {  	v59 =	vadd.s32 v1, v56;
	v38 =	vld.idx.msk [tilespmem:v38+s11+$0x0], $0xffff  }
0x53d: {  	v60 =	vadd.s32 v1, v58  }
0x53e: {  	[tilespmem:s26+$0xFFFFFEB0] =	vst v35  }
0x53f: {  	v35 =	vld.idx.msk [tilespmem:v57+s11+$0x0], $0xffff  }
0x540: {  	v61 =	vadd.s32 v3, v55;
	[tilespmem:s28+$0xFFFFFEB0] =	vst v36  }
0x541: {  	v62 =	vld.idx.msk [tilespmem:v59+s11+$0x0], $0xffff;
	[tilespmem:s31+$0xFFFFFEB0] =	vst v38  }
0x542: {  	v63 =	vadd.s32 v3, v56;
	v45 =	vld.idx.msk [tilespmem:v60+s11+$0x0], $0xffff  }
0x543: {  	v46 =	vadd.s32 v3, v58  }
0x544: {  	[tilespmem:s26+$0xFFFFFF00] =	vst v35  }
0x545: {  	v35 =	vld.idx.msk [tilespmem:v61+s11+$0x0], $0xffff  }
0x546: {  	v47 =	vadd.s32 v4, v55;
	[tilespmem:s28+$0xFFFFFF00] =	vst v62  }
0x547: {  	v38 =	vld.idx.msk [tilespmem:v63+s11+$0x0], $0xffff;
	[tilespmem:s31+$0xFFFFFF00] =	vst v45  }
0x548: {  	v48 =	vadd.s32 v4, v56;
	v41 =	vld.idx.msk [tilespmem:v46+s11+$0x0], $0xffff  }
0x549: {  	v49 =	vadd.s32 v4, v58  }
0x54a: {  	[tilespmem:s26+$0xFFFFFF10] =	vst v35  }
0x54b: {  	v35 =	vld.idx.msk [tilespmem:v47+s11+$0x0], $0xffff  }
0x54c: {  	v33 =	vadd.s32 v5, v55;
	[tilespmem:s28+$0xFFFFFF10] =	vst v38  }
0x54d: {  	v50 =	vld.idx.msk [tilespmem:v48+s11+$0x0], $0xffff;
	[tilespmem:s31+$0xFFFFFF10] =	vst v41  }
0x54e: {  	v37 =	vadd.s32 v5, v56;
	v51 =	vld.idx.msk [tilespmem:v49+s11+$0x0], $0xffff  }
0x54f: {  	v39 =	vadd.s32 v5, v58  }
0x550: {  	v52 =	vperm.xlane v24, v0;
	[tilespmem:s26+$0xFFFFFF20] =	vst v35  }
0x551: {  	v33 =	vld.idx.msk [tilespmem:v33+s11+$0x0], $0xffff  }
0x552: {  	v53 =	vperm.xlane v25, v0;
	v54 =	vadd.s32 v1, v52;
	[tilespmem:s28+$0xFFFFFF20] =	vst v50  }
0x553: {  	v55 =	vperm.xlane v26, v0;
	v58 =	vadd.s32 v3, v32;
	v37 =	vld.idx.msk [tilespmem:v37+s11+$0x0], $0xffff;
	[tilespmem:s31+$0xFFFFFF20] =	vst v51  }
0x554: {  	v56 =	vadd.s32 v1, v53;
	v39 =	vld.idx.msk [tilespmem:v39+s11+$0x0], $0xffff  }
0x555: {  	v57 =	vadd.s32 v1, v55  }
0x556: {  	[tilespmem:s26+$0xFFFFFF30] =	vst v33  }
0x557: {  	[tilespmem:s25+$0xFFFFFF80] =	vst v34;
	v40 =	vld.idx.msk [tilespmem:v54+s11+$0x0], $0xffff  }
0x558: {  	v59 =	vadd.s32 v3, v52;
	v33 =	vld.idx.msk [tilespmem:v58+s11+$0x0], $0xffff;
	[tilespmem:s28+$0xFFFFFF30] =	vst v37  }
0x559: {  	v62 =	vadd.s32 v4, v32;
	v41 =	vld.idx.msk [tilespmem:v56+s11+$0x0], $0xffff;
	[tilespmem:s31+$0xFFFFFF30] =	vst v39  }
0x55a: {  	v60 =	vadd.s32 v3, v53;
	v42 =	vld.idx.msk [tilespmem:v57+s11+$0x0], $0xffff  }
0x55b: {  	v61 =	vadd.s32 v3, v55  }
0x55c: {  	[tilespmem:s26+$0xFFFFFF80] =	vst v40  }
0x55d: {  	[tilespmem:s25+$0xFFFFFF90] =	vst v33;
	v37 =	vld.idx.msk [tilespmem:v59+s11+$0x0], $0xffff  }
0x55e: {  	v63 =	vadd.s32 v4, v52;
	v33 =	vld.idx.msk [tilespmem:v62+s11+$0x0], $0xffff;
	[tilespmem:s28+$0xFFFFFF80] =	vst v41  }
0x55f: {  	v32 =	vadd.s32 v5, v32;
	v39 =	vld.idx.msk [tilespmem:v60+s11+$0x0], $0xffff;
	[tilespmem:s31+$0xFFFFFF80] =	vst v42  }
0x560: {  	v45 =	vadd.s32 v4, v53;
	v42 =	vld.idx.msk [tilespmem:v61+s11+$0x0], $0xffff  }
0x561: {  	v46 =	vadd.s32 v4, v55  }
0x562: {  	[tilespmem:s26+$0xFFFFFF90] =	vst v37  }
0x563: {  	v50 =	vperm.xlane v23, v12;
	[tilespmem:s25+$0xFFFFFFA0] =	vst v33;
	v47 =	vld.idx.msk [tilespmem:v63+s11+$0x0], $0xffff  }
0x564: {  	v35 =	vadd.s32 v5, v52;
	v32 =	vld.idx.msk [tilespmem:v32+s11+$0x0], $0xffff;
	[tilespmem:s28+$0xFFFFFF90] =	vst v39  }
0x565: {  	v52 =	vadd.s32 v1, v50;
	v48 =	vld.idx.msk [tilespmem:v45+s11+$0x0], $0xffff;
	[tilespmem:s31+$0xFFFFFF90] =	vst v42  }
0x566: {  	v36 =	vadd.s32 v5, v53;
	v49 =	vld.idx.msk [tilespmem:v46+s11+$0x0], $0xffff  }
0x567: {  	v38 =	vadd.s32 v5, v55  }
0x568: {  	v51 =	vperm.xlane v24, v12;
	[tilespmem:s26+$0xFFFFFFA0] =	vst v47  }
0x569: {  	[tilespmem:s25+$0xFFFFFFB0] =	vst v32;
	v35 =	vld.idx.msk [tilespmem:v35+s11+$0x0], $0xffff  }
0x56a: {  	v53 =	vperm.xlane v25, v12;
	v54 =	vadd.s32 v1, v51;
	v32 =	vld.idx.msk [tilespmem:v52+s11+$0x0], $0xffff;
	[tilespmem:s28+$0xFFFFFFA0] =	vst v48  }
0x56b: {  	v55 =	vperm.xlane v26, v12;
	v58 =	vadd.s32 v3, v50;
	v36 =	vld.idx.msk [tilespmem:v36+s11+$0x0], $0xffff;
	[tilespmem:s31+$0xFFFFFFA0] =	vst v49  }
0x56c: {  	v56 =	vadd.s32 v1, v53;
	v38 =	vld.idx.msk [tilespmem:v38+s11+$0x0], $0xffff  }
0x56d: {  	v57 =	vadd.s32 v1, v55  }
0x56e: {  	[tilespmem:s26+$0xFFFFFFB0] =	vst v35  }
0x56f: {  	[tilespmem:s25+$0x0] =	vst v32;
	v59 =	vld.idx.msk [tilespmem:v54+s11+$0x0], $0xffff  }
0x570: {  	v60 =	vadd.s32 v3, v51;
	v32 =	vld.idx.msk [tilespmem:v58+s11+$0x0], $0xffff;
	[tilespmem:s28+$0xFFFFFFB0] =	vst v36  }
0x571: {  	v46 =	vadd.s32 v4, v50;
	v61 =	vld.idx.msk [tilespmem:v56+s11+$0x0], $0xffff;
	[tilespmem:s31+$0xFFFFFFB0] =	vst v38  }
0x572: {  	v62 =	vadd.s32 v3, v53;
	v63 =	vld.idx.msk [tilespmem:v57+s11+$0x0], $0xffff  }
0x573: {  	v45 =	vadd.s32 v3, v55  }
0x574: {  	[tilespmem:s26+$0x0] =	vst v59  }
0x575: {  	[tilespmem:s25+$0x10] =	vst v32;
	v36 =	vld.idx.msk [tilespmem:v60+s11+$0x0], $0xffff  }
0x576: {  	v47 =	vadd.s32 v4, v51;
	v32 =	vld.idx.msk [tilespmem:v46+s11+$0x0], $0xffff;
	[tilespmem:s28+$0x0] =	vst v61  }
0x577: {  	v33 =	vadd.s32 v5, v50;
	v38 =	vld.idx.msk [tilespmem:v62+s11+$0x0], $0xffff;
	[tilespmem:s31+$0x0] =	vst v63  }
0x578: {  	v48 =	vadd.s32 v4, v53;
	v42 =	vld.idx.msk [tilespmem:v45+s11+$0x0], $0xffff  }
0x579: {  	v49 =	vadd.s32 v4, v55  }
0x57a: {  	[tilespmem:s26+$0x10] =	vst v36  }
0x57b: {  	v50 =	vld.idx.msk [tilespmem:v47+s11+$0x0], $0xffff;
	[tilespmem:s25+$0x20] =	vst v32;
	v32 =	vperm.xlane v23, v13  }
0x57c: {  	v34 =	vadd.s32 v5, v51;
	v33 =	vld.idx.msk [tilespmem:v33+s11+$0x0], $0xffff;
	[tilespmem:s28+$0x10] =	vst v38  }
0x57d: {  	v37 =	vadd.s32 v5, v53;
	v53 =	vadd.s32 v1, v32;
	v51 =	vld.idx.msk [tilespmem:v48+s11+$0x0], $0xffff;
	[tilespmem:s31+$0x10] =	vst v42  }
0x57e: {  	v52 =	vld.idx.msk [tilespmem:v49+s11+$0x0], $0xffff  }
0x57f: {  	v39 =	vadd.s32 v5, v55  }
0x580: {  	v35 =	vperm.xlane v24, v13;
	[tilespmem:s26+$0x20] =	vst v50  }
0x581: {  	v34 =	vld.idx.msk [tilespmem:v34+s11+$0x0], $0xffff;
	[tilespmem:s25+$0x30] =	vst v33  }
0x582: {  	v54 =	vperm.xlane v25, v13;
	v55 =	vadd.s32 v1, v35;
	v33 =	vld.idx.msk [tilespmem:v53+s11+$0x0], $0xffff;
	[tilespmem:s28+$0x20] =	vst v51  }
0x583: {  	v56 =	vperm.xlane v26, v13;
	v59 =	vadd.s32 v3, v32;
	v37 =	vld.idx.msk [tilespmem:v37+s11+$0x0], $0xffff;
	[tilespmem:s31+$0x20] =	vst v52  }
0x584: {  	v57 =	vadd.s32 v1, v54;
	v39 =	vld.idx.msk [tilespmem:v39+s11+$0x0], $0xffff  }
0x585: {  	v58 =	vadd.s32 v1, v56  }
0x586: {  	[tilespmem:s26+$0x30] =	vst v34  }
0x587: {  	v60 =	vld.idx.msk [tilespmem:v55+s11+$0x0], $0xffff;
	[tilespmem:s25+$0x80] =	vst v33  }
0x588: {  	v61 =	vadd.s32 v3, v35;
	v34 =	vld.idx.msk [tilespmem:v59+s11+$0x0], $0xffff;
	[tilespmem:s28+$0x30] =	vst v37  }
0x589: {  	v48 =	vadd.s32 v4, v32;
	v62 =	vld.idx.msk [tilespmem:v57+s11+$0x0], $0xffff;
	[tilespmem:s31+$0x30] =	vst v39  }
0x58a: {  	v63 =	vadd.s32 v3, v54;
	v45 =	vld.idx.msk [tilespmem:v58+s11+$0x0], $0xffff  }
0x58b: {  	v46 =	vadd.s32 v3, v56  }
0x58c: {  	v47 =	vadd.s32 v4, v29;
	[tilespmem:s26+$0x80] =	vst v60  }
0x58d: {  	v37 =	vld.idx.msk [tilespmem:v61+s11+$0x0], $0xffff;
	[tilespmem:s25+$0x90] =	vst v34  }
0x58e: {  	v49 =	vadd.s32 v4, v35;
	v34 =	vld.idx.msk [tilespmem:v48+s11+$0x0], $0xffff;
	[tilespmem:s28+$0x80] =	vst v62  }
0x58f: {  	v32 =	vadd.s32 v5, v32;
	v39 =	vld.idx.msk [tilespmem:v63+s11+$0x0], $0xffff;
	[tilespmem:s31+$0x80] =	vst v45  }
0x590: {  	[tilespmem:s23+$0x90] =	vst v31;
	v50 =	vadd.s32 v4, v54;
	v43 =	vld.idx.msk [tilespmem:v46+s11+$0x0], $0xffff  }
0x591: {  	v51 =	vadd.s32 v4, v56;
	v33 =	vld.idx.msk [tilespmem:v47+s11+$0x0], $0xffff  }
0x592: {  	v52 =	vadd.s32 v5, v29;
	[tilespmem:s26+$0x90] =	vst v37  }
0x593: {  	v37 =	vld.idx.msk [tilespmem:v49+s11+$0x0], $0xffff;
	[tilespmem:s25+$0xA0] =	vst v34;
	v34 =	vperm.xlane v23, v14  }
0x594: {  	v35 =	vadd.s32 v5, v35;
	v32 =	vld.idx.msk [tilespmem:v32+s11+$0x0], $0xffff;
	[tilespmem:s28+$0x90] =	vst v39  }
0x595: {  	v55 =	vadd.s32 v1, v34;
	v39 =	vld.idx.msk [tilespmem:v50+s11+$0x0], $0xffff;
	[tilespmem:s31+$0x90] =	vst v43  }
0x596: {  	v36 =	vadd.s32 v5, v54;
	[tilespmem:s23+$0xA0] =	vst v33;
	v33 =	vperm.xlane v21, v14;
	v31 =	vld.idx.msk [tilespmem:v51+s11+$0x0], $0xffff  }
0x597: {  	v38 =	vadd.s32 v5, v56;
	v29 =	vld.idx.msk [tilespmem:v52+s11+$0x0], $0xffff  }
0x598: {  	v54 =	vadd.s32 v1, v33;
	[tilespmem:s26+$0xA0] =	vst v37;
	v37 =	vperm.xlane v24, v14  }
0x599: {  	v53 =	vadd.s32 v5, v27;
	v35 =	vld.idx.msk [tilespmem:v35+s11+$0x0], $0xffff;
	[tilespmem:s25+$0xB0] =	vst v32  }
0x59a: {  	v56 =	vadd.s32 v1, v37;
	v41 =	vld.idx.msk [tilespmem:v55+s11+$0x0], $0xffff;
	[tilespmem:s28+$0xA0] =	vst v39;
	v39 =	vperm.xlane v25, v14  }
0x59b: {  	v61 =	vadd.s32 v3, v34;
	v36 =	vld.idx.msk [tilespmem:v36+s11+$0x0], $0xffff;
	[tilespmem:s31+$0xA0] =	vst v31;
	v31 =	vperm.xlane v26, v14  }
0x59c: {  	[tilespmem:s23+$0xB0] =	vst v29;
	v57 =	vadd.s32 v1, v39;
	v38 =	vld.idx.msk [tilespmem:v38+s11+$0x0], $0xffff  }
0x59d: {  	[tilespmem:s24+$0x300] =	vst v30;
	v40 =	vld.idx.msk [tilespmem:v54+s11+$0x0], $0xffff;
	v58 =	vadd.s32 v1, v31  }
0x59e: {  	v27 =	vld.idx.msk [tilespmem:v53+s11+$0x0], $0xffff;
	v60 =	vadd.s32 v3, v33;
	[tilespmem:s26+$0xB0] =	vst v35  }
0x59f: {  	v59 =	vadd.s32 v3, v28;
	v42 =	vld.idx.msk [tilespmem:v56+s11+$0x0], $0xffff;
	[tilespmem:s25+$0x100] =	vst v41  }
0x5a0: {  	v62 =	vadd.s32 v3, v37;
	v35 =	vld.idx.msk [tilespmem:v61+s11+$0x0], $0xffff;
	[tilespmem:s28+$0xB0] =	vst v36  }
0x5a1: {  	v51 =	vadd.s32 v4, v34;
	v30 =	vld.idx.msk [tilespmem:v57+s11+$0x0], $0xffff;
	[tilespmem:s31+$0xB0] =	vst v38  }
0x5a2: {  	[tilespmem:s23+$0x100] =	vst v40;
	v63 =	vadd.s32 v3, v39;
	v29 =	vld.idx.msk [tilespmem:v58+s11+$0x0], $0xffff  }
0x5a3: {  	[tilespmem:s22+$0x1B0] =	vst v27;
	v32 =	vld.idx.msk [tilespmem:v60+s11+$0x0], $0xffff;
	v48 =	vadd.s32 v3, v31  }
0x5a4: {  	v50 =	vadd.s32 v4, v33;
	v43 =	vld.idx.msk [tilespmem:v59+s11+$0x0], $0xffff;
	[tilespmem:s26+$0x100] =	vst v42  }
0x5a5: {  	v56 =	vadd.s32 v4, v28;
	v36 =	vld.idx.msk [tilespmem:v62+s11+$0x0], $0xffff;
	[tilespmem:s25+$0x110] =	vst v35  }
0x5a6: {  	v52 =	vadd.s32 v4, v37;
	v35 =	vld.idx.msk [tilespmem:v51+s11+$0x0], $0xffff;
	[tilespmem:s28+$0x100] =	vst v30  }
0x5a7: {  	v34 =	vadd.s32 v5, v34;
	v27 =	vld.idx.msk [tilespmem:v63+s11+$0x0], $0xffff;
	[tilespmem:s31+$0x100] =	vst v29  }
0x5a8: {  	v53 =	vadd.s32 v4, v39;
	[tilespmem:s23+$0x110] =	vst v32;
	v40 =	vld.idx.msk [tilespmem:v48+s11+$0x0], $0xffff  }
0x5a9: {  	[tilespmem:s24+$0x310] =	vst v43;
	v41 =	vld.idx.msk [tilespmem:v50+s11+$0x0], $0xffff;
	v55 =	vadd.s32 v4, v31  }
0x5aa: {  	v33 =	vadd.s32 v5, v33;
	v59 =	vld.idx.msk [tilespmem:v56+s11+$0x0], $0xffff;
	[tilespmem:s26+$0x110] =	vst v36  }
0x5ab: {  	v28 =	vadd.s32 v5, v28;
	v30 =	vld.idx.msk [tilespmem:v52+s11+$0x0], $0xffff;
	[tilespmem:s25+$0x120] =	vst v35;
	v35 =	vperm.xlane v23, v15  }
0x5ac: {  	v57 =	vadd.s32 v5, v37;
	v34 =	vld.idx.msk [tilespmem:v34+s11+$0x0], $0xffff;
	[tilespmem:s28+$0x110] =	vst v27  }
0x5ad: {  	v62 =	vadd.s32 v1, v35;
	v29 =	vld.idx.msk [tilespmem:v53+s11+$0x0], $0xffff;
	[tilespmem:s31+$0x110] =	vst v40  }
0x5ae: {  	[tilespmem:s23+$0x120] =	vst v41;
	v38 =	vperm.xlane v20, v16;
	v58 =	vadd.s32 v5, v39;
	v32 =	vld.idx.msk [tilespmem:v55+s11+$0x0], $0xffff  }
0x5af: {  	v31 =	vadd.s32 v5, v31;
	v33 =	vld.idx.msk [tilespmem:v33+s11+$0x0], $0xffff;
	[tilespmem:s24+$0x320] =	vst v59;
	v39 =	vperm.xlane v21, v15  }
0x5b0: {  	v28 =	vld.idx.msk [tilespmem:v28+s11+$0x0], $0xffff;
	v49 =	vadd.s32 v1, v38;
	[tilespmem:s26+$0x120] =	vst v30  }
0x5b1: {  	v61 =	vadd.s32 v1, v39;
	v30 =	vperm.xlane v24, v15;
	v27 =	vld.idx.msk [tilespmem:v57+s11+$0x0], $0xffff;
	[tilespmem:s25+$0x130] =	vst v34  }
0x5b2: {  	v42 =	vld.idx.msk [tilespmem:v62+s11+$0x0], $0xffff;
	[tilespmem:s28+$0x120] =	vst v29;
	v29 =	vperm.xlane v25, v15  }
0x5b3: {  	v45 =	vperm.xlane v26, v15;
	v63 =	vadd.s32 v1, v30;
	v36 =	vld.idx.msk [tilespmem:v58+s11+$0x0], $0xffff;
	[tilespmem:s31+$0x120] =	vst v32  }
0x5b4: {  	v46 =	vadd.s32 v1, v29;
	v31 =	vld.idx.msk [tilespmem:v31+s11+$0x0], $0xffff  }
0x5b5: {  	v47 =	vadd.s32 v1, v45;
	[tilespmem:s23+$0x130] =	vst v33;
	v54 =	vld.idx.msk [tilespmem:v49+s11+$0x0], $0xffff  }
0x5b6: {  	[tilespmem:s24+$0x330] =	vst v28;
	v49 =	vadd.s32 v3, v35;
	v41 =	vld.idx.msk [tilespmem:v61+s11+$0x0], $0xffff  }
0x5b7: {  	v48 =	vadd.s32 v3, v39;
	[tilespmem:s26+$0x130] =	vst v27  }
0x5b8: {  	v60 =	vadd.s32 v3, v38;
	v43 =	vld.idx.msk [tilespmem:v63+s11+$0x0], $0xffff;
	[tilespmem:s28+$0x130] =	vst v36  }
0x5b9: {  	v50 =	vadd.s32 v3, v30;
	v37 =	vld.idx.msk [tilespmem:v46+s11+$0x0], $0xffff;
	[tilespmem:s31+$0x130] =	vst v31  }
0x5ba: {  	[tilespmem:s25+$0x180] =	vst v42;
	v51 =	vadd.s32 v3, v29;
	v33 =	vld.idx.msk [tilespmem:v47+s11+$0x0], $0xffff  }
0x5bb: {  	v52 =	vadd.s32 v3, v45;
	v27 =	vld.idx.msk [tilespmem:v49+s11+$0x0], $0xffff;
	[tilespmem:s23+$0x180] =	vst v41  }
0x5bc: {  	v22 =	vperm.xlane v22, v19;
	[tilespmem:s22+$0x200] =	vst v54;
	v55 =	vadd.s32 v4, v35;
	v34 =	vld.idx.msk [tilespmem:v48+s11+$0x0], $0xffff  }
0x5bd: {  	v54 =	vadd.s32 v4, v39;
	v40 =	vld.idx.msk [tilespmem:v60+s11+$0x0], $0xffff;
	[tilespmem:s26+$0x180] =	vst v43  }
0x5be: {  	v60 =	vadd.s32 v1, v22;
	v36 =	vld.idx.msk [tilespmem:v50+s11+$0x0], $0xffff;
	[tilespmem:s28+$0x180] =	vst v37  }
0x5bf: {  	v56 =	vadd.s32 v4, v30;
	v31 =	vld.idx.msk [tilespmem:v51+s11+$0x0], $0xffff;
	[tilespmem:s31+$0x180] =	vst v33  }
0x5c0: {  	v57 =	vadd.s32 v4, v29;
	[tilespmem:s25+$0x190] =	vst v27;
	v33 =	vld.idx.msk [tilespmem:v52+s11+$0x0], $0xffff  }
0x5c1: {  	v59 =	vadd.s32 v4, v45;
	v62 =	vld.idx.msk [tilespmem:v55+s11+$0x0], $0xffff;
	[tilespmem:s23+$0x190] =	vst v34  }
0x5c2: {  	v35 =	vadd.s32 v5, v35;
	[tilespmem:s22+$0x210] =	vst v40;
	v42 =	vld.idx.msk [tilespmem:v54+s11+$0x0], $0xffff  }
0x5c3: {  	v61 =	vadd.s32 v5, v39;
	v44 =	vld.idx.msk [tilespmem:v60+s11+$0x0], $0xffff;
	[tilespmem:s26+$0x190] =	vst v36  }
0x5c4: {  	v53 =	vadd.s32 v4, v38;
	v30 =	vadd.s32 v5, v30;
	v36 =	vld.idx.msk [tilespmem:v56+s11+$0x0], $0xffff;
	[tilespmem:s28+$0x190] =	vst v31  }
0x5c5: {  	v29 =	vadd.s32 v5, v29;
	v32 =	vadd.s32 v5, v45;
	v28 =	vld.idx.msk [tilespmem:v57+s11+$0x0], $0xffff;
	[tilespmem:s31+$0x190] =	vst v33  }
0x5c6: {  	v45 =	vadd.s32 v5, v38;
	v38 =	vperm.xlane v23, v16;
	[tilespmem:s25+$0x1A0] =	vst v62;
	v63 =	vld.idx.msk [tilespmem:v59+s11+$0x0], $0xffff  }
0x5c7: {  	v34 =	vperm.xlane v21, v16;
	v35 =	vld.idx.msk [tilespmem:v35+s11+$0x0], $0xffff;
	[tilespmem:s23+$0x1A0] =	vst v42  }
0x5c8: {  	[tilespmem:s24+$0x380] =	vst v44;
	v47 =	vadd.s32 v1, v38;
	v27 =	vld.idx.msk [tilespmem:v61+s11+$0x0], $0xffff  }
0x5c9: {  	v58 =	vld.idx.msk [tilespmem:v53+s11+$0x0], $0xffff;
	v46 =	vadd.s32 v1, v34;
	[tilespmem:s26+$0x1A0] =	vst v36;
	v36 =	vperm.xlane v24, v16  }
0x5ca: {  	v30 =	vld.idx.msk [tilespmem:v30+s11+$0x0], $0xffff;
	[tilespmem:s28+$0x1A0] =	vst v28;
	v28 =	vperm.xlane v25, v16  }
0x5cb: {  	v31 =	vperm.xlane v26, v16;
	v48 =	vadd.s32 v1, v36;
	v29 =	vld.idx.msk [tilespmem:v29+s11+$0x0], $0xffff;
	[tilespmem:s31+$0x1A0] =	vst v63  }
0x5cc: {  	[tilespmem:s25+$0x1B0] =	vst v35;
	v49 =	vadd.s32 v1, v28;
	v32 =	vld.idx.msk [tilespmem:v32+s11+$0x0], $0xffff  }
0x5cd: {  	v40 =	vld.idx.msk [tilespmem:v47+s11+$0x0], $0xffff;
	[tilespmem:s23+$0x1B0] =	vst v27;
	v50 =	vadd.s32 v1, v31  }
0x5ce: {  	v53 =	vadd.s32 v3, v38;
	[tilespmem:s22+$0x220] =	vst v58;
	v39 =	vld.idx.msk [tilespmem:v46+s11+$0x0], $0xffff  }
0x5cf: {  	v37 =	vld.idx.msk [tilespmem:v45+s11+$0x0], $0xffff;
	v52 =	vadd.s32 v3, v34;
	[tilespmem:s26+$0x1B0] =	vst v30  }
0x5d0: {  	v51 =	vadd.s32 v3, v22;
	v41 =	vld.idx.msk [tilespmem:v48+s11+$0x0], $0xffff;
	[tilespmem:s28+$0x1B0] =	vst v29  }
0x5d1: {  	v54 =	vadd.s32 v3, v36;
	v33 =	vld.idx.msk [tilespmem:v49+s11+$0x0], $0xffff;
	[tilespmem:s31+$0x1B0] =	vst v32  }
0x5d2: {  	[tilespmem:s25+$0x200] =	vst v40;
	v55 =	vadd.s32 v3, v28;
	v27 =	vld.idx.msk [tilespmem:v50+s11+$0x0], $0xffff  }
0x5d3: {  	v56 =	vadd.s32 v3, v31;
	v30 =	vld.idx.msk [tilespmem:v53+s11+$0x0], $0xffff;
	[tilespmem:s23+$0x200] =	vst v39  }
0x5d4: {  	[tilespmem:s22+$0x230] =	vst v37;
	v59 =	vadd.s32 v4, v38;
	v35 =	vld.idx.msk [tilespmem:v52+s11+$0x0], $0xffff  }
0x5d5: {  	v58 =	vadd.s32 v4, v34;
	v42 =	vld.idx.msk [tilespmem:v51+s11+$0x0], $0xffff;
	[tilespmem:s26+$0x200] =	vst v41  }
0x5d6: {  	v45 =	vadd.s32 v4, v22;
	v29 =	vld.idx.msk [tilespmem:v54+s11+$0x0], $0xffff;
	[tilespmem:s28+$0x200] =	vst v33  }
0x5d7: {  	v60 =	vadd.s32 v4, v36;
	v37 =	vld.idx.msk [tilespmem:v55+s11+$0x0], $0xffff;
	[tilespmem:s31+$0x200] =	vst v27  }
0x5d8: {  	v61 =	vadd.s32 v4, v28;
	[tilespmem:s25+$0x210] =	vst v30;
	v39 =	vld.idx.msk [tilespmem:v56+s11+$0x0], $0xffff  }
0x5d9: {  	v63 =	vadd.s32 v4, v31;
	v47 =	vld.idx.msk [tilespmem:v59+s11+$0x0], $0xffff;
	[tilespmem:s23+$0x210] =	vst v35  }
0x5da: {  	[tilespmem:s24+$0x390] =	vst v42;
	v48 =	vadd.s32 v5, v38;
	v40 =	vld.idx.msk [tilespmem:v58+s11+$0x0], $0xffff  }
0x5db: {  	v46 =	vadd.s32 v5, v34;
	v49 =	vld.idx.msk [tilespmem:v45+s11+$0x0], $0xffff;
	[tilespmem:s26+$0x210] =	vst v29  }
0x5dc: {  	v22 =	vadd.s32 v5, v22;
	v33 =	vld.idx.msk [tilespmem:v60+s11+$0x0], $0xffff;
	[tilespmem:s28+$0x210] =	vst v37  }
0x5dd: {  	v36 =	vadd.s32 v5, v36;
	v27 =	vld.idx.msk [tilespmem:v61+s11+$0x0], $0xffff;
	[tilespmem:s31+$0x210] =	vst v39  }
0x5de: {  	v28 =	vadd.s32 v5, v28;
	[tilespmem:s25+$0x220] =	vst v47;
	v32 =	vperm.xlane v20, v17;
	v35 =	vld.idx.msk [tilespmem:v63+s11+$0x0], $0xffff  }
0x5df: {  	v38 =	vperm.xlane v21, v17;
	v31 =	vadd.s32 v5, v31;
	v29 =	vld.idx.msk [tilespmem:v48+s11+$0x0], $0xffff;
	[tilespmem:s23+$0x220] =	vst v40  }
0x5e0: {  	v34 =	vperm.xlane v23, v17;
	[tilespmem:s24+$0x3A0] =	vst v49;
	v57 =	vadd.s32 v1, v32;
	v30 =	vld.idx.msk [tilespmem:v46+s11+$0x0], $0xffff  }
0x5e1: {  	v51 =	vadd.s32 v1, v38;
	v22 =	vld.idx.msk [tilespmem:v22+s11+$0x0], $0xffff;
	[tilespmem:s26+$0x220] =	vst v33;
	v33 =	vperm.xlane v24, v17  }
0x5e2: {  	v52 =	vadd.s32 v1, v34;
	v36 =	vld.idx.msk [tilespmem:v36+s11+$0x0], $0xffff;
	[tilespmem:s28+$0x220] =	vst v27;
	v27 =	vperm.xlane v25, v17  }
0x5e3: {  	v53 =	vadd.s32 v1, v33;
	v28 =	vld.idx.msk [tilespmem:v28+s11+$0x0], $0xffff;
	[tilespmem:s31+$0x220] =	vst v35;
	v35 =	vperm.xlane v26, v17  }
0x5e4: {  	[tilespmem:s25+$0x230] =	vst v29;
	v54 =	vadd.s32 v1, v27;
	v31 =	vld.idx.msk [tilespmem:v31+s11+$0x0], $0xffff  }
0x5e5: {  	v62 =	vld.idx.msk [tilespmem:v57+s11+$0x0], $0xffff;
	[tilespmem:s23+$0x230] =	vst v30;
	v55 =	vadd.s32 v1, v35  }
0x5e6: {  	v50 =	vadd.s32 v3, v32;
	[tilespmem:s24+$0x3B0] =	vst v22;
	v40 =	vld.idx.msk [tilespmem:v51+s11+$0x0], $0xffff  }
0x5e7: {  	v41 =	vld.idx.msk [tilespmem:v52+s11+$0x0], $0xffff;
	v56 =	vadd.s32 v3, v38;
	[tilespmem:s26+$0x230] =	vst v36  }
0x5e8: {  	v57 =	vadd.s32 v3, v34;
	v42 =	vld.idx.msk [tilespmem:v53+s11+$0x0], $0xffff;
	[tilespmem:s28+$0x230] =	vst v28  }
0x5e9: {  	v58 =	vadd.s32 v3, v33;
	v37 =	vld.idx.msk [tilespmem:v54+s11+$0x0], $0xffff;
	[tilespmem:s31+$0x230] =	vst v31  }
0x5ea: {  	[tilespmem:s22+$0x280] =	vst v62;
	v59 =	vadd.s32 v3, v27;
	v30 =	vld.idx.msk [tilespmem:v55+s11+$0x0], $0xffff  }
0x5eb: {  	v39 =	vld.idx.msk [tilespmem:v50+s11+$0x0], $0xffff;
	[tilespmem:s23+$0x280] =	vst v40;
	v60 =	vadd.s32 v3, v35  }
0x5ec: {  	v61 =	vadd.s32 v4, v32;
	[tilespmem:s25+$0x280] =	vst v41;
	v29 =	vld.idx.msk [tilespmem:v56+s11+$0x0], $0xffff  }
0x5ed: {  	v62 =	vadd.s32 v4, v38;
	v36 =	vld.idx.msk [tilespmem:v57+s11+$0x0], $0xffff;
	[tilespmem:s26+$0x280] =	vst v42  }
0x5ee: {  	v63 =	vadd.s32 v4, v34;
	v28 =	vld.idx.msk [tilespmem:v58+s11+$0x0], $0xffff;
	[tilespmem:s28+$0x280] =	vst v37  }
0x5ef: {  	v45 =	vadd.s32 v4, v33;
	v31 =	vld.idx.msk [tilespmem:v59+s11+$0x0], $0xffff;
	[tilespmem:s31+$0x280] =	vst v30  }
0x5f0: {  	v46 =	vadd.s32 v4, v27;
	[tilespmem:s22+$0x290] =	vst v39;
	v30 =	vld.idx.msk [tilespmem:v60+s11+$0x0], $0xffff  }
0x5f1: {  	v47 =	vld.idx.msk [tilespmem:v61+s11+$0x0], $0xffff;
	[tilespmem:s23+$0x290] =	vst v29;
	v48 =	vadd.s32 v4, v35  }
0x5f2: {  	v32 =	vadd.s32 v5, v32;
	[tilespmem:s25+$0x290] =	vst v36;
	v49 =	vld.idx.msk [tilespmem:v62+s11+$0x0], $0xffff  }
0x5f3: {  	v50 =	vadd.s32 v5, v38;
	v51 =	vld.idx.msk [tilespmem:v63+s11+$0x0], $0xffff;
	[tilespmem:s26+$0x290] =	vst v28  }
0x5f4: {  	v52 =	vadd.s32 v5, v34;
	v53 =	vld.idx.msk [tilespmem:v45+s11+$0x0], $0xffff;
	[tilespmem:s28+$0x290] =	vst v31  }
0x5f5: {  	v54 =	vadd.s32 v5, v33;
	v22 =	vld.idx.msk [tilespmem:v46+s11+$0x0], $0xffff;
	[tilespmem:s31+$0x290] =	vst v30  }
0x5f6: {  	v27 =	vadd.s32 v5, v27;
	[tilespmem:s22+$0x2A0] =	vst v47;
	v30 =	vperm.xlane v20, v18;
	v29 =	vld.idx.msk [tilespmem:v48+s11+$0x0], $0xffff  }
0x5f7: {  	v33 =	vperm.xlane v21, v18;
	v35 =	vadd.s32 v5, v35;
	v32 =	vld.idx.msk [tilespmem:v32+s11+$0x0], $0xffff;
	[tilespmem:s23+$0x2A0] =	vst v49  }
0x5f8: {  	v38 =	vperm.xlane v23, v18;
	[tilespmem:s25+$0x2A0] =	vst v51;
	v36 =	vld.idx.msk [tilespmem:v50+s11+$0x0], $0xffff;
	v55 =	vadd.s32 v1, v30  }
0x5f9: {  	v34 =	vperm.xlane v24, v18;
	v56 =	vadd.s32 v1, v33;
	v28 =	vld.idx.msk [tilespmem:v52+s11+$0x0], $0xffff;
	[tilespmem:s26+$0x2A0] =	vst v53  }
0x5fa: {  	v57 =	vadd.s32 v1, v38;
	v31 =	vld.idx.msk [tilespmem:v54+s11+$0x0], $0xffff;
	[tilespmem:s28+$0x2A0] =	vst v22;
	v22 =	vperm.xlane v25, v18  }
0x5fb: {  	v58 =	vadd.s32 v1, v34;
	v27 =	vld.idx.msk [tilespmem:v27+s11+$0x0], $0xffff;
	[tilespmem:s31+$0x2A0] =	vst v29;
	v29 =	vperm.xlane v26, v18  }
0x5fc: {  	[tilespmem:s22+$0x2B0] =	vst v32;
	v59 =	vadd.s32 v1, v22;
	v35 =	vld.idx.msk [tilespmem:v35+s11+$0x0], $0xffff  }
0x5fd: {  	[tilespmem:s23+$0x2B0] =	vst v36;
	v37 =	vld.idx.msk [tilespmem:v55+s11+$0x0], $0xffff;
	v60 =	vadd.s32 v1, v29  }
0x5fe: {  	[tilespmem:s25+$0x2B0] =	vst v28;
	v39 =	vld.idx.msk [tilespmem:v56+s11+$0x0], $0xffff;
	v61 =	vadd.s32 v3, v30  }
0x5ff: {  	v62 =	vadd.s32 v3, v33;
	v40 =	vld.idx.msk [tilespmem:v57+s11+$0x0], $0xffff;
	[tilespmem:s26+$0x2B0] =	vst v31  }
0x600: {  	v63 =	vadd.s32 v3, v38;
	v41 =	vld.idx.msk [tilespmem:v58+s11+$0x0], $0xffff;
	[tilespmem:s28+$0x2B0] =	vst v27  }
0x601: {  	v45 =	vadd.s32 v3, v34;
	v32 =	vld.idx.msk [tilespmem:v59+s11+$0x0], $0xffff;
	[tilespmem:s31+$0x2B0] =	vst v35  }
0x602: {  	v46 =	vadd.s32 v3, v22;
	[tilespmem:s22+$0x300] =	vst v37;
	v36 =	vld.idx.msk [tilespmem:v60+s11+$0x0], $0xffff  }
0x603: {  	[tilespmem:s23+$0x300] =	vst v39;
	v47 =	vadd.s32 v3, v29;
	v37 =	vld.idx.msk [tilespmem:v61+s11+$0x0], $0xffff  }
0x604: {  	[tilespmem:s25+$0x300] =	vst v40;
	v48 =	vadd.s32 v4, v30;
	v28 =	vld.idx.msk [tilespmem:v62+s11+$0x0], $0xffff  }
0x605: {  	v49 =	vadd.s32 v4, v33;
	v31 =	vld.idx.msk [tilespmem:v63+s11+$0x0], $0xffff;
	[tilespmem:s26+$0x300] =	vst v41  }
0x606: {  	v50 =	vadd.s32 v4, v38;
	v27 =	vld.idx.msk [tilespmem:v45+s11+$0x0], $0xffff;
	[tilespmem:s28+$0x300] =	vst v32  }
0x607: {  	v51 =	vadd.s32 v4, v34;
	v35 =	vld.idx.msk [tilespmem:v46+s11+$0x0], $0xffff;
	[tilespmem:s31+$0x300] =	vst v36  }
0x608: {  	v52 =	vadd.s32 v4, v22;
	[tilespmem:s22+$0x310] =	vst v37;
	v53 =	vld.idx.msk [tilespmem:v47+s11+$0x0], $0xffff  }
0x609: {  	[tilespmem:s23+$0x310] =	vst v28;
	v55 =	vadd.s32 v4, v29;
	v54 =	vld.idx.msk [tilespmem:v48+s11+$0x0], $0xffff  }
0x60a: {  	v30 =	vadd.s32 v5, v30;
	[tilespmem:s25+$0x310] =	vst v31;
	v40 =	vld.idx.msk [tilespmem:v49+s11+$0x0], $0xffff  }
0x60b: {  	v56 =	vadd.s32 v5, v33;
	v57 =	vld.idx.msk [tilespmem:v50+s11+$0x0], $0xffff;
	[tilespmem:s26+$0x310] =	vst v27  }
0x60c: {  	v58 =	vadd.s32 v5, v38;
	v32 =	vld.idx.msk [tilespmem:v51+s11+$0x0], $0xffff;
	[tilespmem:s28+$0x310] =	vst v35  }
0x60d: {  	v34 =	vadd.s32 v5, v34;
	v35 =	vld.idx.msk [tilespmem:v52+s11+$0x0], $0xffff;
	[tilespmem:s31+$0x310] =	vst v53  }
0x60e: {  	v20 =	vperm.xlane v20, v19;
	v22 =	vadd.s32 v5, v22;
	[tilespmem:s22+$0x320] =	vst v54;
	v28 =	vld.idx.msk [tilespmem:v55+s11+$0x0], $0xffff  }
0x60f: {  	v21 =	vperm.xlane v21, v19;
	v29 =	vadd.s32 v5, v29;
	[tilespmem:s23+$0x320] =	vst v40;
	v30 =	vld.idx.msk [tilespmem:v30+s11+$0x0], $0xffff  }
0x610: {  	v59 =	vadd.s32 v1, v20;
	[tilespmem:s25+$0x320] =	vst v57;
	v60 =	vperm.xlane v23, v19;
	v31 =	vld.idx.msk [tilespmem:v56+s11+$0x0], $0xffff  }
0x611: {  	v62 =	vperm.xlane v24, v19;
	v27 =	vld.idx.msk [tilespmem:v58+s11+$0x0], $0xffff;
	v61 =	vadd.s32 v1, v21;
	[tilespmem:s26+$0x320] =	vst v32  }
0x612: {  	v40 =	vperm.xlane v25, v19;
	v63 =	vadd.s32 v1, v60;
	v34 =	vld.idx.msk [tilespmem:v34+s11+$0x0], $0xffff;
	[tilespmem:s28+$0x320] =	vst v35  }
0x613: {  	v41 =	vadd.s32 v1, v62;
	v26 =	vperm.xlane v26, v19;
	v22 =	vld.idx.msk [tilespmem:v22+s11+$0x0], $0xffff;
	[tilespmem:s31+$0x320] =	vst v28  }
0x614: {  	v42 =	vadd.s32 v1, v40;
	[tilespmem:s22+$0x330] =	vst v30;
	v29 =	vld.idx.msk [tilespmem:v29+s11+$0x0], $0xffff  }
0x615: {  	v43 =	vadd.s32 v1, v26;
	[tilespmem:s23+$0x330] =	vst v31;
	v30 =	vld.idx.msk [tilespmem:v59+s11+$0x0], $0xffff  }
0x616: {  	v44 =	vadd.s32 v3, v20;
	[tilespmem:s25+$0x330] =	vst v27;
	v33 =	vld.idx.msk [tilespmem:v61+s11+$0x0], $0xffff  }
0x617: {  	v45 =	vadd.s32 v3, v21;
	v32 =	vld.idx.msk [tilespmem:v63+s11+$0x0], $0xffff;
	[tilespmem:s26+$0x330] =	vst v34  }
0x618: {  	v46 =	vadd.s32 v3, v60;
	v35 =	vld.idx.msk [tilespmem:v41+s11+$0x0], $0xffff;
	[tilespmem:s28+$0x330] =	vst v22  }
0x619: {  	v47 =	vadd.s32 v3, v62;
	v28 =	vld.idx.msk [tilespmem:v42+s11+$0x0], $0xffff;
	[tilespmem:s31+$0x330] =	vst v29  }
0x61a: {  	v48 =	vadd.s32 v3, v40;
	[tilespmem:s22+$0x380] =	vst v30;
	v49 =	vld.idx.msk [tilespmem:v43+s11+$0x0], $0xffff  }
0x61b: {  	v51 =	vadd.s32 v3, v26;
	[tilespmem:s23+$0x380] =	vst v33;
	v50 =	vld.idx.msk [tilespmem:v44+s11+$0x0], $0xffff  }
0x61c: {  	v52 =	vadd.s32 v4, v20;
	[tilespmem:s25+$0x380] =	vst v32;
	v27 =	vld.idx.msk [tilespmem:v45+s11+$0x0], $0xffff  }
0x61d: {  	v53 =	vadd.s32 v4, v21;
	v34 =	vld.idx.msk [tilespmem:v46+s11+$0x0], $0xffff;
	[tilespmem:s26+$0x380] =	vst v35  }
0x61e: {  	v54 =	vadd.s32 v4, v60;
	v22 =	vld.idx.msk [tilespmem:v47+s11+$0x0], $0xffff;
	[tilespmem:s28+$0x380] =	vst v28  }
0x61f: {  	v55 =	vadd.s32 v4, v62;
	v29 =	vld.idx.msk [tilespmem:v48+s11+$0x0], $0xffff;
	[tilespmem:s31+$0x380] =	vst v49  }
0x620: {  	v56 =	vadd.s32 v4, v40;
	[tilespmem:s22+$0x390] =	vst v50;
	v57 =	vld.idx.msk [tilespmem:v51+s11+$0x0], $0xffff  }
0x621: {  	[tilespmem:s23+$0x390] =	vst v27;
	v59 =	vadd.s32 v4, v26;
	v58 =	vld.idx.msk [tilespmem:v52+s11+$0x0], $0xffff  }
0x622: {  	v20 =	vadd.s32 v5, v20;
	[tilespmem:s25+$0x390] =	vst v34;
	v32 =	vld.idx.msk [tilespmem:v53+s11+$0x0], $0xffff  }
0x623: {  	v21 =	vadd.s32 v5, v21;
	v34 =	vld.idx.msk [tilespmem:v54+s11+$0x0], $0xffff;
	[tilespmem:s26+$0x390] =	vst v22  }
0x624: {  	v60 =	vadd.s32 v5, v60;
	v61 =	vld.idx.msk [tilespmem:v55+s11+$0x0], $0xffff;
	[tilespmem:s28+$0x390] =	vst v29  }
0x625: {  	v24 =	vadd.s32 v5, v62;
	v62 =	vld.idx.msk [tilespmem:v56+s11+$0x0], $0xffff;
	[tilespmem:s31+$0x390] =	vst v57  }
0x626: {  	v25 =	vadd.s32 v5, v40;
	[tilespmem:s22+$0x3A0] =	vst v58;
	v27 =	vld.idx.msk [tilespmem:v59+s11+$0x0], $0xffff  }
0x627: {  	v26 =	vadd.s32 v5, v26;
	[tilespmem:s23+$0x3A0] =	vst v32;
	v20 =	vld.idx.msk [tilespmem:v20+s11+$0x0], $0xffff  }
0x628: {  	[tilespmem:s25+$0x3A0] =	vst v34;
	v21 =	vld.idx.msk [tilespmem:v21+s11+$0x0], $0xffff  }
0x629: {  	v22 =	vld.idx.msk [tilespmem:v60+s11+$0x0], $0xffff;
	[tilespmem:s26+$0x3A0] =	vst v61  }
0x62a: {  	v23 =	vld.idx.msk [tilespmem:v24+s11+$0x0], $0xffff;
	[tilespmem:s28+$0x3A0] =	vst v62  }
0x62b: {  	v63 =	vld.idx.msk [tilespmem:v25+s11+$0x0], $0xffff;
	[tilespmem:s31+$0x3A0] =	vst v27  }
0x62c: {  	s20 =	sadd.s32 $0x1, s20;
	[tilespmem:s22+$0x3B0] =	vst v20;
	v20 =	vld.idx.msk [tilespmem:v26+s11+$0x0], $0xffff  }
0x62d: {  	p0 =	sne.s32 s20, $0x20;
	[tilespmem:s23+$0x3B0] =	vst v21  }
.Ltmp2:
0x62e: {  	[tilespmem:s25+$0x3B0] =	vst v22;
	(pc) =	sbr.rel @p0 .LBB2_2-.Ltmp2, $4  }
0x62f: {  	[tilespmem:s26+$0x3B0] =	vst v23  }
0x630: {  	s0 =	sshll.u32 s21, $0x4;
	[tilespmem:s28+$0x3B0] =	vst v63  }
0x631: {  	s0 =	sadd.s32 s6, s0;
	[tilespmem:s31+$0x3B0] =	vst v20  }
0x632: {  	[hbm4b:s0+s3] =	stream.linear.scatter [tilespmem:s16], [sflag:$0x4], $0xC800, $0x38;
	[tilespmem:$0x1D400] =	vst v63  }
0x633: {  	_ =	swait.ge [sflag:s17], $0xC800  }
0x634: {  	[sflag:s17] =	ssyncset.done $0x0  }
0x635: {  	s19 =	sadd.s32 $0x1, s19;
	[sflag:s17] =	ssyncadd.s32 $0xFFFF3800  }
0x636: {  	p0 =	sne.s32 s19, s10;
	_ =	swait.ge [sflag:s18], $0xC800  }
.Ltmp3:
0x637: {  	[sflag:s18] =	ssyncset.done $0x0;
	(pc) =	sbr.rel @p0 .LBB2_1-.Ltmp3, $4  }
0x638: {  	[sflag:s18] =	ssyncadd.s32 $0xFFFF3800  }
0x639: {  	_ =	swait.ge [sflag:s13], $0x190  }
0x63a: {  	[sflag:s13] =	ssyncset.done $0x0  }
0x63b: {  	[sflag:s13] =	ssyncadd.s32 $0xFFFFFE70  }
0x63c: {  	_ =	sfence.sel $0x180000  }
0x63d: {  	[bflag:$0x0] =	sbarrier.arrive $0xFFFF  }
0x63e: {  	_ =	strace $0x90000047  }
0x63f: {  	s0 =	stileid.u32;
	[bflag:$0x2] =	sbarrier.arrive $0xFFFF  }
0x640: {  	p0 =	sne.s32 s0, $0x0;
	s0 =	rddreg [dreg:$0x2]  }
0x641: {  	s0 =	sadd.s32 @!p0 $0x100000, s0  }
0x642: {  	[sflag:s0] =	ssyncadd.tile.s32 @!p0 $0x1;
	_ =	shalt  }
.Lfunc_end2:
_tile_overlayer_lowered:
.L_overlay_start_2:
0x643: {  	(tag) =	ssettag $0x2  }
0x644: {  	s0 =	rddreg [dreg:$0x0];
	s2 =	stileid.u32  }
0x645: {  	s1 =	rddreg [dreg:$0x1];
	p0 =	sne.s32 s2, $0x0  }
0x646: {  	s3 =	rddreg [dreg:$0x2];
	[bflag:$0x3] =	sbarrier.arrive $0xFFFF;
	s2 =	simm.s32 @!p0 $0x1C05  }
0x647: {  	[timem:s3], [sflag:s2] =	dma.local @!p0 [hbm:s0], s1  }
0x648: {  	s0 =	simm.s32 @!p0 $0x5  }
0x649: {  	_ =	swait.ge @!p0 [sflag:s0], s1  }
0x64a: {  	s1 =	ssub.s32 @!p0 $0x0, s1;
	[sflag:s0] =	ssyncset.done @!p0 $0x0  }
0x64b: {  	[sflag:s0] =	ssyncadd.s32 @!p0 s1  }
0x64c: {  	[bflag:$0x3] =	sbarrier.arrive $0xFFFF  }
0x64d: {  	_ =	shalt  }

// kernel: sparse-core-data-format-call.cloned.1.call-start
scs
called_computation_lowered:
.L_overlay_start_0:
0x0: {  	s2 =	sld [smem:$0x3FD9]  }
0x1: {  	s3 =	sld [smem:$0x3FFE];
	_ =	sdelay $0x1  }
0x2: {  	s1 =	srdreg.scid  }
0x3: {  	s0 =	sand.u32 $0x1, s1  }
0x4: {  	s18 =	sshll.u32 s0, $0xA;
	s2 =	sadd.s32 s3, s2  }
0x5: {  	s2 =	sadd.s32 s2, s18  }
0x6: {  	[smem:$0x3FC6] =	sst s2  }
0x7: {  	_ = 	snop  }
0x8: {  	s2 =	sld [smem:$0x3FD0];
	(tm) =	ssettm $0x1  }
0x9: {  	s19 =	sld [smem:$0x3FFB];
	_ =	sdelay $0x3  }
0xa: {  	_ =	strace s19  }
0xb: {  	s3 =	sld [smem:$0x3FFC];
	_ =	sdelay $0x3  }
0xc: {  	_ =	strace s3  }
0xd: {  	s3 =	sld [smem:$0x3FFD];
	_ =	sdelay $0x3  }
0xe: {  	_ =	strace s3  }
0xf: {  	_ =	strace $0x8FFFFFFF  }
0x10: {  	s20 =	sld [smem:$0x3FDB];
	_ =	sdelay $0x1  }
0x11: {  	s4 =	simm.s32 $_scs_section_size  }
0x12: {  	s5 =	simm.s32 $_size__tile_overlayer_lowered;
	s6 =	simm.s32 $_tile_overlayer_lowered  }
0x13: {  	s23 =	simm.s32 $0x1BFF;
	s22 =	sshll.u32 s6, $0x1;
	s3 =	sadd.s32 s4, s20  }
0x14: {  	s7 =	simm.s32 $0x0;
	s21 =	sshll.u32 s5, $0x1;
	s5 =	sadd.s32 s22, s3  }
0x15: {  	[timem:s7], [sflag:s23] =	dma.local [hbm:s5], s21  }
0x16: {  	_ =	swait.ge [sflag:s23], s21  }
0x17: {  	s4 =	ssub.s32 $0x0, s21;
	[sflag:s23] =	ssyncset.done $0x0  }
0x18: {  	[sflag:s23] =	ssyncadd.s32 s4;
	_ =	sdelay $0x1  }
0x19: {  	s24 =	simm.s32 $0x1B8B  }
0x1a: {  	_ =	swait.ge [sflag:s24], $0x1  }
0x1b: {  	[sflag:s24] =	ssyncset.done $0x0  }
0x1c: {  	s26 =	simm.s32 $0x1B8E;
	s25 =	sld [smem:$0x3FFE];
	[sflag:s24] =	ssyncadd.s32 $0xFFFFFFFF  }
0x1d: {  	s27 =	simm.s32 $execute0_lowered;
	[smem:$0x3FD2] =	sst s26  }
0x1e: {  	s5 =	sshll.u32 s27, $0x1;
	_ =	strace $0x80000049;
	[dreg:$0x1] =	wrdreg $0xFFFFFFFF  }
0x1f: {  	s28 =	simm.s32 $_size_execute0_lowered;
	s3 =	sadd.s32 s3, s5;
	[dreg:$0x0] =	wrdreg $0x0  }
0x20: {  	s5 =	sshll.u32 s28, $0x1;
	[dreg:$0x2] =	wrdreg s3  }
0x21: {  	[dreg:$0x3] =	wrdreg s5  }
0x22: {  	[dreg:$0x4] =	wrdreg $0xC0  }
0x23: {  	_ =	task [dreg:s7], $0x5FFFF  }
0x24: {  	[dreg:$0x1] =	wrdreg $0xFFFFFFFF  }
0x25: {  	[dreg:$0x0] =	wrdreg $0x60  }
0x26: {  	[dreg:$0x2] =	wrdreg s25  }
0x27: {  	[dreg:$0x3] =	wrdreg s2  }
0x28: {  	[dreg:$0x4] =	wrdreg $0x9  }
0x29: {  	_ =	task.clear_ibuf [dreg:s7], $0x5FFFF;
	_ =	strace $0x90000049  }
0x2a: {  	s29 =	simm.s32 $0x9;
	_ =	strace $0x8000004B  }
0x2b: {  	_ =	swait.ge [sflag:s29], $0x1  }
0x2c: {  	[sflag:s29] =	ssyncadd.s32 $0xFFFFFFFF  }
0x2d: {  	_ =	strace $0x9000004B  }
0x2e: {  	_ =	sfence  }
0x2f: {  	s30 =	sld [smem:$0x0];
	_ =	sdelay $0x2  }
0x30: {  	s31 =	sshll.u32 s1, $0xD;
	s1 =	sshrl.u32 s1, $0x2  }
0x31: {  	s3 =	sand.u32 $0x4000, s31;
	s1 =	sadd.s32 s1, s30  }
0x32: {  	s0 =	sor.u32 s3, s0;
	s1 =	sshll.u32 s1, $0x11  }
0x33: {  	s0 =	sor.u32 s1, s0  }
0x34: {  	s0 =	sadd.s32 $0x8F2B, s0  }
0x35: {  	[sflag:s0] =	ssyncadd.remote.s32 $0x1  }
0x36: {  	_ =	sfence.sel $0xFFFF  }
0x37: {  	[dreg:$0x0] =	wrdreg $0xFFFFFFFF;
	(pc) =	sbr.abs _section_cstart, $3  }
0x38: {  	[dreg:$0x1] =	wrdreg $0xFFFFFFFF  }
0x39: {  	_ =	task.clear_ibuf [dreg:s7], $0x2FFFF;
	_ =	strace $0x9FFFFFFF  }
0x3a: {  	(tm) =	ssettm $0x7FFFFFFF  }
0x3b: {  	_ =	shalt  }
tec
execute0_lowered:
.L_overlay_start_1:
0x0: {  	(tag) =	ssettag $0x1  }
0x1: {  	s0 =	srdreg.scid  }
0x2: {  	s1 =	sshll.u32 s0, $0x4  }
0x3: {  	s0 =	stileid.u32;
	s1 =	sand.u32 $0x10, s1  }
0x4: {  	s1 =	sor.u32 s0, s1  }
0x5: {  	s6 =	rddreg [dreg:$0x0];
	s4 =	simm.s32 $0x1;
	s2 =	sshll.u32 s1, $0x7  }
0x6: {  	s7 =	simm.s32 $0x2;
	s12 =	simm.s32 $0x0;
	s1 =	ssub.s32 $0x1000, s2  }
0x7: {  	s8 =	simm.s32 $0x8000;
	s13 =	simm.s32 $0x0;
	s3 =	sand.u32 $0xF80, s1  }
0x8: {  	s9 =	simm.s32 $0x0;
	s5 =	sshrl.u32 s1, $0xC;
	p0 =	sne.s32 s3, $0x0  }
.Ltmp0:
0x9: {  	s1 =	rddreg [dreg:$0x2];
	s4 =	simm.s32 @!p0 $0x0;
	(pc) =	sbr.rel .LBB1_1-.Ltmp0, $4  }
0xa: {  	s11 =	simm.s32 $0x0;
	s3 =	rddreg [dreg:$0x1];
	s5 =	sadd.s32 s4, s5  }
0xb: {  	_ =	strace $0x8000004A;
	s4 =	simm.s32 $0x1;
	s5 =	smul.u32 $0xC8, s5  }
0xc: {  	s6 =	sadd.s32 $0x1000, s6;
	s10 =	smov.u32 s2;
	[sflag:s4] =	ssyncpa.u1 $0x0  }
0xd: {  	p0 =	por $0x0, $0x0;
	[sflag:s7] =	ssyncpa.u1 $0x0;
	s7 =	sor.u32 $0x1, s5  }
.LBB1_4:
0xe: {  	s16 =	sshll.u32 s13, $0x3;
	s17 =	sand.u32 $0x78, s13  }
0xf: {  	s30 =	sand.u32 $0x7E00, s13;
	s12 =	sshll.u32 s12, $0xF;
	s16 =	sand.u32 $0xC00, s16  }
0x10: {  	[tilespmem:s15+$0x810 ss:$0x81] =	vst.msk $0xffff, v2;
	s31 =	sand.u32 $0x7, s13;
	s16 =	sor.u32 s17, s16;
	s17 =	sadd.s32 s3, s30  }
0x11: {  	[tilespmem:s15+$0x1020 ss:$0x81] =	vst.msk $0xffff, v0;
	s13 =	sshll.u32 s31, $0x12;
	s12 =	sadd.s32 s12, s17;
	s16 =	sshrl.u32 s16, $0x3  }
0x12: {  	[tilespmem:s15+$0x0 ss:$0x81] =	vst.msk $0xffff, v1;
	s13 =	sor.u32 $0x400, s13;
	s12 =	sadd.s32 s16, s12  }
0x13: {  	[hbm4b:s12+s13] =	stream.strided.scatter [tilespmem:s14], [sflag:$0x2], $0x2000, s8, s13, $0x20;
	[tilespmem:$0x8080] =	vst v63  }
.LBB1_5:
0x14: {  	s14 =	sadd.s32 $0x1, s9  }
0x15: {  	s12 =	sadd.s32 $0x1000, s10;
	s16 =	smov.u32 s10;
	p2 =	sgt.s32 s14, $0xC7  }
0x16: {  	s16 =	smov.u32 @p2 s12  }
0x17: {  	s14 =	simm.s32 @p2 $0x0;
	p2 =	sgt.s32 s16, $0xFFF  }
0x18: {  	s16 =	smov.u32 @p2 s2;
	p2 =	sne.s32 s11, s7  }
.Ltmp1:
0x19: {  	p1 =	slt.u32 s11, $0x2;
	(pc) =	sbr.rel @!p2 .LBB1_6-.Ltmp1, $4  }
0x1a: {  	s15 =	simm.s32 @!p1 $0x2  }
0x1b: {  	s13 =	smov.u32 s10;
	p0 =	por !p0, !p0;
	_ =	swait.ge @!p1 [sflag:s15], $0x2000  }
0x1c: {  	s12 =	smov.u32 s9;
	[sflag:s15] =	ssyncset.done @!p1 $0x0;
	s9 =	smov.u32 s14  }
0x1d: {  	s11 =	sadd.s32 $0x1, s11;
	[sflag:s15] =	ssyncadd.s32 @!p1 $0xFFFFE000;
	s10 =	smov.u32 s16  }
.LBB1_1:
0x1e: {  	p1 =	sge.u32 s11, s5  }
0x1f: {  	s14 =	sand.u32 @!p1 $0x1FFFFFF, s9  }
0x20: {  	s15 =	smulhi.u32 @!p1 $0x147AE15, s14;
	_ =	sdelay $0x1  }
0x21: {  	s15 =	smul.u32 @!p1 $0xC8, s15  }
0x22: {  	s16 =	sxor.u32 @!p1 $0xFFFFFFFF, s11;
	s17 =	smul.u32 @!p1 $0xC80, s10  }
0x23: {  	s31 =	sadd.s32 $0xFFFFFFFF, s11;
	s16 =	sshll.u32 @!p1 s16, $0xD;
	s14 =	ssub.s32 @!p1 s14, s15  }
0x24: {  	s15 =	sand.u32 @!p1 $0x2000, s16;
	s16 =	sadd.s32 @!p1 s6, s17;
	s14 =	sshll.u32 @!p1 s14, $0x4  }
0x25: {  	s17 =	simm.s32 @!p1 $0x6400;
	s14 =	sadd.s32 @!p1 s14, s16;
	s16 =	simm.s32 @!p1 $0x40  }
0x26: {  	[tilespmem:s15], [sflag:$0x1] =	stream.strided.gather @!p1 [hbm4b:s14+s16], $0x2000, s17, s16, $0x38;
	[tilespmem:$0x8080] =	vst v63  }
0x27: {  	p1 =	sge.u32 s31, s5  }
.Ltmp2:
0x28: {  	_ = 	snop;
	(pc) =	sbr.rel @p1 .LBB1_5-.Ltmp2, $1  }
0x29: {  	_ =	sdelay $0x3  }
0x2a: {  	s14 =	simm.s32 $0x1  }
0x2b: {  	_ =	swait.ge [sflag:s4], $0x2000;
	s14 =	simm.s32 @!p0 $0x0  }
0x2c: {  	[sflag:s4] =	ssyncset.done $0x0;
	s15 =	sshll.u32 s14, $0xD  }
0x2d: {  	[sflag:s4] =	ssyncadd.s32 $0xFFFFE000;
	s18 =	sor.u32 $0x20, s15  }
0x2e: {  	s14 =	smul.u32 $0x8100, s14;
	v3 =	vld [tilespmem:s18+$0x10]  }
0x2f: {  	s30 =	sand.u32 $0x1, s11;
	v2 =	vld [tilespmem:s18+$0xFFFFFFF0]  }
0x30: {  	s15 =	smul.u32 $0x8100, s30;
	s14 =	sshrl.u32 s14, $0x2;
	v0 =	vld [tilespmem:s18+$0x0]  }
0x31: {  	v1 =	vld [tilespmem:s18+$0xFFFFFFE0];
	s16 =	sor.u32 $0x4000, s14  }
0x32: {  	s31 =	sshrl.u32 s15, $0x2;
	s15 =	sadd.s32 $0x0, s16  }
0x33: {  	s17 =	simm.s32 $0x4;
	s18 =	sadd.s32 $0x40, s18;
	s14 =	sor.u32 $0x4000, s31;
	[tilespmem:s15+$0x1830 ss:$0x81] =	vst.msk $0xffff, v3  }
.LBB1_3:
0x34: {  	v3 =	vld [tilespmem:s18+$0x10];
	p1 =	sne.s32 s17, $0x1FC;
	[tilespmem:s15+$0x810 ss:$0x81] =	vst.msk $0xffff, v2;
	s19 =	smov.u32 s17;
	s17 =	sadd.s32 $0x4, s17  }
.Ltmp3:
0x35: {  	v2 =	vld [tilespmem:s18+$0xFFFFFFF0];
	[tilespmem:s15+$0x1020 ss:$0x81] =	vst.msk $0xffff, v0;
	(pc) =	sbr.rel @p1 .LBB1_3-.Ltmp3, $4  }
0x36: {  	v0 =	vld [tilespmem:s18+$0x0];
	[tilespmem:s15+$0x0 ss:$0x81] =	vst.msk $0xffff, v1  }
0x37: {  	s15 =	sshra.s32 s19, $0x2;
	v1 =	vld [tilespmem:s18+$0xFFFFFFE0]  }
0x38: {  	s15 =	sadd.s32 s15, s16  }
0x39: {  	s18 =	sadd.s32 $0x40, s18;
	[tilespmem:s15+$0x1830 ss:$0x81] =	vst.msk $0xffff, v3  }
.Ltmp4:
0x3a: {  	_ = 	snop;
	(pc) =	sbr.rel .LBB1_4-.Ltmp4, $1  }
0x3b: {  	_ =	sdelay $0x3  }
.LBB1_6:
0x3c: {  	_ =	sfence.sel $0x180000  }
0x3d: {  	s2 =	simm.s32 $0x1;
	[bflag:$0x0] =	sbarrier.arrive $0xFFFF  }
0x3e: {  	s31 =	simm.s32 $0x2;
	[sflag:s2] =	ssyncpa.u1 $0x1  }
0x3f: {  	[sflag:s31] =	ssyncpa.u1 $0x1  }
0x40: {  	p0 =	sne.s32 s0, $0x0;
	_ =	strace $0x9000004A  }
0x41: {  	s0 =	sadd.s32 @!p0 $0x100000, s1;
	[bflag:$0x2] =	sbarrier.arrive $0xFFFF  }
0x42: {  	[sflag:s0] =	ssyncadd.tile.s32 @!p0 $0x1;
	_ =	shalt  }
.Lfunc_end1:
_tile_overlayer_lowered:
.L_overlay_start_2:
0x43: {  	(tag) =	ssettag $0x2  }
0x44: {  	s0 =	rddreg [dreg:$0x0];
	s2 =	stileid.u32  }
0x45: {  	s1 =	rddreg [dreg:$0x1];
	p0 =	sne.s32 s2, $0x0  }
0x46: {  	s3 =	rddreg [dreg:$0x2];
	[bflag:$0x3] =	sbarrier.arrive $0xFFFF;
	s2 =	simm.s32 @!p0 $0x1C01  }
0x47: {  	[timem:s3], [sflag:s2] =	dma.local @!p0 [hbm:s0], s1  }
0x48: {  	s0 =	simm.s32 @!p0 $0x1  }
0x49: {  	_ =	swait.ge @!p0 [sflag:s0], s1  }
0x4a: {  	s1 =	ssub.s32 @!p0 $0x0, s1;
	[sflag:s0] =	ssyncset.done @!p0 $0x0  }
0x4b: {  	[sflag:s0] =	ssyncadd.s32 @!p0 s1  }
0x4c: {  	[bflag:$0x3] =	sbarrier.arrive $0xFFFF  }
0x4d: {  	_ =	shalt  }

</sc_bundles>
